<compile_context>
chip_gen: v7x
topology: tpu7x:2x2x1
jax: 0.10.2.dev20260603
libtpu: 0.0.44.dev20260713+nightly
codegen_flags: <defaults>
</compile_context>

<pallas_src>
import jax
import jax.numpy as jnp
from jax import lax
from jax.experimental import pallas as pl
from jax.experimental.pallas import tpu as pltpu
from jax.experimental.pallas import tpu_sc as plsc

N = 10000
E = 320000
D = 128
N_PAD = 10240
ROWS_PER_SUB = 640
NEG_SLOPE = 0.01
NB = 1000
GRID_N = N // NB


def _sc_mesh():
    return plsc.VectorSubcoreMesh(core_axis_name="c", subcore_axis_name="s")


def _deg_body(e0s, e0d, e1s, e1d, e2s, e2d, e3s, e3d, out,
              cnt0, cnt1, cnt2, cnt3, cnt4, cnt5, cnt6, cnt7,
              idx_a, idx_b, sa, sb):
    c = lax.axis_index("c")
    s = lax.axis_index("s")
    wid = c * 16 + s
    cnts = (cnt0, cnt1, cnt2, cnt3, cnt4, cnt5, cnt6, cnt7)
    zeros16 = jnp.zeros((16,), jnp.float32)

    def zbody(i, carry):
        for cnt in cnts:
            cnt[pl.ds(i * 16, 16)] = zeros16
        return carry
    lax.fori_loop(0, N_PAD // 16, zbody, 0)

    ones16 = jnp.full((16,), 1.0, jnp.float32)
    streams = (e0s, e0d, e1s, e1d, e2s, e2d, e3s, e3d)
    per_sub = E // 32
    bufs = (idx_a, idx_b)
    sems = (sa, sb)

    def sl():
        return pl.ds(wid * per_sub, per_sub)

    pltpu.async_copy(streams[0].at[sl()], bufs[0], sems[0])
    for k in range(8):
        cur, csem = bufs[k % 2], sems[k % 2]
        pltpu.make_async_copy(streams[k].at[sl()], cur, csem).wait()
        if k < 7:
            pltpu.async_copy(streams[k + 1].at[sl()],
                             bufs[(k + 1) % 2], sems[(k + 1) % 2])

        def body(i, carry, k=k, cur=cur):
            idx16 = cur[pl.ds(i * 16, 16)]
            plsc.addupdate_scatter(cnts[k], [idx16], ones16)
            return carry
        lax.fori_loop(0, per_sub // 16, body, 0)

    for k in range(8):
        pltpu.sync_copy(cnts[k], out.at[pl.ds((wid * 8 + k) * N_PAD, N_PAD)])


def _degrees(srcs, dsts):
    fn = pl.kernel(
        _deg_body,
        out_type=jax.ShapeDtypeStruct((32 * 8 * N_PAD,), jnp.float32),
        mesh=_sc_mesh(),
        compiler_params=pltpu.CompilerParams(needs_layout_passes=False),
        scratch_types=[
            *([pltpu.VMEM((N_PAD,), jnp.float32)] * 8),
            pltpu.VMEM((E // 32,), jnp.int32),
            pltpu.VMEM((E // 32,), jnp.int32),
            pltpu.SemaphoreType.DMA,
            pltpu.SemaphoreType.DMA,
        ],
    )
    return fn(srcs[0], dsts[0], srcs[1], dsts[1], srcs[2], dsts[2],
              srcs[3], dsts[3])


def _degred_tc(x_ref, o_ref):
    acc = x_ref[0:8, :]
    for t in range(1, 32):
        acc = acc + x_ref[t * 8:(t + 1) * 8, :]
    o_ref[...] = acc


def _degred(deg_flat):
    x = deg_flat.reshape(32 * 8, N_PAD)
    return pl.pallas_call(
        _degred_tc,
        grid=(N_PAD // 128,),
        in_specs=[pl.BlockSpec((32 * 8, 128), lambda i: (0, i))],
        out_specs=pl.BlockSpec((8, 128), lambda i: (0, i)),
        out_shape=jax.ShapeDtypeStruct((8, N_PAD), jnp.float32),
    )(x)


AGG_CHUNK = 128
AGG_NCH = -(-(E // 32) // AGG_CHUNK)
AGG_PS = (AGG_NCH + 1) * AGG_CHUNK


def _agg_body(h, src, dst, zeros, out, acc,
              ix0, ix1, dx0, dx1, rows0, rows1, is0, is1, gs0, gs1):
    c = lax.axis_index("c")
    s = lax.axis_index("s")
    base = (c * 16 + s) * AGG_PS
    pltpu.sync_copy(zeros, acc.at[pl.ds(s * ROWS_PER_SUB, ROWS_PER_SUB)])
    plsc.subcore_barrier()

    ix = (ix0, ix1)
    dx = (dx0, dx1)
    rows = (rows0, rows1)
    isem = (is0, is1)
    gsem = (gs0, gs1)

    def islice(j):
        return pl.ds(base + j * AGG_CHUNK, AGG_CHUNK)

    def idx_start(slot, j):
        pltpu.async_copy(src.at[islice(j)], ix[slot], isem[slot])
        pltpu.async_copy(dst.at[islice(j)], dx[slot], isem[slot])

    def idx_wait(slot, j):
        pltpu.make_async_copy(src.at[islice(j)], ix[slot], isem[slot]).wait()
        pltpu.make_async_copy(dst.at[islice(j)], dx[slot], isem[slot]).wait()

    def g_start(slot):
        pltpu.async_copy(h.at[ix[slot]], rows[slot], gsem[slot])

    def fin(slot):
        pltpu.make_async_copy(h.at[ix[slot]], rows[slot], gsem[slot]).wait()
        pltpu.sync_copy(rows[slot], acc.at[dx[slot]], add=True)

    idx_start(0, 0)
    idx_wait(0, 0)
    g_start(0)
    idx_start(1, 1)

    def phase(j, slot):
        nxt = 1 - slot
        idx_wait(nxt, j + 1)
        g_start(nxt)
        fin(slot)
        idx_start(slot, j + 2)

    def body(i, carry):
        phase(2 * i, 0)
        phase(2 * i + 1, 1)
        return carry
    lax.fori_loop(0, (AGG_NCH - 1) // 2, body, 0)
    if AGG_NCH % 2 == 0:
        phase(AGG_NCH - 2, 0)
        fin(1)
        idx_wait(0, AGG_NCH)
    else:
        fin(0)
        idx_wait(1, AGG_NCH)

    plsc.subcore_barrier()
    pltpu.sync_copy(acc.at[pl.ds(s * ROWS_PER_SUB, ROWS_PER_SUB)],
                    out.at[c, pl.ds(s * ROWS_PER_SUB, ROWS_PER_SUB)])


def _aggregate(h, src_p, dst_p):
    zeros = jnp.zeros((ROWS_PER_SUB, D), jnp.float32)
    fn = pl.kernel(
        _agg_body,
        out_type=jax.ShapeDtypeStruct((2, N_PAD, D), jnp.float32),
        mesh=_sc_mesh(),
        scratch_types=[
            pltpu.VMEM_SHARED((N_PAD, D), jnp.float32),
            pltpu.VMEM((AGG_CHUNK,), jnp.int32),
            pltpu.VMEM((AGG_CHUNK,), jnp.int32),
            pltpu.VMEM((AGG_CHUNK,), jnp.int32),
            pltpu.VMEM((AGG_CHUNK,), jnp.int32),
            pltpu.VMEM((AGG_CHUNK, D), jnp.float32),
            pltpu.VMEM((AGG_CHUNK, D), jnp.float32),
            pltpu.SemaphoreType.DMA,
            pltpu.SemaphoreType.DMA,
            pltpu.SemaphoreType.DMA,
            pltpu.SemaphoreType.DMA,
        ],
    )
    return fn(h, src_p, dst_p, zeros)


def _prep_tc(deg_ref, f_ref, rs_ref, norm_ref, h0_0, h0_1, h0_2, h0_3):
    deg = deg_ref[...]
    norm = jnp.where(deg > 0.0, lax.rsqrt(jnp.maximum(deg, 1.0)), 0.0)
    norm_ref[...] = norm
    f = f_ref[...]
    for r, href in enumerate((h0_0, h0_1, h0_2, h0_3)):
        href[...] = f * rs_ref[r, :][None, :] * norm[:, 2 * r][:, None]


def _prep(degs, features, rs_pad):
    out_shape = (
        jax.ShapeDtypeStruct((N, 8), jnp.float32),
        *([jax.ShapeDtypeStruct((N, D), jnp.float32)] * 4),
    )
    return pl.pallas_call(
        _prep_tc,
        grid=(GRID_N,),
        in_specs=[
            pl.BlockSpec((NB, 8), lambda i: (i, 0)),
            pl.BlockSpec((NB, D), lambda i: (i, 0)),
            pl.BlockSpec((8, D), lambda i: (0, 0)),
        ],
        out_specs=(
            pl.BlockSpec((NB, 8), lambda i: (i, 0)),
            *([pl.BlockSpec((NB, D), lambda i: (i, 0))] * 4),
        ),
        out_shape=out_shape,
    )(degs, features, rs_pad)


def _dense_tc_stats(p_ref, nd_ref, w_ref, b_ref, y_ref, st_ref):
    agg = (p_ref[0] + p_ref[1]) * nd_ref[...]
    y = jnp.dot(agg, w_ref[...], preferred_element_type=jnp.float32) \
        + b_ref[0, :][None, :]
    y_ref[...] = y

    @pl.when(pl.program_id(0) == 0)
    def _():
        st_ref[...] = jnp.zeros_like(st_ref)
    st_ref[0:1, :] += jnp.sum(y, axis=0, keepdims=True)
    st_ref[1:2, :] += jnp.sum(y * y, axis=0, keepdims=True)


def _dense_tc(p_ref, nd_ref, w_ref, b_ref, y_ref):
    agg = (p_ref[0] + p_ref[1]) * nd_ref[...]
    y_ref[...] = jnp.dot(agg, w_ref[...], preferred_element_type=jnp.float32) \
        + b_ref[0, :][None, :]


def _dense(parts, norm_dst, w, b, with_stats):
    in_specs = [
        pl.BlockSpec((2, NB, D), lambda i: (0, i, 0)),
        pl.BlockSpec((NB, 1), lambda i: (i, 0)),
        pl.BlockSpec((D, D), lambda i: (0, 0)),
        pl.BlockSpec((1, D), lambda i: (0, 0)),
    ]
    if with_stats:
        return pl.pallas_call(
            _dense_tc_stats,
            grid=(GRID_N,),
            in_specs=in_specs,
            out_specs=(
                pl.BlockSpec((NB, D), lambda i: (i, 0)),
                pl.BlockSpec((8, D), lambda i: (0, 0)),
            ),
            out_shape=(
                jax.ShapeDtypeStruct((N, D), jnp.float32),
                jax.ShapeDtypeStruct((8, D), jnp.float32),
            ),
        )(parts, norm_dst, w, b[None, :])
    return pl.pallas_call(
        _dense_tc,
        grid=(GRID_N,),
        in_specs=in_specs,
        out_specs=pl.BlockSpec((NB, D), lambda i: (i, 0)),
        out_shape=jax.ShapeDtypeStruct((N, D), jnp.float32),
    )(parts, norm_dst, w, b[None, :])


def _post_tc(y_ref, st_ref, f_ref, r1_ref, ns_ref, g_ref, bt_ref, h1_ref):
    mean = st_ref[0:1, :] / N
    var = st_ref[1:2, :] / N - mean * mean
    z = (y_ref[...] - mean) * lax.rsqrt(var + 1e-5) * g_ref[0:1, :] \
        + bt_ref[0:1, :]
    z = jnp.where(z >= 0.0, z, NEG_SLOPE * z)
    emb = f_ref[...] + z
    h1_ref[...] = emb * r1_ref[0:1, :] * ns_ref[...]


def _post(y, stats, features, r1_row, norm_src, gamma, beta):
    return pl.pallas_call(
        _post_tc,
        grid=(GRID_N,),
        in_specs=[
            pl.BlockSpec((NB, D), lambda i: (i, 0)),
            pl.BlockSpec((8, D), lambda i: (0, 0)),
            pl.BlockSpec((NB, D), lambda i: (i, 0)),
            pl.BlockSpec((1, D), lambda i: (0, 0)),
            pl.BlockSpec((NB, 1), lambda i: (i, 0)),
            pl.BlockSpec((1, D), lambda i: (0, 0)),
            pl.BlockSpec((1, D), lambda i: (0, 0)),
        ],
        out_specs=pl.BlockSpec((NB, D), lambda i: (i, 0)),
        out_shape=jax.ShapeDtypeStruct((N, D), jnp.float32),
    )(y, stats, features, r1_row, norm_src, gamma[None, :], beta[None, :])


def _relvec_tc(rs_ref, w0_ref, b0_ref, w1_ref, b1_ref, r1_ref, r2_ref):
    r1 = jnp.dot(rs_ref[...], w0_ref[...], preferred_element_type=jnp.float32) \
        + b0_ref[0:1, :]
    r2 = jnp.dot(r1, w1_ref[...], preferred_element_type=jnp.float32) \
        + b1_ref[0:1, :]
    r1_ref[...] = r1
    r2_ref[...] = r2


def _relvec(rs_pad, w0, b0, w1, b1):
    return pl.pallas_call(
        _relvec_tc,
        out_shape=(
            jax.ShapeDtypeStruct((8, D), jnp.float32),
            jax.ShapeDtypeStruct((8, D), jnp.float32),
        ),
    )(rs_pad, w0, b0[None, :], w1, b1[None, :])


def kernel(features, poi_r, s_r, d_r, n_r,
           poi_edge_index, s_edge_index, d_edge_index, n_edge_index,
           W_gcn0, b_gcn0, W_gcn1, b_gcn1,
           bn_gamma0, bn_beta0,
           W_rel0, b_rel0, W_rel1, b_rel1):
    edges = [n_edge_index, poi_edge_index, s_edge_index, d_edge_index]
    srcs = [e[0] for e in edges]
    dsts = [e[1] for e in edges]
    n_pad_e = AGG_PS - E // 32
    pad_pos = (jnp.arange(32)[:, None] * n_pad_e + jnp.arange(n_pad_e)[None, :])
    pad_src = (pad_pos % N).astype(jnp.int32)
    pad_dst = (N + pad_pos % (N_PAD - N)).astype(jnp.int32)

    def _pad_idx(x, pad_block):
        return jnp.concatenate(
            [x.reshape(32, E // 32), pad_block], axis=1).reshape(-1)
    srcs_p = [_pad_idx(x, pad_src) for x in srcs]
    dsts_p = [_pad_idx(x, pad_dst) for x in dsts]
    rs_pad = jnp.concatenate(
        [jnp.stack([n_r, poi_r, s_r, d_r]), jnp.zeros((4, D), jnp.float32)], axis=0)

    deg_flat = _degrees(srcs, dsts)
    deg8 = _degred(deg_flat)
    degs = deg8[:, :N].transpose(1, 0)

    r1_pad, r2_pad = _relvec(rs_pad, W_rel0, b_rel0, W_rel1, b_rel1)
    norms, h0_0, h0_1, h0_2, h0_3 = _prep(degs, features, rs_pad)
    h0s = (h0_0, h0_1, h0_2, h0_3)

    embs = []
    for r in range(4):
        nd = norms[:, 2 * r + 1:2 * r + 2]
        ns = norms[:, 2 * r:2 * r + 1]
        parts0 = _aggregate(h0s[r], srcs_p[r], dsts_p[r])
        y, stats = _dense(parts0, nd, W_gcn0, b_gcn0, True)
        h1 = _post(y, stats, features, r1_pad[r:r + 1, :], ns,
                   bn_gamma0, bn_beta0)
        parts1 = _aggregate(h1, srcs_p[r], dsts_p[r])
        embs.append(_dense(parts1, nd, W_gcn1, b_gcn1, False))

    return (embs[0], embs[1], embs[2], embs[3],
            r2_pad[0], r2_pad[1], r2_pad[2], r2_pad[3])

# --- scband reference (transcript-rebuilt; emitter-appended) ---
"""Pipeline reference for scband-relation-gcn-38637525795190 (READ-ONLY COPY).

The authoritative reference and input builder live on the scoring server;
editing this copy changes nothing except your own understanding.
"""

import jax, jax.numpy as jnp
import numpy as np

N = 10000
E = 320000
D = 128


def _graph_conv(edge_index, feat, W, b):
    # DGL GraphConv with norm='both': D_dst^{-1/2} A D_src^{-1/2} X W + b
    src = edge_index[0]
    dst = edge_index[1]
    ones = jnp.ones((src.shape[0],), jnp.float32)
    out_deg = jax.ops.segment_sum(ones, src, num_segments=N)
    in_deg = jax.ops.segment_sum(ones, dst, num_segments=N)
    norm_src = jnp.where(out_deg > 0, jax.lax.rsqrt(jnp.maximum(out_deg, 1.0)), 0.0)
    norm_dst = jnp.where(in_deg > 0, jax.lax.rsqrt(jnp.maximum(in_deg, 1.0)), 0.0)
    h = feat * norm_src[:, None]
    agg = jax.ops.segment_sum(h[src], dst, num_segments=N)
    agg = agg * norm_dst[:, None]
    return agg @ W + b


def _batch_norm(x, gamma, beta):
    mean = jnp.mean(x, axis=0)
    var = jnp.mean((x - mean) ** 2, axis=0)
    return (x - mean) * jax.lax.rsqrt(var + 1e-5) * gamma + beta


def _lrelu(x):
    return jax.nn.leaky_relu(x, negative_slope=0.01)


def setup_inputs(seed: int = 0):
    key = jax.random.key(seed)
    ks = jax.random.split(key, 20)
    inp = {}
    inp['features'] = jax.random.normal(ks[0], (N, D), jnp.float32)
    inp['poi_r'] = jax.random.normal(ks[1], (D,), jnp.float32)
    inp['s_r'] = jax.random.normal(ks[2], (D,), jnp.float32)
    inp['d_r'] = jax.random.normal(ks[3], (D,), jnp.float32)
    inp['n_r'] = jax.random.normal(ks[4], (D,), jnp.float32)
    inp['poi_edge_index'] = jax.random.randint(ks[5], (2, E), 0, N, dtype=jnp.int32)
    inp['s_edge_index'] = jax.random.randint(ks[6], (2, E), 0, N, dtype=jnp.int32)
    inp['d_edge_index'] = jax.random.randint(ks[7], (2, E), 0, N, dtype=jnp.int32)
    inp['n_edge_index'] = jax.random.randint(ks[8], (2, E), 0, N, dtype=jnp.int32)
    sc = 1.0 / np.sqrt(D)
    inp['W_gcn0'] = jax.random.normal(ks[9], (D, D), jnp.float32) * sc
    inp['b_gcn0'] = jnp.zeros((D,), jnp.float32)
    inp['W_gcn1'] = jax.random.normal(ks[10], (D, D), jnp.float32) * sc
    inp['b_gcn1'] = jnp.zeros((D,), jnp.float32)
    inp['bn_gamma0'] = jnp.ones((D,), jnp.float32)
    inp['bn_beta0'] = jnp.zeros((D,), jnp.float32)
    inp['W_rel0'] = jax.random.normal(ks[11], (D, D), jnp.float32) * sc
    inp['b_rel0'] = jnp.zeros((D,), jnp.float32)
    inp['W_rel1'] = jax.random.normal(ks[12], (D, D), jnp.float32) * sc
    inp['b_rel1'] = jnp.zeros((D,), jnp.float32)
    return inp


def reference(features, poi_r, s_r, d_r, n_r,
              poi_edge_index, s_edge_index, d_edge_index, n_edge_index,
              W_gcn0, b_gcn0, W_gcn1, b_gcn1,
              bn_gamma0, bn_beta0,
              W_rel0, b_rel0, W_rel1, b_rel1):
    n_emb = features
    poi_emb = features
    s_emb = features
    d_emb = features
    # layer 0 (gcn_layers=2 -> one intermediate layer). dropout omitted (deterministic
    # reference, equivalent to is_training=False for dropout); BN uses batch stats.
    n_emb = n_emb + _lrelu(_batch_norm(_graph_conv(n_edge_index, n_emb * n_r, W_gcn0, b_gcn0), bn_gamma0, bn_beta0))
    n_r = n_r @ W_rel0 + b_rel0
    poi_emb = poi_emb + _lrelu(_batch_norm(_graph_conv(poi_edge_index, poi_emb * poi_r, W_gcn0, b_gcn0), bn_gamma0, bn_beta0))
    poi_r = poi_r @ W_rel0 + b_rel0
    s_emb = s_emb + _lrelu(_batch_norm(_graph_conv(s_edge_index, s_emb * s_r, W_gcn0, b_gcn0), bn_gamma0, bn_beta0))
    s_r = s_r @ W_rel0 + b_rel0
    d_emb = d_emb + _lrelu(_batch_norm(_graph_conv(d_edge_index, d_emb * d_r, W_gcn0, b_gcn0), bn_gamma0, bn_beta0))
    d_r = d_r @ W_rel0 + b_rel0
    # final layer
    n_emb = _graph_conv(n_edge_index, n_emb * n_r, W_gcn1, b_gcn1)
    poi_emb = _graph_conv(poi_edge_index, poi_emb * poi_r, W_gcn1, b_gcn1)
    s_emb = _graph_conv(s_edge_index, s_emb * s_r, W_gcn1, b_gcn1)
    d_emb = _graph_conv(d_edge_index, d_emb * d_r, W_gcn1, b_gcn1)
    n_r = n_r @ W_rel1 + b_rel1
    poi_r = poi_r @ W_rel1 + b_rel1
    s_r = s_r @ W_rel1 + b_rel1
    d_r = d_r @ W_rel1 + b_rel1
    return (n_emb, poi_emb, s_emb, d_emb, n_r, poi_r, s_r, d_r)

if __name__ == "__main__":
    import jax
    _d = setup_inputs()
    print(jax.jit(kernel)(*tuple(_d.values())))

</pallas_src>

<mosaic_0001>
#map = affine_map<(d0, d1) -> (0, 0)>
#map1 = affine_map<(d0, d1) -> (0)>
#map2 = affine_map<(d0, d1) -> (0, 0, 0)>
module attributes {stable_mosaic.version = 14 : i64} {
  func.func @_agg_body(%arg0: i32, %arg1: i32, %arg2: memref<10000x128xf32, #tpu.memory_space<hbm>>, %arg3: memref<327680xi32, #tpu.memory_space<hbm>>, %arg4: memref<327680xi32, #tpu.memory_space<hbm>>, %arg5: memref<640x128xf32, #tpu.memory_space<hbm>>, %arg6: memref<2x10240x128xf32, #tpu.memory_space<hbm>>, %arg7: memref<10240x128xf32, #tpu.memory_space<vmem_shared>>, %arg8: memref<128xi32, #tpu.memory_space<vmem>>, %arg9: memref<128xi32, #tpu.memory_space<vmem>>, %arg10: memref<128xi32, #tpu.memory_space<vmem>>, %arg11: memref<128xi32, #tpu.memory_space<vmem>>, %arg12: memref<128x128xf32, #tpu.memory_space<vmem>>, %arg13: memref<128x128xf32, #tpu.memory_space<vmem>>, %arg14: memref<!tpu.dma_semaphore, #tpu.memory_space<semaphore_mem>>, %arg15: memref<!tpu.dma_semaphore, #tpu.memory_space<semaphore_mem>>, %arg16: memref<!tpu.dma_semaphore, #tpu.memory_space<semaphore_mem>>, %arg17: memref<!tpu.dma_semaphore, #tpu.memory_space<semaphore_mem>>) attributes {dimension_semantics = [#tpu.dimension_semantics<core_parallel>, #tpu.dimension_semantics<subcore_parallel>], iteration_bounds = array<i64: 2, 16>, scalar_prefetch = 0 : i64, scratch_operands = 11 : i64, tpu.core_type = #tpu.core_type<sc_vector_subcore>, window_params = [{transform_indices = #map}, {transform_indices = #map1}, {transform_indices = #map1}, {transform_indices = #map}, {transform_indices = #map2}]} {
    %mul3A = arith.constant 16 : i32
    %mul3A_0 = arith.muli %arg0, %mul3A : i32
    %add3A = arith.addi %mul3A_0, %arg1 : i32
    %mul3A_1 = arith.constant 10240 : i32
    %mul3A_2 = arith.muli %add3A, %mul3A_1 : i32
    %mul3A_3 = arith.constant 640 : i32
    %mul3A_4 = arith.muli %arg1, %mul3A_3 : i32
    "tpu.region"() ({
      %run_scoped3A = tpu.sem_alloc : memref<!tpu.dma_semaphore, #tpu.memory_space<semaphore_mem>>
      %dma_start3A_51 = arith.constant 0 : i32
      %dma_start3A_52 = tpu.memref_slice %arg7[%mul3A_4, %dma_start3A_51] : memref<10240x128xf32, #tpu.memory_space<vmem_shared>> -> memref<640x128xf32, #tpu.memory_space<vmem_shared>>
      tpu.enqueue_dma source(%arg5 : memref<640x128xf32, #tpu.memory_space<hbm>>) target(%dma_start3A_52 : memref<640x128xf32, #tpu.memory_space<vmem_shared>>) target_semaphore(%run_scoped3A : memref<!tpu.dma_semaphore, #tpu.memory_space<semaphore_mem>>)
      %dma_wait3A_53 = arith.constant 0 : i32
      %dma_wait3A_54 = tpu.memref_slice %arg7[%mul3A_4, %dma_wait3A_53] : memref<10240x128xf32, #tpu.memory_space<vmem_shared>> -> memref<640x128xf32, #tpu.memory_space<vmem_shared>>
      tpu.wait_dma2 semaphore(%run_scoped3A : memref<!tpu.dma_semaphore, #tpu.memory_space<semaphore_mem>>) src(%arg5 : memref<640x128xf32, #tpu.memory_space<hbm>>) dst(%dma_wait3A_54 : memref<640x128xf32, #tpu.memory_space<vmem_shared>>)
      tpu.yield
    }) : () -> ()
    %barrier3A = arith.constant 0 : index
    tpu.barrier barrier_id(%barrier3A)
    %add3A_5 = arith.constant 0 : i32
    %add3A_6 = arith.addi %mul3A_2, %add3A_5 : i32
    %dma_start3A = tpu.memref_slice %arg3[%add3A_6] : memref<327680xi32, #tpu.memory_space<hbm>> -> memref<128xi32, #tpu.memory_space<hbm>>
    %dma_start3A_7 = tpu.memref_slice %arg3[%add3A_6] : memref<327680xi32, #tpu.memory_space<hbm>> -> memref<128xi32, #tpu.memory_space<hbm>>
    tpu.enqueue_dma source(%dma_start3A_7 : memref<128xi32, #tpu.memory_space<hbm>>) target(%arg8 : memref<128xi32, #tpu.memory_space<vmem>>) target_semaphore(%arg14 : memref<!tpu.dma_semaphore, #tpu.memory_space<semaphore_mem>>)
    %add3A_8 = arith.constant 0 : i32
    %add3A_9 = arith.addi %mul3A_2, %add3A_8 : i32
    %dma_start3A_10 = tpu.memref_slice %arg4[%add3A_9] : memref<327680xi32, #tpu.memory_space<hbm>> -> memref<128xi32, #tpu.memory_space<hbm>>
    %dma_start3A_11 = tpu.memref_slice %arg4[%add3A_9] : memref<327680xi32, #tpu.memory_space<hbm>> -> memref<128xi32, #tpu.memory_space<hbm>>
    tpu.enqueue_dma source(%dma_start3A_11 : memref<128xi32, #tpu.memory_space<hbm>>) target(%arg10 : memref<128xi32, #tpu.memory_space<vmem>>) target_semaphore(%arg14 : memref<!tpu.dma_semaphore, #tpu.memory_space<semaphore_mem>>)
    %add3A_12 = arith.constant 0 : i32
    %add3A_13 = arith.addi %mul3A_2, %add3A_12 : i32
    %dma_wait3A = tpu.memref_slice %arg3[%add3A_13] : memref<327680xi32, #tpu.memory_space<hbm>> -> memref<128xi32, #tpu.memory_space<hbm>>
    %dma_wait3A_14 = tpu.memref_slice %arg3[%add3A_13] : memref<327680xi32, #tpu.memory_space<hbm>> -> memref<128xi32, #tpu.memory_space<hbm>>
    tpu.wait_dma2 semaphore(%arg14 : memref<!tpu.dma_semaphore, #tpu.memory_space<semaphore_mem>>) src(%dma_wait3A_14 : memref<128xi32, #tpu.memory_space<hbm>>) dst(%arg8 : memref<128xi32, #tpu.memory_space<vmem>>)
    %add3A_15 = arith.constant 0 : i32
    %add3A_16 = arith.addi %mul3A_2, %add3A_15 : i32
    %dma_wait3A_17 = tpu.memref_slice %arg4[%add3A_16] : memref<327680xi32, #tpu.memory_space<hbm>> -> memref<128xi32, #tpu.memory_space<hbm>>
    %dma_wait3A_18 = tpu.memref_slice %arg4[%add3A_16] : memref<327680xi32, #tpu.memory_space<hbm>> -> memref<128xi32, #tpu.memory_space<hbm>>
    tpu.wait_dma2 semaphore(%arg14 : memref<!tpu.dma_semaphore, #tpu.memory_space<semaphore_mem>>) src(%dma_wait3A_18 : memref<128xi32, #tpu.memory_space<hbm>>) dst(%arg10 : memref<128xi32, #tpu.memory_space<vmem>>)
    %dma_start3A_19 = arith.constant 0 : i32
    %dma_start3A_20 = arith.constant 0 : i32
    %dma_start3A_21 = tpu.memref_slice %arg2[%dma_start3A_19, %dma_start3A_20] : memref<10000x128xf32, #tpu.memory_space<hbm>> -> memref<10000x128xf32, #tpu.memory_space<hbm>>
    tpu.enqueue_indirect_dma source(%dma_start3A_21 : memref<10000x128xf32, #tpu.memory_space<hbm>>) target(%arg12 : memref<128x128xf32, #tpu.memory_space<vmem>>) offsets(%arg8 : memref<128xi32, #tpu.memory_space<vmem>>) semaphore(%arg16 : memref<!tpu.dma_semaphore, #tpu.memory_space<semaphore_mem>>)
    %add3A_22 = arith.constant 128 : i32
    %add3A_23 = arith.addi %mul3A_2, %add3A_22 : i32
    %dma_start3A_24 = tpu.memref_slice %arg3[%add3A_23] : memref<327680xi32, #tpu.memory_space<hbm>> -> memref<128xi32, #tpu.memory_space<hbm>>
    %dma_start3A_25 = tpu.memref_slice %arg3[%add3A_23] : memref<327680xi32, #tpu.memory_space<hbm>> -> memref<128xi32, #tpu.memory_space<hbm>>
    tpu.enqueue_dma source(%dma_start3A_25 : memref<128xi32, #tpu.memory_space<hbm>>) target(%arg9 : memref<128xi32, #tpu.memory_space<vmem>>) target_semaphore(%arg15 : memref<!tpu.dma_semaphore, #tpu.memory_space<semaphore_mem>>)
    %add3A_26 = arith.constant 128 : i32
    %add3A_27 = arith.addi %mul3A_2, %add3A_26 : i32
    %dma_start3A_28 = tpu.memref_slice %arg4[%add3A_27] : memref<327680xi32, #tpu.memory_space<hbm>> -> memref<128xi32, #tpu.memory_space<hbm>>
    %dma_start3A_29 = tpu.memref_slice %arg4[%add3A_27] : memref<327680xi32, #tpu.memory_space<hbm>> -> memref<128xi32, #tpu.memory_space<hbm>>
    tpu.enqueue_dma source(%dma_start3A_29 : memref<128xi32, #tpu.memory_space<hbm>>) target(%arg11 : memref<128xi32, #tpu.memory_space<vmem>>) target_semaphore(%arg15 : memref<!tpu.dma_semaphore, #tpu.memory_space<semaphore_mem>>)
    %scan3A = arith.constant 0 : i32
    %scan3A_30 = arith.constant 0 : i32
    %scan3A_31 = arith.constant 39 : i32
    %scan3A_32 = arith.addi %scan3A_30, %scan3A_31 : i32
    %scan3A_33 = arith.constant 1 : i32
    scf.for %scan3A_51 = %scan3A_30 to %scan3A_32 step %scan3A_33  : i32 {
      %mul3A_52 = arith.constant 2 : i32
      %mul3A_53 = arith.muli %mul3A_52, %scan3A_51 : i32
      %add3A_54 = arith.constant 1 : i32
      %add3A_55 = arith.addi %mul3A_53, %add3A_54 : i32
      %mul3A_56 = arith.constant 128 : i32
      %mul3A_57 = arith.muli %add3A_55, %mul3A_56 : i32
      %add3A_58 = arith.addi %mul3A_2, %mul3A_57 : i32
      %dma_wait3A_59 = tpu.memref_slice %arg3[%add3A_58] : memref<327680xi32, #tpu.memory_space<hbm>> -> memref<128xi32, #tpu.memory_space<hbm>>
      %dma_wait3A_60 = tpu.memref_slice %arg3[%add3A_58] : memref<327680xi32, #tpu.memory_space<hbm>> -> memref<128xi32, #tpu.memory_space<hbm>>
      tpu.wait_dma2 semaphore(%arg15 : memref<!tpu.dma_semaphore, #tpu.memory_space<semaphore_mem>>) src(%dma_wait3A_60 : memref<128xi32, #tpu.memory_space<hbm>>) dst(%arg9 : memref<128xi32, #tpu.memory_space<vmem>>)
      %mul3A_61 = arith.constant 128 : i32
      %mul3A_62 = arith.muli %add3A_55, %mul3A_61 : i32
      %add3A_63 = arith.addi %mul3A_2, %mul3A_62 : i32
      %dma_wait3A_64 = tpu.memref_slice %arg4[%add3A_63] : memref<327680xi32, #tpu.memory_space<hbm>> -> memref<128xi32, #tpu.memory_space<hbm>>
      %dma_wait3A_65 = tpu.memref_slice %arg4[%add3A_63] : memref<327680xi32, #tpu.memory_space<hbm>> -> memref<128xi32, #tpu.memory_space<hbm>>
      tpu.wait_dma2 semaphore(%arg15 : memref<!tpu.dma_semaphore, #tpu.memory_space<semaphore_mem>>) src(%dma_wait3A_65 : memref<128xi32, #tpu.memory_space<hbm>>) dst(%arg11 : memref<128xi32, #tpu.memory_space<vmem>>)
      %dma_start3A_66 = arith.constant 0 : i32
      %dma_start3A_67 = arith.constant 0 : i32
      %dma_start3A_68 = tpu.memref_slice %arg2[%dma_start3A_66, %dma_start3A_67] : memref<10000x128xf32, #tpu.memory_space<hbm>> -> memref<10000x128xf32, #tpu.memory_space<hbm>>
      tpu.enqueue_indirect_dma source(%dma_start3A_68 : memref<10000x128xf32, #tpu.memory_space<hbm>>) target(%arg13 : memref<128x128xf32, #tpu.memory_space<vmem>>) offsets(%arg9 : memref<128xi32, #tpu.memory_space<vmem>>) semaphore(%arg17 : memref<!tpu.dma_semaphore, #tpu.memory_space<semaphore_mem>>)
      %dma_wait3A_69 = arith.constant 0 : i32
      %dma_wait3A_70 = arith.constant 0 : i32
      %dma_wait3A_71 = tpu.memref_slice %arg2[%dma_wait3A_69, %dma_wait3A_70] : memref<10000x128xf32, #tpu.memory_space<hbm>> -> memref<10000x128xf32, #tpu.memory_space<hbm>>
      tpu.wait_indirect_dma semaphore(%arg16 : memref<!tpu.dma_semaphore, #tpu.memory_space<semaphore_mem>>) src(%dma_wait3A_71 : memref<10000x128xf32, #tpu.memory_space<hbm>>) dst(%arg12 : memref<128x128xf32, #tpu.memory_space<vmem>>)
      "tpu.region"() ({
        %run_scoped3A = tpu.sem_alloc : memref<!tpu.dma_semaphore, #tpu.memory_space<semaphore_mem>>
        %dma_start3A_118 = arith.constant 0 : i32
        %dma_start3A_119 = arith.constant 0 : i32
        %dma_start3A_120 = tpu.memref_slice %arg7[%dma_start3A_118, %dma_start3A_119] : memref<10240x128xf32, #tpu.memory_space<vmem_shared>> -> memref<10240x128xf32, #tpu.memory_space<vmem_shared>>
        tpu.enqueue_indirect_dma source(%arg12 : memref<128x128xf32, #tpu.memory_space<vmem>>) target(%dma_start3A_120 : memref<10240x128xf32, #tpu.memory_space<vmem_shared>>) offsets(%arg10 : memref<128xi32, #tpu.memory_space<vmem>>) semaphore(%run_scoped3A : memref<!tpu.dma_semaphore, #tpu.memory_space<semaphore_mem>>) {add = true}
        %dma_wait3A_121 = arith.constant 0 : i32
        %dma_wait3A_122 = arith.constant 0 : i32
        %dma_wait3A_123 = tpu.memref_slice %arg7[%dma_wait3A_121, %dma_wait3A_122] : memref<10240x128xf32, #tpu.memory_space<vmem_shared>> -> memref<10240x128xf32, #tpu.memory_space<vmem_shared>>
        tpu.wait_indirect_dma semaphore(%run_scoped3A : memref<!tpu.dma_semaphore, #tpu.memory_space<semaphore_mem>>) src(%arg12 : memref<128x128xf32, #tpu.memory_space<vmem>>) dst(%dma_wait3A_123 : memref<10240x128xf32, #tpu.memory_space<vmem_shared>>)
        tpu.yield
      }) : () -> ()
      %add3A_72 = arith.constant 2 : i32
      %add3A_73 = arith.addi %mul3A_53, %add3A_72 : i32
      %mul3A_74 = arith.constant 128 : i32
      %mul3A_75 = arith.muli %add3A_73, %mul3A_74 : i32
      %add3A_76 = arith.addi %mul3A_2, %mul3A_75 : i32
      %dma_start3A_77 = tpu.memref_slice %arg3[%add3A_76] : memref<327680xi32, #tpu.memory_space<hbm>> -> memref<128xi32, #tpu.memory_space<hbm>>
      %dma_start3A_78 = tpu.memref_slice %arg3[%add3A_76] : memref<327680xi32, #tpu.memory_space<hbm>> -> memref<128xi32, #tpu.memory_space<hbm>>
      tpu.enqueue_dma source(%dma_start3A_78 : memref<128xi32, #tpu.memory_space<hbm>>) target(%arg8 : memref<128xi32, #tpu.memory_space<vmem>>) target_semaphore(%arg14 : memref<!tpu.dma_semaphore, #tpu.memory_space<semaphore_mem>>)
      %mul3A_79 = arith.constant 128 : i32
      %mul3A_80 = arith.muli %add3A_73, %mul3A_79 : i32
      %add3A_81 = arith.addi %mul3A_2, %mul3A_80 : i32
      %dma_start3A_82 = tpu.memref_slice %arg4[%add3A_81] : memref<327680xi32, #tpu.memory_space<hbm>> -> memref<128xi32, #tpu.memory_space<hbm>>
      %dma_start3A_83 = tpu.memref_slice %arg4[%add3A_81] : memref<327680xi32, #tpu.memory_space<hbm>> -> memref<128xi32, #tpu.memory_space<hbm>>
      tpu.enqueue_dma source(%dma_start3A_83 : memref<128xi32, #tpu.memory_space<hbm>>) target(%arg10 : memref<128xi32, #tpu.memory_space<vmem>>) target_semaphore(%arg14 : memref<!tpu.dma_semaphore, #tpu.memory_space<semaphore_mem>>)
      %mul3A_84 = arith.constant 2 : i32
      %mul3A_85 = arith.muli %mul3A_84, %scan3A_51 : i32
      %add3A_86 = arith.constant 1 : i32
      %add3A_87 = arith.addi %mul3A_85, %add3A_86 : i32
      %add3A_88 = arith.constant 1 : i32
      %add3A_89 = arith.addi %add3A_87, %add3A_88 : i32
      %mul3A_90 = arith.constant 128 : i32
      %mul3A_91 = arith.muli %add3A_89, %mul3A_90 : i32
      %add3A_92 = arith.addi %mul3A_2, %mul3A_91 : i32
      %dma_wait3A_93 = tpu.memref_slice %arg3[%add3A_92] : memref<327680xi32, #tpu.memory_space<hbm>> -> memref<128xi32, #tpu.memory_space<hbm>>
      %dma_wait3A_94 = tpu.memref_slice %arg3[%add3A_92] : memref<327680xi32, #tpu.memory_space<hbm>> -> memref<128xi32, #tpu.memory_space<hbm>>
      tpu.wait_dma2 semaphore(%arg14 : memref<!tpu.dma_semaphore, #tpu.memory_space<semaphore_mem>>) src(%dma_wait3A_94 : memref<128xi32, #tpu.memory_space<hbm>>) dst(%arg8 : memref<128xi32, #tpu.memory_space<vmem>>)
      %mul3A_95 = arith.constant 128 : i32
      %mul3A_96 = arith.muli %add3A_89, %mul3A_95 : i32
      %add3A_97 = arith.addi %mul3A_2, %mul3A_96 : i32
      %dma_wait3A_98 = tpu.memref_slice %arg4[%add3A_97] : memref<327680xi32, #tpu.memory_space<hbm>> -> memref<128xi32, #tpu.memory_space<hbm>>
      %dma_wait3A_99 = tpu.memref_slice %arg4[%add3A_97] : memref<327680xi32, #tpu.memory_space<hbm>> -> memref<128xi32, #tpu.memory_space<hbm>>
      tpu.wait_dma2 semaphore(%arg14 : memref<!tpu.dma_semaphore, #tpu.memory_space<semaphore_mem>>) src(%dma_wait3A_99 : memref<128xi32, #tpu.memory_space<hbm>>) dst(%arg10 : memref<128xi32, #tpu.memory_space<vmem>>)
      %dma_start3A_100 = arith.constant 0 : i32
      %dma_start3A_101 = arith.constant 0 : i32
      %dma_start3A_102 = tpu.memref_slice %arg2[%dma_start3A_100, %dma_start3A_101] : memref<10000x128xf32, #tpu.memory_space<hbm>> -> memref<10000x128xf32, #tpu.memory_space<hbm>>
      tpu.enqueue_indirect_dma source(%dma_start3A_102 : memref<10000x128xf32, #tpu.memory_space<hbm>>) target(%arg12 : memref<128x128xf32, #tpu.memory_space<vmem>>) offsets(%arg8 : memref<128xi32, #tpu.memory_space<vmem>>) semaphore(%arg16 : memref<!tpu.dma_semaphore, #tpu.memory_space<semaphore_mem>>)
      %dma_wait3A_103 = arith.constant 0 : i32
      %dma_wait3A_104 = arith.constant 0 : i32
      %dma_wait3A_105 = tpu.memref_slice %arg2[%dma_wait3A_103, %dma_wait3A_104] : memref<10000x128xf32, #tpu.memory_space<hbm>> -> memref<10000x128xf32, #tpu.memory_space<hbm>>
      tpu.wait_indirect_dma semaphore(%arg17 : memref<!tpu.dma_semaphore, #tpu.memory_space<semaphore_mem>>) src(%dma_wait3A_105 : memref<10000x128xf32, #tpu.memory_space<hbm>>) dst(%arg13 : memref<128x128xf32, #tpu.memory_space<vmem>>)
      "tpu.region"() ({
        %run_scoped3A = tpu.sem_alloc : memref<!tpu.dma_semaphore, #tpu.memory_space<semaphore_mem>>
        %dma_start3A_118 = arith.constant 0 : i32
        %dma_start3A_119 = arith.constant 0 : i32
        %dma_start3A_120 = tpu.memref_slice %arg7[%dma_start3A_118, %dma_start3A_119] : memref<10240x128xf32, #tpu.memory_space<vmem_shared>> -> memref<10240x128xf32, #tpu.memory_space<vmem_shared>>
        tpu.enqueue_indirect_dma source(%arg13 : memref<128x128xf32, #tpu.memory_space<vmem>>) target(%dma_start3A_120 : memref<10240x128xf32, #tpu.memory_space<vmem_shared>>) offsets(%arg11 : memref<128xi32, #tpu.memory_space<vmem>>) semaphore(%run_scoped3A : memref<!tpu.dma_semaphore, #tpu.memory_space<semaphore_mem>>) {add = true}
        %dma_wait3A_121 = arith.constant 0 : i32
        %dma_wait3A_122 = arith.constant 0 : i32
        %dma_wait3A_123 = tpu.memref_slice %arg7[%dma_wait3A_121, %dma_wait3A_122] : memref<10240x128xf32, #tpu.memory_space<vmem_shared>> -> memref<10240x128xf32, #tpu.memory_space<vmem_shared>>
        tpu.wait_indirect_dma semaphore(%run_scoped3A : memref<!tpu.dma_semaphore, #tpu.memory_space<semaphore_mem>>) src(%arg13 : memref<128x128xf32, #tpu.memory_space<vmem>>) dst(%dma_wait3A_123 : memref<10240x128xf32, #tpu.memory_space<vmem_shared>>)
        tpu.yield
      }) : () -> ()
      %add3A_106 = arith.constant 2 : i32
      %add3A_107 = arith.addi %add3A_87, %add3A_106 : i32
      %mul3A_108 = arith.constant 128 : i32
      %mul3A_109 = arith.muli %add3A_107, %mul3A_108 : i32
      %add3A_110 = arith.addi %mul3A_2, %mul3A_109 : i32
      %dma_start3A_111 = tpu.memref_slice %arg3[%add3A_110] : memref<327680xi32, #tpu.memory_space<hbm>> -> memref<128xi32, #tpu.memory_space<hbm>>
      %dma_start3A_112 = tpu.memref_slice %arg3[%add3A_110] : memref<327680xi32, #tpu.memory_space<hbm>> -> memref<128xi32, #tpu.memory_space<hbm>>
      tpu.enqueue_dma source(%dma_start3A_112 : memref<128xi32, #tpu.memory_space<hbm>>) target(%arg9 : memref<128xi32, #tpu.memory_space<vmem>>) target_semaphore(%arg15 : memref<!tpu.dma_semaphore, #tpu.memory_space<semaphore_mem>>)
      %mul3A_113 = arith.constant 128 : i32
      %mul3A_114 = arith.muli %add3A_107, %mul3A_113 : i32
      %add3A_115 = arith.addi %mul3A_2, %mul3A_114 : i32
      %dma_start3A_116 = tpu.memref_slice %arg4[%add3A_115] : memref<327680xi32, #tpu.memory_space<hbm>> -> memref<128xi32, #tpu.memory_space<hbm>>
      %dma_start3A_117 = tpu.memref_slice %arg4[%add3A_115] : memref<327680xi32, #tpu.memory_space<hbm>> -> memref<128xi32, #tpu.memory_space<hbm>>
      tpu.enqueue_dma source(%dma_start3A_117 : memref<128xi32, #tpu.memory_space<hbm>>) target(%arg11 : memref<128xi32, #tpu.memory_space<vmem>>) target_semaphore(%arg15 : memref<!tpu.dma_semaphore, #tpu.memory_space<semaphore_mem>>)
    }
    %scan3A_34 = arith.constant 39 : i32
    %dma_wait3A_35 = arith.constant 0 : i32
    %dma_wait3A_36 = arith.constant 0 : i32
    %dma_wait3A_37 = tpu.memref_slice %arg2[%dma_wait3A_35, %dma_wait3A_36] : memref<10000x128xf32, #tpu.memory_space<hbm>> -> memref<10000x128xf32, #tpu.memory_space<hbm>>
    tpu.wait_indirect_dma semaphore(%arg16 : memref<!tpu.dma_semaphore, #tpu.memory_space<semaphore_mem>>) src(%dma_wait3A_37 : memref<10000x128xf32, #tpu.memory_space<hbm>>) dst(%arg12 : memref<128x128xf32, #tpu.memory_space<vmem>>)
    "tpu.region"() ({
      %run_scoped3A = tpu.sem_alloc : memref<!tpu.dma_semaphore, #tpu.memory_space<semaphore_mem>>
      %dma_start3A_51 = arith.constant 0 : i32
      %dma_start3A_52 = arith.constant 0 : i32
      %dma_start3A_53 = tpu.memref_slice %arg7[%dma_start3A_51, %dma_start3A_52] : memref<10240x128xf32, #tpu.memory_space<vmem_shared>> -> memref<10240x128xf32, #tpu.memory_space<vmem_shared>>
      tpu.enqueue_indirect_dma source(%arg12 : memref<128x128xf32, #tpu.memory_space<vmem>>) target(%dma_start3A_53 : memref<10240x128xf32, #tpu.memory_space<vmem_shared>>) offsets(%arg10 : memref<128xi32, #tpu.memory_space<vmem>>) semaphore(%run_scoped3A : memref<!tpu.dma_semaphore, #tpu.memory_space<semaphore_mem>>) {add = true}
      %dma_wait3A_54 = arith.constant 0 : i32
      %dma_wait3A_55 = arith.constant 0 : i32
      %dma_wait3A_56 = tpu.memref_slice %arg7[%dma_wait3A_54, %dma_wait3A_55] : memref<10240x128xf32, #tpu.memory_space<vmem_shared>> -> memref<10240x128xf32, #tpu.memory_space<vmem_shared>>
      tpu.wait_indirect_dma semaphore(%run_scoped3A : memref<!tpu.dma_semaphore, #tpu.memory_space<semaphore_mem>>) src(%arg12 : memref<128x128xf32, #tpu.memory_space<vmem>>) dst(%dma_wait3A_56 : memref<10240x128xf32, #tpu.memory_space<vmem_shared>>)
      tpu.yield
    }) : () -> ()
    %add3A_38 = arith.constant 10112 : i32
    %add3A_39 = arith.addi %mul3A_2, %add3A_38 : i32
    %dma_wait3A_40 = tpu.memref_slice %arg3[%add3A_39] : memref<327680xi32, #tpu.memory_space<hbm>> -> memref<128xi32, #tpu.memory_space<hbm>>
    %dma_wait3A_41 = tpu.memref_slice %arg3[%add3A_39] : memref<327680xi32, #tpu.memory_space<hbm>> -> memref<128xi32, #tpu.memory_space<hbm>>
    tpu.wait_dma2 semaphore(%arg15 : memref<!tpu.dma_semaphore, #tpu.memory_space<semaphore_mem>>) src(%dma_wait3A_41 : memref<128xi32, #tpu.memory_space<hbm>>) dst(%arg9 : memref<128xi32, #tpu.memory_space<vmem>>)
    %add3A_42 = arith.constant 10112 : i32
    %add3A_43 = arith.addi %mul3A_2, %add3A_42 : i32
    %dma_wait3A_44 = tpu.memref_slice %arg4[%add3A_43] : memref<327680xi32, #tpu.memory_space<hbm>> -> memref<128xi32, #tpu.memory_space<hbm>>
    %dma_wait3A_45 = tpu.memref_slice %arg4[%add3A_43] : memref<327680xi32, #tpu.memory_space<hbm>> -> memref<128xi32, #tpu.memory_space<hbm>>
    tpu.wait_dma2 semaphore(%arg15 : memref<!tpu.dma_semaphore, #tpu.memory_space<semaphore_mem>>) src(%dma_wait3A_45 : memref<128xi32, #tpu.memory_space<hbm>>) dst(%arg11 : memref<128xi32, #tpu.memory_space<vmem>>)
    %barrier3A_46 = arith.constant 0 : index
    tpu.barrier barrier_id(%barrier3A_46)
    %mul3A_47 = arith.constant 640 : i32
    %mul3A_48 = arith.muli %arg1, %mul3A_47 : i32
    %mul3A_49 = arith.constant 640 : i32
    %mul3A_50 = arith.muli %arg1, %mul3A_49 : i32
    "tpu.region"() ({
      %run_scoped3A = tpu.sem_alloc : memref<!tpu.dma_semaphore, #tpu.memory_space<semaphore_mem>>
      %dma_start3A_51 = arith.constant 0 : i32
      %dma_start3A_52 = tpu.memref_slice %arg6[%arg0, %mul3A_50, %dma_start3A_51] : memref<2x10240x128xf32, #tpu.memory_space<hbm>> -> memref<1x640x128xf32, #tpu.memory_space<hbm>>
      %dma_start3A_53 = tpu.memref_squeeze %dma_start3A_52 : memref<1x640x128xf32, #tpu.memory_space<hbm>> -> memref<640x128xf32, #tpu.memory_space<hbm>>
      %dma_start3A_54 = arith.constant 0 : i32
      %dma_start3A_55 = tpu.memref_slice %arg7[%mul3A_48, %dma_start3A_54] : memref<10240x128xf32, #tpu.memory_space<vmem_shared>> -> memref<640x128xf32, #tpu.memory_space<vmem_shared>>
      tpu.enqueue_dma source(%dma_start3A_55 : memref<640x128xf32, #tpu.memory_space<vmem_shared>>) target(%dma_start3A_53 : memref<640x128xf32, #tpu.memory_space<hbm>>) target_semaphore(%run_scoped3A : memref<!tpu.dma_semaphore, #tpu.memory_space<semaphore_mem>>)
      %dma_wait3A_56 = arith.constant 0 : i32
      %dma_wait3A_57 = tpu.memref_slice %arg6[%arg0, %mul3A_50, %dma_wait3A_56] : memref<2x10240x128xf32, #tpu.memory_space<hbm>> -> memref<1x640x128xf32, #tpu.memory_space<hbm>>
      %dma_wait3A_58 = tpu.memref_squeeze %dma_wait3A_57 : memref<1x640x128xf32, #tpu.memory_space<hbm>> -> memref<640x128xf32, #tpu.memory_space<hbm>>
      %dma_wait3A_59 = arith.constant 0 : i32
      %dma_wait3A_60 = tpu.memref_slice %arg7[%mul3A_48, %dma_wait3A_59] : memref<10240x128xf32, #tpu.memory_space<vmem_shared>> -> memref<640x128xf32, #tpu.memory_space<vmem_shared>>
      tpu.wait_dma2 semaphore(%run_scoped3A : memref<!tpu.dma_semaphore, #tpu.memory_space<semaphore_mem>>) src(%dma_wait3A_60 : memref<640x128xf32, #tpu.memory_space<vmem_shared>>) dst(%dma_wait3A_58 : memref<640x128xf32, #tpu.memory_space<hbm>>)
      tpu.yield
    }) : () -> ()
    return
  }
}

#map = affine_map<(d0, d1) -> (0)>
module attributes {stable_mosaic.version = 14 : i64} {
  func.func @_deg_body(%arg0: i32, %arg1: i32, %arg2: memref<320000xi32, #tpu.memory_space<hbm>>, %arg3: memref<320000xi32, #tpu.memory_space<hbm>>, %arg4: memref<320000xi32, #tpu.memory_space<hbm>>, %arg5: memref<320000xi32, #tpu.memory_space<hbm>>, %arg6: memref<320000xi32, #tpu.memory_space<hbm>>, %arg7: memref<320000xi32, #tpu.memory_space<hbm>>, %arg8: memref<320000xi32, #tpu.memory_space<hbm>>, %arg9: memref<320000xi32, #tpu.memory_space<hbm>>, %arg10: memref<2621440xf32, #tpu.memory_space<hbm>>, %arg11: memref<10240xf32, #tpu.memory_space<vmem>>, %arg12: memref<10240xf32, #tpu.memory_space<vmem>>, %arg13: memref<10240xf32, #tpu.memory_space<vmem>>, %arg14: memref<10240xf32, #tpu.memory_space<vmem>>, %arg15: memref<10240xf32, #tpu.memory_space<vmem>>, %arg16: memref<10240xf32, #tpu.memory_space<vmem>>, %arg17: memref<10240xf32, #tpu.memory_space<vmem>>, %arg18: memref<10240xf32, #tpu.memory_space<vmem>>, %arg19: memref<10000xi32, #tpu.memory_space<vmem>>, %arg20: memref<10000xi32, #tpu.memory_space<vmem>>, %arg21: memref<!tpu.dma_semaphore, #tpu.memory_space<semaphore_mem>>, %arg22: memref<!tpu.dma_semaphore, #tpu.memory_space<semaphore_mem>>) attributes {dimension_semantics = [#tpu.dimension_semantics<core_parallel>, #tpu.dimension_semantics<subcore_parallel>], iteration_bounds = array<i64: 2, 16>, scalar_prefetch = 0 : i64, scratch_operands = 12 : i64, tpu.core_type = #tpu.core_type<sc_vector_subcore>, window_params = [{transform_indices = #map}, {transform_indices = #map}, {transform_indices = #map}, {transform_indices = #map}, {transform_indices = #map}, {transform_indices = #map}, {transform_indices = #map}, {transform_indices = #map}, {transform_indices = #map}]} {
    %mul3A = arith.constant 16 : i32
    %mul3A_0 = arith.muli %arg0, %mul3A : i32
    %add3A = arith.addi %mul3A_0, %arg1 : i32
    %broadcast_in_dim3A = arith.constant 0.000000e+00 : f32
    %broadcast_in_dim3A_1 = vector.broadcast %broadcast_in_dim3A : f32 to vector<16xf32>
    %scan3A = arith.constant 0 : i32
    %scan3A_2 = arith.constant 0 : i32
    %scan3A_3 = arith.constant 640 : i32
    %scan3A_4 = arith.addi %scan3A_2, %scan3A_3 : i32
    %scan3A_5 = arith.constant 1 : i32
    scf.for %scan3A_167 = %scan3A_2 to %scan3A_4 step %scan3A_5  : i32 {
      %mul3A_168 = arith.constant 16 : i32
      %mul3A_169 = arith.muli %scan3A_167, %mul3A_168 : i32
      %swap3A = arith.index_cast %mul3A_169 : i32 to index
      %swap3A_170 = tpu.vector_load %arg11[%swap3A] {strides = array<i32>} : memref<10240xf32, #tpu.memory_space<vmem>>, vector<16xf32>,
      tpu.vector_store %arg11[%swap3A], %broadcast_in_dim3A_1 {strides = array<i32>} : memref<10240xf32, #tpu.memory_space<vmem>>, vector<16xf32>,
      %mul3A_171 = arith.constant 16 : i32
      %mul3A_172 = arith.muli %scan3A_167, %mul3A_171 : i32
      %swap3A_173 = arith.index_cast %mul3A_172 : i32 to index
      %swap3A_174 = tpu.vector_load %arg12[%swap3A_173] {strides = array<i32>} : memref<10240xf32, #tpu.memory_space<vmem>>, vector<16xf32>,
      tpu.vector_store %arg12[%swap3A_173], %broadcast_in_dim3A_1 {strides = array<i32>} : memref<10240xf32, #tpu.memory_space<vmem>>, vector<16xf32>,
      %mul3A_175 = arith.constant 16 : i32
      %mul3A_176 = arith.muli %scan3A_167, %mul3A_175 : i32
      %swap3A_177 = arith.index_cast %mul3A_176 : i32 to index
      %swap3A_178 = tpu.vector_load %arg13[%swap3A_177] {strides = array<i32>} : memref<10240xf32, #tpu.memory_space<vmem>>, vector<16xf32>,
      tpu.vector_store %arg13[%swap3A_177], %broadcast_in_dim3A_1 {strides = array<i32>} : memref<10240xf32, #tpu.memory_space<vmem>>, vector<16xf32>,
      %mul3A_179 = arith.constant 16 : i32
      %mul3A_180 = arith.muli %scan3A_167, %mul3A_179 : i32
      %swap3A_181 = arith.index_cast %mul3A_180 : i32 to index
      %swap3A_182 = tpu.vector_load %arg14[%swap3A_181] {strides = array<i32>} : memref<10240xf32, #tpu.memory_space<vmem>>, vector<16xf32>,
      tpu.vector_store %arg14[%swap3A_181], %broadcast_in_dim3A_1 {strides = array<i32>} : memref<10240xf32, #tpu.memory_space<vmem>>, vector<16xf32>,
      %mul3A_183 = arith.constant 16 : i32
      %mul3A_184 = arith.muli %scan3A_167, %mul3A_183 : i32
      %swap3A_185 = arith.index_cast %mul3A_184 : i32 to index
      %swap3A_186 = tpu.vector_load %arg15[%swap3A_185] {strides = array<i32>} : memref<10240xf32, #tpu.memory_space<vmem>>, vector<16xf32>,
      tpu.vector_store %arg15[%swap3A_185], %broadcast_in_dim3A_1 {strides = array<i32>} : memref<10240xf32, #tpu.memory_space<vmem>>, vector<16xf32>,
      %mul3A_187 = arith.constant 16 : i32
      %mul3A_188 = arith.muli %scan3A_167, %mul3A_187 : i32
      %swap3A_189 = arith.index_cast %mul3A_188 : i32 to index
      %swap3A_190 = tpu.vector_load %arg16[%swap3A_189] {strides = array<i32>} : memref<10240xf32, #tpu.memory_space<vmem>>, vector<16xf32>,
      tpu.vector_store %arg16[%swap3A_189], %broadcast_in_dim3A_1 {strides = array<i32>} : memref<10240xf32, #tpu.memory_space<vmem>>, vector<16xf32>,
      %mul3A_191 = arith.constant 16 : i32
      %mul3A_192 = arith.muli %scan3A_167, %mul3A_191 : i32
      %swap3A_193 = arith.index_cast %mul3A_192 : i32 to index
      %swap3A_194 = tpu.vector_load %arg17[%swap3A_193] {strides = array<i32>} : memref<10240xf32, #tpu.memory_space<vmem>>, vector<16xf32>,
      tpu.vector_store %arg17[%swap3A_193], %broadcast_in_dim3A_1 {strides = array<i32>} : memref<10240xf32, #tpu.memory_space<vmem>>, vector<16xf32>,
      %mul3A_195 = arith.constant 16 : i32
      %mul3A_196 = arith.muli %scan3A_167, %mul3A_195 : i32
      %swap3A_197 = arith.index_cast %mul3A_196 : i32 to index
      %swap3A_198 = tpu.vector_load %arg18[%swap3A_197] {strides = array<i32>} : memref<10240xf32, #tpu.memory_space<vmem>>, vector<16xf32>,
      tpu.vector_store %arg18[%swap3A_197], %broadcast_in_dim3A_1 {strides = array<i32>} : memref<10240xf32, #tpu.memory_space<vmem>>, vector<16xf32>,
    }
    %scan3A_6 = arith.constant 640 : i32
    %broadcast_in_dim3A_7 = arith.constant 1.000000e+00 : f32
    %broadcast_in_dim3A_8 = vector.broadcast %broadcast_in_dim3A_7 : f32 to vector<16xf32>
    %mul3A_9 = arith.constant 10000 : i32
    %mul3A_10 = arith.muli %add3A, %mul3A_9 : i32
    %dma_start3A = tpu.memref_slice %arg2[%mul3A_10] : memref<320000xi32, #tpu.memory_space<hbm>> -> memref<10000xi32, #tpu.memory_space<hbm>>
    %dma_start3A_11 = tpu.memref_slice %arg2[%mul3A_10] : memref<320000xi32, #tpu.memory_space<hbm>> -> memref<10000xi32, #tpu.memory_space<hbm>>
    tpu.enqueue_dma source(%dma_start3A_11 : memref<10000xi32, #tpu.memory_space<hbm>>) target(%arg19 : memref<10000xi32, #tpu.memory_space<vmem>>) target_semaphore(%arg21 : memref<!tpu.dma_semaphore, #tpu.memory_space<semaphore_mem>>)
    %mul3A_12 = arith.constant 10000 : i32
    %mul3A_13 = arith.muli %add3A, %mul3A_12 : i32
    %dma_wait3A = tpu.memref_slice %arg2[%mul3A_13] : memref<320000xi32, #tpu.memory_space<hbm>> -> memref<10000xi32, #tpu.memory_space<hbm>>
    %dma_wait3A_14 = tpu.memref_slice %arg2[%mul3A_13] : memref<320000xi32, #tpu.memory_space<hbm>> -> memref<10000xi32, #tpu.memory_space<hbm>>
    tpu.wait_dma2 semaphore(%arg21 : memref<!tpu.dma_semaphore, #tpu.memory_space<semaphore_mem>>) src(%dma_wait3A_14 : memref<10000xi32, #tpu.memory_space<hbm>>) dst(%arg19 : memref<10000xi32, #tpu.memory_space<vmem>>)
    %mul3A_15 = arith.constant 10000 : i32
    %mul3A_16 = arith.muli %add3A, %mul3A_15 : i32
    %dma_start3A_17 = tpu.memref_slice %arg3[%mul3A_16] : memref<320000xi32, #tpu.memory_space<hbm>> -> memref<10000xi32, #tpu.memory_space<hbm>>
    %dma_start3A_18 = tpu.memref_slice %arg3[%mul3A_16] : memref<320000xi32, #tpu.memory_space<hbm>> -> memref<10000xi32, #tpu.memory_space<hbm>>
    tpu.enqueue_dma source(%dma_start3A_18 : memref<10000xi32, #tpu.memory_space<hbm>>) target(%arg20 : memref<10000xi32, #tpu.memory_space<vmem>>) target_semaphore(%arg22 : memref<!tpu.dma_semaphore, #tpu.memory_space<semaphore_mem>>)
    %scan3A_19 = arith.constant 0 : i32
    %scan3A_20 = arith.constant 0 : i32
    %scan3A_21 = arith.constant 625 : i32
    %scan3A_22 = arith.addi %scan3A_20, %scan3A_21 : i32
    %scan3A_23 = arith.constant 1 : i32
    scf.for %scan3A_167 = %scan3A_20 to %scan3A_22 step %scan3A_23  : i32 {
      %mul3A_168 = arith.constant 16 : i32
      %mul3A_169 = arith.muli %scan3A_167, %mul3A_168 : i32
      %get3A = arith.index_cast %mul3A_169 : i32 to index
      %get3A_170 = tpu.vector_load %arg19[%get3A] {strides = array<i32>} : memref<10000xi32, #tpu.memory_space<vmem>>, vector<16xi32>,
      tpu.vector_store_idx %arg11[%get3A_170], %broadcast_in_dim3A_8 {add = true} : memref<10240xf32, #tpu.memory_space<vmem>>[vector<16xi32>], vector<16xf32>,
    }
    %scan3A_24 = arith.constant 625 : i32
    %mul3A_25 = arith.constant 10000 : i32
    %mul3A_26 = arith.muli %add3A, %mul3A_25 : i32
    %dma_wait3A_27 = tpu.memref_slice %arg3[%mul3A_26] : memref<320000xi32, #tpu.memory_space<hbm>> -> memref<10000xi32, #tpu.memory_space<hbm>>
    %dma_wait3A_28 = tpu.memref_slice %arg3[%mul3A_26] : memref<320000xi32, #tpu.memory_space<hbm>> -> memref<10000xi32, #tpu.memory_space<hbm>>
    tpu.wait_dma2 semaphore(%arg22 : memref<!tpu.dma_semaphore, #tpu.memory_space<semaphore_mem>>) src(%dma_wait3A_28 : memref<10000xi32, #tpu.memory_space<hbm>>) dst(%arg20 : memref<10000xi32, #tpu.memory_space<vmem>>)
    %mul3A_29 = arith.constant 10000 : i32
    %mul3A_30 = arith.muli %add3A, %mul3A_29 : i32
    %dma_start3A_31 = tpu.memref_slice %arg4[%mul3A_30] : memref<320000xi32, #tpu.memory_space<hbm>> -> memref<10000xi32, #tpu.memory_space<hbm>>
    %dma_start3A_32 = tpu.memref_slice %arg4[%mul3A_30] : memref<320000xi32, #tpu.memory_space<hbm>> -> memref<10000xi32, #tpu.memory_space<hbm>>
    tpu.enqueue_dma source(%dma_start3A_32 : memref<10000xi32, #tpu.memory_space<hbm>>) target(%arg19 : memref<10000xi32, #tpu.memory_space<vmem>>) target_semaphore(%arg21 : memref<!tpu.dma_semaphore, #tpu.memory_space<semaphore_mem>>)
    %scan3A_33 = arith.constant 0 : i32
    %scan3A_34 = arith.constant 0 : i32
    %scan3A_35 = arith.constant 625 : i32
    %scan3A_36 = arith.addi %scan3A_34, %scan3A_35 : i32
    %scan3A_37 = arith.constant 1 : i32
    scf.for %scan3A_167 = %scan3A_34 to %scan3A_36 step %scan3A_37  : i32 {
      %mul3A_168 = arith.constant 16 : i32
      %mul3A_169 = arith.muli %scan3A_167, %mul3A_168 : i32
      %get3A = arith.index_cast %mul3A_169 : i32 to index
      %get3A_170 = tpu.vector_load %arg20[%get3A] {strides = array<i32>} : memref<10000xi32, #tpu.memory_space<vmem>>, vector<16xi32>,
      tpu.vector_store_idx %arg12[%get3A_170], %broadcast_in_dim3A_8 {add = true} : memref<10240xf32, #tpu.memory_space<vmem>>[vector<16xi32>], vector<16xf32>,
    }
    %scan3A_38 = arith.constant 625 : i32
    %mul3A_39 = arith.constant 10000 : i32
    %mul3A_40 = arith.muli %add3A, %mul3A_39 : i32
    %dma_wait3A_41 = tpu.memref_slice %arg4[%mul3A_40] : memref<320000xi32, #tpu.memory_space<hbm>> -> memref<10000xi32, #tpu.memory_space<hbm>>
    %dma_wait3A_42 = tpu.memref_slice %arg4[%mul3A_40] : memref<320000xi32, #tpu.memory_space<hbm>> -> memref<10000xi32, #tpu.memory_space<hbm>>
    tpu.wait_dma2 semaphore(%arg21 : memref<!tpu.dma_semaphore, #tpu.memory_space<semaphore_mem>>) src(%dma_wait3A_42 : memref<10000xi32, #tpu.memory_space<hbm>>) dst(%arg19 : memref<10000xi32, #tpu.memory_space<vmem>>)
    %mul3A_43 = arith.constant 10000 : i32
    %mul3A_44 = arith.muli %add3A, %mul3A_43 : i32
    %dma_start3A_45 = tpu.memref_slice %arg5[%mul3A_44] : memref<320000xi32, #tpu.memory_space<hbm>> -> memref<10000xi32, #tpu.memory_space<hbm>>
    %dma_start3A_46 = tpu.memref_slice %arg5[%mul3A_44] : memref<320000xi32, #tpu.memory_space<hbm>> -> memref<10000xi32, #tpu.memory_space<hbm>>
    tpu.enqueue_dma source(%dma_start3A_46 : memref<10000xi32, #tpu.memory_space<hbm>>) target(%arg20 : memref<10000xi32, #tpu.memory_space<vmem>>) target_semaphore(%arg22 : memref<!tpu.dma_semaphore, #tpu.memory_space<semaphore_mem>>)
    %scan3A_47 = arith.constant 0 : i32
    %scan3A_48 = arith.constant 0 : i32
    %scan3A_49 = arith.constant 625 : i32
    %scan3A_50 = arith.addi %scan3A_48, %scan3A_49 : i32
    %scan3A_51 = arith.constant 1 : i32
    scf.for %scan3A_167 = %scan3A_48 to %scan3A_50 step %scan3A_51  : i32 {
      %mul3A_168 = arith.constant 16 : i32
      %mul3A_169 = arith.muli %scan3A_167, %mul3A_168 : i32
      %get3A = arith.index_cast %mul3A_169 : i32 to index
      %get3A_170 = tpu.vector_load %arg19[%get3A] {strides = array<i32>} : memref<10000xi32, #tpu.memory_space<vmem>>, vector<16xi32>,
      tpu.vector_store_idx %arg13[%get3A_170], %broadcast_in_dim3A_8 {add = true} : memref<10240xf32, #tpu.memory_space<vmem>>[vector<16xi32>], vector<16xf32>,
    }
    %scan3A_52 = arith.constant 625 : i32
    %mul3A_53 = arith.constant 10000 : i32
    %mul3A_54 = arith.muli %add3A, %mul3A_53 : i32
    %dma_wait3A_55 = tpu.memref_slice %arg5[%mul3A_54] : memref<320000xi32, #tpu.memory_space<hbm>> -> memref<10000xi32, #tpu.memory_space<hbm>>
    %dma_wait3A_56 = tpu.memref_slice %arg5[%mul3A_54] : memref<320000xi32, #tpu.memory_space<hbm>> -> memref<10000xi32, #tpu.memory_space<hbm>>
    tpu.wait_dma2 semaphore(%arg22 : memref<!tpu.dma_semaphore, #tpu.memory_space<semaphore_mem>>) src(%dma_wait3A_56 : memref<10000xi32, #tpu.memory_space<hbm>>) dst(%arg20 : memref<10000xi32, #tpu.memory_space<vmem>>)
    %mul3A_57 = arith.constant 10000 : i32
    %mul3A_58 = arith.muli %add3A, %mul3A_57 : i32
    %dma_start3A_59 = tpu.memref_slice %arg6[%mul3A_58] : memref<320000xi32, #tpu.memory_space<hbm>> -> memref<10000xi32, #tpu.memory_space<hbm>>
    %dma_start3A_60 = tpu.memref_slice %arg6[%mul3A_58] : memref<320000xi32, #tpu.memory_space<hbm>> -> memref<10000xi32, #tpu.memory_space<hbm>>
    tpu.enqueue_dma source(%dma_start3A_60 : memref<10000xi32, #tpu.memory_space<hbm>>) target(%arg19 : memref<10000xi32, #tpu.memory_space<vmem>>) target_semaphore(%arg21 : memref<!tpu.dma_semaphore, #tpu.memory_space<semaphore_mem>>)
    %scan3A_61 = arith.constant 0 : i32
    %scan3A_62 = arith.constant 0 : i32
    %scan3A_63 = arith.constant 625 : i32
    %scan3A_64 = arith.addi %scan3A_62, %scan3A_63 : i32
    %scan3A_65 = arith.constant 1 : i32
    scf.for %scan3A_167 = %scan3A_62 to %scan3A_64 step %scan3A_65  : i32 {
      %mul3A_168 = arith.constant 16 : i32
      %mul3A_169 = arith.muli %scan3A_167, %mul3A_168 : i32
      %get3A = arith.index_cast %mul3A_169 : i32 to index
      %get3A_170 = tpu.vector_load %arg20[%get3A] {strides = array<i32>} : memref<10000xi32, #tpu.memory_space<vmem>>, vector<16xi32>,
      tpu.vector_store_idx %arg14[%get3A_170], %broadcast_in_dim3A_8 {add = true} : memref<10240xf32, #tpu.memory_space<vmem>>[vector<16xi32>], vector<16xf32>,
    }
    %scan3A_66 = arith.constant 625 : i32
    %mul3A_67 = arith.constant 10000 : i32
    %mul3A_68 = arith.muli %add3A, %mul3A_67 : i32
    %dma_wait3A_69 = tpu.memref_slice %arg6[%mul3A_68] : memref<320000xi32, #tpu.memory_space<hbm>> -> memref<10000xi32, #tpu.memory_space<hbm>>
    %dma_wait3A_70 = tpu.memref_slice %arg6[%mul3A_68] : memref<320000xi32, #tpu.memory_space<hbm>> -> memref<10000xi32, #tpu.memory_space<hbm>>
    tpu.wait_dma2 semaphore(%arg21 : memref<!tpu.dma_semaphore, #tpu.memory_space<semaphore_mem>>) src(%dma_wait3A_70 : memref<10000xi32, #tpu.memory_space<hbm>>) dst(%arg19 : memref<10000xi32, #tpu.memory_space<vmem>>)
    %mul3A_71 = arith.constant 10000 : i32
    %mul3A_72 = arith.muli %add3A, %mul3A_71 : i32
    %dma_start3A_73 = tpu.memref_slice %arg7[%mul3A_72] : memref<320000xi32, #tpu.memory_space<hbm>> -> memref<10000xi32, #tpu.memory_space<hbm>>
    %dma_start3A_74 = tpu.memref_slice %arg7[%mul3A_72] : memref<320000xi32, #tpu.memory_space<hbm>> -> memref<10000xi32, #tpu.memory_space<hbm>>
    tpu.enqueue_dma source(%dma_start3A_74 : memref<10000xi32, #tpu.memory_space<hbm>>) target(%arg20 : memref<10000xi32, #tpu.memory_space<vmem>>) target_semaphore(%arg22 : memref<!tpu.dma_semaphore, #tpu.memory_space<semaphore_mem>>)
    %scan3A_75 = arith.constant 0 : i32
    %scan3A_76 = arith.constant 0 : i32
    %scan3A_77 = arith.constant 625 : i32
    %scan3A_78 = arith.addi %scan3A_76, %scan3A_77 : i32
    %scan3A_79 = arith.constant 1 : i32
    scf.for %scan3A_167 = %scan3A_76 to %scan3A_78 step %scan3A_79  : i32 {
      %mul3A_168 = arith.constant 16 : i32
      %mul3A_169 = arith.muli %scan3A_167, %mul3A_168 : i32
      %get3A = arith.index_cast %mul3A_169 : i32 to index
      %get3A_170 = tpu.vector_load %arg19[%get3A] {strides = array<i32>} : memref<10000xi32, #tpu.memory_space<vmem>>, vector<16xi32>,
      tpu.vector_store_idx %arg15[%get3A_170], %broadcast_in_dim3A_8 {add = true} : memref<10240xf32, #tpu.memory_space<vmem>>[vector<16xi32>], vector<16xf32>,
    }
    %scan3A_80 = arith.constant 625 : i32
    %mul3A_81 = arith.constant 10000 : i32
    %mul3A_82 = arith.muli %add3A, %mul3A_81 : i32
    %dma_wait3A_83 = tpu.memref_slice %arg7[%mul3A_82] : memref<320000xi32, #tpu.memory_space<hbm>> -> memref<10000xi32, #tpu.memory_space<hbm>>
    %dma_wait3A_84 = tpu.memref_slice %arg7[%mul3A_82] : memref<320000xi32, #tpu.memory_space<hbm>> -> memref<10000xi32, #tpu.memory_space<hbm>>
    tpu.wait_dma2 semaphore(%arg22 : memref<!tpu.dma_semaphore, #tpu.memory_space<semaphore_mem>>) src(%dma_wait3A_84 : memref<10000xi32, #tpu.memory_space<hbm>>) dst(%arg20 : memref<10000xi32, #tpu.memory_space<vmem>>)
    %mul3A_85 = arith.constant 10000 : i32
    %mul3A_86 = arith.muli %add3A, %mul3A_85 : i32
    %dma_start3A_87 = tpu.memref_slice %arg8[%mul3A_86] : memref<320000xi32, #tpu.memory_space<hbm>> -> memref<10000xi32, #tpu.memory_space<hbm>>
    %dma_start3A_88 = tpu.memref_slice %arg8[%mul3A_86] : memref<320000xi32, #tpu.memory_space<hbm>> -> memref<10000xi32, #tpu.memory_space<hbm>>
    tpu.enqueue_dma source(%dma_start3A_88 : memref<10000xi32, #tpu.memory_space<hbm>>) target(%arg19 : memref<10000xi32, #tpu.memory_space<vmem>>) target_semaphore(%arg21 : memref<!tpu.dma_semaphore, #tpu.memory_space<semaphore_mem>>)
    %scan3A_89 = arith.constant 0 : i32
    %scan3A_90 = arith.constant 0 : i32
    %scan3A_91 = arith.constant 625 : i32
    %scan3A_92 = arith.addi %scan3A_90, %scan3A_91 : i32
    %scan3A_93 = arith.constant 1 : i32
    scf.for %scan3A_167 = %scan3A_90 to %scan3A_92 step %scan3A_93  : i32 {
      %mul3A_168 = arith.constant 16 : i32
      %mul3A_169 = arith.muli %scan3A_167, %mul3A_168 : i32
      %get3A = arith.index_cast %mul3A_169 : i32 to index
      %get3A_170 = tpu.vector_load %arg20[%get3A] {strides = array<i32>} : memref<10000xi32, #tpu.memory_space<vmem>>, vector<16xi32>,
      tpu.vector_store_idx %arg16[%get3A_170], %broadcast_in_dim3A_8 {add = true} : memref<10240xf32, #tpu.memory_space<vmem>>[vector<16xi32>], vector<16xf32>,
    }
    %scan3A_94 = arith.constant 625 : i32
    %mul3A_95 = arith.constant 10000 : i32
    %mul3A_96 = arith.muli %add3A, %mul3A_95 : i32
    %dma_wait3A_97 = tpu.memref_slice %arg8[%mul3A_96] : memref<320000xi32, #tpu.memory_space<hbm>> -> memref<10000xi32, #tpu.memory_space<hbm>>
    %dma_wait3A_98 = tpu.memref_slice %arg8[%mul3A_96] : memref<320000xi32, #tpu.memory_space<hbm>> -> memref<10000xi32, #tpu.memory_space<hbm>>
    tpu.wait_dma2 semaphore(%arg21 : memref<!tpu.dma_semaphore, #tpu.memory_space<semaphore_mem>>) src(%dma_wait3A_98 : memref<10000xi32, #tpu.memory_space<hbm>>) dst(%arg19 : memref<10000xi32, #tpu.memory_space<vmem>>)
    %mul3A_99 = arith.constant 10000 : i32
    %mul3A_100 = arith.muli %add3A, %mul3A_99 : i32
    %dma_start3A_101 = tpu.memref_slice %arg9[%mul3A_100] : memref<320000xi32, #tpu.memory_space<hbm>> -> memref<10000xi32, #tpu.memory_space<hbm>>
    %dma_start3A_102 = tpu.memref_slice %arg9[%mul3A_100] : memref<320000xi32, #tpu.memory_space<hbm>> -> memref<10000xi32, #tpu.memory_space<hbm>>
    tpu.enqueue_dma source(%dma_start3A_102 : memref<10000xi32, #tpu.memory_space<hbm>>) target(%arg20 : memref<10000xi32, #tpu.memory_space<vmem>>) target_semaphore(%arg22 : memref<!tpu.dma_semaphore, #tpu.memory_space<semaphore_mem>>)
    %scan3A_103 = arith.constant 0 : i32
    %scan3A_104 = arith.constant 0 : i32
    %scan3A_105 = arith.constant 625 : i32
    %scan3A_106 = arith.addi %scan3A_104, %scan3A_105 : i32
    %scan3A_107 = arith.constant 1 : i32
    scf.for %scan3A_167 = %scan3A_104 to %scan3A_106 step %scan3A_107  : i32 {
      %mul3A_168 = arith.constant 16 : i32
      %mul3A_169 = arith.muli %scan3A_167, %mul3A_168 : i32
      %get3A = arith.index_cast %mul3A_169 : i32 to index
      %get3A_170 = tpu.vector_load %arg19[%get3A] {strides = array<i32>} : memref<10000xi32, #tpu.memory_space<vmem>>, vector<16xi32>,
      tpu.vector_store_idx %arg17[%get3A_170], %broadcast_in_dim3A_8 {add = true} : memref<10240xf32, #tpu.memory_space<vmem>>[vector<16xi32>], vector<16xf32>,
    }
    %scan3A_108 = arith.constant 625 : i32
    %mul3A_109 = arith.constant 10000 : i32
    %mul3A_110 = arith.muli %add3A, %mul3A_109 : i32
    %dma_wait3A_111 = tpu.memref_slice %arg9[%mul3A_110] : memref<320000xi32, #tpu.memory_space<hbm>> -> memref<10000xi32, #tpu.memory_space<hbm>>
    %dma_wait3A_112 = tpu.memref_slice %arg9[%mul3A_110] : memref<320000xi32, #tpu.memory_space<hbm>> -> memref<10000xi32, #tpu.memory_space<hbm>>
    tpu.wait_dma2 semaphore(%arg22 : memref<!tpu.dma_semaphore, #tpu.memory_space<semaphore_mem>>) src(%dma_wait3A_112 : memref<10000xi32, #tpu.memory_space<hbm>>) dst(%arg20 : memref<10000xi32, #tpu.memory_space<vmem>>)
    %scan3A_113 = arith.constant 0 : i32
    %scan3A_114 = arith.constant 0 : i32
    %scan3A_115 = arith.constant 625 : i32
    %scan3A_116 = arith.addi %scan3A_114, %scan3A_115 : i32
    %scan3A_117 = arith.constant 1 : i32
    scf.for %scan3A_167 = %scan3A_114 to %scan3A_116 step %scan3A_117  : i32 {
      %mul3A_168 = arith.constant 16 : i32
      %mul3A_169 = arith.muli %scan3A_167, %mul3A_168 : i32
      %get3A = arith.index_cast %mul3A_169 : i32 to index
      %get3A_170 = tpu.vector_load %arg20[%get3A] {strides = array<i32>} : memref<10000xi32, #tpu.memory_space<vmem>>, vector<16xi32>,
      tpu.vector_store_idx %arg18[%get3A_170], %broadcast_in_dim3A_8 {add = true} : memref<10240xf32, #tpu.memory_space<vmem>>[vector<16xi32>], vector<16xf32>,
    }
    %scan3A_118 = arith.constant 625 : i32
    %mul3A_119 = arith.constant 8 : i32
    %mul3A_120 = arith.muli %add3A, %mul3A_119 : i32
    %add3A_121 = arith.constant 0 : i32
    %add3A_122 = arith.addi %mul3A_120, %add3A_121 : i32
    %mul3A_123 = arith.constant 10240 : i32
    %mul3A_124 = arith.muli %add3A_122, %mul3A_123 : i32
    "tpu.region"() ({
      %run_scoped3A = tpu.sem_alloc : memref<!tpu.dma_semaphore, #tpu.memory_space<semaphore_mem>>
      %dma_start3A_167 = tpu.memref_slice %arg10[%mul3A_124] : memref<2621440xf32, #tpu.memory_space<hbm>> -> memref<10240xf32, #tpu.memory_space<hbm>>
      %dma_start3A_168 = tpu.memref_slice %arg10[%mul3A_124] : memref<2621440xf32, #tpu.memory_space<hbm>> -> memref<10240xf32, #tpu.memory_space<hbm>>
      tpu.enqueue_dma source(%arg11 : memref<10240xf32, #tpu.memory_space<vmem>>) target(%dma_start3A_168 : memref<10240xf32, #tpu.memory_space<hbm>>) target_semaphore(%run_scoped3A : memref<!tpu.dma_semaphore, #tpu.memory_space<semaphore_mem>>)
      %dma_wait3A_169 = tpu.memref_slice %arg10[%mul3A_124] : memref<2621440xf32, #tpu.memory_space<hbm>> -> memref<10240xf32, #tpu.memory_space<hbm>>
      %dma_wait3A_170 = tpu.memref_slice %arg10[%mul3A_124] : memref<2621440xf32, #tpu.memory_space<hbm>> -> memref<10240xf32, #tpu.memory_space<hbm>>
      tpu.wait_dma2 semaphore(%run_scoped3A : memref<!tpu.dma_semaphore, #tpu.memory_space<semaphore_mem>>) src(%arg11 : memref<10240xf32, #tpu.memory_space<vmem>>) dst(%dma_wait3A_170 : memref<10240xf32, #tpu.memory_space<hbm>>)
      tpu.yield
    }) : () -> ()
    %mul3A_125 = arith.constant 8 : i32
    %mul3A_126 = arith.muli %add3A, %mul3A_125 : i32
    %add3A_127 = arith.constant 1 : i32
    %add3A_128 = arith.addi %mul3A_126, %add3A_127 : i32
    %mul3A_129 = arith.constant 10240 : i32
    %mul3A_130 = arith.muli %add3A_128, %mul3A_129 : i32
    "tpu.region"() ({
      %run_scoped3A = tpu.sem_alloc : memref<!tpu.dma_semaphore, #tpu.memory_space<semaphore_mem>>
      %dma_start3A_167 = tpu.memref_slice %arg10[%mul3A_130] : memref<2621440xf32, #tpu.memory_space<hbm>> -> memref<10240xf32, #tpu.memory_space<hbm>>
      %dma_start3A_168 = tpu.memref_slice %arg10[%mul3A_130] : memref<2621440xf32, #tpu.memory_space<hbm>> -> memref<10240xf32, #tpu.memory_space<hbm>>
      tpu.enqueue_dma source(%arg12 : memref<10240xf32, #tpu.memory_space<vmem>>) target(%dma_start3A_168 : memref<10240xf32, #tpu.memory_space<hbm>>) target_semaphore(%run_scoped3A : memref<!tpu.dma_semaphore, #tpu.memory_space<semaphore_mem>>)
      %dma_wait3A_169 = tpu.memref_slice %arg10[%mul3A_130] : memref<2621440xf32, #tpu.memory_space<hbm>> -> memref<10240xf32, #tpu.memory_space<hbm>>
      %dma_wait3A_170 = tpu.memref_slice %arg10[%mul3A_130] : memref<2621440xf32, #tpu.memory_space<hbm>> -> memref<10240xf32, #tpu.memory_space<hbm>>
      tpu.wait_dma2 semaphore(%run_scoped3A : memref<!tpu.dma_semaphore, #tpu.memory_space<semaphore_mem>>) src(%arg12 : memref<10240xf32, #tpu.memory_space<vmem>>) dst(%dma_wait3A_170 : memref<10240xf32, #tpu.memory_space<hbm>>)
      tpu.yield
    }) : () -> ()
    %mul3A_131 = arith.constant 8 : i32
    %mul3A_132 = arith.muli %add3A, %mul3A_131 : i32
    %add3A_133 = arith.constant 2 : i32
    %add3A_134 = arith.addi %mul3A_132, %add3A_133 : i32
    %mul3A_135 = arith.constant 10240 : i32
    %mul3A_136 = arith.muli %add3A_134, %mul3A_135 : i32
    "tpu.region"() ({
      %run_scoped3A = tpu.sem_alloc : memref<!tpu.dma_semaphore, #tpu.memory_space<semaphore_mem>>
      %dma_start3A_167 = tpu.memref_slice %arg10[%mul3A_136] : memref<2621440xf32, #tpu.memory_space<hbm>> -> memref<10240xf32, #tpu.memory_space<hbm>>
      %dma_start3A_168 = tpu.memref_slice %arg10[%mul3A_136] : memref<2621440xf32, #tpu.memory_space<hbm>> -> memref<10240xf32, #tpu.memory_space<hbm>>
      tpu.enqueue_dma source(%arg13 : memref<10240xf32, #tpu.memory_space<vmem>>) target(%dma_start3A_168 : memref<10240xf32, #tpu.memory_space<hbm>>) target_semaphore(%run_scoped3A : memref<!tpu.dma_semaphore, #tpu.memory_space<semaphore_mem>>)
      %dma_wait3A_169 = tpu.memref_slice %arg10[%mul3A_136] : memref<2621440xf32, #tpu.memory_space<hbm>> -> memref<10240xf32, #tpu.memory_space<hbm>>
      %dma_wait3A_170 = tpu.memref_slice %arg10[%mul3A_136] : memref<2621440xf32, #tpu.memory_space<hbm>> -> memref<10240xf32, #tpu.memory_space<hbm>>
      tpu.wait_dma2 semaphore(%run_scoped3A : memref<!tpu.dma_semaphore, #tpu.memory_space<semaphore_mem>>) src(%arg13 : memref<10240xf32, #tpu.memory_space<vmem>>) dst(%dma_wait3A_170 : memref<10240xf32, #tpu.memory_space<hbm>>)
      tpu.yield
    }) : () -> ()
    %mul3A_137 = arith.constant 8 : i32
    %mul3A_138 = arith.muli %add3A, %mul3A_137 : i32
    %add3A_139 = arith.constant 3 : i32
    %add3A_140 = arith.addi %mul3A_138, %add3A_139 : i32
    %mul3A_141 = arith.constant 10240 : i32
    %mul3A_142 = arith.muli %add3A_140, %mul3A_141 : i32
    "tpu.region"() ({
      %run_scoped3A = tpu.sem_alloc : memref<!tpu.dma_semaphore, #tpu.memory_space<semaphore_mem>>
      %dma_start3A_167 = tpu.memref_slice %arg10[%mul3A_142] : memref<2621440xf32, #tpu.memory_space<hbm>> -> memref<10240xf32, #tpu.memory_space<hbm>>
      %dma_start3A_168 = tpu.memref_slice %arg10[%mul3A_142] : memref<2621440xf32, #tpu.memory_space<hbm>> -> memref<10240xf32, #tpu.memory_space<hbm>>
      tpu.enqueue_dma source(%arg14 : memref<10240xf32, #tpu.memory_space<vmem>>) target(%dma_start3A_168 : memref<10240xf32, #tpu.memory_space<hbm>>) target_semaphore(%run_scoped3A : memref<!tpu.dma_semaphore, #tpu.memory_space<semaphore_mem>>)
      %dma_wait3A_169 = tpu.memref_slice %arg10[%mul3A_142] : memref<2621440xf32, #tpu.memory_space<hbm>> -> memref<10240xf32, #tpu.memory_space<hbm>>
      %dma_wait3A_170 = tpu.memref_slice %arg10[%mul3A_142] : memref<2621440xf32, #tpu.memory_space<hbm>> -> memref<10240xf32, #tpu.memory_space<hbm>>
      tpu.wait_dma2 semaphore(%run_scoped3A : memref<!tpu.dma_semaphore, #tpu.memory_space<semaphore_mem>>) src(%arg14 : memref<10240xf32, #tpu.memory_space<vmem>>) dst(%dma_wait3A_170 : memref<10240xf32, #tpu.memory_space<hbm>>)
      tpu.yield
    }) : () -> ()
    %mul3A_143 = arith.constant 8 : i32
    %mul3A_144 = arith.muli %add3A, %mul3A_143 : i32
    %add3A_145 = arith.constant 4 : i32
    %add3A_146 = arith.addi %mul3A_144, %add3A_145 : i32
    %mul3A_147 = arith.constant 10240 : i32
    %mul3A_148 = arith.muli %add3A_146, %mul3A_147 : i32
    "tpu.region"() ({
      %run_scoped3A = tpu.sem_alloc : memref<!tpu.dma_semaphore, #tpu.memory_space<semaphore_mem>>
      %dma_start3A_167 = tpu.memref_slice %arg10[%mul3A_148] : memref<2621440xf32, #tpu.memory_space<hbm>> -> memref<10240xf32, #tpu.memory_space<hbm>>
      %dma_start3A_168 = tpu.memref_slice %arg10[%mul3A_148] : memref<2621440xf32, #tpu.memory_space<hbm>> -> memref<10240xf32, #tpu.memory_space<hbm>>
      tpu.enqueue_dma source(%arg15 : memref<10240xf32, #tpu.memory_space<vmem>>) target(%dma_start3A_168 : memref<10240xf32, #tpu.memory_space<hbm>>) target_semaphore(%run_scoped3A : memref<!tpu.dma_semaphore, #tpu.memory_space<semaphore_mem>>)
      %dma_wait3A_169 = tpu.memref_slice %arg10[%mul3A_148] : memref<2621440xf32, #tpu.memory_space<hbm>> -> memref<10240xf32, #tpu.memory_space<hbm>>
      %dma_wait3A_170 = tpu.memref_slice %arg10[%mul3A_148] : memref<2621440xf32, #tpu.memory_space<hbm>> -> memref<10240xf32, #tpu.memory_space<hbm>>
      tpu.wait_dma2 semaphore(%run_scoped3A : memref<!tpu.dma_semaphore, #tpu.memory_space<semaphore_mem>>) src(%arg15 : memref<10240xf32, #tpu.memory_space<vmem>>) dst(%dma_wait3A_170 : memref<10240xf32, #tpu.memory_space<hbm>>)
      tpu.yield
    }) : () -> ()
    %mul3A_149 = arith.constant 8 : i32
    %mul3A_150 = arith.muli %add3A, %mul3A_149 : i32
    %add3A_151 = arith.constant 5 : i32
    %add3A_152 = arith.addi %mul3A_150, %add3A_151 : i32
    %mul3A_153 = arith.constant 10240 : i32
    %mul3A_154 = arith.muli %add3A_152, %mul3A_153 : i32
    "tpu.region"() ({
      %run_scoped3A = tpu.sem_alloc : memref<!tpu.dma_semaphore, #tpu.memory_space<semaphore_mem>>
      %dma_start3A_167 = tpu.memref_slice %arg10[%mul3A_154] : memref<2621440xf32, #tpu.memory_space<hbm>> -> memref<10240xf32, #tpu.memory_space<hbm>>
      %dma_start3A_168 = tpu.memref_slice %arg10[%mul3A_154] : memref<2621440xf32, #tpu.memory_space<hbm>> -> memref<10240xf32, #tpu.memory_space<hbm>>
      tpu.enqueue_dma source(%arg16 : memref<10240xf32, #tpu.memory_space<vmem>>) target(%dma_start3A_168 : memref<10240xf32, #tpu.memory_space<hbm>>) target_semaphore(%run_scoped3A : memref<!tpu.dma_semaphore, #tpu.memory_space<semaphore_mem>>)
      %dma_wait3A_169 = tpu.memref_slice %arg10[%mul3A_154] : memref<2621440xf32, #tpu.memory_space<hbm>> -> memref<10240xf32, #tpu.memory_space<hbm>>
      %dma_wait3A_170 = tpu.memref_slice %arg10[%mul3A_154] : memref<2621440xf32, #tpu.memory_space<hbm>> -> memref<10240xf32, #tpu.memory_space<hbm>>
      tpu.wait_dma2 semaphore(%run_scoped3A : memref<!tpu.dma_semaphore, #tpu.memory_space<semaphore_mem>>) src(%arg16 : memref<10240xf32, #tpu.memory_space<vmem>>) dst(%dma_wait3A_170 : memref<10240xf32, #tpu.memory_space<hbm>>)
      tpu.yield
    }) : () -> ()
    %mul3A_155 = arith.constant 8 : i32
    %mul3A_156 = arith.muli %add3A, %mul3A_155 : i32
    %add3A_157 = arith.constant 6 : i32
    %add3A_158 = arith.addi %mul3A_156, %add3A_157 : i32
    %mul3A_159 = arith.constant 10240 : i32
    %mul3A_160 = arith.muli %add3A_158, %mul3A_159 : i32
    "tpu.region"() ({
      %run_scoped3A = tpu.sem_alloc : memref<!tpu.dma_semaphore, #tpu.memory_space<semaphore_mem>>
      %dma_start3A_167 = tpu.memref_slice %arg10[%mul3A_160] : memref<2621440xf32, #tpu.memory_space<hbm>> -> memref<10240xf32, #tpu.memory_space<hbm>>
      %dma_start3A_168 = tpu.memref_slice %arg10[%mul3A_160] : memref<2621440xf32, #tpu.memory_space<hbm>> -> memref<10240xf32, #tpu.memory_space<hbm>>
      tpu.enqueue_dma source(%arg17 : memref<10240xf32, #tpu.memory_space<vmem>>) target(%dma_start3A_168 : memref<10240xf32, #tpu.memory_space<hbm>>) target_semaphore(%run_scoped3A : memref<!tpu.dma_semaphore, #tpu.memory_space<semaphore_mem>>)
      %dma_wait3A_169 = tpu.memref_slice %arg10[%mul3A_160] : memref<2621440xf32, #tpu.memory_space<hbm>> -> memref<10240xf32, #tpu.memory_space<hbm>>
      %dma_wait3A_170 = tpu.memref_slice %arg10[%mul3A_160] : memref<2621440xf32, #tpu.memory_space<hbm>> -> memref<10240xf32, #tpu.memory_space<hbm>>
      tpu.wait_dma2 semaphore(%run_scoped3A : memref<!tpu.dma_semaphore, #tpu.memory_space<semaphore_mem>>) src(%arg17 : memref<10240xf32, #tpu.memory_space<vmem>>) dst(%dma_wait3A_170 : memref<10240xf32, #tpu.memory_space<hbm>>)
      tpu.yield
    }) : () -> ()
    %mul3A_161 = arith.constant 8 : i32
    %mul3A_162 = arith.muli %add3A, %mul3A_161 : i32
    %add3A_163 = arith.constant 7 : i32
    %add3A_164 = arith.addi %mul3A_162, %add3A_163 : i32
    %mul3A_165 = arith.constant 10240 : i32
    %mul3A_166 = arith.muli %add3A_164, %mul3A_165 : i32
    "tpu.region"() ({
      %run_scoped3A = tpu.sem_alloc : memref<!tpu.dma_semaphore, #tpu.memory_space<semaphore_mem>>
      %dma_start3A_167 = tpu.memref_slice %arg10[%mul3A_166] : memref<2621440xf32, #tpu.memory_space<hbm>> -> memref<10240xf32, #tpu.memory_space<hbm>>
      %dma_start3A_168 = tpu.memref_slice %arg10[%mul3A_166] : memref<2621440xf32, #tpu.memory_space<hbm>> -> memref<10240xf32, #tpu.memory_space<hbm>>
      tpu.enqueue_dma source(%arg18 : memref<10240xf32, #tpu.memory_space<vmem>>) target(%dma_start3A_168 : memref<10240xf32, #tpu.memory_space<hbm>>) target_semaphore(%run_scoped3A : memref<!tpu.dma_semaphore, #tpu.memory_space<semaphore_mem>>)
      %dma_wait3A_169 = tpu.memref_slice %arg10[%mul3A_166] : memref<2621440xf32, #tpu.memory_space<hbm>> -> memref<10240xf32, #tpu.memory_space<hbm>>
      %dma_wait3A_170 = tpu.memref_slice %arg10[%mul3A_166] : memref<2621440xf32, #tpu.memory_space<hbm>> -> memref<10240xf32, #tpu.memory_space<hbm>>
      tpu.wait_dma2 semaphore(%run_scoped3A : memref<!tpu.dma_semaphore, #tpu.memory_space<semaphore_mem>>) src(%arg18 : memref<10240xf32, #tpu.memory_space<vmem>>) dst(%dma_wait3A_170 : memref<10240xf32, #tpu.memory_space<hbm>>)
      tpu.yield
    }) : () -> ()
    return
  }
}

#map = affine_map<(d0, d1) -> (0, 0)>
#map1 = affine_map<(d0, d1) -> (0)>
#map2 = affine_map<(d0, d1) -> (0, 0, 0)>
module attributes {stable_mosaic.version = 14 : i64} {
  func.func @_agg_body(%arg0: i32, %arg1: i32, %arg2: memref<10000x128xf32, #tpu.memory_space<hbm>>, %arg3: memref<327680xi32, #tpu.memory_space<hbm>>, %arg4: memref<327680xi32, #tpu.memory_space<hbm>>, %arg5: memref<640x128xf32, #tpu.memory_space<hbm>>, %arg6: memref<2x10240x128xf32, #tpu.memory_space<hbm>>, %arg7: memref<10240x128xf32, #tpu.memory_space<vmem_shared>>, %arg8: memref<128xi32, #tpu.memory_space<vmem>>, %arg9: memref<128xi32, #tpu.memory_space<vmem>>, %arg10: memref<128xi32, #tpu.memory_space<vmem>>, %arg11: memref<128xi32, #tpu.memory_space<vmem>>, %arg12: memref<128x128xf32, #tpu.memory_space<vmem>>, %arg13: memref<128x128xf32, #tpu.memory_space<vmem>>, %arg14: memref<!tpu.dma_semaphore, #tpu.memory_space<semaphore_mem>>, %arg15: memref<!tpu.dma_semaphore, #tpu.memory_space<semaphore_mem>>, %arg16: memref<!tpu.dma_semaphore, #tpu.memory_space<semaphore_mem>>, %arg17: memref<!tpu.dma_semaphore, #tpu.memory_space<semaphore_mem>>) attributes {dimension_semantics = [#tpu.dimension_semantics<core_parallel>, #tpu.dimension_semantics<subcore_parallel>], iteration_bounds = array<i64: 2, 16>, scalar_prefetch = 0 : i64, scratch_operands = 11 : i64, tpu.core_type = #tpu.core_type<sc_vector_subcore>, window_params = [{transform_indices = #map}, {transform_indices = #map1}, {transform_indices = #map1}, {transform_indices = #map}, {transform_indices = #map2}]} {
    %mul3A = arith.constant 16 : i32
    %mul3A_0 = arith.muli %arg0, %mul3A : i32
    %add3A = arith.addi %mul3A_0, %arg1 : i32
    %mul3A_1 = arith.constant 10240 : i32
    %mul3A_2 = arith.muli %add3A, %mul3A_1 : i32
    %mul3A_3 = arith.constant 640 : i32
    %mul3A_4 = arith.muli %arg1, %mul3A_3 : i32
    "tpu.region"() ({
      %run_scoped3A = tpu.sem_alloc : memref<!tpu.dma_semaphore, #tpu.memory_space<semaphore_mem>>
      %dma_start3A_51 = arith.constant 0 : i32
      %dma_start3A_52 = tpu.memref_slice %arg7[%mul3A_4, %dma_start3A_51] : memref<10240x128xf32, #tpu.memory_space<vmem_shared>> -> memref<640x128xf32, #tpu.memory_space<vmem_shared>>
      tpu.enqueue_dma source(%arg5 : memref<640x128xf32, #tpu.memory_space<hbm>>) target(%dma_start3A_52 : memref<640x128xf32, #tpu.memory_space<vmem_shared>>) target_semaphore(%run_scoped3A : memref<!tpu.dma_semaphore, #tpu.memory_space<semaphore_mem>>)
      %dma_wait3A_53 = arith.constant 0 : i32
      %dma_wait3A_54 = tpu.memref_slice %arg7[%mul3A_4, %dma_wait3A_53] : memref<10240x128xf32, #tpu.memory_space<vmem_shared>> -> memref<640x128xf32, #tpu.memory_space<vmem_shared>>
      tpu.wait_dma2 semaphore(%run_scoped3A : memref<!tpu.dma_semaphore, #tpu.memory_space<semaphore_mem>>) src(%arg5 : memref<640x128xf32, #tpu.memory_space<hbm>>) dst(%dma_wait3A_54 : memref<640x128xf32, #tpu.memory_space<vmem_shared>>)
      tpu.yield
    }) : () -> ()
    %barrier3A = arith.constant 0 : index
    tpu.barrier barrier_id(%barrier3A)
    %add3A_5 = arith.constant 0 : i32
    %add3A_6 = arith.addi %mul3A_2, %add3A_5 : i32
    %dma_start3A = tpu.memref_slice %arg3[%add3A_6] : memref<327680xi32, #tpu.memory_space<hbm>> -> memref<128xi32, #tpu.memory_space<hbm>>
    %dma_start3A_7 = tpu.memref_slice %arg3[%add3A_6] : memref<327680xi32, #tpu.memory_space<hbm>> -> memref<128xi32, #tpu.memory_space<hbm>>
    tpu.enqueue_dma source(%dma_start3A_7 : memref<128xi32, #tpu.memory_space<hbm>>) target(%arg8 : memref<128xi32, #tpu.memory_space<vmem>>) target_semaphore(%arg14 : memref<!tpu.dma_semaphore, #tpu.memory_space<semaphore_mem>>)
    %add3A_8 = arith.constant 0 : i32
    %add3A_9 = arith.addi %mul3A_2, %add3A_8 : i32
    %dma_start3A_10 = tpu.memref_slice %arg4[%add3A_9] : memref<327680xi32, #tpu.memory_space<hbm>> -> memref<128xi32, #tpu.memory_space<hbm>>
    %dma_start3A_11 = tpu.memref_slice %arg4[%add3A_9] : memref<327680xi32, #tpu.memory_space<hbm>> -> memref<128xi32, #tpu.memory_space<hbm>>
    tpu.enqueue_dma source(%dma_start3A_11 : memref<128xi32, #tpu.memory_space<hbm>>) target(%arg10 : memref<128xi32, #tpu.memory_space<vmem>>) target_semaphore(%arg14 : memref<!tpu.dma_semaphore, #tpu.memory_space<semaphore_mem>>)
    %add3A_12 = arith.constant 0 : i32
    %add3A_13 = arith.addi %mul3A_2, %add3A_12 : i32
    %dma_wait3A = tpu.memref_slice %arg3[%add3A_13] : memref<327680xi32, #tpu.memory_space<hbm>> -> memref<128xi32, #tpu.memory_space<hbm>>
    %dma_wait3A_14 = tpu.memref_slice %arg3[%add3A_13] : memref<327680xi32, #tpu.memory_space<hbm>> -> memref<128xi32, #tpu.memory_space<hbm>>
    tpu.wait_dma2 semaphore(%arg14 : memref<!tpu.dma_semaphore, #tpu.memory_space<semaphore_mem>>) src(%dma_wait3A_14 : memref<128xi32, #tpu.memory_space<hbm>>) dst(%arg8 : memref<128xi32, #tpu.memory_space<vmem>>)
    %add3A_15 = arith.constant 0 : i32
    %add3A_16 = arith.addi %mul3A_2, %add3A_15 : i32
    %dma_wait3A_17 = tpu.memref_slice %arg4[%add3A_16] : memref<327680xi32, #tpu.memory_space<hbm>> -> memref<128xi32, #tpu.memory_space<hbm>>
    %dma_wait3A_18 = tpu.memref_slice %arg4[%add3A_16] : memref<327680xi32, #tpu.memory_space<hbm>> -> memref<128xi32, #tpu.memory_space<hbm>>
    tpu.wait_dma2 semaphore(%arg14 : memref<!tpu.dma_semaphore, #tpu.memory_space<semaphore_mem>>) src(%dma_wait3A_18 : memref<128xi32, #tpu.memory_space<hbm>>) dst(%arg10 : memref<128xi32, #tpu.memory_space<vmem>>)
    %dma_start3A_19 = arith.constant 0 : i32
    %dma_start3A_20 = arith.constant 0 : i32
    %dma_start3A_21 = tpu.memref_slice %arg2[%dma_start3A_19, %dma_start3A_20] : memref<10000x128xf32, #tpu.memory_space<hbm>> -> memref<10000x128xf32, #tpu.memory_space<hbm>>
    tpu.enqueue_indirect_dma source(%dma_start3A_21 : memref<10000x128xf32, #tpu.memory_space<hbm>>) target(%arg12 : memref<128x128xf32, #tpu.memory_space<vmem>>) offsets(%arg8 : memref<128xi32, #tpu.memory_space<vmem>>) semaphore(%arg16 : memref<!tpu.dma_semaphore, #tpu.memory_space<semaphore_mem>>)
    %add3A_22 = arith.constant 128 : i32
    %add3A_23 = arith.addi %mul3A_2, %add3A_22 : i32
    %dma_start3A_24 = tpu.memref_slice %arg3[%add3A_23] : memref<327680xi32, #tpu.memory_space<hbm>> -> memref<128xi32, #tpu.memory_space<hbm>>
    %dma_start3A_25 = tpu.memref_slice %arg3[%add3A_23] : memref<327680xi32, #tpu.memory_space<hbm>> -> memref<128xi32, #tpu.memory_space<hbm>>
    tpu.enqueue_dma source(%dma_start3A_25 : memref<128xi32, #tpu.memory_space<hbm>>) target(%arg9 : memref<128xi32, #tpu.memory_space<vmem>>) target_semaphore(%arg15 : memref<!tpu.dma_semaphore, #tpu.memory_space<semaphore_mem>>)
    %add3A_26 = arith.constant 128 : i32
    %add3A_27 = arith.addi %mul3A_2, %add3A_26 : i32
    %dma_start3A_28 = tpu.memref_slice %arg4[%add3A_27] : memref<327680xi32, #tpu.memory_space<hbm>> -> memref<128xi32, #tpu.memory_space<hbm>>
    %dma_start3A_29 = tpu.memref_slice %arg4[%add3A_27] : memref<327680xi32, #tpu.memory_space<hbm>> -> memref<128xi32, #tpu.memory_space<hbm>>
    tpu.enqueue_dma source(%dma_start3A_29 : memref<128xi32, #tpu.memory_space<hbm>>) target(%arg11 : memref<128xi32, #tpu.memory_space<vmem>>) target_semaphore(%arg15 : memref<!tpu.dma_semaphore, #tpu.memory_space<semaphore_mem>>)
    %scan3A = arith.constant 0 : i32
    %scan3A_30 = arith.constant 0 : i32
    %scan3A_31 = arith.constant 39 : i32
    %scan3A_32 = arith.addi %scan3A_30, %scan3A_31 : i32
    %scan3A_33 = arith.constant 1 : i32
    scf.for %scan3A_51 = %scan3A_30 to %scan3A_32 step %scan3A_33  : i32 {
      %mul3A_52 = arith.constant 2 : i32
      %mul3A_53 = arith.muli %mul3A_52, %scan3A_51 : i32
      %add3A_54 = arith.constant 1 : i32
      %add3A_55 = arith.addi %mul3A_53, %add3A_54 : i32
      %mul3A_56 = arith.constant 128 : i32
      %mul3A_57 = arith.muli %add3A_55, %mul3A_56 : i32
      %add3A_58 = arith.addi %mul3A_2, %mul3A_57 : i32
      %dma_wait3A_59 = tpu.memref_slice %arg3[%add3A_58] : memref<327680xi32, #tpu.memory_space<hbm>> -> memref<128xi32, #tpu.memory_space<hbm>>
      %dma_wait3A_60 = tpu.memref_slice %arg3[%add3A_58] : memref<327680xi32, #tpu.memory_space<hbm>> -> memref<128xi32, #tpu.memory_space<hbm>>
      tpu.wait_dma2 semaphore(%arg15 : memref<!tpu.dma_semaphore, #tpu.memory_space<semaphore_mem>>) src(%dma_wait3A_60 : memref<128xi32, #tpu.memory_space<hbm>>) dst(%arg9 : memref<128xi32, #tpu.memory_space<vmem>>)
      %mul3A_61 = arith.constant 128 : i32
      %mul3A_62 = arith.muli %add3A_55, %mul3A_61 : i32
      %add3A_63 = arith.addi %mul3A_2, %mul3A_62 : i32
      %dma_wait3A_64 = tpu.memref_slice %arg4[%add3A_63] : memref<327680xi32, #tpu.memory_space<hbm>> -> memref<128xi32, #tpu.memory_space<hbm>>
      %dma_wait3A_65 = tpu.memref_slice %arg4[%add3A_63] : memref<327680xi32, #tpu.memory_space<hbm>> -> memref<128xi32, #tpu.memory_space<hbm>>
      tpu.wait_dma2 semaphore(%arg15 : memref<!tpu.dma_semaphore, #tpu.memory_space<semaphore_mem>>) src(%dma_wait3A_65 : memref<128xi32, #tpu.memory_space<hbm>>) dst(%arg11 : memref<128xi32, #tpu.memory_space<vmem>>)
      %dma_start3A_66 = arith.constant 0 : i32
      %dma_start3A_67 = arith.constant 0 : i32
      %dma_start3A_68 = tpu.memref_slice %arg2[%dma_start3A_66, %dma_start3A_67] : memref<10000x128xf32, #tpu.memory_space<hbm>> -> memref<10000x128xf32, #tpu.memory_space<hbm>>
      tpu.enqueue_indirect_dma source(%dma_start3A_68 : memref<10000x128xf32, #tpu.memory_space<hbm>>) target(%arg13 : memref<128x128xf32, #tpu.memory_space<vmem>>) offsets(%arg9 : memref<128xi32, #tpu.memory_space<vmem>>) semaphore(%arg17 : memref<!tpu.dma_semaphore, #tpu.memory_space<semaphore_mem>>)
      %dma_wait3A_69 = arith.constant 0 : i32
      %dma_wait3A_70 = arith.constant 0 : i32
      %dma_wait3A_71 = tpu.memref_slice %arg2[%dma_wait3A_69, %dma_wait3A_70] : memref<10000x128xf32, #tpu.memory_space<hbm>> -> memref<10000x128xf32, #tpu.memory_space<hbm>>
      tpu.wait_indirect_dma semaphore(%arg16 : memref<!tpu.dma_semaphore, #tpu.memory_space<semaphore_mem>>) src(%dma_wait3A_71 : memref<10000x128xf32, #tpu.memory_space<hbm>>) dst(%arg12 : memref<128x128xf32, #tpu.memory_space<vmem>>)
      "tpu.region"() ({
        %run_scoped3A = tpu.sem_alloc : memref<!tpu.dma_semaphore, #tpu.memory_space<semaphore_mem>>
        %dma_start3A_118 = arith.constant 0 : i32
        %dma_start3A_119 = arith.constant 0 : i32
        %dma_start3A_120 = tpu.memref_slice %arg7[%dma_start3A_118, %dma_start3A_119] : memref<10240x128xf32, #tpu.memory_space<vmem_shared>> -> memref<10240x128xf32, #tpu.memory_space<vmem_shared>>
        tpu.enqueue_indirect_dma source(%arg12 : memref<128x128xf32, #tpu.memory_space<vmem>>) target(%dma_start3A_120 : memref<10240x128xf32, #tpu.memory_space<vmem_shared>>) offsets(%arg10 : memref<128xi32, #tpu.memory_space<vmem>>) semaphore(%run_scoped3A : memref<!tpu.dma_semaphore, #tpu.memory_space<semaphore_mem>>) {add = true}
        %dma_wait3A_121 = arith.constant 0 : i32
        %dma_wait3A_122 = arith.constant 0 : i32
        %dma_wait3A_123 = tpu.memref_slice %arg7[%dma_wait3A_121, %dma_wait3A_122] : memref<10240x128xf32, #tpu.memory_space<vmem_shared>> -> memref<10240x128xf32, #tpu.memory_space<vmem_shared>>
        tpu.wait_indirect_dma semaphore(%run_scoped3A : memref<!tpu.dma_semaphore, #tpu.memory_space<semaphore_mem>>) src(%arg12 : memref<128x128xf32, #tpu.memory_space<vmem>>) dst(%dma_wait3A_123 : memref<10240x128xf32, #tpu.memory_space<vmem_shared>>)
        tpu.yield
      }) : () -> ()
      %add3A_72 = arith.constant 2 : i32
      %add3A_73 = arith.addi %mul3A_53, %add3A_72 : i32
      %mul3A_74 = arith.constant 128 : i32
      %mul3A_75 = arith.muli %add3A_73, %mul3A_74 : i32
      %add3A_76 = arith.addi %mul3A_2, %mul3A_75 : i32
      %dma_start3A_77 = tpu.memref_slice %arg3[%add3A_76] : memref<327680xi32, #tpu.memory_space<hbm>> -> memref<128xi32, #tpu.memory_space<hbm>>
      %dma_start3A_78 = tpu.memref_slice %arg3[%add3A_76] : memref<327680xi32, #tpu.memory_space<hbm>> -> memref<128xi32, #tpu.memory_space<hbm>>
      tpu.enqueue_dma source(%dma_start3A_78 : memref<128xi32, #tpu.memory_space<hbm>>) target(%arg8 : memref<128xi32, #tpu.memory_space<vmem>>) target_semaphore(%arg14 : memref<!tpu.dma_semaphore, #tpu.memory_space<semaphore_mem>>)
      %mul3A_79 = arith.constant 128 : i32
      %mul3A_80 = arith.muli %add3A_73, %mul3A_79 : i32
      %add3A_81 = arith.addi %mul3A_2, %mul3A_80 : i32
      %dma_start3A_82 = tpu.memref_slice %arg4[%add3A_81] : memref<327680xi32, #tpu.memory_space<hbm>> -> memref<128xi32, #tpu.memory_space<hbm>>
      %dma_start3A_83 = tpu.memref_slice %arg4[%add3A_81] : memref<327680xi32, #tpu.memory_space<hbm>> -> memref<128xi32, #tpu.memory_space<hbm>>
      tpu.enqueue_dma source(%dma_start3A_83 : memref<128xi32, #tpu.memory_space<hbm>>) target(%arg10 : memref<128xi32, #tpu.memory_space<vmem>>) target_semaphore(%arg14 : memref<!tpu.dma_semaphore, #tpu.memory_space<semaphore_mem>>)
      %mul3A_84 = arith.constant 2 : i32
      %mul3A_85 = arith.muli %mul3A_84, %scan3A_51 : i32
      %add3A_86 = arith.constant 1 : i32
      %add3A_87 = arith.addi %mul3A_85, %add3A_86 : i32
      %add3A_88 = arith.constant 1 : i32
      %add3A_89 = arith.addi %add3A_87, %add3A_88 : i32
      %mul3A_90 = arith.constant 128 : i32
      %mul3A_91 = arith.muli %add3A_89, %mul3A_90 : i32
      %add3A_92 = arith.addi %mul3A_2, %mul3A_91 : i32
      %dma_wait3A_93 = tpu.memref_slice %arg3[%add3A_92] : memref<327680xi32, #tpu.memory_space<hbm>> -> memref<128xi32, #tpu.memory_space<hbm>>
      %dma_wait3A_94 = tpu.memref_slice %arg3[%add3A_92] : memref<327680xi32, #tpu.memory_space<hbm>> -> memref<128xi32, #tpu.memory_space<hbm>>
      tpu.wait_dma2 semaphore(%arg14 : memref<!tpu.dma_semaphore, #tpu.memory_space<semaphore_mem>>) src(%dma_wait3A_94 : memref<128xi32, #tpu.memory_space<hbm>>) dst(%arg8 : memref<128xi32, #tpu.memory_space<vmem>>)
      %mul3A_95 = arith.constant 128 : i32
      %mul3A_96 = arith.muli %add3A_89, %mul3A_95 : i32
      %add3A_97 = arith.addi %mul3A_2, %mul3A_96 : i32
      %dma_wait3A_98 = tpu.memref_slice %arg4[%add3A_97] : memref<327680xi32, #tpu.memory_space<hbm>> -> memref<128xi32, #tpu.memory_space<hbm>>
      %dma_wait3A_99 = tpu.memref_slice %arg4[%add3A_97] : memref<327680xi32, #tpu.memory_space<hbm>> -> memref<128xi32, #tpu.memory_space<hbm>>
      tpu.wait_dma2 semaphore(%arg14 : memref<!tpu.dma_semaphore, #tpu.memory_space<semaphore_mem>>) src(%dma_wait3A_99 : memref<128xi32, #tpu.memory_space<hbm>>) dst(%arg10 : memref<128xi32, #tpu.memory_space<vmem>>)
      %dma_start3A_100 = arith.constant 0 : i32
      %dma_start3A_101 = arith.constant 0 : i32
      %dma_start3A_102 = tpu.memref_slice %arg2[%dma_start3A_100, %dma_start3A_101] : memref<10000x128xf32, #tpu.memory_space<hbm>> -> memref<10000x128xf32, #tpu.memory_space<hbm>>
      tpu.enqueue_indirect_dma source(%dma_start3A_102 : memref<10000x128xf32, #tpu.memory_space<hbm>>) target(%arg12 : memref<128x128xf32, #tpu.memory_space<vmem>>) offsets(%arg8 : memref<128xi32, #tpu.memory_space<vmem>>) semaphore(%arg16 : memref<!tpu.dma_semaphore, #tpu.memory_space<semaphore_mem>>)
      %dma_wait3A_103 = arith.constant 0 : i32
      %dma_wait3A_104 = arith.constant 0 : i32
      %dma_wait3A_105 = tpu.memref_slice %arg2[%dma_wait3A_103, %dma_wait3A_104] : memref<10000x128xf32, #tpu.memory_space<hbm>> -> memref<10000x128xf32, #tpu.memory_space<hbm>>
      tpu.wait_indirect_dma semaphore(%arg17 : memref<!tpu.dma_semaphore, #tpu.memory_space<semaphore_mem>>) src(%dma_wait3A_105 : memref<10000x128xf32, #tpu.memory_space<hbm>>) dst(%arg13 : memref<128x128xf32, #tpu.memory_space<vmem>>)
      "tpu.region"() ({
        %run_scoped3A = tpu.sem_alloc : memref<!tpu.dma_semaphore, #tpu.memory_space<semaphore_mem>>
        %dma_start3A_118 = arith.constant 0 : i32
        %dma_start3A_119 = arith.constant 0 : i32
        %dma_start3A_120 = tpu.memref_slice %arg7[%dma_start3A_118, %dma_start3A_119] : memref<10240x128xf32, #tpu.memory_space<vmem_shared>> -> memref<10240x128xf32, #tpu.memory_space<vmem_shared>>
        tpu.enqueue_indirect_dma source(%arg13 : memref<128x128xf32, #tpu.memory_space<vmem>>) target(%dma_start3A_120 : memref<10240x128xf32, #tpu.memory_space<vmem_shared>>) offsets(%arg11 : memref<128xi32, #tpu.memory_space<vmem>>) semaphore(%run_scoped3A : memref<!tpu.dma_semaphore, #tpu.memory_space<semaphore_mem>>) {add = true}
        %dma_wait3A_121 = arith.constant 0 : i32
        %dma_wait3A_122 = arith.constant 0 : i32
        %dma_wait3A_123 = tpu.memref_slice %arg7[%dma_wait3A_121, %dma_wait3A_122] : memref<10240x128xf32, #tpu.memory_space<vmem_shared>> -> memref<10240x128xf32, #tpu.memory_space<vmem_shared>>
        tpu.wait_indirect_dma semaphore(%run_scoped3A : memref<!tpu.dma_semaphore, #tpu.memory_space<semaphore_mem>>) src(%arg13 : memref<128x128xf32, #tpu.memory_space<vmem>>) dst(%dma_wait3A_123 : memref<10240x128xf32, #tpu.memory_space<vmem_shared>>)
        tpu.yield
      }) : () -> ()
      %add3A_106 = arith.constant 2 : i32
      %add3A_107 = arith.addi %add3A_87, %add3A_106 : i32
      %mul3A_108 = arith.constant 128 : i32
      %mul3A_109 = arith.muli %add3A_107, %mul3A_108 : i32
      %add3A_110 = arith.addi %mul3A_2, %mul3A_109 : i32
      %dma_start3A_111 = tpu.memref_slice %arg3[%add3A_110] : memref<327680xi32, #tpu.memory_space<hbm>> -> memref<128xi32, #tpu.memory_space<hbm>>
      %dma_start3A_112 = tpu.memref_slice %arg3[%add3A_110] : memref<327680xi32, #tpu.memory_space<hbm>> -> memref<128xi32, #tpu.memory_space<hbm>>
      tpu.enqueue_dma source(%dma_start3A_112 : memref<128xi32, #tpu.memory_space<hbm>>) target(%arg9 : memref<128xi32, #tpu.memory_space<vmem>>) target_semaphore(%arg15 : memref<!tpu.dma_semaphore, #tpu.memory_space<semaphore_mem>>)
      %mul3A_113 = arith.constant 128 : i32
      %mul3A_114 = arith.muli %add3A_107, %mul3A_113 : i32
      %add3A_115 = arith.addi %mul3A_2, %mul3A_114 : i32
      %dma_start3A_116 = tpu.memref_slice %arg4[%add3A_115] : memref<327680xi32, #tpu.memory_space<hbm>> -> memref<128xi32, #tpu.memory_space<hbm>>
      %dma_start3A_117 = tpu.memref_slice %arg4[%add3A_115] : memref<327680xi32, #tpu.memory_space<hbm>> -> memref<128xi32, #tpu.memory_space<hbm>>
      tpu.enqueue_dma source(%dma_start3A_117 : memref<128xi32, #tpu.memory_space<hbm>>) target(%arg11 : memref<128xi32, #tpu.memory_space<vmem>>) target_semaphore(%arg15 : memref<!tpu.dma_semaphore, #tpu.memory_space<semaphore_mem>>)
    }
    %scan3A_34 = arith.constant 39 : i32
    %dma_wait3A_35 = arith.constant 0 : i32
    %dma_wait3A_36 = arith.constant 0 : i32
    %dma_wait3A_37 = tpu.memref_slice %arg2[%dma_wait3A_35, %dma_wait3A_36] : memref<10000x128xf32, #tpu.memory_space<hbm>> -> memref<10000x128xf32, #tpu.memory_space<hbm>>
    tpu.wait_indirect_dma semaphore(%arg16 : memref<!tpu.dma_semaphore, #tpu.memory_space<semaphore_mem>>) src(%dma_wait3A_37 : memref<10000x128xf32, #tpu.memory_space<hbm>>) dst(%arg12 : memref<128x128xf32, #tpu.memory_space<vmem>>)
    "tpu.region"() ({
      %run_scoped3A = tpu.sem_alloc : memref<!tpu.dma_semaphore, #tpu.memory_space<semaphore_mem>>
      %dma_start3A_51 = arith.constant 0 : i32
      %dma_start3A_52 = arith.constant 0 : i32
      %dma_start3A_53 = tpu.memref_slice %arg7[%dma_start3A_51, %dma_start3A_52] : memref<10240x128xf32, #tpu.memory_space<vmem_shared>> -> memref<10240x128xf32, #tpu.memory_space<vmem_shared>>
      tpu.enqueue_indirect_dma source(%arg12 : memref<128x128xf32, #tpu.memory_space<vmem>>) target(%dma_start3A_53 : memref<10240x128xf32, #tpu.memory_space<vmem_shared>>) offsets(%arg10 : memref<128xi32, #tpu.memory_space<vmem>>) semaphore(%run_scoped3A : memref<!tpu.dma_semaphore, #tpu.memory_space<semaphore_mem>>) {add = true}
      %dma_wait3A_54 = arith.constant 0 : i32
      %dma_wait3A_55 = arith.constant 0 : i32
      %dma_wait3A_56 = tpu.memref_slice %arg7[%dma_wait3A_54, %dma_wait3A_55] : memref<10240x128xf32, #tpu.memory_space<vmem_shared>> -> memref<10240x128xf32, #tpu.memory_space<vmem_shared>>
      tpu.wait_indirect_dma semaphore(%run_scoped3A : memref<!tpu.dma_semaphore, #tpu.memory_space<semaphore_mem>>) src(%arg12 : memref<128x128xf32, #tpu.memory_space<vmem>>) dst(%dma_wait3A_56 : memref<10240x128xf32, #tpu.memory_space<vmem_shared>>)
      tpu.yield
    }) : () -> ()
    %add3A_38 = arith.constant 10112 : i32
    %add3A_39 = arith.addi %mul3A_2, %add3A_38 : i32
    %dma_wait3A_40 = tpu.memref_slice %arg3[%add3A_39] : memref<327680xi32, #tpu.memory_space<hbm>> -> memref<128xi32, #tpu.memory_space<hbm>>
    %dma_wait3A_41 = tpu.memref_slice %arg3[%add3A_39] : memref<327680xi32, #tpu.memory_space<hbm>> -> memref<128xi32, #tpu.memory_space<hbm>>
    tpu.wait_dma2 semaphore(%arg15 : memref<!tpu.dma_semaphore, #tpu.memory_space<semaphore_mem>>) src(%dma_wait3A_41 : memref<128xi32, #tpu.memory_space<hbm>>) dst(%arg9 : memref<128xi32, #tpu.memory_space<vmem>>)
    %add3A_42 = arith.constant 10112 : i32
    %add3A_43 = arith.addi %mul3A_2, %add3A_42 : i32
    %dma_wait3A_44 = tpu.memref_slice %arg4[%add3A_43] : memref<327680xi32, #tpu.memory_space<hbm>> -> memref<128xi32, #tpu.memory_space<hbm>>
    %dma_wait3A_45 = tpu.memref_slice %arg4[%add3A_43] : memref<327680xi32, #tpu.memory_space<hbm>> -> memref<128xi32, #tpu.memory_space<hbm>>
    tpu.wait_dma2 semaphore(%arg15 : memref<!tpu.dma_semaphore, #tpu.memory_space<semaphore_mem>>) src(%dma_wait3A_45 : memref<128xi32, #tpu.memory_space<hbm>>) dst(%arg11 : memref<128xi32, #tpu.memory_space<vmem>>)
    %barrier3A_46 = arith.constant 0 : index
    tpu.barrier barrier_id(%barrier3A_46)
    %mul3A_47 = arith.constant 640 : i32
    %mul3A_48 = arith.muli %arg1, %mul3A_47 : i32
    %mul3A_49 = arith.constant 640 : i32
    %mul3A_50 = arith.muli %arg1, %mul3A_49 : i32
    "tpu.region"() ({
      %run_scoped3A = tpu.sem_alloc : memref<!tpu.dma_semaphore, #tpu.memory_space<semaphore_mem>>
      %dma_start3A_51 = arith.constant 0 : i32
      %dma_start3A_52 = tpu.memref_slice %arg6[%arg0, %mul3A_50, %dma_start3A_51] : memref<2x10240x128xf32, #tpu.memory_space<hbm>> -> memref<1x640x128xf32, #tpu.memory_space<hbm>>
      %dma_start3A_53 = tpu.memref_squeeze %dma_start3A_52 : memref<1x640x128xf32, #tpu.memory_space<hbm>> -> memref<640x128xf32, #tpu.memory_space<hbm>>
      %dma_start3A_54 = arith.constant 0 : i32
      %dma_start3A_55 = tpu.memref_slice %arg7[%mul3A_48, %dma_start3A_54] : memref<10240x128xf32, #tpu.memory_space<vmem_shared>> -> memref<640x128xf32, #tpu.memory_space<vmem_shared>>
      tpu.enqueue_dma source(%dma_start3A_55 : memref<640x128xf32, #tpu.memory_space<vmem_shared>>) target(%dma_start3A_53 : memref<640x128xf32, #tpu.memory_space<hbm>>) target_semaphore(%run_scoped3A : memref<!tpu.dma_semaphore, #tpu.memory_space<semaphore_mem>>)
      %dma_wait3A_56 = arith.constant 0 : i32
      %dma_wait3A_57 = tpu.memref_slice %arg6[%arg0, %mul3A_50, %dma_wait3A_56] : memref<2x10240x128xf32, #tpu.memory_space<hbm>> -> memref<1x640x128xf32, #tpu.memory_space<hbm>>
      %dma_wait3A_58 = tpu.memref_squeeze %dma_wait3A_57 : memref<1x640x128xf32, #tpu.memory_space<hbm>> -> memref<640x128xf32, #tpu.memory_space<hbm>>
      %dma_wait3A_59 = arith.constant 0 : i32
      %dma_wait3A_60 = tpu.memref_slice %arg7[%mul3A_48, %dma_wait3A_59] : memref<10240x128xf32, #tpu.memory_space<vmem_shared>> -> memref<640x128xf32, #tpu.memory_space<vmem_shared>>
      tpu.wait_dma2 semaphore(%run_scoped3A : memref<!tpu.dma_semaphore, #tpu.memory_space<semaphore_mem>>) src(%dma_wait3A_60 : memref<640x128xf32, #tpu.memory_space<vmem_shared>>) dst(%dma_wait3A_58 : memref<640x128xf32, #tpu.memory_space<hbm>>)
      tpu.yield
    }) : () -> ()
    return
  }
}

#map = affine_map<(d0, d1) -> (0, 0)>
#map1 = affine_map<(d0, d1) -> (0)>
#map2 = affine_map<(d0, d1) -> (0, 0, 0)>
module attributes {stable_mosaic.version = 14 : i64} {
  func.func @_agg_body(%arg0: i32, %arg1: i32, %arg2: memref<10000x128xf32, #tpu.memory_space<hbm>>, %arg3: memref<327680xi32, #tpu.memory_space<hbm>>, %arg4: memref<327680xi32, #tpu.memory_space<hbm>>, %arg5: memref<640x128xf32, #tpu.memory_space<hbm>>, %arg6: memref<2x10240x128xf32, #tpu.memory_space<hbm>>, %arg7: memref<10240x128xf32, #tpu.memory_space<vmem_shared>>, %arg8: memref<128xi32, #tpu.memory_space<vmem>>, %arg9: memref<128xi32, #tpu.memory_space<vmem>>, %arg10: memref<128xi32, #tpu.memory_space<vmem>>, %arg11: memref<128xi32, #tpu.memory_space<vmem>>, %arg12: memref<128x128xf32, #tpu.memory_space<vmem>>, %arg13: memref<128x128xf32, #tpu.memory_space<vmem>>, %arg14: memref<!tpu.dma_semaphore, #tpu.memory_space<semaphore_mem>>, %arg15: memref<!tpu.dma_semaphore, #tpu.memory_space<semaphore_mem>>, %arg16: memref<!tpu.dma_semaphore, #tpu.memory_space<semaphore_mem>>, %arg17: memref<!tpu.dma_semaphore, #tpu.memory_space<semaphore_mem>>) attributes {dimension_semantics = [#tpu.dimension_semantics<core_parallel>, #tpu.dimension_semantics<subcore_parallel>], iteration_bounds = array<i64: 2, 16>, scalar_prefetch = 0 : i64, scratch_operands = 11 : i64, tpu.core_type = #tpu.core_type<sc_vector_subcore>, window_params = [{transform_indices = #map}, {transform_indices = #map1}, {transform_indices = #map1}, {transform_indices = #map}, {transform_indices = #map2}]} {
    %mul3A = arith.constant 16 : i32
    %mul3A_0 = arith.muli %arg0, %mul3A : i32
    %add3A = arith.addi %mul3A_0, %arg1 : i32
    %mul3A_1 = arith.constant 10240 : i32
    %mul3A_2 = arith.muli %add3A, %mul3A_1 : i32
    %mul3A_3 = arith.constant 640 : i32
    %mul3A_4 = arith.muli %arg1, %mul3A_3 : i32
    "tpu.region"() ({
      %run_scoped3A = tpu.sem_alloc : memref<!tpu.dma_semaphore, #tpu.memory_space<semaphore_mem>>
      %dma_start3A_51 = arith.constant 0 : i32
      %dma_start3A_52 = tpu.memref_slice %arg7[%mul3A_4, %dma_start3A_51] : memref<10240x128xf32, #tpu.memory_space<vmem_shared>> -> memref<640x128xf32, #tpu.memory_space<vmem_shared>>
      tpu.enqueue_dma source(%arg5 : memref<640x128xf32, #tpu.memory_space<hbm>>) target(%dma_start3A_52 : memref<640x128xf32, #tpu.memory_space<vmem_shared>>) target_semaphore(%run_scoped3A : memref<!tpu.dma_semaphore, #tpu.memory_space<semaphore_mem>>)
      %dma_wait3A_53 = arith.constant 0 : i32
      %dma_wait3A_54 = tpu.memref_slice %arg7[%mul3A_4, %dma_wait3A_53] : memref<10240x128xf32, #tpu.memory_space<vmem_shared>> -> memref<640x128xf32, #tpu.memory_space<vmem_shared>>
      tpu.wait_dma2 semaphore(%run_scoped3A : memref<!tpu.dma_semaphore, #tpu.memory_space<semaphore_mem>>) src(%arg5 : memref<640x128xf32, #tpu.memory_space<hbm>>) dst(%dma_wait3A_54 : memref<640x128xf32, #tpu.memory_space<vmem_shared>>)
      tpu.yield
    }) : () -> ()
    %barrier3A = arith.constant 0 : index
    tpu.barrier barrier_id(%barrier3A)
    %add3A_5 = arith.constant 0 : i32
    %add3A_6 = arith.addi %mul3A_2, %add3A_5 : i32
    %dma_start3A = tpu.memref_slice %arg3[%add3A_6] : memref<327680xi32, #tpu.memory_space<hbm>> -> memref<128xi32, #tpu.memory_space<hbm>>
    %dma_start3A_7 = tpu.memref_slice %arg3[%add3A_6] : memref<327680xi32, #tpu.memory_space<hbm>> -> memref<128xi32, #tpu.memory_space<hbm>>
    tpu.enqueue_dma source(%dma_start3A_7 : memref<128xi32, #tpu.memory_space<hbm>>) target(%arg8 : memref<128xi32, #tpu.memory_space<vmem>>) target_semaphore(%arg14 : memref<!tpu.dma_semaphore, #tpu.memory_space<semaphore_mem>>)
    %add3A_8 = arith.constant 0 : i32
    %add3A_9 = arith.addi %mul3A_2, %add3A_8 : i32
    %dma_start3A_10 = tpu.memref_slice %arg4[%add3A_9] : memref<327680xi32, #tpu.memory_space<hbm>> -> memref<128xi32, #tpu.memory_space<hbm>>
    %dma_start3A_11 = tpu.memref_slice %arg4[%add3A_9] : memref<327680xi32, #tpu.memory_space<hbm>> -> memref<128xi32, #tpu.memory_space<hbm>>
    tpu.enqueue_dma source(%dma_start3A_11 : memref<128xi32, #tpu.memory_space<hbm>>) target(%arg10 : memref<128xi32, #tpu.memory_space<vmem>>) target_semaphore(%arg14 : memref<!tpu.dma_semaphore, #tpu.memory_space<semaphore_mem>>)
    %add3A_12 = arith.constant 0 : i32
    %add3A_13 = arith.addi %mul3A_2, %add3A_12 : i32
    %dma_wait3A = tpu.memref_slice %arg3[%add3A_13] : memref<327680xi32, #tpu.memory_space<hbm>> -> memref<128xi32, #tpu.memory_space<hbm>>
    %dma_wait3A_14 = tpu.memref_slice %arg3[%add3A_13] : memref<327680xi32, #tpu.memory_space<hbm>> -> memref<128xi32, #tpu.memory_space<hbm>>
    tpu.wait_dma2 semaphore(%arg14 : memref<!tpu.dma_semaphore, #tpu.memory_space<semaphore_mem>>) src(%dma_wait3A_14 : memref<128xi32, #tpu.memory_space<hbm>>) dst(%arg8 : memref<128xi32, #tpu.memory_space<vmem>>)
    %add3A_15 = arith.constant 0 : i32
    %add3A_16 = arith.addi %mul3A_2, %add3A_15 : i32
    %dma_wait3A_17 = tpu.memref_slice %arg4[%add3A_16] : memref<327680xi32, #tpu.memory_space<hbm>> -> memref<128xi32, #tpu.memory_space<hbm>>
    %dma_wait3A_18 = tpu.memref_slice %arg4[%add3A_16] : memref<327680xi32, #tpu.memory_space<hbm>> -> memref<128xi32, #tpu.memory_space<hbm>>
    tpu.wait_dma2 semaphore(%arg14 : memref<!tpu.dma_semaphore, #tpu.memory_space<semaphore_mem>>) src(%dma_wait3A_18 : memref<128xi32, #tpu.memory_space<hbm>>) dst(%arg10 : memref<128xi32, #tpu.memory_space<vmem>>)
    %dma_start3A_19 = arith.constant 0 : i32
    %dma_start3A_20 = arith.constant 0 : i32
    %dma_start3A_21 = tpu.memref_slice %arg2[%dma_start3A_19, %dma_start3A_20] : memref<10000x128xf32, #tpu.memory_space<hbm>> -> memref<10000x128xf32, #tpu.memory_space<hbm>>
    tpu.enqueue_indirect_dma source(%dma_start3A_21 : memref<10000x128xf32, #tpu.memory_space<hbm>>) target(%arg12 : memref<128x128xf32, #tpu.memory_space<vmem>>) offsets(%arg8 : memref<128xi32, #tpu.memory_space<vmem>>) semaphore(%arg16 : memref<!tpu.dma_semaphore, #tpu.memory_space<semaphore_mem>>)
    %add3A_22 = arith.constant 128 : i32
    %add3A_23 = arith.addi %mul3A_2, %add3A_22 : i32
    %dma_start3A_24 = tpu.memref_slice %arg3[%add3A_23] : memref<327680xi32, #tpu.memory_space<hbm>> -> memref<128xi32, #tpu.memory_space<hbm>>
    %dma_start3A_25 = tpu.memref_slice %arg3[%add3A_23] : memref<327680xi32, #tpu.memory_space<hbm>> -> memref<128xi32, #tpu.memory_space<hbm>>
    tpu.enqueue_dma source(%dma_start3A_25 : memref<128xi32, #tpu.memory_space<hbm>>) target(%arg9 : memref<128xi32, #tpu.memory_space<vmem>>) target_semaphore(%arg15 : memref<!tpu.dma_semaphore, #tpu.memory_space<semaphore_mem>>)
    %add3A_26 = arith.constant 128 : i32
    %add3A_27 = arith.addi %mul3A_2, %add3A_26 : i32
    %dma_start3A_28 = tpu.memref_slice %arg4[%add3A_27] : memref<327680xi32, #tpu.memory_space<hbm>> -> memref<128xi32, #tpu.memory_space<hbm>>
    %dma_start3A_29 = tpu.memref_slice %arg4[%add3A_27] : memref<327680xi32, #tpu.memory_space<hbm>> -> memref<128xi32, #tpu.memory_space<hbm>>
    tpu.enqueue_dma source(%dma_start3A_29 : memref<128xi32, #tpu.memory_space<hbm>>) target(%arg11 : memref<128xi32, #tpu.memory_space<vmem>>) target_semaphore(%arg15 : memref<!tpu.dma_semaphore, #tpu.memory_space<semaphore_mem>>)
    %scan3A = arith.constant 0 : i32
    %scan3A_30 = arith.constant 0 : i32
    %scan3A_31 = arith.constant 39 : i32
    %scan3A_32 = arith.addi %scan3A_30, %scan3A_31 : i32
    %scan3A_33 = arith.constant 1 : i32
    scf.for %scan3A_51 = %scan3A_30 to %scan3A_32 step %scan3A_33  : i32 {
      %mul3A_52 = arith.constant 2 : i32
      %mul3A_53 = arith.muli %mul3A_52, %scan3A_51 : i32
      %add3A_54 = arith.constant 1 : i32
      %add3A_55 = arith.addi %mul3A_53, %add3A_54 : i32
      %mul3A_56 = arith.constant 128 : i32
      %mul3A_57 = arith.muli %add3A_55, %mul3A_56 : i32
      %add3A_58 = arith.addi %mul3A_2, %mul3A_57 : i32
      %dma_wait3A_59 = tpu.memref_slice %arg3[%add3A_58] : memref<327680xi32, #tpu.memory_space<hbm>> -> memref<128xi32, #tpu.memory_space<hbm>>
      %dma_wait3A_60 = tpu.memref_slice %arg3[%add3A_58] : memref<327680xi32, #tpu.memory_space<hbm>> -> memref<128xi32, #tpu.memory_space<hbm>>
      tpu.wait_dma2 semaphore(%arg15 : memref<!tpu.dma_semaphore, #tpu.memory_space<semaphore_mem>>) src(%dma_wait3A_60 : memref<128xi32, #tpu.memory_space<hbm>>) dst(%arg9 : memref<128xi32, #tpu.memory_space<vmem>>)
      %mul3A_61 = arith.constant 128 : i32
      %mul3A_62 = arith.muli %add3A_55, %mul3A_61 : i32
      %add3A_63 = arith.addi %mul3A_2, %mul3A_62 : i32
      %dma_wait3A_64 = tpu.memref_slice %arg4[%add3A_63] : memref<327680xi32, #tpu.memory_space<hbm>> -> memref<128xi32, #tpu.memory_space<hbm>>
      %dma_wait3A_65 = tpu.memref_slice %arg4[%add3A_63] : memref<327680xi32, #tpu.memory_space<hbm>> -> memref<128xi32, #tpu.memory_space<hbm>>
      tpu.wait_dma2 semaphore(%arg15 : memref<!tpu.dma_semaphore, #tpu.memory_space<semaphore_mem>>) src(%dma_wait3A_65 : memref<128xi32, #tpu.memory_space<hbm>>) dst(%arg11 : memref<128xi32, #tpu.memory_space<vmem>>)
      %dma_start3A_66 = arith.constant 0 : i32
      %dma_start3A_67 = arith.constant 0 : i32
      %dma_start3A_68 = tpu.memref_slice %arg2[%dma_start3A_66, %dma_start3A_67] : memref<10000x128xf32, #tpu.memory_space<hbm>> -> memref<10000x128xf32, #tpu.memory_space<hbm>>
      tpu.enqueue_indirect_dma source(%dma_start3A_68 : memref<10000x128xf32, #tpu.memory_space<hbm>>) target(%arg13 : memref<128x128xf32, #tpu.memory_space<vmem>>) offsets(%arg9 : memref<128xi32, #tpu.memory_space<vmem>>) semaphore(%arg17 : memref<!tpu.dma_semaphore, #tpu.memory_space<semaphore_mem>>)
      %dma_wait3A_69 = arith.constant 0 : i32
      %dma_wait3A_70 = arith.constant 0 : i32
      %dma_wait3A_71 = tpu.memref_slice %arg2[%dma_wait3A_69, %dma_wait3A_70] : memref<10000x128xf32, #tpu.memory_space<hbm>> -> memref<10000x128xf32, #tpu.memory_space<hbm>>
      tpu.wait_indirect_dma semaphore(%arg16 : memref<!tpu.dma_semaphore, #tpu.memory_space<semaphore_mem>>) src(%dma_wait3A_71 : memref<10000x128xf32, #tpu.memory_space<hbm>>) dst(%arg12 : memref<128x128xf32, #tpu.memory_space<vmem>>)
      "tpu.region"() ({
        %run_scoped3A = tpu.sem_alloc : memref<!tpu.dma_semaphore, #tpu.memory_space<semaphore_mem>>
        %dma_start3A_118 = arith.constant 0 : i32
        %dma_start3A_119 = arith.constant 0 : i32
        %dma_start3A_120 = tpu.memref_slice %arg7[%dma_start3A_118, %dma_start3A_119] : memref<10240x128xf32, #tpu.memory_space<vmem_shared>> -> memref<10240x128xf32, #tpu.memory_space<vmem_shared>>
        tpu.enqueue_indirect_dma source(%arg12 : memref<128x128xf32, #tpu.memory_space<vmem>>) target(%dma_start3A_120 : memref<10240x128xf32, #tpu.memory_space<vmem_shared>>) offsets(%arg10 : memref<128xi32, #tpu.memory_space<vmem>>) semaphore(%run_scoped3A : memref<!tpu.dma_semaphore, #tpu.memory_space<semaphore_mem>>) {add = true}
        %dma_wait3A_121 = arith.constant 0 : i32
        %dma_wait3A_122 = arith.constant 0 : i32
        %dma_wait3A_123 = tpu.memref_slice %arg7[%dma_wait3A_121, %dma_wait3A_122] : memref<10240x128xf32, #tpu.memory_space<vmem_shared>> -> memref<10240x128xf32, #tpu.memory_space<vmem_shared>>
        tpu.wait_indirect_dma semaphore(%run_scoped3A : memref<!tpu.dma_semaphore, #tpu.memory_space<semaphore_mem>>) src(%arg12 : memref<128x128xf32, #tpu.memory_space<vmem>>) dst(%dma_wait3A_123 : memref<10240x128xf32, #tpu.memory_space<vmem_shared>>)
        tpu.yield
      }) : () -> ()
      %add3A_72 = arith.constant 2 : i32
      %add3A_73 = arith.addi %mul3A_53, %add3A_72 : i32
      %mul3A_74 = arith.constant 128 : i32
      %mul3A_75 = arith.muli %add3A_73, %mul3A_74 : i32
      %add3A_76 = arith.addi %mul3A_2, %mul3A_75 : i32
      %dma_start3A_77 = tpu.memref_slice %arg3[%add3A_76] : memref<327680xi32, #tpu.memory_space<hbm>> -> memref<128xi32, #tpu.memory_space<hbm>>
      %dma_start3A_78 = tpu.memref_slice %arg3[%add3A_76] : memref<327680xi32, #tpu.memory_space<hbm>> -> memref<128xi32, #tpu.memory_space<hbm>>
      tpu.enqueue_dma source(%dma_start3A_78 : memref<128xi32, #tpu.memory_space<hbm>>) target(%arg8 : memref<128xi32, #tpu.memory_space<vmem>>) target_semaphore(%arg14 : memref<!tpu.dma_semaphore, #tpu.memory_space<semaphore_mem>>)
      %mul3A_79 = arith.constant 128 : i32
      %mul3A_80 = arith.muli %add3A_73, %mul3A_79 : i32
      %add3A_81 = arith.addi %mul3A_2, %mul3A_80 : i32
      %dma_start3A_82 = tpu.memref_slice %arg4[%add3A_81] : memref<327680xi32, #tpu.memory_space<hbm>> -> memref<128xi32, #tpu.memory_space<hbm>>
      %dma_start3A_83 = tpu.memref_slice %arg4[%add3A_81] : memref<327680xi32, #tpu.memory_space<hbm>> -> memref<128xi32, #tpu.memory_space<hbm>>
      tpu.enqueue_dma source(%dma_start3A_83 : memref<128xi32, #tpu.memory_space<hbm>>) target(%arg10 : memref<128xi32, #tpu.memory_space<vmem>>) target_semaphore(%arg14 : memref<!tpu.dma_semaphore, #tpu.memory_space<semaphore_mem>>)
      %mul3A_84 = arith.constant 2 : i32
      %mul3A_85 = arith.muli %mul3A_84, %scan3A_51 : i32
      %add3A_86 = arith.constant 1 : i32
      %add3A_87 = arith.addi %mul3A_85, %add3A_86 : i32
      %add3A_88 = arith.constant 1 : i32
      %add3A_89 = arith.addi %add3A_87, %add3A_88 : i32
      %mul3A_90 = arith.constant 128 : i32
      %mul3A_91 = arith.muli %add3A_89, %mul3A_90 : i32
      %add3A_92 = arith.addi %mul3A_2, %mul3A_91 : i32
      %dma_wait3A_93 = tpu.memref_slice %arg3[%add3A_92] : memref<327680xi32, #tpu.memory_space<hbm>> -> memref<128xi32, #tpu.memory_space<hbm>>
      %dma_wait3A_94 = tpu.memref_slice %arg3[%add3A_92] : memref<327680xi32, #tpu.memory_space<hbm>> -> memref<128xi32, #tpu.memory_space<hbm>>
      tpu.wait_dma2 semaphore(%arg14 : memref<!tpu.dma_semaphore, #tpu.memory_space<semaphore_mem>>) src(%dma_wait3A_94 : memref<128xi32, #tpu.memory_space<hbm>>) dst(%arg8 : memref<128xi32, #tpu.memory_space<vmem>>)
      %mul3A_95 = arith.constant 128 : i32
      %mul3A_96 = arith.muli %add3A_89, %mul3A_95 : i32
      %add3A_97 = arith.addi %mul3A_2, %mul3A_96 : i32
      %dma_wait3A_98 = tpu.memref_slice %arg4[%add3A_97] : memref<327680xi32, #tpu.memory_space<hbm>> -> memref<128xi32, #tpu.memory_space<hbm>>
      %dma_wait3A_99 = tpu.memref_slice %arg4[%add3A_97] : memref<327680xi32, #tpu.memory_space<hbm>> -> memref<128xi32, #tpu.memory_space<hbm>>
      tpu.wait_dma2 semaphore(%arg14 : memref<!tpu.dma_semaphore, #tpu.memory_space<semaphore_mem>>) src(%dma_wait3A_99 : memref<128xi32, #tpu.memory_space<hbm>>) dst(%arg10 : memref<128xi32, #tpu.memory_space<vmem>>)
      %dma_start3A_100 = arith.constant 0 : i32
      %dma_start3A_101 = arith.constant 0 : i32
      %dma_start3A_102 = tpu.memref_slice %arg2[%dma_start3A_100, %dma_start3A_101] : memref<10000x128xf32, #tpu.memory_space<hbm>> -> memref<10000x128xf32, #tpu.memory_space<hbm>>
      tpu.enqueue_indirect_dma source(%dma_start3A_102 : memref<10000x128xf32, #tpu.memory_space<hbm>>) target(%arg12 : memref<128x128xf32, #tpu.memory_space<vmem>>) offsets(%arg8 : memref<128xi32, #tpu.memory_space<vmem>>) semaphore(%arg16 : memref<!tpu.dma_semaphore, #tpu.memory_space<semaphore_mem>>)
      %dma_wait3A_103 = arith.constant 0 : i32
      %dma_wait3A_104 = arith.constant 0 : i32
      %dma_wait3A_105 = tpu.memref_slice %arg2[%dma_wait3A_103, %dma_wait3A_104] : memref<10000x128xf32, #tpu.memory_space<hbm>> -> memref<10000x128xf32, #tpu.memory_space<hbm>>
      tpu.wait_indirect_dma semaphore(%arg17 : memref<!tpu.dma_semaphore, #tpu.memory_space<semaphore_mem>>) src(%dma_wait3A_105 : memref<10000x128xf32, #tpu.memory_space<hbm>>) dst(%arg13 : memref<128x128xf32, #tpu.memory_space<vmem>>)
      "tpu.region"() ({
        %run_scoped3A = tpu.sem_alloc : memref<!tpu.dma_semaphore, #tpu.memory_space<semaphore_mem>>
        %dma_start3A_118 = arith.constant 0 : i32
        %dma_start3A_119 = arith.constant 0 : i32
        %dma_start3A_120 = tpu.memref_slice %arg7[%dma_start3A_118, %dma_start3A_119] : memref<10240x128xf32, #tpu.memory_space<vmem_shared>> -> memref<10240x128xf32, #tpu.memory_space<vmem_shared>>
        tpu.enqueue_indirect_dma source(%arg13 : memref<128x128xf32, #tpu.memory_space<vmem>>) target(%dma_start3A_120 : memref<10240x128xf32, #tpu.memory_space<vmem_shared>>) offsets(%arg11 : memref<128xi32, #tpu.memory_space<vmem>>) semaphore(%run_scoped3A : memref<!tpu.dma_semaphore, #tpu.memory_space<semaphore_mem>>) {add = true}
        %dma_wait3A_121 = arith.constant 0 : i32
        %dma_wait3A_122 = arith.constant 0 : i32
        %dma_wait3A_123 = tpu.memref_slice %arg7[%dma_wait3A_121, %dma_wait3A_122] : memref<10240x128xf32, #tpu.memory_space<vmem_shared>> -> memref<10240x128xf32, #tpu.memory_space<vmem_shared>>
        tpu.wait_indirect_dma semaphore(%run_scoped3A : memref<!tpu.dma_semaphore, #tpu.memory_space<semaphore_mem>>) src(%arg13 : memref<128x128xf32, #tpu.memory_space<vmem>>) dst(%dma_wait3A_123 : memref<10240x128xf32, #tpu.memory_space<vmem_shared>>)
        tpu.yield
      }) : () -> ()
      %add3A_106 = arith.constant 2 : i32
      %add3A_107 = arith.addi %add3A_87, %add3A_106 : i32
      %mul3A_108 = arith.constant 128 : i32
      %mul3A_109 = arith.muli %add3A_107, %mul3A_108 : i32
      %add3A_110 = arith.addi %mul3A_2, %mul3A_109 : i32
      %dma_start3A_111 = tpu.memref_slice %arg3[%add3A_110] : memref<327680xi32, #tpu.memory_space<hbm>> -> memref<128xi32, #tpu.memory_space<hbm>>
      %dma_start3A_112 = tpu.memref_slice %arg3[%add3A_110] : memref<327680xi32, #tpu.memory_space<hbm>> -> memref<128xi32, #tpu.memory_space<hbm>>
      tpu.enqueue_dma source(%dma_start3A_112 : memref<128xi32, #tpu.memory_space<hbm>>) target(%arg9 : memref<128xi32, #tpu.memory_space<vmem>>) target_semaphore(%arg15 : memref<!tpu.dma_semaphore, #tpu.memory_space<semaphore_mem>>)
      %mul3A_113 = arith.constant 128 : i32
      %mul3A_114 = arith.muli %add3A_107, %mul3A_113 : i32
      %add3A_115 = arith.addi %mul3A_2, %mul3A_114 : i32
      %dma_start3A_116 = tpu.memref_slice %arg4[%add3A_115] : memref<327680xi32, #tpu.memory_space<hbm>> -> memref<128xi32, #tpu.memory_space<hbm>>
      %dma_start3A_117 = tpu.memref_slice %arg4[%add3A_115] : memref<327680xi32, #tpu.memory_space<hbm>> -> memref<128xi32, #tpu.memory_space<hbm>>
      tpu.enqueue_dma source(%dma_start3A_117 : memref<128xi32, #tpu.memory_space<hbm>>) target(%arg11 : memref<128xi32, #tpu.memory_space<vmem>>) target_semaphore(%arg15 : memref<!tpu.dma_semaphore, #tpu.memory_space<semaphore_mem>>)
    }
    %scan3A_34 = arith.constant 39 : i32
    %dma_wait3A_35 = arith.constant 0 : i32
    %dma_wait3A_36 = arith.constant 0 : i32
    %dma_wait3A_37 = tpu.memref_slice %arg2[%dma_wait3A_35, %dma_wait3A_36] : memref<10000x128xf32, #tpu.memory_space<hbm>> -> memref<10000x128xf32, #tpu.memory_space<hbm>>
    tpu.wait_indirect_dma semaphore(%arg16 : memref<!tpu.dma_semaphore, #tpu.memory_space<semaphore_mem>>) src(%dma_wait3A_37 : memref<10000x128xf32, #tpu.memory_space<hbm>>) dst(%arg12 : memref<128x128xf32, #tpu.memory_space<vmem>>)
    "tpu.region"() ({
      %run_scoped3A = tpu.sem_alloc : memref<!tpu.dma_semaphore, #tpu.memory_space<semaphore_mem>>
      %dma_start3A_51 = arith.constant 0 : i32
      %dma_start3A_52 = arith.constant 0 : i32
      %dma_start3A_53 = tpu.memref_slice %arg7[%dma_start3A_51, %dma_start3A_52] : memref<10240x128xf32, #tpu.memory_space<vmem_shared>> -> memref<10240x128xf32, #tpu.memory_space<vmem_shared>>
      tpu.enqueue_indirect_dma source(%arg12 : memref<128x128xf32, #tpu.memory_space<vmem>>) target(%dma_start3A_53 : memref<10240x128xf32, #tpu.memory_space<vmem_shared>>) offsets(%arg10 : memref<128xi32, #tpu.memory_space<vmem>>) semaphore(%run_scoped3A : memref<!tpu.dma_semaphore, #tpu.memory_space<semaphore_mem>>) {add = true}
      %dma_wait3A_54 = arith.constant 0 : i32
      %dma_wait3A_55 = arith.constant 0 : i32
      %dma_wait3A_56 = tpu.memref_slice %arg7[%dma_wait3A_54, %dma_wait3A_55] : memref<10240x128xf32, #tpu.memory_space<vmem_shared>> -> memref<10240x128xf32, #tpu.memory_space<vmem_shared>>
      tpu.wait_indirect_dma semaphore(%run_scoped3A : memref<!tpu.dma_semaphore, #tpu.memory_space<semaphore_mem>>) src(%arg12 : memref<128x128xf32, #tpu.memory_space<vmem>>) dst(%dma_wait3A_56 : memref<10240x128xf32, #tpu.memory_space<vmem_shared>>)
      tpu.yield
    }) : () -> ()
    %add3A_38 = arith.constant 10112 : i32
    %add3A_39 = arith.addi %mul3A_2, %add3A_38 : i32
    %dma_wait3A_40 = tpu.memref_slice %arg3[%add3A_39] : memref<327680xi32, #tpu.memory_space<hbm>> -> memref<128xi32, #tpu.memory_space<hbm>>
    %dma_wait3A_41 = tpu.memref_slice %arg3[%add3A_39] : memref<327680xi32, #tpu.memory_space<hbm>> -> memref<128xi32, #tpu.memory_space<hbm>>
    tpu.wait_dma2 semaphore(%arg15 : memref<!tpu.dma_semaphore, #tpu.memory_space<semaphore_mem>>) src(%dma_wait3A_41 : memref<128xi32, #tpu.memory_space<hbm>>) dst(%arg9 : memref<128xi32, #tpu.memory_space<vmem>>)
    %add3A_42 = arith.constant 10112 : i32
    %add3A_43 = arith.addi %mul3A_2, %add3A_42 : i32
    %dma_wait3A_44 = tpu.memref_slice %arg4[%add3A_43] : memref<327680xi32, #tpu.memory_space<hbm>> -> memref<128xi32, #tpu.memory_space<hbm>>
    %dma_wait3A_45 = tpu.memref_slice %arg4[%add3A_43] : memref<327680xi32, #tpu.memory_space<hbm>> -> memref<128xi32, #tpu.memory_space<hbm>>
    tpu.wait_dma2 semaphore(%arg15 : memref<!tpu.dma_semaphore, #tpu.memory_space<semaphore_mem>>) src(%dma_wait3A_45 : memref<128xi32, #tpu.memory_space<hbm>>) dst(%arg11 : memref<128xi32, #tpu.memory_space<vmem>>)
    %barrier3A_46 = arith.constant 0 : index
    tpu.barrier barrier_id(%barrier3A_46)
    %mul3A_47 = arith.constant 640 : i32
    %mul3A_48 = arith.muli %arg1, %mul3A_47 : i32
    %mul3A_49 = arith.constant 640 : i32
    %mul3A_50 = arith.muli %arg1, %mul3A_49 : i32
    "tpu.region"() ({
      %run_scoped3A = tpu.sem_alloc : memref<!tpu.dma_semaphore, #tpu.memory_space<semaphore_mem>>
      %dma_start3A_51 = arith.constant 0 : i32
      %dma_start3A_52 = tpu.memref_slice %arg6[%arg0, %mul3A_50, %dma_start3A_51] : memref<2x10240x128xf32, #tpu.memory_space<hbm>> -> memref<1x640x128xf32, #tpu.memory_space<hbm>>
      %dma_start3A_53 = tpu.memref_squeeze %dma_start3A_52 : memref<1x640x128xf32, #tpu.memory_space<hbm>> -> memref<640x128xf32, #tpu.memory_space<hbm>>
      %dma_start3A_54 = arith.constant 0 : i32
      %dma_start3A_55 = tpu.memref_slice %arg7[%mul3A_48, %dma_start3A_54] : memref<10240x128xf32, #tpu.memory_space<vmem_shared>> -> memref<640x128xf32, #tpu.memory_space<vmem_shared>>
      tpu.enqueue_dma source(%dma_start3A_55 : memref<640x128xf32, #tpu.memory_space<vmem_shared>>) target(%dma_start3A_53 : memref<640x128xf32, #tpu.memory_space<hbm>>) target_semaphore(%run_scoped3A : memref<!tpu.dma_semaphore, #tpu.memory_space<semaphore_mem>>)
      %dma_wait3A_56 = arith.constant 0 : i32
      %dma_wait3A_57 = tpu.memref_slice %arg6[%arg0, %mul3A_50, %dma_wait3A_56] : memref<2x10240x128xf32, #tpu.memory_space<hbm>> -> memref<1x640x128xf32, #tpu.memory_space<hbm>>
      %dma_wait3A_58 = tpu.memref_squeeze %dma_wait3A_57 : memref<1x640x128xf32, #tpu.memory_space<hbm>> -> memref<640x128xf32, #tpu.memory_space<hbm>>
      %dma_wait3A_59 = arith.constant 0 : i32
      %dma_wait3A_60 = tpu.memref_slice %arg7[%mul3A_48, %dma_wait3A_59] : memref<10240x128xf32, #tpu.memory_space<vmem_shared>> -> memref<640x128xf32, #tpu.memory_space<vmem_shared>>
      tpu.wait_dma2 semaphore(%run_scoped3A : memref<!tpu.dma_semaphore, #tpu.memory_space<semaphore_mem>>) src(%dma_wait3A_60 : memref<640x128xf32, #tpu.memory_space<vmem_shared>>) dst(%dma_wait3A_58 : memref<640x128xf32, #tpu.memory_space<hbm>>)
      tpu.yield
    }) : () -> ()
    return
  }
}

#map = affine_map<(d0, d1) -> (0, 0)>
#map1 = affine_map<(d0, d1) -> (0)>
#map2 = affine_map<(d0, d1) -> (0, 0, 0)>
module attributes {stable_mosaic.version = 14 : i64} {
  func.func @_agg_body(%arg0: i32, %arg1: i32, %arg2: memref<10000x128xf32, #tpu.memory_space<hbm>>, %arg3: memref<327680xi32, #tpu.memory_space<hbm>>, %arg4: memref<327680xi32, #tpu.memory_space<hbm>>, %arg5: memref<640x128xf32, #tpu.memory_space<hbm>>, %arg6: memref<2x10240x128xf32, #tpu.memory_space<hbm>>, %arg7: memref<10240x128xf32, #tpu.memory_space<vmem_shared>>, %arg8: memref<128xi32, #tpu.memory_space<vmem>>, %arg9: memref<128xi32, #tpu.memory_space<vmem>>, %arg10: memref<128xi32, #tpu.memory_space<vmem>>, %arg11: memref<128xi32, #tpu.memory_space<vmem>>, %arg12: memref<128x128xf32, #tpu.memory_space<vmem>>, %arg13: memref<128x128xf32, #tpu.memory_space<vmem>>, %arg14: memref<!tpu.dma_semaphore, #tpu.memory_space<semaphore_mem>>, %arg15: memref<!tpu.dma_semaphore, #tpu.memory_space<semaphore_mem>>, %arg16: memref<!tpu.dma_semaphore, #tpu.memory_space<semaphore_mem>>, %arg17: memref<!tpu.dma_semaphore, #tpu.memory_space<semaphore_mem>>) attributes {dimension_semantics = [#tpu.dimension_semantics<core_parallel>, #tpu.dimension_semantics<subcore_parallel>], iteration_bounds = array<i64: 2, 16>, scalar_prefetch = 0 : i64, scratch_operands = 11 : i64, tpu.core_type = #tpu.core_type<sc_vector_subcore>, window_params = [{transform_indices = #map}, {transform_indices = #map1}, {transform_indices = #map1}, {transform_indices = #map}, {transform_indices = #map2}]} {
    %mul3A = arith.constant 16 : i32
    %mul3A_0 = arith.muli %arg0, %mul3A : i32
    %add3A = arith.addi %mul3A_0, %arg1 : i32
    %mul3A_1 = arith.constant 10240 : i32
    %mul3A_2 = arith.muli %add3A, %mul3A_1 : i32
    %mul3A_3 = arith.constant 640 : i32
    %mul3A_4 = arith.muli %arg1, %mul3A_3 : i32
    "tpu.region"() ({
      %run_scoped3A = tpu.sem_alloc : memref<!tpu.dma_semaphore, #tpu.memory_space<semaphore_mem>>
      %dma_start3A_51 = arith.constant 0 : i32
      %dma_start3A_52 = tpu.memref_slice %arg7[%mul3A_4, %dma_start3A_51] : memref<10240x128xf32, #tpu.memory_space<vmem_shared>> -> memref<640x128xf32, #tpu.memory_space<vmem_shared>>
      tpu.enqueue_dma source(%arg5 : memref<640x128xf32, #tpu.memory_space<hbm>>) target(%dma_start3A_52 : memref<640x128xf32, #tpu.memory_space<vmem_shared>>) target_semaphore(%run_scoped3A : memref<!tpu.dma_semaphore, #tpu.memory_space<semaphore_mem>>)
      %dma_wait3A_53 = arith.constant 0 : i32
      %dma_wait3A_54 = tpu.memref_slice %arg7[%mul3A_4, %dma_wait3A_53] : memref<10240x128xf32, #tpu.memory_space<vmem_shared>> -> memref<640x128xf32, #tpu.memory_space<vmem_shared>>
      tpu.wait_dma2 semaphore(%run_scoped3A : memref<!tpu.dma_semaphore, #tpu.memory_space<semaphore_mem>>) src(%arg5 : memref<640x128xf32, #tpu.memory_space<hbm>>) dst(%dma_wait3A_54 : memref<640x128xf32, #tpu.memory_space<vmem_shared>>)
      tpu.yield
    }) : () -> ()
    %barrier3A = arith.constant 0 : index
    tpu.barrier barrier_id(%barrier3A)
    %add3A_5 = arith.constant 0 : i32
    %add3A_6 = arith.addi %mul3A_2, %add3A_5 : i32
    %dma_start3A = tpu.memref_slice %arg3[%add3A_6] : memref<327680xi32, #tpu.memory_space<hbm>> -> memref<128xi32, #tpu.memory_space<hbm>>
    %dma_start3A_7 = tpu.memref_slice %arg3[%add3A_6] : memref<327680xi32, #tpu.memory_space<hbm>> -> memref<128xi32, #tpu.memory_space<hbm>>
    tpu.enqueue_dma source(%dma_start3A_7 : memref<128xi32, #tpu.memory_space<hbm>>) target(%arg8 : memref<128xi32, #tpu.memory_space<vmem>>) target_semaphore(%arg14 : memref<!tpu.dma_semaphore, #tpu.memory_space<semaphore_mem>>)
    %add3A_8 = arith.constant 0 : i32
    %add3A_9 = arith.addi %mul3A_2, %add3A_8 : i32
    %dma_start3A_10 = tpu.memref_slice %arg4[%add3A_9] : memref<327680xi32, #tpu.memory_space<hbm>> -> memref<128xi32, #tpu.memory_space<hbm>>
    %dma_start3A_11 = tpu.memref_slice %arg4[%add3A_9] : memref<327680xi32, #tpu.memory_space<hbm>> -> memref<128xi32, #tpu.memory_space<hbm>>
    tpu.enqueue_dma source(%dma_start3A_11 : memref<128xi32, #tpu.memory_space<hbm>>) target(%arg10 : memref<128xi32, #tpu.memory_space<vmem>>) target_semaphore(%arg14 : memref<!tpu.dma_semaphore, #tpu.memory_space<semaphore_mem>>)
    %add3A_12 = arith.constant 0 : i32
    %add3A_13 = arith.addi %mul3A_2, %add3A_12 : i32
    %dma_wait3A = tpu.memref_slice %arg3[%add3A_13] : memref<327680xi32, #tpu.memory_space<hbm>> -> memref<128xi32, #tpu.memory_space<hbm>>
    %dma_wait3A_14 = tpu.memref_slice %arg3[%add3A_13] : memref<327680xi32, #tpu.memory_space<hbm>> -> memref<128xi32, #tpu.memory_space<hbm>>
    tpu.wait_dma2 semaphore(%arg14 : memref<!tpu.dma_semaphore, #tpu.memory_space<semaphore_mem>>) src(%dma_wait3A_14 : memref<128xi32, #tpu.memory_space<hbm>>) dst(%arg8 : memref<128xi32, #tpu.memory_space<vmem>>)
    %add3A_15 = arith.constant 0 : i32
    %add3A_16 = arith.addi %mul3A_2, %add3A_15 : i32
    %dma_wait3A_17 = tpu.memref_slice %arg4[%add3A_16] : memref<327680xi32, #tpu.memory_space<hbm>> -> memref<128xi32, #tpu.memory_space<hbm>>
    %dma_wait3A_18 = tpu.memref_slice %arg4[%add3A_16] : memref<327680xi32, #tpu.memory_space<hbm>> -> memref<128xi32, #tpu.memory_space<hbm>>
    tpu.wait_dma2 semaphore(%arg14 : memref<!tpu.dma_semaphore, #tpu.memory_space<semaphore_mem>>) src(%dma_wait3A_18 : memref<128xi32, #tpu.memory_space<hbm>>) dst(%arg10 : memref<128xi32, #tpu.memory_space<vmem>>)
    %dma_start3A_19 = arith.constant 0 : i32
    %dma_start3A_20 = arith.constant 0 : i32
    %dma_start3A_21 = tpu.memref_slice %arg2[%dma_start3A_19, %dma_start3A_20] : memref<10000x128xf32, #tpu.memory_space<hbm>> -> memref<10000x128xf32, #tpu.memory_space<hbm>>
    tpu.enqueue_indirect_dma source(%dma_start3A_21 : memref<10000x128xf32, #tpu.memory_space<hbm>>) target(%arg12 : memref<128x128xf32, #tpu.memory_space<vmem>>) offsets(%arg8 : memref<128xi32, #tpu.memory_space<vmem>>) semaphore(%arg16 : memref<!tpu.dma_semaphore, #tpu.memory_space<semaphore_mem>>)
    %add3A_22 = arith.constant 128 : i32
    %add3A_23 = arith.addi %mul3A_2, %add3A_22 : i32
    %dma_start3A_24 = tpu.memref_slice %arg3[%add3A_23] : memref<327680xi32, #tpu.memory_space<hbm>> -> memref<128xi32, #tpu.memory_space<hbm>>
    %dma_start3A_25 = tpu.memref_slice %arg3[%add3A_23] : memref<327680xi32, #tpu.memory_space<hbm>> -> memref<128xi32, #tpu.memory_space<hbm>>
    tpu.enqueue_dma source(%dma_start3A_25 : memref<128xi32, #tpu.memory_space<hbm>>) target(%arg9 : memref<128xi32, #tpu.memory_space<vmem>>) target_semaphore(%arg15 : memref<!tpu.dma_semaphore, #tpu.memory_space<semaphore_mem>>)
    %add3A_26 = arith.constant 128 : i32
    %add3A_27 = arith.addi %mul3A_2, %add3A_26 : i32
    %dma_start3A_28 = tpu.memref_slice %arg4[%add3A_27] : memref<327680xi32, #tpu.memory_space<hbm>> -> memref<128xi32, #tpu.memory_space<hbm>>
    %dma_start3A_29 = tpu.memref_slice %arg4[%add3A_27] : memref<327680xi32, #tpu.memory_space<hbm>> -> memref<128xi32, #tpu.memory_space<hbm>>
    tpu.enqueue_dma source(%dma_start3A_29 : memref<128xi32, #tpu.memory_space<hbm>>) target(%arg11 : memref<128xi32, #tpu.memory_space<vmem>>) target_semaphore(%arg15 : memref<!tpu.dma_semaphore, #tpu.memory_space<semaphore_mem>>)
    %scan3A = arith.constant 0 : i32
    %scan3A_30 = arith.constant 0 : i32
    %scan3A_31 = arith.constant 39 : i32
    %scan3A_32 = arith.addi %scan3A_30, %scan3A_31 : i32
    %scan3A_33 = arith.constant 1 : i32
    scf.for %scan3A_51 = %scan3A_30 to %scan3A_32 step %scan3A_33  : i32 {
      %mul3A_52 = arith.constant 2 : i32
      %mul3A_53 = arith.muli %mul3A_52, %scan3A_51 : i32
      %add3A_54 = arith.constant 1 : i32
      %add3A_55 = arith.addi %mul3A_53, %add3A_54 : i32
      %mul3A_56 = arith.constant 128 : i32
      %mul3A_57 = arith.muli %add3A_55, %mul3A_56 : i32
      %add3A_58 = arith.addi %mul3A_2, %mul3A_57 : i32
      %dma_wait3A_59 = tpu.memref_slice %arg3[%add3A_58] : memref<327680xi32, #tpu.memory_space<hbm>> -> memref<128xi32, #tpu.memory_space<hbm>>
      %dma_wait3A_60 = tpu.memref_slice %arg3[%add3A_58] : memref<327680xi32, #tpu.memory_space<hbm>> -> memref<128xi32, #tpu.memory_space<hbm>>
      tpu.wait_dma2 semaphore(%arg15 : memref<!tpu.dma_semaphore, #tpu.memory_space<semaphore_mem>>) src(%dma_wait3A_60 : memref<128xi32, #tpu.memory_space<hbm>>) dst(%arg9 : memref<128xi32, #tpu.memory_space<vmem>>)
      %mul3A_61 = arith.constant 128 : i32
      %mul3A_62 = arith.muli %add3A_55, %mul3A_61 : i32
      %add3A_63 = arith.addi %mul3A_2, %mul3A_62 : i32
      %dma_wait3A_64 = tpu.memref_slice %arg4[%add3A_63] : memref<327680xi32, #tpu.memory_space<hbm>> -> memref<128xi32, #tpu.memory_space<hbm>>
      %dma_wait3A_65 = tpu.memref_slice %arg4[%add3A_63] : memref<327680xi32, #tpu.memory_space<hbm>> -> memref<128xi32, #tpu.memory_space<hbm>>
      tpu.wait_dma2 semaphore(%arg15 : memref<!tpu.dma_semaphore, #tpu.memory_space<semaphore_mem>>) src(%dma_wait3A_65 : memref<128xi32, #tpu.memory_space<hbm>>) dst(%arg11 : memref<128xi32, #tpu.memory_space<vmem>>)
      %dma_start3A_66 = arith.constant 0 : i32
      %dma_start3A_67 = arith.constant 0 : i32
      %dma_start3A_68 = tpu.memref_slice %arg2[%dma_start3A_66, %dma_start3A_67] : memref<10000x128xf32, #tpu.memory_space<hbm>> -> memref<10000x128xf32, #tpu.memory_space<hbm>>
      tpu.enqueue_indirect_dma source(%dma_start3A_68 : memref<10000x128xf32, #tpu.memory_space<hbm>>) target(%arg13 : memref<128x128xf32, #tpu.memory_space<vmem>>) offsets(%arg9 : memref<128xi32, #tpu.memory_space<vmem>>) semaphore(%arg17 : memref<!tpu.dma_semaphore, #tpu.memory_space<semaphore_mem>>)
      %dma_wait3A_69 = arith.constant 0 : i32
      %dma_wait3A_70 = arith.constant 0 : i32
      %dma_wait3A_71 = tpu.memref_slice %arg2[%dma_wait3A_69, %dma_wait3A_70] : memref<10000x128xf32, #tpu.memory_space<hbm>> -> memref<10000x128xf32, #tpu.memory_space<hbm>>
      tpu.wait_indirect_dma semaphore(%arg16 : memref<!tpu.dma_semaphore, #tpu.memory_space<semaphore_mem>>) src(%dma_wait3A_71 : memref<10000x128xf32, #tpu.memory_space<hbm>>) dst(%arg12 : memref<128x128xf32, #tpu.memory_space<vmem>>)
      "tpu.region"() ({
        %run_scoped3A = tpu.sem_alloc : memref<!tpu.dma_semaphore, #tpu.memory_space<semaphore_mem>>
        %dma_start3A_118 = arith.constant 0 : i32
        %dma_start3A_119 = arith.constant 0 : i32
        %dma_start3A_120 = tpu.memref_slice %arg7[%dma_start3A_118, %dma_start3A_119] : memref<10240x128xf32, #tpu.memory_space<vmem_shared>> -> memref<10240x128xf32, #tpu.memory_space<vmem_shared>>
        tpu.enqueue_indirect_dma source(%arg12 : memref<128x128xf32, #tpu.memory_space<vmem>>) target(%dma_start3A_120 : memref<10240x128xf32, #tpu.memory_space<vmem_shared>>) offsets(%arg10 : memref<128xi32, #tpu.memory_space<vmem>>) semaphore(%run_scoped3A : memref<!tpu.dma_semaphore, #tpu.memory_space<semaphore_mem>>) {add = true}
        %dma_wait3A_121 = arith.constant 0 : i32
        %dma_wait3A_122 = arith.constant 0 : i32
        %dma_wait3A_123 = tpu.memref_slice %arg7[%dma_wait3A_121, %dma_wait3A_122] : memref<10240x128xf32, #tpu.memory_space<vmem_shared>> -> memref<10240x128xf32, #tpu.memory_space<vmem_shared>>
        tpu.wait_indirect_dma semaphore(%run_scoped3A : memref<!tpu.dma_semaphore, #tpu.memory_space<semaphore_mem>>) src(%arg12 : memref<128x128xf32, #tpu.memory_space<vmem>>) dst(%dma_wait3A_123 : memref<10240x128xf32, #tpu.memory_space<vmem_shared>>)
        tpu.yield
      }) : () -> ()
      %add3A_72 = arith.constant 2 : i32
      %add3A_73 = arith.addi %mul3A_53, %add3A_72 : i32
      %mul3A_74 = arith.constant 128 : i32
      %mul3A_75 = arith.muli %add3A_73, %mul3A_74 : i32
      %add3A_76 = arith.addi %mul3A_2, %mul3A_75 : i32
      %dma_start3A_77 = tpu.memref_slice %arg3[%add3A_76] : memref<327680xi32, #tpu.memory_space<hbm>> -> memref<128xi32, #tpu.memory_space<hbm>>
      %dma_start3A_78 = tpu.memref_slice %arg3[%add3A_76] : memref<327680xi32, #tpu.memory_space<hbm>> -> memref<128xi32, #tpu.memory_space<hbm>>
      tpu.enqueue_dma source(%dma_start3A_78 : memref<128xi32, #tpu.memory_space<hbm>>) target(%arg8 : memref<128xi32, #tpu.memory_space<vmem>>) target_semaphore(%arg14 : memref<!tpu.dma_semaphore, #tpu.memory_space<semaphore_mem>>)
      %mul3A_79 = arith.constant 128 : i32
      %mul3A_80 = arith.muli %add3A_73, %mul3A_79 : i32
      %add3A_81 = arith.addi %mul3A_2, %mul3A_80 : i32
      %dma_start3A_82 = tpu.memref_slice %arg4[%add3A_81] : memref<327680xi32, #tpu.memory_space<hbm>> -> memref<128xi32, #tpu.memory_space<hbm>>
      %dma_start3A_83 = tpu.memref_slice %arg4[%add3A_81] : memref<327680xi32, #tpu.memory_space<hbm>> -> memref<128xi32, #tpu.memory_space<hbm>>
      tpu.enqueue_dma source(%dma_start3A_83 : memref<128xi32, #tpu.memory_space<hbm>>) target(%arg10 : memref<128xi32, #tpu.memory_space<vmem>>) target_semaphore(%arg14 : memref<!tpu.dma_semaphore, #tpu.memory_space<semaphore_mem>>)
      %mul3A_84 = arith.constant 2 : i32
      %mul3A_85 = arith.muli %mul3A_84, %scan3A_51 : i32
      %add3A_86 = arith.constant 1 : i32
      %add3A_87 = arith.addi %mul3A_85, %add3A_86 : i32
      %add3A_88 = arith.constant 1 : i32
      %add3A_89 = arith.addi %add3A_87, %add3A_88 : i32
      %mul3A_90 = arith.constant 128 : i32
      %mul3A_91 = arith.muli %add3A_89, %mul3A_90 : i32
      %add3A_92 = arith.addi %mul3A_2, %mul3A_91 : i32
      %dma_wait3A_93 = tpu.memref_slice %arg3[%add3A_92] : memref<327680xi32, #tpu.memory_space<hbm>> -> memref<128xi32, #tpu.memory_space<hbm>>
      %dma_wait3A_94 = tpu.memref_slice %arg3[%add3A_92] : memref<327680xi32, #tpu.memory_space<hbm>> -> memref<128xi32, #tpu.memory_space<hbm>>
      tpu.wait_dma2 semaphore(%arg14 : memref<!tpu.dma_semaphore, #tpu.memory_space<semaphore_mem>>) src(%dma_wait3A_94 : memref<128xi32, #tpu.memory_space<hbm>>) dst(%arg8 : memref<128xi32, #tpu.memory_space<vmem>>)
      %mul3A_95 = arith.constant 128 : i32
      %mul3A_96 = arith.muli %add3A_89, %mul3A_95 : i32
      %add3A_97 = arith.addi %mul3A_2, %mul3A_96 : i32
      %dma_wait3A_98 = tpu.memref_slice %arg4[%add3A_97] : memref<327680xi32, #tpu.memory_space<hbm>> -> memref<128xi32, #tpu.memory_space<hbm>>
      %dma_wait3A_99 = tpu.memref_slice %arg4[%add3A_97] : memref<327680xi32, #tpu.memory_space<hbm>> -> memref<128xi32, #tpu.memory_space<hbm>>
      tpu.wait_dma2 semaphore(%arg14 : memref<!tpu.dma_semaphore, #tpu.memory_space<semaphore_mem>>) src(%dma_wait3A_99 : memref<128xi32, #tpu.memory_space<hbm>>) dst(%arg10 : memref<128xi32, #tpu.memory_space<vmem>>)
      %dma_start3A_100 = arith.constant 0 : i32
      %dma_start3A_101 = arith.constant 0 : i32
      %dma_start3A_102 = tpu.memref_slice %arg2[%dma_start3A_100, %dma_start3A_101] : memref<10000x128xf32, #tpu.memory_space<hbm>> -> memref<10000x128xf32, #tpu.memory_space<hbm>>
      tpu.enqueue_indirect_dma source(%dma_start3A_102 : memref<10000x128xf32, #tpu.memory_space<hbm>>) target(%arg12 : memref<128x128xf32, #tpu.memory_space<vmem>>) offsets(%arg8 : memref<128xi32, #tpu.memory_space<vmem>>) semaphore(%arg16 : memref<!tpu.dma_semaphore, #tpu.memory_space<semaphore_mem>>)
      %dma_wait3A_103 = arith.constant 0 : i32
      %dma_wait3A_104 = arith.constant 0 : i32
      %dma_wait3A_105 = tpu.memref_slice %arg2[%dma_wait3A_103, %dma_wait3A_104] : memref<10000x128xf32, #tpu.memory_space<hbm>> -> memref<10000x128xf32, #tpu.memory_space<hbm>>
      tpu.wait_indirect_dma semaphore(%arg17 : memref<!tpu.dma_semaphore, #tpu.memory_space<semaphore_mem>>) src(%dma_wait3A_105 : memref<10000x128xf32, #tpu.memory_space<hbm>>) dst(%arg13 : memref<128x128xf32, #tpu.memory_space<vmem>>)
      "tpu.region"() ({
        %run_scoped3A = tpu.sem_alloc : memref<!tpu.dma_semaphore, #tpu.memory_space<semaphore_mem>>
        %dma_start3A_118 = arith.constant 0 : i32
        %dma_start3A_119 = arith.constant 0 : i32
        %dma_start3A_120 = tpu.memref_slice %arg7[%dma_start3A_118, %dma_start3A_119] : memref<10240x128xf32, #tpu.memory_space<vmem_shared>> -> memref<10240x128xf32, #tpu.memory_space<vmem_shared>>
        tpu.enqueue_indirect_dma source(%arg13 : memref<128x128xf32, #tpu.memory_space<vmem>>) target(%dma_start3A_120 : memref<10240x128xf32, #tpu.memory_space<vmem_shared>>) offsets(%arg11 : memref<128xi32, #tpu.memory_space<vmem>>) semaphore(%run_scoped3A : memref<!tpu.dma_semaphore, #tpu.memory_space<semaphore_mem>>) {add = true}
        %dma_wait3A_121 = arith.constant 0 : i32
        %dma_wait3A_122 = arith.constant 0 : i32
        %dma_wait3A_123 = tpu.memref_slice %arg7[%dma_wait3A_121, %dma_wait3A_122] : memref<10240x128xf32, #tpu.memory_space<vmem_shared>> -> memref<10240x128xf32, #tpu.memory_space<vmem_shared>>
        tpu.wait_indirect_dma semaphore(%run_scoped3A : memref<!tpu.dma_semaphore, #tpu.memory_space<semaphore_mem>>) src(%arg13 : memref<128x128xf32, #tpu.memory_space<vmem>>) dst(%dma_wait3A_123 : memref<10240x128xf32, #tpu.memory_space<vmem_shared>>)
        tpu.yield
      }) : () -> ()
      %add3A_106 = arith.constant 2 : i32
      %add3A_107 = arith.addi %add3A_87, %add3A_106 : i32
      %mul3A_108 = arith.constant 128 : i32
      %mul3A_109 = arith.muli %add3A_107, %mul3A_108 : i32
      %add3A_110 = arith.addi %mul3A_2, %mul3A_109 : i32
      %dma_start3A_111 = tpu.memref_slice %arg3[%add3A_110] : memref<327680xi32, #tpu.memory_space<hbm>> -> memref<128xi32, #tpu.memory_space<hbm>>
      %dma_start3A_112 = tpu.memref_slice %arg3[%add3A_110] : memref<327680xi32, #tpu.memory_space<hbm>> -> memref<128xi32, #tpu.memory_space<hbm>>
      tpu.enqueue_dma source(%dma_start3A_112 : memref<128xi32, #tpu.memory_space<hbm>>) target(%arg9 : memref<128xi32, #tpu.memory_space<vmem>>) target_semaphore(%arg15 : memref<!tpu.dma_semaphore, #tpu.memory_space<semaphore_mem>>)
      %mul3A_113 = arith.constant 128 : i32
      %mul3A_114 = arith.muli %add3A_107, %mul3A_113 : i32
      %add3A_115 = arith.addi %mul3A_2, %mul3A_114 : i32
      %dma_start3A_116 = tpu.memref_slice %arg4[%add3A_115] : memref<327680xi32, #tpu.memory_space<hbm>> -> memref<128xi32, #tpu.memory_space<hbm>>
      %dma_start3A_117 = tpu.memref_slice %arg4[%add3A_115] : memref<327680xi32, #tpu.memory_space<hbm>> -> memref<128xi32, #tpu.memory_space<hbm>>
      tpu.enqueue_dma source(%dma_start3A_117 : memref<128xi32, #tpu.memory_space<hbm>>) target(%arg11 : memref<128xi32, #tpu.memory_space<vmem>>) target_semaphore(%arg15 : memref<!tpu.dma_semaphore, #tpu.memory_space<semaphore_mem>>)
    }
    %scan3A_34 = arith.constant 39 : i32
    %dma_wait3A_35 = arith.constant 0 : i32
    %dma_wait3A_36 = arith.constant 0 : i32
    %dma_wait3A_37 = tpu.memref_slice %arg2[%dma_wait3A_35, %dma_wait3A_36] : memref<10000x128xf32, #tpu.memory_space<hbm>> -> memref<10000x128xf32, #tpu.memory_space<hbm>>
    tpu.wait_indirect_dma semaphore(%arg16 : memref<!tpu.dma_semaphore, #tpu.memory_space<semaphore_mem>>) src(%dma_wait3A_37 : memref<10000x128xf32, #tpu.memory_space<hbm>>) dst(%arg12 : memref<128x128xf32, #tpu.memory_space<vmem>>)
    "tpu.region"() ({
      %run_scoped3A = tpu.sem_alloc : memref<!tpu.dma_semaphore, #tpu.memory_space<semaphore_mem>>
      %dma_start3A_51 = arith.constant 0 : i32
      %dma_start3A_52 = arith.constant 0 : i32
      %dma_start3A_53 = tpu.memref_slice %arg7[%dma_start3A_51, %dma_start3A_52] : memref<10240x128xf32, #tpu.memory_space<vmem_shared>> -> memref<10240x128xf32, #tpu.memory_space<vmem_shared>>
      tpu.enqueue_indirect_dma source(%arg12 : memref<128x128xf32, #tpu.memory_space<vmem>>) target(%dma_start3A_53 : memref<10240x128xf32, #tpu.memory_space<vmem_shared>>) offsets(%arg10 : memref<128xi32, #tpu.memory_space<vmem>>) semaphore(%run_scoped3A : memref<!tpu.dma_semaphore, #tpu.memory_space<semaphore_mem>>) {add = true}
      %dma_wait3A_54 = arith.constant 0 : i32
      %dma_wait3A_55 = arith.constant 0 : i32
      %dma_wait3A_56 = tpu.memref_slice %arg7[%dma_wait3A_54, %dma_wait3A_55] : memref<10240x128xf32, #tpu.memory_space<vmem_shared>> -> memref<10240x128xf32, #tpu.memory_space<vmem_shared>>
      tpu.wait_indirect_dma semaphore(%run_scoped3A : memref<!tpu.dma_semaphore, #tpu.memory_space<semaphore_mem>>) src(%arg12 : memref<128x128xf32, #tpu.memory_space<vmem>>) dst(%dma_wait3A_56 : memref<10240x128xf32, #tpu.memory_space<vmem_shared>>)
      tpu.yield
    }) : () -> ()
    %add3A_38 = arith.constant 10112 : i32
    %add3A_39 = arith.addi %mul3A_2, %add3A_38 : i32
    %dma_wait3A_40 = tpu.memref_slice %arg3[%add3A_39] : memref<327680xi32, #tpu.memory_space<hbm>> -> memref<128xi32, #tpu.memory_space<hbm>>
    %dma_wait3A_41 = tpu.memref_slice %arg3[%add3A_39] : memref<327680xi32, #tpu.memory_space<hbm>> -> memref<128xi32, #tpu.memory_space<hbm>>
    tpu.wait_dma2 semaphore(%arg15 : memref<!tpu.dma_semaphore, #tpu.memory_space<semaphore_mem>>) src(%dma_wait3A_41 : memref<128xi32, #tpu.memory_space<hbm>>) dst(%arg9 : memref<128xi32, #tpu.memory_space<vmem>>)
    %add3A_42 = arith.constant 10112 : i32
    %add3A_43 = arith.addi %mul3A_2, %add3A_42 : i32
    %dma_wait3A_44 = tpu.memref_slice %arg4[%add3A_43] : memref<327680xi32, #tpu.memory_space<hbm>> -> memref<128xi32, #tpu.memory_space<hbm>>
    %dma_wait3A_45 = tpu.memref_slice %arg4[%add3A_43] : memref<327680xi32, #tpu.memory_space<hbm>> -> memref<128xi32, #tpu.memory_space<hbm>>
    tpu.wait_dma2 semaphore(%arg15 : memref<!tpu.dma_semaphore, #tpu.memory_space<semaphore_mem>>) src(%dma_wait3A_45 : memref<128xi32, #tpu.memory_space<hbm>>) dst(%arg11 : memref<128xi32, #tpu.memory_space<vmem>>)
    %barrier3A_46 = arith.constant 0 : index
    tpu.barrier barrier_id(%barrier3A_46)
    %mul3A_47 = arith.constant 640 : i32
    %mul3A_48 = arith.muli %arg1, %mul3A_47 : i32
    %mul3A_49 = arith.constant 640 : i32
    %mul3A_50 = arith.muli %arg1, %mul3A_49 : i32
    "tpu.region"() ({
      %run_scoped3A = tpu.sem_alloc : memref<!tpu.dma_semaphore, #tpu.memory_space<semaphore_mem>>
      %dma_start3A_51 = arith.constant 0 : i32
      %dma_start3A_52 = tpu.memref_slice %arg6[%arg0, %mul3A_50, %dma_start3A_51] : memref<2x10240x128xf32, #tpu.memory_space<hbm>> -> memref<1x640x128xf32, #tpu.memory_space<hbm>>
      %dma_start3A_53 = tpu.memref_squeeze %dma_start3A_52 : memref<1x640x128xf32, #tpu.memory_space<hbm>> -> memref<640x128xf32, #tpu.memory_space<hbm>>
      %dma_start3A_54 = arith.constant 0 : i32
      %dma_start3A_55 = tpu.memref_slice %arg7[%mul3A_48, %dma_start3A_54] : memref<10240x128xf32, #tpu.memory_space<vmem_shared>> -> memref<640x128xf32, #tpu.memory_space<vmem_shared>>
      tpu.enqueue_dma source(%dma_start3A_55 : memref<640x128xf32, #tpu.memory_space<vmem_shared>>) target(%dma_start3A_53 : memref<640x128xf32, #tpu.memory_space<hbm>>) target_semaphore(%run_scoped3A : memref<!tpu.dma_semaphore, #tpu.memory_space<semaphore_mem>>)
      %dma_wait3A_56 = arith.constant 0 : i32
      %dma_wait3A_57 = tpu.memref_slice %arg6[%arg0, %mul3A_50, %dma_wait3A_56] : memref<2x10240x128xf32, #tpu.memory_space<hbm>> -> memref<1x640x128xf32, #tpu.memory_space<hbm>>
      %dma_wait3A_58 = tpu.memref_squeeze %dma_wait3A_57 : memref<1x640x128xf32, #tpu.memory_space<hbm>> -> memref<640x128xf32, #tpu.memory_space<hbm>>
      %dma_wait3A_59 = arith.constant 0 : i32
      %dma_wait3A_60 = tpu.memref_slice %arg7[%mul3A_48, %dma_wait3A_59] : memref<10240x128xf32, #tpu.memory_space<vmem_shared>> -> memref<640x128xf32, #tpu.memory_space<vmem_shared>>
      tpu.wait_dma2 semaphore(%run_scoped3A : memref<!tpu.dma_semaphore, #tpu.memory_space<semaphore_mem>>) src(%dma_wait3A_60 : memref<640x128xf32, #tpu.memory_space<vmem_shared>>) dst(%dma_wait3A_58 : memref<640x128xf32, #tpu.memory_space<hbm>>)
      tpu.yield
    }) : () -> ()
    return
  }
}

#map = affine_map<(d0, d1) -> (0, 0)>
#map1 = affine_map<(d0, d1) -> (0)>
#map2 = affine_map<(d0, d1) -> (0, 0, 0)>
module attributes {stable_mosaic.version = 14 : i64} {
  func.func @_agg_body(%arg0: i32, %arg1: i32, %arg2: memref<10000x128xf32, #tpu.memory_space<hbm>>, %arg3: memref<327680xi32, #tpu.memory_space<hbm>>, %arg4: memref<327680xi32, #tpu.memory_space<hbm>>, %arg5: memref<640x128xf32, #tpu.memory_space<hbm>>, %arg6: memref<2x10240x128xf32, #tpu.memory_space<hbm>>, %arg7: memref<10240x128xf32, #tpu.memory_space<vmem_shared>>, %arg8: memref<128xi32, #tpu.memory_space<vmem>>, %arg9: memref<128xi32, #tpu.memory_space<vmem>>, %arg10: memref<128xi32, #tpu.memory_space<vmem>>, %arg11: memref<128xi32, #tpu.memory_space<vmem>>, %arg12: memref<128x128xf32, #tpu.memory_space<vmem>>, %arg13: memref<128x128xf32, #tpu.memory_space<vmem>>, %arg14: memref<!tpu.dma_semaphore, #tpu.memory_space<semaphore_mem>>, %arg15: memref<!tpu.dma_semaphore, #tpu.memory_space<semaphore_mem>>, %arg16: memref<!tpu.dma_semaphore, #tpu.memory_space<semaphore_mem>>, %arg17: memref<!tpu.dma_semaphore, #tpu.memory_space<semaphore_mem>>) attributes {dimension_semantics = [#tpu.dimension_semantics<core_parallel>, #tpu.dimension_semantics<subcore_parallel>], iteration_bounds = array<i64: 2, 16>, scalar_prefetch = 0 : i64, scratch_operands = 11 : i64, tpu.core_type = #tpu.core_type<sc_vector_subcore>, window_params = [{transform_indices = #map}, {transform_indices = #map1}, {transform_indices = #map1}, {transform_indices = #map}, {transform_indices = #map2}]} {
    %mul3A = arith.constant 16 : i32
    %mul3A_0 = arith.muli %arg0, %mul3A : i32
    %add3A = arith.addi %mul3A_0, %arg1 : i32
    %mul3A_1 = arith.constant 10240 : i32
    %mul3A_2 = arith.muli %add3A, %mul3A_1 : i32
    %mul3A_3 = arith.constant 640 : i32
    %mul3A_4 = arith.muli %arg1, %mul3A_3 : i32
    "tpu.region"() ({
      %run_scoped3A = tpu.sem_alloc : memref<!tpu.dma_semaphore, #tpu.memory_space<semaphore_mem>>
      %dma_start3A_51 = arith.constant 0 : i32
      %dma_start3A_52 = tpu.memref_slice %arg7[%mul3A_4, %dma_start3A_51] : memref<10240x128xf32, #tpu.memory_space<vmem_shared>> -> memref<640x128xf32, #tpu.memory_space<vmem_shared>>
      tpu.enqueue_dma source(%arg5 : memref<640x128xf32, #tpu.memory_space<hbm>>) target(%dma_start3A_52 : memref<640x128xf32, #tpu.memory_space<vmem_shared>>) target_semaphore(%run_scoped3A : memref<!tpu.dma_semaphore, #tpu.memory_space<semaphore_mem>>)
      %dma_wait3A_53 = arith.constant 0 : i32
      %dma_wait3A_54 = tpu.memref_slice %arg7[%mul3A_4, %dma_wait3A_53] : memref<10240x128xf32, #tpu.memory_space<vmem_shared>> -> memref<640x128xf32, #tpu.memory_space<vmem_shared>>
      tpu.wait_dma2 semaphore(%run_scoped3A : memref<!tpu.dma_semaphore, #tpu.memory_space<semaphore_mem>>) src(%arg5 : memref<640x128xf32, #tpu.memory_space<hbm>>) dst(%dma_wait3A_54 : memref<640x128xf32, #tpu.memory_space<vmem_shared>>)
      tpu.yield
    }) : () -> ()
    %barrier3A = arith.constant 0 : index
    tpu.barrier barrier_id(%barrier3A)
    %add3A_5 = arith.constant 0 : i32
    %add3A_6 = arith.addi %mul3A_2, %add3A_5 : i32
    %dma_start3A = tpu.memref_slice %arg3[%add3A_6] : memref<327680xi32, #tpu.memory_space<hbm>> -> memref<128xi32, #tpu.memory_space<hbm>>
    %dma_start3A_7 = tpu.memref_slice %arg3[%add3A_6] : memref<327680xi32, #tpu.memory_space<hbm>> -> memref<128xi32, #tpu.memory_space<hbm>>
    tpu.enqueue_dma source(%dma_start3A_7 : memref<128xi32, #tpu.memory_space<hbm>>) target(%arg8 : memref<128xi32, #tpu.memory_space<vmem>>) target_semaphore(%arg14 : memref<!tpu.dma_semaphore, #tpu.memory_space<semaphore_mem>>)
    %add3A_8 = arith.constant 0 : i32
    %add3A_9 = arith.addi %mul3A_2, %add3A_8 : i32
    %dma_start3A_10 = tpu.memref_slice %arg4[%add3A_9] : memref<327680xi32, #tpu.memory_space<hbm>> -> memref<128xi32, #tpu.memory_space<hbm>>
    %dma_start3A_11 = tpu.memref_slice %arg4[%add3A_9] : memref<327680xi32, #tpu.memory_space<hbm>> -> memref<128xi32, #tpu.memory_space<hbm>>
    tpu.enqueue_dma source(%dma_start3A_11 : memref<128xi32, #tpu.memory_space<hbm>>) target(%arg10 : memref<128xi32, #tpu.memory_space<vmem>>) target_semaphore(%arg14 : memref<!tpu.dma_semaphore, #tpu.memory_space<semaphore_mem>>)
    %add3A_12 = arith.constant 0 : i32
    %add3A_13 = arith.addi %mul3A_2, %add3A_12 : i32
    %dma_wait3A = tpu.memref_slice %arg3[%add3A_13] : memref<327680xi32, #tpu.memory_space<hbm>> -> memref<128xi32, #tpu.memory_space<hbm>>
    %dma_wait3A_14 = tpu.memref_slice %arg3[%add3A_13] : memref<327680xi32, #tpu.memory_space<hbm>> -> memref<128xi32, #tpu.memory_space<hbm>>
    tpu.wait_dma2 semaphore(%arg14 : memref<!tpu.dma_semaphore, #tpu.memory_space<semaphore_mem>>) src(%dma_wait3A_14 : memref<128xi32, #tpu.memory_space<hbm>>) dst(%arg8 : memref<128xi32, #tpu.memory_space<vmem>>)
    %add3A_15 = arith.constant 0 : i32
    %add3A_16 = arith.addi %mul3A_2, %add3A_15 : i32
    %dma_wait3A_17 = tpu.memref_slice %arg4[%add3A_16] : memref<327680xi32, #tpu.memory_space<hbm>> -> memref<128xi32, #tpu.memory_space<hbm>>
    %dma_wait3A_18 = tpu.memref_slice %arg4[%add3A_16] : memref<327680xi32, #tpu.memory_space<hbm>> -> memref<128xi32, #tpu.memory_space<hbm>>
    tpu.wait_dma2 semaphore(%arg14 : memref<!tpu.dma_semaphore, #tpu.memory_space<semaphore_mem>>) src(%dma_wait3A_18 : memref<128xi32, #tpu.memory_space<hbm>>) dst(%arg10 : memref<128xi32, #tpu.memory_space<vmem>>)
    %dma_start3A_19 = arith.constant 0 : i32
    %dma_start3A_20 = arith.constant 0 : i32
    %dma_start3A_21 = tpu.memref_slice %arg2[%dma_start3A_19, %dma_start3A_20] : memref<10000x128xf32, #tpu.memory_space<hbm>> -> memref<10000x128xf32, #tpu.memory_space<hbm>>
    tpu.enqueue_indirect_dma source(%dma_start3A_21 : memref<10000x128xf32, #tpu.memory_space<hbm>>) target(%arg12 : memref<128x128xf32, #tpu.memory_space<vmem>>) offsets(%arg8 : memref<128xi32, #tpu.memory_space<vmem>>) semaphore(%arg16 : memref<!tpu.dma_semaphore, #tpu.memory_space<semaphore_mem>>)
    %add3A_22 = arith.constant 128 : i32
    %add3A_23 = arith.addi %mul3A_2, %add3A_22 : i32
    %dma_start3A_24 = tpu.memref_slice %arg3[%add3A_23] : memref<327680xi32, #tpu.memory_space<hbm>> -> memref<128xi32, #tpu.memory_space<hbm>>
    %dma_start3A_25 = tpu.memref_slice %arg3[%add3A_23] : memref<327680xi32, #tpu.memory_space<hbm>> -> memref<128xi32, #tpu.memory_space<hbm>>
    tpu.enqueue_dma source(%dma_start3A_25 : memref<128xi32, #tpu.memory_space<hbm>>) target(%arg9 : memref<128xi32, #tpu.memory_space<vmem>>) target_semaphore(%arg15 : memref<!tpu.dma_semaphore, #tpu.memory_space<semaphore_mem>>)
    %add3A_26 = arith.constant 128 : i32
    %add3A_27 = arith.addi %mul3A_2, %add3A_26 : i32
    %dma_start3A_28 = tpu.memref_slice %arg4[%add3A_27] : memref<327680xi32, #tpu.memory_space<hbm>> -> memref<128xi32, #tpu.memory_space<hbm>>
    %dma_start3A_29 = tpu.memref_slice %arg4[%add3A_27] : memref<327680xi32, #tpu.memory_space<hbm>> -> memref<128xi32, #tpu.memory_space<hbm>>
    tpu.enqueue_dma source(%dma_start3A_29 : memref<128xi32, #tpu.memory_space<hbm>>) target(%arg11 : memref<128xi32, #tpu.memory_space<vmem>>) target_semaphore(%arg15 : memref<!tpu.dma_semaphore, #tpu.memory_space<semaphore_mem>>)
    %scan3A = arith.constant 0 : i32
    %scan3A_30 = arith.constant 0 : i32
    %scan3A_31 = arith.constant 39 : i32
    %scan3A_32 = arith.addi %scan3A_30, %scan3A_31 : i32
    %scan3A_33 = arith.constant 1 : i32
    scf.for %scan3A_51 = %scan3A_30 to %scan3A_32 step %scan3A_33  : i32 {
      %mul3A_52 = arith.constant 2 : i32
      %mul3A_53 = arith.muli %mul3A_52, %scan3A_51 : i32
      %add3A_54 = arith.constant 1 : i32
      %add3A_55 = arith.addi %mul3A_53, %add3A_54 : i32
      %mul3A_56 = arith.constant 128 : i32
      %mul3A_57 = arith.muli %add3A_55, %mul3A_56 : i32
      %add3A_58 = arith.addi %mul3A_2, %mul3A_57 : i32
      %dma_wait3A_59 = tpu.memref_slice %arg3[%add3A_58] : memref<327680xi32, #tpu.memory_space<hbm>> -> memref<128xi32, #tpu.memory_space<hbm>>
      %dma_wait3A_60 = tpu.memref_slice %arg3[%add3A_58] : memref<327680xi32, #tpu.memory_space<hbm>> -> memref<128xi32, #tpu.memory_space<hbm>>
      tpu.wait_dma2 semaphore(%arg15 : memref<!tpu.dma_semaphore, #tpu.memory_space<semaphore_mem>>) src(%dma_wait3A_60 : memref<128xi32, #tpu.memory_space<hbm>>) dst(%arg9 : memref<128xi32, #tpu.memory_space<vmem>>)
      %mul3A_61 = arith.constant 128 : i32
      %mul3A_62 = arith.muli %add3A_55, %mul3A_61 : i32
      %add3A_63 = arith.addi %mul3A_2, %mul3A_62 : i32
      %dma_wait3A_64 = tpu.memref_slice %arg4[%add3A_63] : memref<327680xi32, #tpu.memory_space<hbm>> -> memref<128xi32, #tpu.memory_space<hbm>>
      %dma_wait3A_65 = tpu.memref_slice %arg4[%add3A_63] : memref<327680xi32, #tpu.memory_space<hbm>> -> memref<128xi32, #tpu.memory_space<hbm>>
      tpu.wait_dma2 semaphore(%arg15 : memref<!tpu.dma_semaphore, #tpu.memory_space<semaphore_mem>>) src(%dma_wait3A_65 : memref<128xi32, #tpu.memory_space<hbm>>) dst(%arg11 : memref<128xi32, #tpu.memory_space<vmem>>)
      %dma_start3A_66 = arith.constant 0 : i32
      %dma_start3A_67 = arith.constant 0 : i32
      %dma_start3A_68 = tpu.memref_slice %arg2[%dma_start3A_66, %dma_start3A_67] : memref<10000x128xf32, #tpu.memory_space<hbm>> -> memref<10000x128xf32, #tpu.memory_space<hbm>>
      tpu.enqueue_indirect_dma source(%dma_start3A_68 : memref<10000x128xf32, #tpu.memory_space<hbm>>) target(%arg13 : memref<128x128xf32, #tpu.memory_space<vmem>>) offsets(%arg9 : memref<128xi32, #tpu.memory_space<vmem>>) semaphore(%arg17 : memref<!tpu.dma_semaphore, #tpu.memory_space<semaphore_mem>>)
      %dma_wait3A_69 = arith.constant 0 : i32
      %dma_wait3A_70 = arith.constant 0 : i32
      %dma_wait3A_71 = tpu.memref_slice %arg2[%dma_wait3A_69, %dma_wait3A_70] : memref<10000x128xf32, #tpu.memory_space<hbm>> -> memref<10000x128xf32, #tpu.memory_space<hbm>>
      tpu.wait_indirect_dma semaphore(%arg16 : memref<!tpu.dma_semaphore, #tpu.memory_space<semaphore_mem>>) src(%dma_wait3A_71 : memref<10000x128xf32, #tpu.memory_space<hbm>>) dst(%arg12 : memref<128x128xf32, #tpu.memory_space<vmem>>)
      "tpu.region"() ({
        %run_scoped3A = tpu.sem_alloc : memref<!tpu.dma_semaphore, #tpu.memory_space<semaphore_mem>>
        %dma_start3A_118 = arith.constant 0 : i32
        %dma_start3A_119 = arith.constant 0 : i32
        %dma_start3A_120 = tpu.memref_slice %arg7[%dma_start3A_118, %dma_start3A_119] : memref<10240x128xf32, #tpu.memory_space<vmem_shared>> -> memref<10240x128xf32, #tpu.memory_space<vmem_shared>>
        tpu.enqueue_indirect_dma source(%arg12 : memref<128x128xf32, #tpu.memory_space<vmem>>) target(%dma_start3A_120 : memref<10240x128xf32, #tpu.memory_space<vmem_shared>>) offsets(%arg10 : memref<128xi32, #tpu.memory_space<vmem>>) semaphore(%run_scoped3A : memref<!tpu.dma_semaphore, #tpu.memory_space<semaphore_mem>>) {add = true}
        %dma_wait3A_121 = arith.constant 0 : i32
        %dma_wait3A_122 = arith.constant 0 : i32
        %dma_wait3A_123 = tpu.memref_slice %arg7[%dma_wait3A_121, %dma_wait3A_122] : memref<10240x128xf32, #tpu.memory_space<vmem_shared>> -> memref<10240x128xf32, #tpu.memory_space<vmem_shared>>
        tpu.wait_indirect_dma semaphore(%run_scoped3A : memref<!tpu.dma_semaphore, #tpu.memory_space<semaphore_mem>>) src(%arg12 : memref<128x128xf32, #tpu.memory_space<vmem>>) dst(%dma_wait3A_123 : memref<10240x128xf32, #tpu.memory_space<vmem_shared>>)
        tpu.yield
      }) : () -> ()
      %add3A_72 = arith.constant 2 : i32
      %add3A_73 = arith.addi %mul3A_53, %add3A_72 : i32
      %mul3A_74 = arith.constant 128 : i32
      %mul3A_75 = arith.muli %add3A_73, %mul3A_74 : i32
      %add3A_76 = arith.addi %mul3A_2, %mul3A_75 : i32
      %dma_start3A_77 = tpu.memref_slice %arg3[%add3A_76] : memref<327680xi32, #tpu.memory_space<hbm>> -> memref<128xi32, #tpu.memory_space<hbm>>
      %dma_start3A_78 = tpu.memref_slice %arg3[%add3A_76] : memref<327680xi32, #tpu.memory_space<hbm>> -> memref<128xi32, #tpu.memory_space<hbm>>
      tpu.enqueue_dma source(%dma_start3A_78 : memref<128xi32, #tpu.memory_space<hbm>>) target(%arg8 : memref<128xi32, #tpu.memory_space<vmem>>) target_semaphore(%arg14 : memref<!tpu.dma_semaphore, #tpu.memory_space<semaphore_mem>>)
      %mul3A_79 = arith.constant 128 : i32
      %mul3A_80 = arith.muli %add3A_73, %mul3A_79 : i32
      %add3A_81 = arith.addi %mul3A_2, %mul3A_80 : i32
      %dma_start3A_82 = tpu.memref_slice %arg4[%add3A_81] : memref<327680xi32, #tpu.memory_space<hbm>> -> memref<128xi32, #tpu.memory_space<hbm>>
      %dma_start3A_83 = tpu.memref_slice %arg4[%add3A_81] : memref<327680xi32, #tpu.memory_space<hbm>> -> memref<128xi32, #tpu.memory_space<hbm>>
      tpu.enqueue_dma source(%dma_start3A_83 : memref<128xi32, #tpu.memory_space<hbm>>) target(%arg10 : memref<128xi32, #tpu.memory_space<vmem>>) target_semaphore(%arg14 : memref<!tpu.dma_semaphore, #tpu.memory_space<semaphore_mem>>)
      %mul3A_84 = arith.constant 2 : i32
      %mul3A_85 = arith.muli %mul3A_84, %scan3A_51 : i32
      %add3A_86 = arith.constant 1 : i32
      %add3A_87 = arith.addi %mul3A_85, %add3A_86 : i32
      %add3A_88 = arith.constant 1 : i32
      %add3A_89 = arith.addi %add3A_87, %add3A_88 : i32
      %mul3A_90 = arith.constant 128 : i32
      %mul3A_91 = arith.muli %add3A_89, %mul3A_90 : i32
      %add3A_92 = arith.addi %mul3A_2, %mul3A_91 : i32
      %dma_wait3A_93 = tpu.memref_slice %arg3[%add3A_92] : memref<327680xi32, #tpu.memory_space<hbm>> -> memref<128xi32, #tpu.memory_space<hbm>>
      %dma_wait3A_94 = tpu.memref_slice %arg3[%add3A_92] : memref<327680xi32, #tpu.memory_space<hbm>> -> memref<128xi32, #tpu.memory_space<hbm>>
      tpu.wait_dma2 semaphore(%arg14 : memref<!tpu.dma_semaphore, #tpu.memory_space<semaphore_mem>>) src(%dma_wait3A_94 : memref<128xi32, #tpu.memory_space<hbm>>) dst(%arg8 : memref<128xi32, #tpu.memory_space<vmem>>)
      %mul3A_95 = arith.constant 128 : i32
      %mul3A_96 = arith.muli %add3A_89, %mul3A_95 : i32
      %add3A_97 = arith.addi %mul3A_2, %mul3A_96 : i32
      %dma_wait3A_98 = tpu.memref_slice %arg4[%add3A_97] : memref<327680xi32, #tpu.memory_space<hbm>> -> memref<128xi32, #tpu.memory_space<hbm>>
      %dma_wait3A_99 = tpu.memref_slice %arg4[%add3A_97] : memref<327680xi32, #tpu.memory_space<hbm>> -> memref<128xi32, #tpu.memory_space<hbm>>
      tpu.wait_dma2 semaphore(%arg14 : memref<!tpu.dma_semaphore, #tpu.memory_space<semaphore_mem>>) src(%dma_wait3A_99 : memref<128xi32, #tpu.memory_space<hbm>>) dst(%arg10 : memref<128xi32, #tpu.memory_space<vmem>>)
      %dma_start3A_100 = arith.constant 0 : i32
      %dma_start3A_101 = arith.constant 0 : i32
      %dma_start3A_102 = tpu.memref_slice %arg2[%dma_start3A_100, %dma_start3A_101] : memref<10000x128xf32, #tpu.memory_space<hbm>> -> memref<10000x128xf32, #tpu.memory_space<hbm>>
      tpu.enqueue_indirect_dma source(%dma_start3A_102 : memref<10000x128xf32, #tpu.memory_space<hbm>>) target(%arg12 : memref<128x128xf32, #tpu.memory_space<vmem>>) offsets(%arg8 : memref<128xi32, #tpu.memory_space<vmem>>) semaphore(%arg16 : memref<!tpu.dma_semaphore, #tpu.memory_space<semaphore_mem>>)
      %dma_wait3A_103 = arith.constant 0 : i32
      %dma_wait3A_104 = arith.constant 0 : i32
      %dma_wait3A_105 = tpu.memref_slice %arg2[%dma_wait3A_103, %dma_wait3A_104] : memref<10000x128xf32, #tpu.memory_space<hbm>> -> memref<10000x128xf32, #tpu.memory_space<hbm>>
      tpu.wait_indirect_dma semaphore(%arg17 : memref<!tpu.dma_semaphore, #tpu.memory_space<semaphore_mem>>) src(%dma_wait3A_105 : memref<10000x128xf32, #tpu.memory_space<hbm>>) dst(%arg13 : memref<128x128xf32, #tpu.memory_space<vmem>>)
      "tpu.region"() ({
        %run_scoped3A = tpu.sem_alloc : memref<!tpu.dma_semaphore, #tpu.memory_space<semaphore_mem>>
        %dma_start3A_118 = arith.constant 0 : i32
        %dma_start3A_119 = arith.constant 0 : i32
        %dma_start3A_120 = tpu.memref_slice %arg7[%dma_start3A_118, %dma_start3A_119] : memref<10240x128xf32, #tpu.memory_space<vmem_shared>> -> memref<10240x128xf32, #tpu.memory_space<vmem_shared>>
        tpu.enqueue_indirect_dma source(%arg13 : memref<128x128xf32, #tpu.memory_space<vmem>>) target(%dma_start3A_120 : memref<10240x128xf32, #tpu.memory_space<vmem_shared>>) offsets(%arg11 : memref<128xi32, #tpu.memory_space<vmem>>) semaphore(%run_scoped3A : memref<!tpu.dma_semaphore, #tpu.memory_space<semaphore_mem>>) {add = true}
        %dma_wait3A_121 = arith.constant 0 : i32
        %dma_wait3A_122 = arith.constant 0 : i32
        %dma_wait3A_123 = tpu.memref_slice %arg7[%dma_wait3A_121, %dma_wait3A_122] : memref<10240x128xf32, #tpu.memory_space<vmem_shared>> -> memref<10240x128xf32, #tpu.memory_space<vmem_shared>>
        tpu.wait_indirect_dma semaphore(%run_scoped3A : memref<!tpu.dma_semaphore, #tpu.memory_space<semaphore_mem>>) src(%arg13 : memref<128x128xf32, #tpu.memory_space<vmem>>) dst(%dma_wait3A_123 : memref<10240x128xf32, #tpu.memory_space<vmem_shared>>)
        tpu.yield
      }) : () -> ()
      %add3A_106 = arith.constant 2 : i32
      %add3A_107 = arith.addi %add3A_87, %add3A_106 : i32
      %mul3A_108 = arith.constant 128 : i32
      %mul3A_109 = arith.muli %add3A_107, %mul3A_108 : i32
      %add3A_110 = arith.addi %mul3A_2, %mul3A_109 : i32
      %dma_start3A_111 = tpu.memref_slice %arg3[%add3A_110] : memref<327680xi32, #tpu.memory_space<hbm>> -> memref<128xi32, #tpu.memory_space<hbm>>
      %dma_start3A_112 = tpu.memref_slice %arg3[%add3A_110] : memref<327680xi32, #tpu.memory_space<hbm>> -> memref<128xi32, #tpu.memory_space<hbm>>
      tpu.enqueue_dma source(%dma_start3A_112 : memref<128xi32, #tpu.memory_space<hbm>>) target(%arg9 : memref<128xi32, #tpu.memory_space<vmem>>) target_semaphore(%arg15 : memref<!tpu.dma_semaphore, #tpu.memory_space<semaphore_mem>>)
      %mul3A_113 = arith.constant 128 : i32
      %mul3A_114 = arith.muli %add3A_107, %mul3A_113 : i32
      %add3A_115 = arith.addi %mul3A_2, %mul3A_114 : i32
      %dma_start3A_116 = tpu.memref_slice %arg4[%add3A_115] : memref<327680xi32, #tpu.memory_space<hbm>> -> memref<128xi32, #tpu.memory_space<hbm>>
      %dma_start3A_117 = tpu.memref_slice %arg4[%add3A_115] : memref<327680xi32, #tpu.memory_space<hbm>> -> memref<128xi32, #tpu.memory_space<hbm>>
      tpu.enqueue_dma source(%dma_start3A_117 : memref<128xi32, #tpu.memory_space<hbm>>) target(%arg11 : memref<128xi32, #tpu.memory_space<vmem>>) target_semaphore(%arg15 : memref<!tpu.dma_semaphore, #tpu.memory_space<semaphore_mem>>)
    }
    %scan3A_34 = arith.constant 39 : i32
    %dma_wait3A_35 = arith.constant 0 : i32
    %dma_wait3A_36 = arith.constant 0 : i32
    %dma_wait3A_37 = tpu.memref_slice %arg2[%dma_wait3A_35, %dma_wait3A_36] : memref<10000x128xf32, #tpu.memory_space<hbm>> -> memref<10000x128xf32, #tpu.memory_space<hbm>>
    tpu.wait_indirect_dma semaphore(%arg16 : memref<!tpu.dma_semaphore, #tpu.memory_space<semaphore_mem>>) src(%dma_wait3A_37 : memref<10000x128xf32, #tpu.memory_space<hbm>>) dst(%arg12 : memref<128x128xf32, #tpu.memory_space<vmem>>)
    "tpu.region"() ({
      %run_scoped3A = tpu.sem_alloc : memref<!tpu.dma_semaphore, #tpu.memory_space<semaphore_mem>>
      %dma_start3A_51 = arith.constant 0 : i32
      %dma_start3A_52 = arith.constant 0 : i32
      %dma_start3A_53 = tpu.memref_slice %arg7[%dma_start3A_51, %dma_start3A_52] : memref<10240x128xf32, #tpu.memory_space<vmem_shared>> -> memref<10240x128xf32, #tpu.memory_space<vmem_shared>>
      tpu.enqueue_indirect_dma source(%arg12 : memref<128x128xf32, #tpu.memory_space<vmem>>) target(%dma_start3A_53 : memref<10240x128xf32, #tpu.memory_space<vmem_shared>>) offsets(%arg10 : memref<128xi32, #tpu.memory_space<vmem>>) semaphore(%run_scoped3A : memref<!tpu.dma_semaphore, #tpu.memory_space<semaphore_mem>>) {add = true}
      %dma_wait3A_54 = arith.constant 0 : i32
      %dma_wait3A_55 = arith.constant 0 : i32
      %dma_wait3A_56 = tpu.memref_slice %arg7[%dma_wait3A_54, %dma_wait3A_55] : memref<10240x128xf32, #tpu.memory_space<vmem_shared>> -> memref<10240x128xf32, #tpu.memory_space<vmem_shared>>
      tpu.wait_indirect_dma semaphore(%run_scoped3A : memref<!tpu.dma_semaphore, #tpu.memory_space<semaphore_mem>>) src(%arg12 : memref<128x128xf32, #tpu.memory_space<vmem>>) dst(%dma_wait3A_56 : memref<10240x128xf32, #tpu.memory_space<vmem_shared>>)
      tpu.yield
    }) : () -> ()
    %add3A_38 = arith.constant 10112 : i32
    %add3A_39 = arith.addi %mul3A_2, %add3A_38 : i32
    %dma_wait3A_40 = tpu.memref_slice %arg3[%add3A_39] : memref<327680xi32, #tpu.memory_space<hbm>> -> memref<128xi32, #tpu.memory_space<hbm>>
    %dma_wait3A_41 = tpu.memref_slice %arg3[%add3A_39] : memref<327680xi32, #tpu.memory_space<hbm>> -> memref<128xi32, #tpu.memory_space<hbm>>
    tpu.wait_dma2 semaphore(%arg15 : memref<!tpu.dma_semaphore, #tpu.memory_space<semaphore_mem>>) src(%dma_wait3A_41 : memref<128xi32, #tpu.memory_space<hbm>>) dst(%arg9 : memref<128xi32, #tpu.memory_space<vmem>>)
    %add3A_42 = arith.constant 10112 : i32
    %add3A_43 = arith.addi %mul3A_2, %add3A_42 : i32
    %dma_wait3A_44 = tpu.memref_slice %arg4[%add3A_43] : memref<327680xi32, #tpu.memory_space<hbm>> -> memref<128xi32, #tpu.memory_space<hbm>>
    %dma_wait3A_45 = tpu.memref_slice %arg4[%add3A_43] : memref<327680xi32, #tpu.memory_space<hbm>> -> memref<128xi32, #tpu.memory_space<hbm>>
    tpu.wait_dma2 semaphore(%arg15 : memref<!tpu.dma_semaphore, #tpu.memory_space<semaphore_mem>>) src(%dma_wait3A_45 : memref<128xi32, #tpu.memory_space<hbm>>) dst(%arg11 : memref<128xi32, #tpu.memory_space<vmem>>)
    %barrier3A_46 = arith.constant 0 : index
    tpu.barrier barrier_id(%barrier3A_46)
    %mul3A_47 = arith.constant 640 : i32
    %mul3A_48 = arith.muli %arg1, %mul3A_47 : i32
    %mul3A_49 = arith.constant 640 : i32
    %mul3A_50 = arith.muli %arg1, %mul3A_49 : i32
    "tpu.region"() ({
      %run_scoped3A = tpu.sem_alloc : memref<!tpu.dma_semaphore, #tpu.memory_space<semaphore_mem>>
      %dma_start3A_51 = arith.constant 0 : i32
      %dma_start3A_52 = tpu.memref_slice %arg6[%arg0, %mul3A_50, %dma_start3A_51] : memref<2x10240x128xf32, #tpu.memory_space<hbm>> -> memref<1x640x128xf32, #tpu.memory_space<hbm>>
      %dma_start3A_53 = tpu.memref_squeeze %dma_start3A_52 : memref<1x640x128xf32, #tpu.memory_space<hbm>> -> memref<640x128xf32, #tpu.memory_space<hbm>>
      %dma_start3A_54 = arith.constant 0 : i32
      %dma_start3A_55 = tpu.memref_slice %arg7[%mul3A_48, %dma_start3A_54] : memref<10240x128xf32, #tpu.memory_space<vmem_shared>> -> memref<640x128xf32, #tpu.memory_space<vmem_shared>>
      tpu.enqueue_dma source(%dma_start3A_55 : memref<640x128xf32, #tpu.memory_space<vmem_shared>>) target(%dma_start3A_53 : memref<640x128xf32, #tpu.memory_space<hbm>>) target_semaphore(%run_scoped3A : memref<!tpu.dma_semaphore, #tpu.memory_space<semaphore_mem>>)
      %dma_wait3A_56 = arith.constant 0 : i32
      %dma_wait3A_57 = tpu.memref_slice %arg6[%arg0, %mul3A_50, %dma_wait3A_56] : memref<2x10240x128xf32, #tpu.memory_space<hbm>> -> memref<1x640x128xf32, #tpu.memory_space<hbm>>
      %dma_wait3A_58 = tpu.memref_squeeze %dma_wait3A_57 : memref<1x640x128xf32, #tpu.memory_space<hbm>> -> memref<640x128xf32, #tpu.memory_space<hbm>>
      %dma_wait3A_59 = arith.constant 0 : i32
      %dma_wait3A_60 = tpu.memref_slice %arg7[%mul3A_48, %dma_wait3A_59] : memref<10240x128xf32, #tpu.memory_space<vmem_shared>> -> memref<640x128xf32, #tpu.memory_space<vmem_shared>>
      tpu.wait_dma2 semaphore(%run_scoped3A : memref<!tpu.dma_semaphore, #tpu.memory_space<semaphore_mem>>) src(%dma_wait3A_60 : memref<640x128xf32, #tpu.memory_space<vmem_shared>>) dst(%dma_wait3A_58 : memref<640x128xf32, #tpu.memory_space<hbm>>)
      tpu.yield
    }) : () -> ()
    return
  }
}

#map = affine_map<(d0, d1) -> (0, 0)>
#map1 = affine_map<(d0, d1) -> (0)>
#map2 = affine_map<(d0, d1) -> (0, 0, 0)>
module attributes {stable_mosaic.version = 14 : i64} {
  func.func @_agg_body(%arg0: i32, %arg1: i32, %arg2: memref<10000x128xf32, #tpu.memory_space<hbm>>, %arg3: memref<327680xi32, #tpu.memory_space<hbm>>, %arg4: memref<327680xi32, #tpu.memory_space<hbm>>, %arg5: memref<640x128xf32, #tpu.memory_space<hbm>>, %arg6: memref<2x10240x128xf32, #tpu.memory_space<hbm>>, %arg7: memref<10240x128xf32, #tpu.memory_space<vmem_shared>>, %arg8: memref<128xi32, #tpu.memory_space<vmem>>, %arg9: memref<128xi32, #tpu.memory_space<vmem>>, %arg10: memref<128xi32, #tpu.memory_space<vmem>>, %arg11: memref<128xi32, #tpu.memory_space<vmem>>, %arg12: memref<128x128xf32, #tpu.memory_space<vmem>>, %arg13: memref<128x128xf32, #tpu.memory_space<vmem>>, %arg14: memref<!tpu.dma_semaphore, #tpu.memory_space<semaphore_mem>>, %arg15: memref<!tpu.dma_semaphore, #tpu.memory_space<semaphore_mem>>, %arg16: memref<!tpu.dma_semaphore, #tpu.memory_space<semaphore_mem>>, %arg17: memref<!tpu.dma_semaphore, #tpu.memory_space<semaphore_mem>>) attributes {dimension_semantics = [#tpu.dimension_semantics<core_parallel>, #tpu.dimension_semantics<subcore_parallel>], iteration_bounds = array<i64: 2, 16>, scalar_prefetch = 0 : i64, scratch_operands = 11 : i64, tpu.core_type = #tpu.core_type<sc_vector_subcore>, window_params = [{transform_indices = #map}, {transform_indices = #map1}, {transform_indices = #map1}, {transform_indices = #map}, {transform_indices = #map2}]} {
    %mul3A = arith.constant 16 : i32
    %mul3A_0 = arith.muli %arg0, %mul3A : i32
    %add3A = arith.addi %mul3A_0, %arg1 : i32
    %mul3A_1 = arith.constant 10240 : i32
    %mul3A_2 = arith.muli %add3A, %mul3A_1 : i32
    %mul3A_3 = arith.constant 640 : i32
    %mul3A_4 = arith.muli %arg1, %mul3A_3 : i32
    "tpu.region"() ({
      %run_scoped3A = tpu.sem_alloc : memref<!tpu.dma_semaphore, #tpu.memory_space<semaphore_mem>>
      %dma_start3A_51 = arith.constant 0 : i32
      %dma_start3A_52 = tpu.memref_slice %arg7[%mul3A_4, %dma_start3A_51] : memref<10240x128xf32, #tpu.memory_space<vmem_shared>> -> memref<640x128xf32, #tpu.memory_space<vmem_shared>>
      tpu.enqueue_dma source(%arg5 : memref<640x128xf32, #tpu.memory_space<hbm>>) target(%dma_start3A_52 : memref<640x128xf32, #tpu.memory_space<vmem_shared>>) target_semaphore(%run_scoped3A : memref<!tpu.dma_semaphore, #tpu.memory_space<semaphore_mem>>)
      %dma_wait3A_53 = arith.constant 0 : i32
      %dma_wait3A_54 = tpu.memref_slice %arg7[%mul3A_4, %dma_wait3A_53] : memref<10240x128xf32, #tpu.memory_space<vmem_shared>> -> memref<640x128xf32, #tpu.memory_space<vmem_shared>>
      tpu.wait_dma2 semaphore(%run_scoped3A : memref<!tpu.dma_semaphore, #tpu.memory_space<semaphore_mem>>) src(%arg5 : memref<640x128xf32, #tpu.memory_space<hbm>>) dst(%dma_wait3A_54 : memref<640x128xf32, #tpu.memory_space<vmem_shared>>)
      tpu.yield
    }) : () -> ()
    %barrier3A = arith.constant 0 : index
    tpu.barrier barrier_id(%barrier3A)
    %add3A_5 = arith.constant 0 : i32
    %add3A_6 = arith.addi %mul3A_2, %add3A_5 : i32
    %dma_start3A = tpu.memref_slice %arg3[%add3A_6] : memref<327680xi32, #tpu.memory_space<hbm>> -> memref<128xi32, #tpu.memory_space<hbm>>
    %dma_start3A_7 = tpu.memref_slice %arg3[%add3A_6] : memref<327680xi32, #tpu.memory_space<hbm>> -> memref<128xi32, #tpu.memory_space<hbm>>
    tpu.enqueue_dma source(%dma_start3A_7 : memref<128xi32, #tpu.memory_space<hbm>>) target(%arg8 : memref<128xi32, #tpu.memory_space<vmem>>) target_semaphore(%arg14 : memref<!tpu.dma_semaphore, #tpu.memory_space<semaphore_mem>>)
    %add3A_8 = arith.constant 0 : i32
    %add3A_9 = arith.addi %mul3A_2, %add3A_8 : i32
    %dma_start3A_10 = tpu.memref_slice %arg4[%add3A_9] : memref<327680xi32, #tpu.memory_space<hbm>> -> memref<128xi32, #tpu.memory_space<hbm>>
    %dma_start3A_11 = tpu.memref_slice %arg4[%add3A_9] : memref<327680xi32, #tpu.memory_space<hbm>> -> memref<128xi32, #tpu.memory_space<hbm>>
    tpu.enqueue_dma source(%dma_start3A_11 : memref<128xi32, #tpu.memory_space<hbm>>) target(%arg10 : memref<128xi32, #tpu.memory_space<vmem>>) target_semaphore(%arg14 : memref<!tpu.dma_semaphore, #tpu.memory_space<semaphore_mem>>)
    %add3A_12 = arith.constant 0 : i32
    %add3A_13 = arith.addi %mul3A_2, %add3A_12 : i32
    %dma_wait3A = tpu.memref_slice %arg3[%add3A_13] : memref<327680xi32, #tpu.memory_space<hbm>> -> memref<128xi32, #tpu.memory_space<hbm>>
    %dma_wait3A_14 = tpu.memref_slice %arg3[%add3A_13] : memref<327680xi32, #tpu.memory_space<hbm>> -> memref<128xi32, #tpu.memory_space<hbm>>
    tpu.wait_dma2 semaphore(%arg14 : memref<!tpu.dma_semaphore, #tpu.memory_space<semaphore_mem>>) src(%dma_wait3A_14 : memref<128xi32, #tpu.memory_space<hbm>>) dst(%arg8 : memref<128xi32, #tpu.memory_space<vmem>>)
    %add3A_15 = arith.constant 0 : i32
    %add3A_16 = arith.addi %mul3A_2, %add3A_15 : i32
    %dma_wait3A_17 = tpu.memref_slice %arg4[%add3A_16] : memref<327680xi32, #tpu.memory_space<hbm>> -> memref<128xi32, #tpu.memory_space<hbm>>
    %dma_wait3A_18 = tpu.memref_slice %arg4[%add3A_16] : memref<327680xi32, #tpu.memory_space<hbm>> -> memref<128xi32, #tpu.memory_space<hbm>>
    tpu.wait_dma2 semaphore(%arg14 : memref<!tpu.dma_semaphore, #tpu.memory_space<semaphore_mem>>) src(%dma_wait3A_18 : memref<128xi32, #tpu.memory_space<hbm>>) dst(%arg10 : memref<128xi32, #tpu.memory_space<vmem>>)
    %dma_start3A_19 = arith.constant 0 : i32
    %dma_start3A_20 = arith.constant 0 : i32
    %dma_start3A_21 = tpu.memref_slice %arg2[%dma_start3A_19, %dma_start3A_20] : memref<10000x128xf32, #tpu.memory_space<hbm>> -> memref<10000x128xf32, #tpu.memory_space<hbm>>
    tpu.enqueue_indirect_dma source(%dma_start3A_21 : memref<10000x128xf32, #tpu.memory_space<hbm>>) target(%arg12 : memref<128x128xf32, #tpu.memory_space<vmem>>) offsets(%arg8 : memref<128xi32, #tpu.memory_space<vmem>>) semaphore(%arg16 : memref<!tpu.dma_semaphore, #tpu.memory_space<semaphore_mem>>)
    %add3A_22 = arith.constant 128 : i32
    %add3A_23 = arith.addi %mul3A_2, %add3A_22 : i32
    %dma_start3A_24 = tpu.memref_slice %arg3[%add3A_23] : memref<327680xi32, #tpu.memory_space<hbm>> -> memref<128xi32, #tpu.memory_space<hbm>>
    %dma_start3A_25 = tpu.memref_slice %arg3[%add3A_23] : memref<327680xi32, #tpu.memory_space<hbm>> -> memref<128xi32, #tpu.memory_space<hbm>>
    tpu.enqueue_dma source(%dma_start3A_25 : memref<128xi32, #tpu.memory_space<hbm>>) target(%arg9 : memref<128xi32, #tpu.memory_space<vmem>>) target_semaphore(%arg15 : memref<!tpu.dma_semaphore, #tpu.memory_space<semaphore_mem>>)
    %add3A_26 = arith.constant 128 : i32
    %add3A_27 = arith.addi %mul3A_2, %add3A_26 : i32
    %dma_start3A_28 = tpu.memref_slice %arg4[%add3A_27] : memref<327680xi32, #tpu.memory_space<hbm>> -> memref<128xi32, #tpu.memory_space<hbm>>
    %dma_start3A_29 = tpu.memref_slice %arg4[%add3A_27] : memref<327680xi32, #tpu.memory_space<hbm>> -> memref<128xi32, #tpu.memory_space<hbm>>
    tpu.enqueue_dma source(%dma_start3A_29 : memref<128xi32, #tpu.memory_space<hbm>>) target(%arg11 : memref<128xi32, #tpu.memory_space<vmem>>) target_semaphore(%arg15 : memref<!tpu.dma_semaphore, #tpu.memory_space<semaphore_mem>>)
    %scan3A = arith.constant 0 : i32
    %scan3A_30 = arith.constant 0 : i32
    %scan3A_31 = arith.constant 39 : i32
    %scan3A_32 = arith.addi %scan3A_30, %scan3A_31 : i32
    %scan3A_33 = arith.constant 1 : i32
    scf.for %scan3A_51 = %scan3A_30 to %scan3A_32 step %scan3A_33  : i32 {
      %mul3A_52 = arith.constant 2 : i32
      %mul3A_53 = arith.muli %mul3A_52, %scan3A_51 : i32
      %add3A_54 = arith.constant 1 : i32
      %add3A_55 = arith.addi %mul3A_53, %add3A_54 : i32
      %mul3A_56 = arith.constant 128 : i32
      %mul3A_57 = arith.muli %add3A_55, %mul3A_56 : i32
      %add3A_58 = arith.addi %mul3A_2, %mul3A_57 : i32
      %dma_wait3A_59 = tpu.memref_slice %arg3[%add3A_58] : memref<327680xi32, #tpu.memory_space<hbm>> -> memref<128xi32, #tpu.memory_space<hbm>>
      %dma_wait3A_60 = tpu.memref_slice %arg3[%add3A_58] : memref<327680xi32, #tpu.memory_space<hbm>> -> memref<128xi32, #tpu.memory_space<hbm>>
      tpu.wait_dma2 semaphore(%arg15 : memref<!tpu.dma_semaphore, #tpu.memory_space<semaphore_mem>>) src(%dma_wait3A_60 : memref<128xi32, #tpu.memory_space<hbm>>) dst(%arg9 : memref<128xi32, #tpu.memory_space<vmem>>)
      %mul3A_61 = arith.constant 128 : i32
      %mul3A_62 = arith.muli %add3A_55, %mul3A_61 : i32
      %add3A_63 = arith.addi %mul3A_2, %mul3A_62 : i32
      %dma_wait3A_64 = tpu.memref_slice %arg4[%add3A_63] : memref<327680xi32, #tpu.memory_space<hbm>> -> memref<128xi32, #tpu.memory_space<hbm>>
      %dma_wait3A_65 = tpu.memref_slice %arg4[%add3A_63] : memref<327680xi32, #tpu.memory_space<hbm>> -> memref<128xi32, #tpu.memory_space<hbm>>
      tpu.wait_dma2 semaphore(%arg15 : memref<!tpu.dma_semaphore, #tpu.memory_space<semaphore_mem>>) src(%dma_wait3A_65 : memref<128xi32, #tpu.memory_space<hbm>>) dst(%arg11 : memref<128xi32, #tpu.memory_space<vmem>>)
      %dma_start3A_66 = arith.constant 0 : i32
      %dma_start3A_67 = arith.constant 0 : i32
      %dma_start3A_68 = tpu.memref_slice %arg2[%dma_start3A_66, %dma_start3A_67] : memref<10000x128xf32, #tpu.memory_space<hbm>> -> memref<10000x128xf32, #tpu.memory_space<hbm>>
      tpu.enqueue_indirect_dma source(%dma_start3A_68 : memref<10000x128xf32, #tpu.memory_space<hbm>>) target(%arg13 : memref<128x128xf32, #tpu.memory_space<vmem>>) offsets(%arg9 : memref<128xi32, #tpu.memory_space<vmem>>) semaphore(%arg17 : memref<!tpu.dma_semaphore, #tpu.memory_space<semaphore_mem>>)
      %dma_wait3A_69 = arith.constant 0 : i32
      %dma_wait3A_70 = arith.constant 0 : i32
      %dma_wait3A_71 = tpu.memref_slice %arg2[%dma_wait3A_69, %dma_wait3A_70] : memref<10000x128xf32, #tpu.memory_space<hbm>> -> memref<10000x128xf32, #tpu.memory_space<hbm>>
      tpu.wait_indirect_dma semaphore(%arg16 : memref<!tpu.dma_semaphore, #tpu.memory_space<semaphore_mem>>) src(%dma_wait3A_71 : memref<10000x128xf32, #tpu.memory_space<hbm>>) dst(%arg12 : memref<128x128xf32, #tpu.memory_space<vmem>>)
      "tpu.region"() ({
        %run_scoped3A = tpu.sem_alloc : memref<!tpu.dma_semaphore, #tpu.memory_space<semaphore_mem>>
        %dma_start3A_118 = arith.constant 0 : i32
        %dma_start3A_119 = arith.constant 0 : i32
        %dma_start3A_120 = tpu.memref_slice %arg7[%dma_start3A_118, %dma_start3A_119] : memref<10240x128xf32, #tpu.memory_space<vmem_shared>> -> memref<10240x128xf32, #tpu.memory_space<vmem_shared>>
        tpu.enqueue_indirect_dma source(%arg12 : memref<128x128xf32, #tpu.memory_space<vmem>>) target(%dma_start3A_120 : memref<10240x128xf32, #tpu.memory_space<vmem_shared>>) offsets(%arg10 : memref<128xi32, #tpu.memory_space<vmem>>) semaphore(%run_scoped3A : memref<!tpu.dma_semaphore, #tpu.memory_space<semaphore_mem>>) {add = true}
        %dma_wait3A_121 = arith.constant 0 : i32
        %dma_wait3A_122 = arith.constant 0 : i32
        %dma_wait3A_123 = tpu.memref_slice %arg7[%dma_wait3A_121, %dma_wait3A_122] : memref<10240x128xf32, #tpu.memory_space<vmem_shared>> -> memref<10240x128xf32, #tpu.memory_space<vmem_shared>>
        tpu.wait_indirect_dma semaphore(%run_scoped3A : memref<!tpu.dma_semaphore, #tpu.memory_space<semaphore_mem>>) src(%arg12 : memref<128x128xf32, #tpu.memory_space<vmem>>) dst(%dma_wait3A_123 : memref<10240x128xf32, #tpu.memory_space<vmem_shared>>)
        tpu.yield
      }) : () -> ()
      %add3A_72 = arith.constant 2 : i32
      %add3A_73 = arith.addi %mul3A_53, %add3A_72 : i32
      %mul3A_74 = arith.constant 128 : i32
      %mul3A_75 = arith.muli %add3A_73, %mul3A_74 : i32
      %add3A_76 = arith.addi %mul3A_2, %mul3A_75 : i32
      %dma_start3A_77 = tpu.memref_slice %arg3[%add3A_76] : memref<327680xi32, #tpu.memory_space<hbm>> -> memref<128xi32, #tpu.memory_space<hbm>>
      %dma_start3A_78 = tpu.memref_slice %arg3[%add3A_76] : memref<327680xi32, #tpu.memory_space<hbm>> -> memref<128xi32, #tpu.memory_space<hbm>>
      tpu.enqueue_dma source(%dma_start3A_78 : memref<128xi32, #tpu.memory_space<hbm>>) target(%arg8 : memref<128xi32, #tpu.memory_space<vmem>>) target_semaphore(%arg14 : memref<!tpu.dma_semaphore, #tpu.memory_space<semaphore_mem>>)
      %mul3A_79 = arith.constant 128 : i32
      %mul3A_80 = arith.muli %add3A_73, %mul3A_79 : i32
      %add3A_81 = arith.addi %mul3A_2, %mul3A_80 : i32
      %dma_start3A_82 = tpu.memref_slice %arg4[%add3A_81] : memref<327680xi32, #tpu.memory_space<hbm>> -> memref<128xi32, #tpu.memory_space<hbm>>
      %dma_start3A_83 = tpu.memref_slice %arg4[%add3A_81] : memref<327680xi32, #tpu.memory_space<hbm>> -> memref<128xi32, #tpu.memory_space<hbm>>
      tpu.enqueue_dma source(%dma_start3A_83 : memref<128xi32, #tpu.memory_space<hbm>>) target(%arg10 : memref<128xi32, #tpu.memory_space<vmem>>) target_semaphore(%arg14 : memref<!tpu.dma_semaphore, #tpu.memory_space<semaphore_mem>>)
      %mul3A_84 = arith.constant 2 : i32
      %mul3A_85 = arith.muli %mul3A_84, %scan3A_51 : i32
      %add3A_86 = arith.constant 1 : i32
      %add3A_87 = arith.addi %mul3A_85, %add3A_86 : i32
      %add3A_88 = arith.constant 1 : i32
      %add3A_89 = arith.addi %add3A_87, %add3A_88 : i32
      %mul3A_90 = arith.constant 128 : i32
      %mul3A_91 = arith.muli %add3A_89, %mul3A_90 : i32
      %add3A_92 = arith.addi %mul3A_2, %mul3A_91 : i32
      %dma_wait3A_93 = tpu.memref_slice %arg3[%add3A_92] : memref<327680xi32, #tpu.memory_space<hbm>> -> memref<128xi32, #tpu.memory_space<hbm>>
      %dma_wait3A_94 = tpu.memref_slice %arg3[%add3A_92] : memref<327680xi32, #tpu.memory_space<hbm>> -> memref<128xi32, #tpu.memory_space<hbm>>
      tpu.wait_dma2 semaphore(%arg14 : memref<!tpu.dma_semaphore, #tpu.memory_space<semaphore_mem>>) src(%dma_wait3A_94 : memref<128xi32, #tpu.memory_space<hbm>>) dst(%arg8 : memref<128xi32, #tpu.memory_space<vmem>>)
      %mul3A_95 = arith.constant 128 : i32
      %mul3A_96 = arith.muli %add3A_89, %mul3A_95 : i32
      %add3A_97 = arith.addi %mul3A_2, %mul3A_96 : i32
      %dma_wait3A_98 = tpu.memref_slice %arg4[%add3A_97] : memref<327680xi32, #tpu.memory_space<hbm>> -> memref<128xi32, #tpu.memory_space<hbm>>
      %dma_wait3A_99 = tpu.memref_slice %arg4[%add3A_97] : memref<327680xi32, #tpu.memory_space<hbm>> -> memref<128xi32, #tpu.memory_space<hbm>>
      tpu.wait_dma2 semaphore(%arg14 : memref<!tpu.dma_semaphore, #tpu.memory_space<semaphore_mem>>) src(%dma_wait3A_99 : memref<128xi32, #tpu.memory_space<hbm>>) dst(%arg10 : memref<128xi32, #tpu.memory_space<vmem>>)
      %dma_start3A_100 = arith.constant 0 : i32
      %dma_start3A_101 = arith.constant 0 : i32
      %dma_start3A_102 = tpu.memref_slice %arg2[%dma_start3A_100, %dma_start3A_101] : memref<10000x128xf32, #tpu.memory_space<hbm>> -> memref<10000x128xf32, #tpu.memory_space<hbm>>
      tpu.enqueue_indirect_dma source(%dma_start3A_102 : memref<10000x128xf32, #tpu.memory_space<hbm>>) target(%arg12 : memref<128x128xf32, #tpu.memory_space<vmem>>) offsets(%arg8 : memref<128xi32, #tpu.memory_space<vmem>>) semaphore(%arg16 : memref<!tpu.dma_semaphore, #tpu.memory_space<semaphore_mem>>)
      %dma_wait3A_103 = arith.constant 0 : i32
      %dma_wait3A_104 = arith.constant 0 : i32
      %dma_wait3A_105 = tpu.memref_slice %arg2[%dma_wait3A_103, %dma_wait3A_104] : memref<10000x128xf32, #tpu.memory_space<hbm>> -> memref<10000x128xf32, #tpu.memory_space<hbm>>
      tpu.wait_indirect_dma semaphore(%arg17 : memref<!tpu.dma_semaphore, #tpu.memory_space<semaphore_mem>>) src(%dma_wait3A_105 : memref<10000x128xf32, #tpu.memory_space<hbm>>) dst(%arg13 : memref<128x128xf32, #tpu.memory_space<vmem>>)
      "tpu.region"() ({
        %run_scoped3A = tpu.sem_alloc : memref<!tpu.dma_semaphore, #tpu.memory_space<semaphore_mem>>
        %dma_start3A_118 = arith.constant 0 : i32
        %dma_start3A_119 = arith.constant 0 : i32
        %dma_start3A_120 = tpu.memref_slice %arg7[%dma_start3A_118, %dma_start3A_119] : memref<10240x128xf32, #tpu.memory_space<vmem_shared>> -> memref<10240x128xf32, #tpu.memory_space<vmem_shared>>
        tpu.enqueue_indirect_dma source(%arg13 : memref<128x128xf32, #tpu.memory_space<vmem>>) target(%dma_start3A_120 : memref<10240x128xf32, #tpu.memory_space<vmem_shared>>) offsets(%arg11 : memref<128xi32, #tpu.memory_space<vmem>>) semaphore(%run_scoped3A : memref<!tpu.dma_semaphore, #tpu.memory_space<semaphore_mem>>) {add = true}
        %dma_wait3A_121 = arith.constant 0 : i32
        %dma_wait3A_122 = arith.constant 0 : i32
        %dma_wait3A_123 = tpu.memref_slice %arg7[%dma_wait3A_121, %dma_wait3A_122] : memref<10240x128xf32, #tpu.memory_space<vmem_shared>> -> memref<10240x128xf32, #tpu.memory_space<vmem_shared>>
        tpu.wait_indirect_dma semaphore(%run_scoped3A : memref<!tpu.dma_semaphore, #tpu.memory_space<semaphore_mem>>) src(%arg13 : memref<128x128xf32, #tpu.memory_space<vmem>>) dst(%dma_wait3A_123 : memref<10240x128xf32, #tpu.memory_space<vmem_shared>>)
        tpu.yield
      }) : () -> ()
      %add3A_106 = arith.constant 2 : i32
      %add3A_107 = arith.addi %add3A_87, %add3A_106 : i32
      %mul3A_108 = arith.constant 128 : i32
      %mul3A_109 = arith.muli %add3A_107, %mul3A_108 : i32
      %add3A_110 = arith.addi %mul3A_2, %mul3A_109 : i32
      %dma_start3A_111 = tpu.memref_slice %arg3[%add3A_110] : memref<327680xi32, #tpu.memory_space<hbm>> -> memref<128xi32, #tpu.memory_space<hbm>>
      %dma_start3A_112 = tpu.memref_slice %arg3[%add3A_110] : memref<327680xi32, #tpu.memory_space<hbm>> -> memref<128xi32, #tpu.memory_space<hbm>>
      tpu.enqueue_dma source(%dma_start3A_112 : memref<128xi32, #tpu.memory_space<hbm>>) target(%arg9 : memref<128xi32, #tpu.memory_space<vmem>>) target_semaphore(%arg15 : memref<!tpu.dma_semaphore, #tpu.memory_space<semaphore_mem>>)
      %mul3A_113 = arith.constant 128 : i32
      %mul3A_114 = arith.muli %add3A_107, %mul3A_113 : i32
      %add3A_115 = arith.addi %mul3A_2, %mul3A_114 : i32
      %dma_start3A_116 = tpu.memref_slice %arg4[%add3A_115] : memref<327680xi32, #tpu.memory_space<hbm>> -> memref<128xi32, #tpu.memory_space<hbm>>
      %dma_start3A_117 = tpu.memref_slice %arg4[%add3A_115] : memref<327680xi32, #tpu.memory_space<hbm>> -> memref<128xi32, #tpu.memory_space<hbm>>
      tpu.enqueue_dma source(%dma_start3A_117 : memref<128xi32, #tpu.memory_space<hbm>>) target(%arg11 : memref<128xi32, #tpu.memory_space<vmem>>) target_semaphore(%arg15 : memref<!tpu.dma_semaphore, #tpu.memory_space<semaphore_mem>>)
    }
    %scan3A_34 = arith.constant 39 : i32
    %dma_wait3A_35 = arith.constant 0 : i32
    %dma_wait3A_36 = arith.constant 0 : i32
    %dma_wait3A_37 = tpu.memref_slice %arg2[%dma_wait3A_35, %dma_wait3A_36] : memref<10000x128xf32, #tpu.memory_space<hbm>> -> memref<10000x128xf32, #tpu.memory_space<hbm>>
    tpu.wait_indirect_dma semaphore(%arg16 : memref<!tpu.dma_semaphore, #tpu.memory_space<semaphore_mem>>) src(%dma_wait3A_37 : memref<10000x128xf32, #tpu.memory_space<hbm>>) dst(%arg12 : memref<128x128xf32, #tpu.memory_space<vmem>>)
    "tpu.region"() ({
      %run_scoped3A = tpu.sem_alloc : memref<!tpu.dma_semaphore, #tpu.memory_space<semaphore_mem>>
      %dma_start3A_51 = arith.constant 0 : i32
      %dma_start3A_52 = arith.constant 0 : i32
      %dma_start3A_53 = tpu.memref_slice %arg7[%dma_start3A_51, %dma_start3A_52] : memref<10240x128xf32, #tpu.memory_space<vmem_shared>> -> memref<10240x128xf32, #tpu.memory_space<vmem_shared>>
      tpu.enqueue_indirect_dma source(%arg12 : memref<128x128xf32, #tpu.memory_space<vmem>>) target(%dma_start3A_53 : memref<10240x128xf32, #tpu.memory_space<vmem_shared>>) offsets(%arg10 : memref<128xi32, #tpu.memory_space<vmem>>) semaphore(%run_scoped3A : memref<!tpu.dma_semaphore, #tpu.memory_space<semaphore_mem>>) {add = true}
      %dma_wait3A_54 = arith.constant 0 : i32
      %dma_wait3A_55 = arith.constant 0 : i32
      %dma_wait3A_56 = tpu.memref_slice %arg7[%dma_wait3A_54, %dma_wait3A_55] : memref<10240x128xf32, #tpu.memory_space<vmem_shared>> -> memref<10240x128xf32, #tpu.memory_space<vmem_shared>>
      tpu.wait_indirect_dma semaphore(%run_scoped3A : memref<!tpu.dma_semaphore, #tpu.memory_space<semaphore_mem>>) src(%arg12 : memref<128x128xf32, #tpu.memory_space<vmem>>) dst(%dma_wait3A_56 : memref<10240x128xf32, #tpu.memory_space<vmem_shared>>)
      tpu.yield
    }) : () -> ()
    %add3A_38 = arith.constant 10112 : i32
    %add3A_39 = arith.addi %mul3A_2, %add3A_38 : i32
    %dma_wait3A_40 = tpu.memref_slice %arg3[%add3A_39] : memref<327680xi32, #tpu.memory_space<hbm>> -> memref<128xi32, #tpu.memory_space<hbm>>
    %dma_wait3A_41 = tpu.memref_slice %arg3[%add3A_39] : memref<327680xi32, #tpu.memory_space<hbm>> -> memref<128xi32, #tpu.memory_space<hbm>>
    tpu.wait_dma2 semaphore(%arg15 : memref<!tpu.dma_semaphore, #tpu.memory_space<semaphore_mem>>) src(%dma_wait3A_41 : memref<128xi32, #tpu.memory_space<hbm>>) dst(%arg9 : memref<128xi32, #tpu.memory_space<vmem>>)
    %add3A_42 = arith.constant 10112 : i32
    %add3A_43 = arith.addi %mul3A_2, %add3A_42 : i32
    %dma_wait3A_44 = tpu.memref_slice %arg4[%add3A_43] : memref<327680xi32, #tpu.memory_space<hbm>> -> memref<128xi32, #tpu.memory_space<hbm>>
    %dma_wait3A_45 = tpu.memref_slice %arg4[%add3A_43] : memref<327680xi32, #tpu.memory_space<hbm>> -> memref<128xi32, #tpu.memory_space<hbm>>
    tpu.wait_dma2 semaphore(%arg15 : memref<!tpu.dma_semaphore, #tpu.memory_space<semaphore_mem>>) src(%dma_wait3A_45 : memref<128xi32, #tpu.memory_space<hbm>>) dst(%arg11 : memref<128xi32, #tpu.memory_space<vmem>>)
    %barrier3A_46 = arith.constant 0 : index
    tpu.barrier barrier_id(%barrier3A_46)
    %mul3A_47 = arith.constant 640 : i32
    %mul3A_48 = arith.muli %arg1, %mul3A_47 : i32
    %mul3A_49 = arith.constant 640 : i32
    %mul3A_50 = arith.muli %arg1, %mul3A_49 : i32
    "tpu.region"() ({
      %run_scoped3A = tpu.sem_alloc : memref<!tpu.dma_semaphore, #tpu.memory_space<semaphore_mem>>
      %dma_start3A_51 = arith.constant 0 : i32
      %dma_start3A_52 = tpu.memref_slice %arg6[%arg0, %mul3A_50, %dma_start3A_51] : memref<2x10240x128xf32, #tpu.memory_space<hbm>> -> memref<1x640x128xf32, #tpu.memory_space<hbm>>
      %dma_start3A_53 = tpu.memref_squeeze %dma_start3A_52 : memref<1x640x128xf32, #tpu.memory_space<hbm>> -> memref<640x128xf32, #tpu.memory_space<hbm>>
      %dma_start3A_54 = arith.constant 0 : i32
      %dma_start3A_55 = tpu.memref_slice %arg7[%mul3A_48, %dma_start3A_54] : memref<10240x128xf32, #tpu.memory_space<vmem_shared>> -> memref<640x128xf32, #tpu.memory_space<vmem_shared>>
      tpu.enqueue_dma source(%dma_start3A_55 : memref<640x128xf32, #tpu.memory_space<vmem_shared>>) target(%dma_start3A_53 : memref<640x128xf32, #tpu.memory_space<hbm>>) target_semaphore(%run_scoped3A : memref<!tpu.dma_semaphore, #tpu.memory_space<semaphore_mem>>)
      %dma_wait3A_56 = arith.constant 0 : i32
      %dma_wait3A_57 = tpu.memref_slice %arg6[%arg0, %mul3A_50, %dma_wait3A_56] : memref<2x10240x128xf32, #tpu.memory_space<hbm>> -> memref<1x640x128xf32, #tpu.memory_space<hbm>>
      %dma_wait3A_58 = tpu.memref_squeeze %dma_wait3A_57 : memref<1x640x128xf32, #tpu.memory_space<hbm>> -> memref<640x128xf32, #tpu.memory_space<hbm>>
      %dma_wait3A_59 = arith.constant 0 : i32
      %dma_wait3A_60 = tpu.memref_slice %arg7[%mul3A_48, %dma_wait3A_59] : memref<10240x128xf32, #tpu.memory_space<vmem_shared>> -> memref<640x128xf32, #tpu.memory_space<vmem_shared>>
      tpu.wait_dma2 semaphore(%run_scoped3A : memref<!tpu.dma_semaphore, #tpu.memory_space<semaphore_mem>>) src(%dma_wait3A_60 : memref<640x128xf32, #tpu.memory_space<vmem_shared>>) dst(%dma_wait3A_58 : memref<640x128xf32, #tpu.memory_space<hbm>>)
      tpu.yield
    }) : () -> ()
    return
  }
}

#map = affine_map<(d0, d1) -> (0, 0)>
#map1 = affine_map<(d0, d1) -> (0)>
#map2 = affine_map<(d0, d1) -> (0, 0, 0)>
module attributes {stable_mosaic.version = 14 : i64} {
  func.func @_agg_body(%arg0: i32, %arg1: i32, %arg2: memref<10000x128xf32, #tpu.memory_space<hbm>>, %arg3: memref<327680xi32, #tpu.memory_space<hbm>>, %arg4: memref<327680xi32, #tpu.memory_space<hbm>>, %arg5: memref<640x128xf32, #tpu.memory_space<hbm>>, %arg6: memref<2x10240x128xf32, #tpu.memory_space<hbm>>, %arg7: memref<10240x128xf32, #tpu.memory_space<vmem_shared>>, %arg8: memref<128xi32, #tpu.memory_space<vmem>>, %arg9: memref<128xi32, #tpu.memory_space<vmem>>, %arg10: memref<128xi32, #tpu.memory_space<vmem>>, %arg11: memref<128xi32, #tpu.memory_space<vmem>>, %arg12: memref<128x128xf32, #tpu.memory_space<vmem>>, %arg13: memref<128x128xf32, #tpu.memory_space<vmem>>, %arg14: memref<!tpu.dma_semaphore, #tpu.memory_space<semaphore_mem>>, %arg15: memref<!tpu.dma_semaphore, #tpu.memory_space<semaphore_mem>>, %arg16: memref<!tpu.dma_semaphore, #tpu.memory_space<semaphore_mem>>, %arg17: memref<!tpu.dma_semaphore, #tpu.memory_space<semaphore_mem>>) attributes {dimension_semantics = [#tpu.dimension_semantics<core_parallel>, #tpu.dimension_semantics<subcore_parallel>], iteration_bounds = array<i64: 2, 16>, scalar_prefetch = 0 : i64, scratch_operands = 11 : i64, tpu.core_type = #tpu.core_type<sc_vector_subcore>, window_params = [{transform_indices = #map}, {transform_indices = #map1}, {transform_indices = #map1}, {transform_indices = #map}, {transform_indices = #map2}]} {
    %mul3A = arith.constant 16 : i32
    %mul3A_0 = arith.muli %arg0, %mul3A : i32
    %add3A = arith.addi %mul3A_0, %arg1 : i32
    %mul3A_1 = arith.constant 10240 : i32
    %mul3A_2 = arith.muli %add3A, %mul3A_1 : i32
    %mul3A_3 = arith.constant 640 : i32
    %mul3A_4 = arith.muli %arg1, %mul3A_3 : i32
    "tpu.region"() ({
      %run_scoped3A = tpu.sem_alloc : memref<!tpu.dma_semaphore, #tpu.memory_space<semaphore_mem>>
      %dma_start3A_51 = arith.constant 0 : i32
      %dma_start3A_52 = tpu.memref_slice %arg7[%mul3A_4, %dma_start3A_51] : memref<10240x128xf32, #tpu.memory_space<vmem_shared>> -> memref<640x128xf32, #tpu.memory_space<vmem_shared>>
      tpu.enqueue_dma source(%arg5 : memref<640x128xf32, #tpu.memory_space<hbm>>) target(%dma_start3A_52 : memref<640x128xf32, #tpu.memory_space<vmem_shared>>) target_semaphore(%run_scoped3A : memref<!tpu.dma_semaphore, #tpu.memory_space<semaphore_mem>>)
      %dma_wait3A_53 = arith.constant 0 : i32
      %dma_wait3A_54 = tpu.memref_slice %arg7[%mul3A_4, %dma_wait3A_53] : memref<10240x128xf32, #tpu.memory_space<vmem_shared>> -> memref<640x128xf32, #tpu.memory_space<vmem_shared>>
      tpu.wait_dma2 semaphore(%run_scoped3A : memref<!tpu.dma_semaphore, #tpu.memory_space<semaphore_mem>>) src(%arg5 : memref<640x128xf32, #tpu.memory_space<hbm>>) dst(%dma_wait3A_54 : memref<640x128xf32, #tpu.memory_space<vmem_shared>>)
      tpu.yield
    }) : () -> ()
    %barrier3A = arith.constant 0 : index
    tpu.barrier barrier_id(%barrier3A)
    %add3A_5 = arith.constant 0 : i32
    %add3A_6 = arith.addi %mul3A_2, %add3A_5 : i32
    %dma_start3A = tpu.memref_slice %arg3[%add3A_6] : memref<327680xi32, #tpu.memory_space<hbm>> -> memref<128xi32, #tpu.memory_space<hbm>>
    %dma_start3A_7 = tpu.memref_slice %arg3[%add3A_6] : memref<327680xi32, #tpu.memory_space<hbm>> -> memref<128xi32, #tpu.memory_space<hbm>>
    tpu.enqueue_dma source(%dma_start3A_7 : memref<128xi32, #tpu.memory_space<hbm>>) target(%arg8 : memref<128xi32, #tpu.memory_space<vmem>>) target_semaphore(%arg14 : memref<!tpu.dma_semaphore, #tpu.memory_space<semaphore_mem>>)
    %add3A_8 = arith.constant 0 : i32
    %add3A_9 = arith.addi %mul3A_2, %add3A_8 : i32
    %dma_start3A_10 = tpu.memref_slice %arg4[%add3A_9] : memref<327680xi32, #tpu.memory_space<hbm>> -> memref<128xi32, #tpu.memory_space<hbm>>
    %dma_start3A_11 = tpu.memref_slice %arg4[%add3A_9] : memref<327680xi32, #tpu.memory_space<hbm>> -> memref<128xi32, #tpu.memory_space<hbm>>
    tpu.enqueue_dma source(%dma_start3A_11 : memref<128xi32, #tpu.memory_space<hbm>>) target(%arg10 : memref<128xi32, #tpu.memory_space<vmem>>) target_semaphore(%arg14 : memref<!tpu.dma_semaphore, #tpu.memory_space<semaphore_mem>>)
    %add3A_12 = arith.constant 0 : i32
    %add3A_13 = arith.addi %mul3A_2, %add3A_12 : i32
    %dma_wait3A = tpu.memref_slice %arg3[%add3A_13] : memref<327680xi32, #tpu.memory_space<hbm>> -> memref<128xi32, #tpu.memory_space<hbm>>
    %dma_wait3A_14 = tpu.memref_slice %arg3[%add3A_13] : memref<327680xi32, #tpu.memory_space<hbm>> -> memref<128xi32, #tpu.memory_space<hbm>>
    tpu.wait_dma2 semaphore(%arg14 : memref<!tpu.dma_semaphore, #tpu.memory_space<semaphore_mem>>) src(%dma_wait3A_14 : memref<128xi32, #tpu.memory_space<hbm>>) dst(%arg8 : memref<128xi32, #tpu.memory_space<vmem>>)
    %add3A_15 = arith.constant 0 : i32
    %add3A_16 = arith.addi %mul3A_2, %add3A_15 : i32
    %dma_wait3A_17 = tpu.memref_slice %arg4[%add3A_16] : memref<327680xi32, #tpu.memory_space<hbm>> -> memref<128xi32, #tpu.memory_space<hbm>>
    %dma_wait3A_18 = tpu.memref_slice %arg4[%add3A_16] : memref<327680xi32, #tpu.memory_space<hbm>> -> memref<128xi32, #tpu.memory_space<hbm>>
    tpu.wait_dma2 semaphore(%arg14 : memref<!tpu.dma_semaphore, #tpu.memory_space<semaphore_mem>>) src(%dma_wait3A_18 : memref<128xi32, #tpu.memory_space<hbm>>) dst(%arg10 : memref<128xi32, #tpu.memory_space<vmem>>)
    %dma_start3A_19 = arith.constant 0 : i32
    %dma_start3A_20 = arith.constant 0 : i32
    %dma_start3A_21 = tpu.memref_slice %arg2[%dma_start3A_19, %dma_start3A_20] : memref<10000x128xf32, #tpu.memory_space<hbm>> -> memref<10000x128xf32, #tpu.memory_space<hbm>>
    tpu.enqueue_indirect_dma source(%dma_start3A_21 : memref<10000x128xf32, #tpu.memory_space<hbm>>) target(%arg12 : memref<128x128xf32, #tpu.memory_space<vmem>>) offsets(%arg8 : memref<128xi32, #tpu.memory_space<vmem>>) semaphore(%arg16 : memref<!tpu.dma_semaphore, #tpu.memory_space<semaphore_mem>>)
    %add3A_22 = arith.constant 128 : i32
    %add3A_23 = arith.addi %mul3A_2, %add3A_22 : i32
    %dma_start3A_24 = tpu.memref_slice %arg3[%add3A_23] : memref<327680xi32, #tpu.memory_space<hbm>> -> memref<128xi32, #tpu.memory_space<hbm>>
    %dma_start3A_25 = tpu.memref_slice %arg3[%add3A_23] : memref<327680xi32, #tpu.memory_space<hbm>> -> memref<128xi32, #tpu.memory_space<hbm>>
    tpu.enqueue_dma source(%dma_start3A_25 : memref<128xi32, #tpu.memory_space<hbm>>) target(%arg9 : memref<128xi32, #tpu.memory_space<vmem>>) target_semaphore(%arg15 : memref<!tpu.dma_semaphore, #tpu.memory_space<semaphore_mem>>)
    %add3A_26 = arith.constant 128 : i32
    %add3A_27 = arith.addi %mul3A_2, %add3A_26 : i32
    %dma_start3A_28 = tpu.memref_slice %arg4[%add3A_27] : memref<327680xi32, #tpu.memory_space<hbm>> -> memref<128xi32, #tpu.memory_space<hbm>>
    %dma_start3A_29 = tpu.memref_slice %arg4[%add3A_27] : memref<327680xi32, #tpu.memory_space<hbm>> -> memref<128xi32, #tpu.memory_space<hbm>>
    tpu.enqueue_dma source(%dma_start3A_29 : memref<128xi32, #tpu.memory_space<hbm>>) target(%arg11 : memref<128xi32, #tpu.memory_space<vmem>>) target_semaphore(%arg15 : memref<!tpu.dma_semaphore, #tpu.memory_space<semaphore_mem>>)
    %scan3A = arith.constant 0 : i32
    %scan3A_30 = arith.constant 0 : i32
    %scan3A_31 = arith.constant 39 : i32
    %scan3A_32 = arith.addi %scan3A_30, %scan3A_31 : i32
    %scan3A_33 = arith.constant 1 : i32
    scf.for %scan3A_51 = %scan3A_30 to %scan3A_32 step %scan3A_33  : i32 {
      %mul3A_52 = arith.constant 2 : i32
      %mul3A_53 = arith.muli %mul3A_52, %scan3A_51 : i32
      %add3A_54 = arith.constant 1 : i32
      %add3A_55 = arith.addi %mul3A_53, %add3A_54 : i32
      %mul3A_56 = arith.constant 128 : i32
      %mul3A_57 = arith.muli %add3A_55, %mul3A_56 : i32
      %add3A_58 = arith.addi %mul3A_2, %mul3A_57 : i32
      %dma_wait3A_59 = tpu.memref_slice %arg3[%add3A_58] : memref<327680xi32, #tpu.memory_space<hbm>> -> memref<128xi32, #tpu.memory_space<hbm>>
      %dma_wait3A_60 = tpu.memref_slice %arg3[%add3A_58] : memref<327680xi32, #tpu.memory_space<hbm>> -> memref<128xi32, #tpu.memory_space<hbm>>
      tpu.wait_dma2 semaphore(%arg15 : memref<!tpu.dma_semaphore, #tpu.memory_space<semaphore_mem>>) src(%dma_wait3A_60 : memref<128xi32, #tpu.memory_space<hbm>>) dst(%arg9 : memref<128xi32, #tpu.memory_space<vmem>>)
      %mul3A_61 = arith.constant 128 : i32
      %mul3A_62 = arith.muli %add3A_55, %mul3A_61 : i32
      %add3A_63 = arith.addi %mul3A_2, %mul3A_62 : i32
      %dma_wait3A_64 = tpu.memref_slice %arg4[%add3A_63] : memref<327680xi32, #tpu.memory_space<hbm>> -> memref<128xi32, #tpu.memory_space<hbm>>
      %dma_wait3A_65 = tpu.memref_slice %arg4[%add3A_63] : memref<327680xi32, #tpu.memory_space<hbm>> -> memref<128xi32, #tpu.memory_space<hbm>>
      tpu.wait_dma2 semaphore(%arg15 : memref<!tpu.dma_semaphore, #tpu.memory_space<semaphore_mem>>) src(%dma_wait3A_65 : memref<128xi32, #tpu.memory_space<hbm>>) dst(%arg11 : memref<128xi32, #tpu.memory_space<vmem>>)
      %dma_start3A_66 = arith.constant 0 : i32
      %dma_start3A_67 = arith.constant 0 : i32
      %dma_start3A_68 = tpu.memref_slice %arg2[%dma_start3A_66, %dma_start3A_67] : memref<10000x128xf32, #tpu.memory_space<hbm>> -> memref<10000x128xf32, #tpu.memory_space<hbm>>
      tpu.enqueue_indirect_dma source(%dma_start3A_68 : memref<10000x128xf32, #tpu.memory_space<hbm>>) target(%arg13 : memref<128x128xf32, #tpu.memory_space<vmem>>) offsets(%arg9 : memref<128xi32, #tpu.memory_space<vmem>>) semaphore(%arg17 : memref<!tpu.dma_semaphore, #tpu.memory_space<semaphore_mem>>)
      %dma_wait3A_69 = arith.constant 0 : i32
      %dma_wait3A_70 = arith.constant 0 : i32
      %dma_wait3A_71 = tpu.memref_slice %arg2[%dma_wait3A_69, %dma_wait3A_70] : memref<10000x128xf32, #tpu.memory_space<hbm>> -> memref<10000x128xf32, #tpu.memory_space<hbm>>
      tpu.wait_indirect_dma semaphore(%arg16 : memref<!tpu.dma_semaphore, #tpu.memory_space<semaphore_mem>>) src(%dma_wait3A_71 : memref<10000x128xf32, #tpu.memory_space<hbm>>) dst(%arg12 : memref<128x128xf32, #tpu.memory_space<vmem>>)
      "tpu.region"() ({
        %run_scoped3A = tpu.sem_alloc : memref<!tpu.dma_semaphore, #tpu.memory_space<semaphore_mem>>
        %dma_start3A_118 = arith.constant 0 : i32
        %dma_start3A_119 = arith.constant 0 : i32
        %dma_start3A_120 = tpu.memref_slice %arg7[%dma_start3A_118, %dma_start3A_119] : memref<10240x128xf32, #tpu.memory_space<vmem_shared>> -> memref<10240x128xf32, #tpu.memory_space<vmem_shared>>
        tpu.enqueue_indirect_dma source(%arg12 : memref<128x128xf32, #tpu.memory_space<vmem>>) target(%dma_start3A_120 : memref<10240x128xf32, #tpu.memory_space<vmem_shared>>) offsets(%arg10 : memref<128xi32, #tpu.memory_space<vmem>>) semaphore(%run_scoped3A : memref<!tpu.dma_semaphore, #tpu.memory_space<semaphore_mem>>) {add = true}
        %dma_wait3A_121 = arith.constant 0 : i32
        %dma_wait3A_122 = arith.constant 0 : i32
        %dma_wait3A_123 = tpu.memref_slice %arg7[%dma_wait3A_121, %dma_wait3A_122] : memref<10240x128xf32, #tpu.memory_space<vmem_shared>> -> memref<10240x128xf32, #tpu.memory_space<vmem_shared>>
        tpu.wait_indirect_dma semaphore(%run_scoped3A : memref<!tpu.dma_semaphore, #tpu.memory_space<semaphore_mem>>) src(%arg12 : memref<128x128xf32, #tpu.memory_space<vmem>>) dst(%dma_wait3A_123 : memref<10240x128xf32, #tpu.memory_space<vmem_shared>>)
        tpu.yield
      }) : () -> ()
      %add3A_72 = arith.constant 2 : i32
      %add3A_73 = arith.addi %mul3A_53, %add3A_72 : i32
      %mul3A_74 = arith.constant 128 : i32
      %mul3A_75 = arith.muli %add3A_73, %mul3A_74 : i32
      %add3A_76 = arith.addi %mul3A_2, %mul3A_75 : i32
      %dma_start3A_77 = tpu.memref_slice %arg3[%add3A_76] : memref<327680xi32, #tpu.memory_space<hbm>> -> memref<128xi32, #tpu.memory_space<hbm>>
      %dma_start3A_78 = tpu.memref_slice %arg3[%add3A_76] : memref<327680xi32, #tpu.memory_space<hbm>> -> memref<128xi32, #tpu.memory_space<hbm>>
      tpu.enqueue_dma source(%dma_start3A_78 : memref<128xi32, #tpu.memory_space<hbm>>) target(%arg8 : memref<128xi32, #tpu.memory_space<vmem>>) target_semaphore(%arg14 : memref<!tpu.dma_semaphore, #tpu.memory_space<semaphore_mem>>)
      %mul3A_79 = arith.constant 128 : i32
      %mul3A_80 = arith.muli %add3A_73, %mul3A_79 : i32
      %add3A_81 = arith.addi %mul3A_2, %mul3A_80 : i32
      %dma_start3A_82 = tpu.memref_slice %arg4[%add3A_81] : memref<327680xi32, #tpu.memory_space<hbm>> -> memref<128xi32, #tpu.memory_space<hbm>>
      %dma_start3A_83 = tpu.memref_slice %arg4[%add3A_81] : memref<327680xi32, #tpu.memory_space<hbm>> -> memref<128xi32, #tpu.memory_space<hbm>>
      tpu.enqueue_dma source(%dma_start3A_83 : memref<128xi32, #tpu.memory_space<hbm>>) target(%arg10 : memref<128xi32, #tpu.memory_space<vmem>>) target_semaphore(%arg14 : memref<!tpu.dma_semaphore, #tpu.memory_space<semaphore_mem>>)
      %mul3A_84 = arith.constant 2 : i32
      %mul3A_85 = arith.muli %mul3A_84, %scan3A_51 : i32
      %add3A_86 = arith.constant 1 : i32
      %add3A_87 = arith.addi %mul3A_85, %add3A_86 : i32
      %add3A_88 = arith.constant 1 : i32
      %add3A_89 = arith.addi %add3A_87, %add3A_88 : i32
      %mul3A_90 = arith.constant 128 : i32
      %mul3A_91 = arith.muli %add3A_89, %mul3A_90 : i32
      %add3A_92 = arith.addi %mul3A_2, %mul3A_91 : i32
      %dma_wait3A_93 = tpu.memref_slice %arg3[%add3A_92] : memref<327680xi32, #tpu.memory_space<hbm>> -> memref<128xi32, #tpu.memory_space<hbm>>
      %dma_wait3A_94 = tpu.memref_slice %arg3[%add3A_92] : memref<327680xi32, #tpu.memory_space<hbm>> -> memref<128xi32, #tpu.memory_space<hbm>>
      tpu.wait_dma2 semaphore(%arg14 : memref<!tpu.dma_semaphore, #tpu.memory_space<semaphore_mem>>) src(%dma_wait3A_94 : memref<128xi32, #tpu.memory_space<hbm>>) dst(%arg8 : memref<128xi32, #tpu.memory_space<vmem>>)
      %mul3A_95 = arith.constant 128 : i32
      %mul3A_96 = arith.muli %add3A_89, %mul3A_95 : i32
      %add3A_97 = arith.addi %mul3A_2, %mul3A_96 : i32
      %dma_wait3A_98 = tpu.memref_slice %arg4[%add3A_97] : memref<327680xi32, #tpu.memory_space<hbm>> -> memref<128xi32, #tpu.memory_space<hbm>>
      %dma_wait3A_99 = tpu.memref_slice %arg4[%add3A_97] : memref<327680xi32, #tpu.memory_space<hbm>> -> memref<128xi32, #tpu.memory_space<hbm>>
      tpu.wait_dma2 semaphore(%arg14 : memref<!tpu.dma_semaphore, #tpu.memory_space<semaphore_mem>>) src(%dma_wait3A_99 : memref<128xi32, #tpu.memory_space<hbm>>) dst(%arg10 : memref<128xi32, #tpu.memory_space<vmem>>)
      %dma_start3A_100 = arith.constant 0 : i32
      %dma_start3A_101 = arith.constant 0 : i32
      %dma_start3A_102 = tpu.memref_slice %arg2[%dma_start3A_100, %dma_start3A_101] : memref<10000x128xf32, #tpu.memory_space<hbm>> -> memref<10000x128xf32, #tpu.memory_space<hbm>>
      tpu.enqueue_indirect_dma source(%dma_start3A_102 : memref<10000x128xf32, #tpu.memory_space<hbm>>) target(%arg12 : memref<128x128xf32, #tpu.memory_space<vmem>>) offsets(%arg8 : memref<128xi32, #tpu.memory_space<vmem>>) semaphore(%arg16 : memref<!tpu.dma_semaphore, #tpu.memory_space<semaphore_mem>>)
      %dma_wait3A_103 = arith.constant 0 : i32
      %dma_wait3A_104 = arith.constant 0 : i32
      %dma_wait3A_105 = tpu.memref_slice %arg2[%dma_wait3A_103, %dma_wait3A_104] : memref<10000x128xf32, #tpu.memory_space<hbm>> -> memref<10000x128xf32, #tpu.memory_space<hbm>>
      tpu.wait_indirect_dma semaphore(%arg17 : memref<!tpu.dma_semaphore, #tpu.memory_space<semaphore_mem>>) src(%dma_wait3A_105 : memref<10000x128xf32, #tpu.memory_space<hbm>>) dst(%arg13 : memref<128x128xf32, #tpu.memory_space<vmem>>)
      "tpu.region"() ({
        %run_scoped3A = tpu.sem_alloc : memref<!tpu.dma_semaphore, #tpu.memory_space<semaphore_mem>>
        %dma_start3A_118 = arith.constant 0 : i32
        %dma_start3A_119 = arith.constant 0 : i32
        %dma_start3A_120 = tpu.memref_slice %arg7[%dma_start3A_118, %dma_start3A_119] : memref<10240x128xf32, #tpu.memory_space<vmem_shared>> -> memref<10240x128xf32, #tpu.memory_space<vmem_shared>>
        tpu.enqueue_indirect_dma source(%arg13 : memref<128x128xf32, #tpu.memory_space<vmem>>) target(%dma_start3A_120 : memref<10240x128xf32, #tpu.memory_space<vmem_shared>>) offsets(%arg11 : memref<128xi32, #tpu.memory_space<vmem>>) semaphore(%run_scoped3A : memref<!tpu.dma_semaphore, #tpu.memory_space<semaphore_mem>>) {add = true}
        %dma_wait3A_121 = arith.constant 0 : i32
        %dma_wait3A_122 = arith.constant 0 : i32
        %dma_wait3A_123 = tpu.memref_slice %arg7[%dma_wait3A_121, %dma_wait3A_122] : memref<10240x128xf32, #tpu.memory_space<vmem_shared>> -> memref<10240x128xf32, #tpu.memory_space<vmem_shared>>
        tpu.wait_indirect_dma semaphore(%run_scoped3A : memref<!tpu.dma_semaphore, #tpu.memory_space<semaphore_mem>>) src(%arg13 : memref<128x128xf32, #tpu.memory_space<vmem>>) dst(%dma_wait3A_123 : memref<10240x128xf32, #tpu.memory_space<vmem_shared>>)
        tpu.yield
      }) : () -> ()
      %add3A_106 = arith.constant 2 : i32
      %add3A_107 = arith.addi %add3A_87, %add3A_106 : i32
      %mul3A_108 = arith.constant 128 : i32
      %mul3A_109 = arith.muli %add3A_107, %mul3A_108 : i32
      %add3A_110 = arith.addi %mul3A_2, %mul3A_109 : i32
      %dma_start3A_111 = tpu.memref_slice %arg3[%add3A_110] : memref<327680xi32, #tpu.memory_space<hbm>> -> memref<128xi32, #tpu.memory_space<hbm>>
      %dma_start3A_112 = tpu.memref_slice %arg3[%add3A_110] : memref<327680xi32, #tpu.memory_space<hbm>> -> memref<128xi32, #tpu.memory_space<hbm>>
      tpu.enqueue_dma source(%dma_start3A_112 : memref<128xi32, #tpu.memory_space<hbm>>) target(%arg9 : memref<128xi32, #tpu.memory_space<vmem>>) target_semaphore(%arg15 : memref<!tpu.dma_semaphore, #tpu.memory_space<semaphore_mem>>)
      %mul3A_113 = arith.constant 128 : i32
      %mul3A_114 = arith.muli %add3A_107, %mul3A_113 : i32
      %add3A_115 = arith.addi %mul3A_2, %mul3A_114 : i32
      %dma_start3A_116 = tpu.memref_slice %arg4[%add3A_115] : memref<327680xi32, #tpu.memory_space<hbm>> -> memref<128xi32, #tpu.memory_space<hbm>>
      %dma_start3A_117 = tpu.memref_slice %arg4[%add3A_115] : memref<327680xi32, #tpu.memory_space<hbm>> -> memref<128xi32, #tpu.memory_space<hbm>>
      tpu.enqueue_dma source(%dma_start3A_117 : memref<128xi32, #tpu.memory_space<hbm>>) target(%arg11 : memref<128xi32, #tpu.memory_space<vmem>>) target_semaphore(%arg15 : memref<!tpu.dma_semaphore, #tpu.memory_space<semaphore_mem>>)
    }
    %scan3A_34 = arith.constant 39 : i32
    %dma_wait3A_35 = arith.constant 0 : i32
    %dma_wait3A_36 = arith.constant 0 : i32
    %dma_wait3A_37 = tpu.memref_slice %arg2[%dma_wait3A_35, %dma_wait3A_36] : memref<10000x128xf32, #tpu.memory_space<hbm>> -> memref<10000x128xf32, #tpu.memory_space<hbm>>
    tpu.wait_indirect_dma semaphore(%arg16 : memref<!tpu.dma_semaphore, #tpu.memory_space<semaphore_mem>>) src(%dma_wait3A_37 : memref<10000x128xf32, #tpu.memory_space<hbm>>) dst(%arg12 : memref<128x128xf32, #tpu.memory_space<vmem>>)
    "tpu.region"() ({
      %run_scoped3A = tpu.sem_alloc : memref<!tpu.dma_semaphore, #tpu.memory_space<semaphore_mem>>
      %dma_start3A_51 = arith.constant 0 : i32
      %dma_start3A_52 = arith.constant 0 : i32
      %dma_start3A_53 = tpu.memref_slice %arg7[%dma_start3A_51, %dma_start3A_52] : memref<10240x128xf32, #tpu.memory_space<vmem_shared>> -> memref<10240x128xf32, #tpu.memory_space<vmem_shared>>
      tpu.enqueue_indirect_dma source(%arg12 : memref<128x128xf32, #tpu.memory_space<vmem>>) target(%dma_start3A_53 : memref<10240x128xf32, #tpu.memory_space<vmem_shared>>) offsets(%arg10 : memref<128xi32, #tpu.memory_space<vmem>>) semaphore(%run_scoped3A : memref<!tpu.dma_semaphore, #tpu.memory_space<semaphore_mem>>) {add = true}
      %dma_wait3A_54 = arith.constant 0 : i32
      %dma_wait3A_55 = arith.constant 0 : i32
      %dma_wait3A_56 = tpu.memref_slice %arg7[%dma_wait3A_54, %dma_wait3A_55] : memref<10240x128xf32, #tpu.memory_space<vmem_shared>> -> memref<10240x128xf32, #tpu.memory_space<vmem_shared>>
      tpu.wait_indirect_dma semaphore(%run_scoped3A : memref<!tpu.dma_semaphore, #tpu.memory_space<semaphore_mem>>) src(%arg12 : memref<128x128xf32, #tpu.memory_space<vmem>>) dst(%dma_wait3A_56 : memref<10240x128xf32, #tpu.memory_space<vmem_shared>>)
      tpu.yield
    }) : () -> ()
    %add3A_38 = arith.constant 10112 : i32
    %add3A_39 = arith.addi %mul3A_2, %add3A_38 : i32
    %dma_wait3A_40 = tpu.memref_slice %arg3[%add3A_39] : memref<327680xi32, #tpu.memory_space<hbm>> -> memref<128xi32, #tpu.memory_space<hbm>>
    %dma_wait3A_41 = tpu.memref_slice %arg3[%add3A_39] : memref<327680xi32, #tpu.memory_space<hbm>> -> memref<128xi32, #tpu.memory_space<hbm>>
    tpu.wait_dma2 semaphore(%arg15 : memref<!tpu.dma_semaphore, #tpu.memory_space<semaphore_mem>>) src(%dma_wait3A_41 : memref<128xi32, #tpu.memory_space<hbm>>) dst(%arg9 : memref<128xi32, #tpu.memory_space<vmem>>)
    %add3A_42 = arith.constant 10112 : i32
    %add3A_43 = arith.addi %mul3A_2, %add3A_42 : i32
    %dma_wait3A_44 = tpu.memref_slice %arg4[%add3A_43] : memref<327680xi32, #tpu.memory_space<hbm>> -> memref<128xi32, #tpu.memory_space<hbm>>
    %dma_wait3A_45 = tpu.memref_slice %arg4[%add3A_43] : memref<327680xi32, #tpu.memory_space<hbm>> -> memref<128xi32, #tpu.memory_space<hbm>>
    tpu.wait_dma2 semaphore(%arg15 : memref<!tpu.dma_semaphore, #tpu.memory_space<semaphore_mem>>) src(%dma_wait3A_45 : memref<128xi32, #tpu.memory_space<hbm>>) dst(%arg11 : memref<128xi32, #tpu.memory_space<vmem>>)
    %barrier3A_46 = arith.constant 0 : index
    tpu.barrier barrier_id(%barrier3A_46)
    %mul3A_47 = arith.constant 640 : i32
    %mul3A_48 = arith.muli %arg1, %mul3A_47 : i32
    %mul3A_49 = arith.constant 640 : i32
    %mul3A_50 = arith.muli %arg1, %mul3A_49 : i32
    "tpu.region"() ({
      %run_scoped3A = tpu.sem_alloc : memref<!tpu.dma_semaphore, #tpu.memory_space<semaphore_mem>>
      %dma_start3A_51 = arith.constant 0 : i32
      %dma_start3A_52 = tpu.memref_slice %arg6[%arg0, %mul3A_50, %dma_start3A_51] : memref<2x10240x128xf32, #tpu.memory_space<hbm>> -> memref<1x640x128xf32, #tpu.memory_space<hbm>>
      %dma_start3A_53 = tpu.memref_squeeze %dma_start3A_52 : memref<1x640x128xf32, #tpu.memory_space<hbm>> -> memref<640x128xf32, #tpu.memory_space<hbm>>
      %dma_start3A_54 = arith.constant 0 : i32
      %dma_start3A_55 = tpu.memref_slice %arg7[%mul3A_48, %dma_start3A_54] : memref<10240x128xf32, #tpu.memory_space<vmem_shared>> -> memref<640x128xf32, #tpu.memory_space<vmem_shared>>
      tpu.enqueue_dma source(%dma_start3A_55 : memref<640x128xf32, #tpu.memory_space<vmem_shared>>) target(%dma_start3A_53 : memref<640x128xf32, #tpu.memory_space<hbm>>) target_semaphore(%run_scoped3A : memref<!tpu.dma_semaphore, #tpu.memory_space<semaphore_mem>>)
      %dma_wait3A_56 = arith.constant 0 : i32
      %dma_wait3A_57 = tpu.memref_slice %arg6[%arg0, %mul3A_50, %dma_wait3A_56] : memref<2x10240x128xf32, #tpu.memory_space<hbm>> -> memref<1x640x128xf32, #tpu.memory_space<hbm>>
      %dma_wait3A_58 = tpu.memref_squeeze %dma_wait3A_57 : memref<1x640x128xf32, #tpu.memory_space<hbm>> -> memref<640x128xf32, #tpu.memory_space<hbm>>
      %dma_wait3A_59 = arith.constant 0 : i32
      %dma_wait3A_60 = tpu.memref_slice %arg7[%mul3A_48, %dma_wait3A_59] : memref<10240x128xf32, #tpu.memory_space<vmem_shared>> -> memref<640x128xf32, #tpu.memory_space<vmem_shared>>
      tpu.wait_dma2 semaphore(%run_scoped3A : memref<!tpu.dma_semaphore, #tpu.memory_space<semaphore_mem>>) src(%dma_wait3A_60 : memref<640x128xf32, #tpu.memory_space<vmem_shared>>) dst(%dma_wait3A_58 : memref<640x128xf32, #tpu.memory_space<hbm>>)
      tpu.yield
    }) : () -> ()
    return
  }
}

#map = affine_map<(d0, d1) -> (0, 0)>
#map1 = affine_map<(d0, d1) -> (0)>
#map2 = affine_map<(d0, d1) -> (0, 0, 0)>
module attributes {stable_mosaic.version = 14 : i64} {
  func.func @_agg_body(%arg0: i32, %arg1: i32, %arg2: memref<10000x128xf32, #tpu.memory_space<hbm>>, %arg3: memref<327680xi32, #tpu.memory_space<hbm>>, %arg4: memref<327680xi32, #tpu.memory_space<hbm>>, %arg5: memref<640x128xf32, #tpu.memory_space<hbm>>, %arg6: memref<2x10240x128xf32, #tpu.memory_space<hbm>>, %arg7: memref<10240x128xf32, #tpu.memory_space<vmem_shared>>, %arg8: memref<128xi32, #tpu.memory_space<vmem>>, %arg9: memref<128xi32, #tpu.memory_space<vmem>>, %arg10: memref<128xi32, #tpu.memory_space<vmem>>, %arg11: memref<128xi32, #tpu.memory_space<vmem>>, %arg12: memref<128x128xf32, #tpu.memory_space<vmem>>, %arg13: memref<128x128xf32, #tpu.memory_space<vmem>>, %arg14: memref<!tpu.dma_semaphore, #tpu.memory_space<semaphore_mem>>, %arg15: memref<!tpu.dma_semaphore, #tpu.memory_space<semaphore_mem>>, %arg16: memref<!tpu.dma_semaphore, #tpu.memory_space<semaphore_mem>>, %arg17: memref<!tpu.dma_semaphore, #tpu.memory_space<semaphore_mem>>) attributes {dimension_semantics = [#tpu.dimension_semantics<core_parallel>, #tpu.dimension_semantics<subcore_parallel>], iteration_bounds = array<i64: 2, 16>, scalar_prefetch = 0 : i64, scratch_operands = 11 : i64, tpu.core_type = #tpu.core_type<sc_vector_subcore>, window_params = [{transform_indices = #map}, {transform_indices = #map1}, {transform_indices = #map1}, {transform_indices = #map}, {transform_indices = #map2}]} {
    %mul3A = arith.constant 16 : i32
    %mul3A_0 = arith.muli %arg0, %mul3A : i32
    %add3A = arith.addi %mul3A_0, %arg1 : i32
    %mul3A_1 = arith.constant 10240 : i32
    %mul3A_2 = arith.muli %add3A, %mul3A_1 : i32
    %mul3A_3 = arith.constant 640 : i32
    %mul3A_4 = arith.muli %arg1, %mul3A_3 : i32
    "tpu.region"() ({
      %run_scoped3A = tpu.sem_alloc : memref<!tpu.dma_semaphore, #tpu.memory_space<semaphore_mem>>
      %dma_start3A_51 = arith.constant 0 : i32
      %dma_start3A_52 = tpu.memref_slice %arg7[%mul3A_4, %dma_start3A_51] : memref<10240x128xf32, #tpu.memory_space<vmem_shared>> -> memref<640x128xf32, #tpu.memory_space<vmem_shared>>
      tpu.enqueue_dma source(%arg5 : memref<640x128xf32, #tpu.memory_space<hbm>>) target(%dma_start3A_52 : memref<640x128xf32, #tpu.memory_space<vmem_shared>>) target_semaphore(%run_scoped3A : memref<!tpu.dma_semaphore, #tpu.memory_space<semaphore_mem>>)
      %dma_wait3A_53 = arith.constant 0 : i32
      %dma_wait3A_54 = tpu.memref_slice %arg7[%mul3A_4, %dma_wait3A_53] : memref<10240x128xf32, #tpu.memory_space<vmem_shared>> -> memref<640x128xf32, #tpu.memory_space<vmem_shared>>
      tpu.wait_dma2 semaphore(%run_scoped3A : memref<!tpu.dma_semaphore, #tpu.memory_space<semaphore_mem>>) src(%arg5 : memref<640x128xf32, #tpu.memory_space<hbm>>) dst(%dma_wait3A_54 : memref<640x128xf32, #tpu.memory_space<vmem_shared>>)
      tpu.yield
    }) : () -> ()
    %barrier3A = arith.constant 0 : index
    tpu.barrier barrier_id(%barrier3A)
    %add3A_5 = arith.constant 0 : i32
    %add3A_6 = arith.addi %mul3A_2, %add3A_5 : i32
    %dma_start3A = tpu.memref_slice %arg3[%add3A_6] : memref<327680xi32, #tpu.memory_space<hbm>> -> memref<128xi32, #tpu.memory_space<hbm>>
    %dma_start3A_7 = tpu.memref_slice %arg3[%add3A_6] : memref<327680xi32, #tpu.memory_space<hbm>> -> memref<128xi32, #tpu.memory_space<hbm>>
    tpu.enqueue_dma source(%dma_start3A_7 : memref<128xi32, #tpu.memory_space<hbm>>) target(%arg8 : memref<128xi32, #tpu.memory_space<vmem>>) target_semaphore(%arg14 : memref<!tpu.dma_semaphore, #tpu.memory_space<semaphore_mem>>)
    %add3A_8 = arith.constant 0 : i32
    %add3A_9 = arith.addi %mul3A_2, %add3A_8 : i32
    %dma_start3A_10 = tpu.memref_slice %arg4[%add3A_9] : memref<327680xi32, #tpu.memory_space<hbm>> -> memref<128xi32, #tpu.memory_space<hbm>>
    %dma_start3A_11 = tpu.memref_slice %arg4[%add3A_9] : memref<327680xi32, #tpu.memory_space<hbm>> -> memref<128xi32, #tpu.memory_space<hbm>>
    tpu.enqueue_dma source(%dma_start3A_11 : memref<128xi32, #tpu.memory_space<hbm>>) target(%arg10 : memref<128xi32, #tpu.memory_space<vmem>>) target_semaphore(%arg14 : memref<!tpu.dma_semaphore, #tpu.memory_space<semaphore_mem>>)
    %add3A_12 = arith.constant 0 : i32
    %add3A_13 = arith.addi %mul3A_2, %add3A_12 : i32
    %dma_wait3A = tpu.memref_slice %arg3[%add3A_13] : memref<327680xi32, #tpu.memory_space<hbm>> -> memref<128xi32, #tpu.memory_space<hbm>>
    %dma_wait3A_14 = tpu.memref_slice %arg3[%add3A_13] : memref<327680xi32, #tpu.memory_space<hbm>> -> memref<128xi32, #tpu.memory_space<hbm>>
    tpu.wait_dma2 semaphore(%arg14 : memref<!tpu.dma_semaphore, #tpu.memory_space<semaphore_mem>>) src(%dma_wait3A_14 : memref<128xi32, #tpu.memory_space<hbm>>) dst(%arg8 : memref<128xi32, #tpu.memory_space<vmem>>)
    %add3A_15 = arith.constant 0 : i32
    %add3A_16 = arith.addi %mul3A_2, %add3A_15 : i32
    %dma_wait3A_17 = tpu.memref_slice %arg4[%add3A_16] : memref<327680xi32, #tpu.memory_space<hbm>> -> memref<128xi32, #tpu.memory_space<hbm>>
    %dma_wait3A_18 = tpu.memref_slice %arg4[%add3A_16] : memref<327680xi32, #tpu.memory_space<hbm>> -> memref<128xi32, #tpu.memory_space<hbm>>
    tpu.wait_dma2 semaphore(%arg14 : memref<!tpu.dma_semaphore, #tpu.memory_space<semaphore_mem>>) src(%dma_wait3A_18 : memref<128xi32, #tpu.memory_space<hbm>>) dst(%arg10 : memref<128xi32, #tpu.memory_space<vmem>>)
    %dma_start3A_19 = arith.constant 0 : i32
    %dma_start3A_20 = arith.constant 0 : i32
    %dma_start3A_21 = tpu.memref_slice %arg2[%dma_start3A_19, %dma_start3A_20] : memref<10000x128xf32, #tpu.memory_space<hbm>> -> memref<10000x128xf32, #tpu.memory_space<hbm>>
    tpu.enqueue_indirect_dma source(%dma_start3A_21 : memref<10000x128xf32, #tpu.memory_space<hbm>>) target(%arg12 : memref<128x128xf32, #tpu.memory_space<vmem>>) offsets(%arg8 : memref<128xi32, #tpu.memory_space<vmem>>) semaphore(%arg16 : memref<!tpu.dma_semaphore, #tpu.memory_space<semaphore_mem>>)
    %add3A_22 = arith.constant 128 : i32
    %add3A_23 = arith.addi %mul3A_2, %add3A_22 : i32
    %dma_start3A_24 = tpu.memref_slice %arg3[%add3A_23] : memref<327680xi32, #tpu.memory_space<hbm>> -> memref<128xi32, #tpu.memory_space<hbm>>
    %dma_start3A_25 = tpu.memref_slice %arg3[%add3A_23] : memref<327680xi32, #tpu.memory_space<hbm>> -> memref<128xi32, #tpu.memory_space<hbm>>
    tpu.enqueue_dma source(%dma_start3A_25 : memref<128xi32, #tpu.memory_space<hbm>>) target(%arg9 : memref<128xi32, #tpu.memory_space<vmem>>) target_semaphore(%arg15 : memref<!tpu.dma_semaphore, #tpu.memory_space<semaphore_mem>>)
    %add3A_26 = arith.constant 128 : i32
    %add3A_27 = arith.addi %mul3A_2, %add3A_26 : i32
    %dma_start3A_28 = tpu.memref_slice %arg4[%add3A_27] : memref<327680xi32, #tpu.memory_space<hbm>> -> memref<128xi32, #tpu.memory_space<hbm>>
    %dma_start3A_29 = tpu.memref_slice %arg4[%add3A_27] : memref<327680xi32, #tpu.memory_space<hbm>> -> memref<128xi32, #tpu.memory_space<hbm>>
    tpu.enqueue_dma source(%dma_start3A_29 : memref<128xi32, #tpu.memory_space<hbm>>) target(%arg11 : memref<128xi32, #tpu.memory_space<vmem>>) target_semaphore(%arg15 : memref<!tpu.dma_semaphore, #tpu.memory_space<semaphore_mem>>)
    %scan3A = arith.constant 0 : i32
    %scan3A_30 = arith.constant 0 : i32
    %scan3A_31 = arith.constant 39 : i32
    %scan3A_32 = arith.addi %scan3A_30, %scan3A_31 : i32
    %scan3A_33 = arith.constant 1 : i32
    scf.for %scan3A_51 = %scan3A_30 to %scan3A_32 step %scan3A_33  : i32 {
      %mul3A_52 = arith.constant 2 : i32
      %mul3A_53 = arith.muli %mul3A_52, %scan3A_51 : i32
      %add3A_54 = arith.constant 1 : i32
      %add3A_55 = arith.addi %mul3A_53, %add3A_54 : i32
      %mul3A_56 = arith.constant 128 : i32
      %mul3A_57 = arith.muli %add3A_55, %mul3A_56 : i32
      %add3A_58 = arith.addi %mul3A_2, %mul3A_57 : i32
      %dma_wait3A_59 = tpu.memref_slice %arg3[%add3A_58] : memref<327680xi32, #tpu.memory_space<hbm>> -> memref<128xi32, #tpu.memory_space<hbm>>
      %dma_wait3A_60 = tpu.memref_slice %arg3[%add3A_58] : memref<327680xi32, #tpu.memory_space<hbm>> -> memref<128xi32, #tpu.memory_space<hbm>>
      tpu.wait_dma2 semaphore(%arg15 : memref<!tpu.dma_semaphore, #tpu.memory_space<semaphore_mem>>) src(%dma_wait3A_60 : memref<128xi32, #tpu.memory_space<hbm>>) dst(%arg9 : memref<128xi32, #tpu.memory_space<vmem>>)
      %mul3A_61 = arith.constant 128 : i32
      %mul3A_62 = arith.muli %add3A_55, %mul3A_61 : i32
      %add3A_63 = arith.addi %mul3A_2, %mul3A_62 : i32
      %dma_wait3A_64 = tpu.memref_slice %arg4[%add3A_63] : memref<327680xi32, #tpu.memory_space<hbm>> -> memref<128xi32, #tpu.memory_space<hbm>>
      %dma_wait3A_65 = tpu.memref_slice %arg4[%add3A_63] : memref<327680xi32, #tpu.memory_space<hbm>> -> memref<128xi32, #tpu.memory_space<hbm>>
      tpu.wait_dma2 semaphore(%arg15 : memref<!tpu.dma_semaphore, #tpu.memory_space<semaphore_mem>>) src(%dma_wait3A_65 : memref<128xi32, #tpu.memory_space<hbm>>) dst(%arg11 : memref<128xi32, #tpu.memory_space<vmem>>)
      %dma_start3A_66 = arith.constant 0 : i32
      %dma_start3A_67 = arith.constant 0 : i32
      %dma_start3A_68 = tpu.memref_slice %arg2[%dma_start3A_66, %dma_start3A_67] : memref<10000x128xf32, #tpu.memory_space<hbm>> -> memref<10000x128xf32, #tpu.memory_space<hbm>>
      tpu.enqueue_indirect_dma source(%dma_start3A_68 : memref<10000x128xf32, #tpu.memory_space<hbm>>) target(%arg13 : memref<128x128xf32, #tpu.memory_space<vmem>>) offsets(%arg9 : memref<128xi32, #tpu.memory_space<vmem>>) semaphore(%arg17 : memref<!tpu.dma_semaphore, #tpu.memory_space<semaphore_mem>>)
      %dma_wait3A_69 = arith.constant 0 : i32
      %dma_wait3A_70 = arith.constant 0 : i32
      %dma_wait3A_71 = tpu.memref_slice %arg2[%dma_wait3A_69, %dma_wait3A_70] : memref<10000x128xf32, #tpu.memory_space<hbm>> -> memref<10000x128xf32, #tpu.memory_space<hbm>>
      tpu.wait_indirect_dma semaphore(%arg16 : memref<!tpu.dma_semaphore, #tpu.memory_space<semaphore_mem>>) src(%dma_wait3A_71 : memref<10000x128xf32, #tpu.memory_space<hbm>>) dst(%arg12 : memref<128x128xf32, #tpu.memory_space<vmem>>)
      "tpu.region"() ({
        %run_scoped3A = tpu.sem_alloc : memref<!tpu.dma_semaphore, #tpu.memory_space<semaphore_mem>>
        %dma_start3A_118 = arith.constant 0 : i32
        %dma_start3A_119 = arith.constant 0 : i32
        %dma_start3A_120 = tpu.memref_slice %arg7[%dma_start3A_118, %dma_start3A_119] : memref<10240x128xf32, #tpu.memory_space<vmem_shared>> -> memref<10240x128xf32, #tpu.memory_space<vmem_shared>>
        tpu.enqueue_indirect_dma source(%arg12 : memref<128x128xf32, #tpu.memory_space<vmem>>) target(%dma_start3A_120 : memref<10240x128xf32, #tpu.memory_space<vmem_shared>>) offsets(%arg10 : memref<128xi32, #tpu.memory_space<vmem>>) semaphore(%run_scoped3A : memref<!tpu.dma_semaphore, #tpu.memory_space<semaphore_mem>>) {add = true}
        %dma_wait3A_121 = arith.constant 0 : i32
        %dma_wait3A_122 = arith.constant 0 : i32
        %dma_wait3A_123 = tpu.memref_slice %arg7[%dma_wait3A_121, %dma_wait3A_122] : memref<10240x128xf32, #tpu.memory_space<vmem_shared>> -> memref<10240x128xf32, #tpu.memory_space<vmem_shared>>
        tpu.wait_indirect_dma semaphore(%run_scoped3A : memref<!tpu.dma_semaphore, #tpu.memory_space<semaphore_mem>>) src(%arg12 : memref<128x128xf32, #tpu.memory_space<vmem>>) dst(%dma_wait3A_123 : memref<10240x128xf32, #tpu.memory_space<vmem_shared>>)
        tpu.yield
      }) : () -> ()
      %add3A_72 = arith.constant 2 : i32
      %add3A_73 = arith.addi %mul3A_53, %add3A_72 : i32
      %mul3A_74 = arith.constant 128 : i32
      %mul3A_75 = arith.muli %add3A_73, %mul3A_74 : i32
      %add3A_76 = arith.addi %mul3A_2, %mul3A_75 : i32
      %dma_start3A_77 = tpu.memref_slice %arg3[%add3A_76] : memref<327680xi32, #tpu.memory_space<hbm>> -> memref<128xi32, #tpu.memory_space<hbm>>
      %dma_start3A_78 = tpu.memref_slice %arg3[%add3A_76] : memref<327680xi32, #tpu.memory_space<hbm>> -> memref<128xi32, #tpu.memory_space<hbm>>
      tpu.enqueue_dma source(%dma_start3A_78 : memref<128xi32, #tpu.memory_space<hbm>>) target(%arg8 : memref<128xi32, #tpu.memory_space<vmem>>) target_semaphore(%arg14 : memref<!tpu.dma_semaphore, #tpu.memory_space<semaphore_mem>>)
      %mul3A_79 = arith.constant 128 : i32
      %mul3A_80 = arith.muli %add3A_73, %mul3A_79 : i32
      %add3A_81 = arith.addi %mul3A_2, %mul3A_80 : i32
      %dma_start3A_82 = tpu.memref_slice %arg4[%add3A_81] : memref<327680xi32, #tpu.memory_space<hbm>> -> memref<128xi32, #tpu.memory_space<hbm>>
      %dma_start3A_83 = tpu.memref_slice %arg4[%add3A_81] : memref<327680xi32, #tpu.memory_space<hbm>> -> memref<128xi32, #tpu.memory_space<hbm>>
      tpu.enqueue_dma source(%dma_start3A_83 : memref<128xi32, #tpu.memory_space<hbm>>) target(%arg10 : memref<128xi32, #tpu.memory_space<vmem>>) target_semaphore(%arg14 : memref<!tpu.dma_semaphore, #tpu.memory_space<semaphore_mem>>)
      %mul3A_84 = arith.constant 2 : i32
      %mul3A_85 = arith.muli %mul3A_84, %scan3A_51 : i32
      %add3A_86 = arith.constant 1 : i32
      %add3A_87 = arith.addi %mul3A_85, %add3A_86 : i32
      %add3A_88 = arith.constant 1 : i32
      %add3A_89 = arith.addi %add3A_87, %add3A_88 : i32
      %mul3A_90 = arith.constant 128 : i32
      %mul3A_91 = arith.muli %add3A_89, %mul3A_90 : i32
      %add3A_92 = arith.addi %mul3A_2, %mul3A_91 : i32
      %dma_wait3A_93 = tpu.memref_slice %arg3[%add3A_92] : memref<327680xi32, #tpu.memory_space<hbm>> -> memref<128xi32, #tpu.memory_space<hbm>>
      %dma_wait3A_94 = tpu.memref_slice %arg3[%add3A_92] : memref<327680xi32, #tpu.memory_space<hbm>> -> memref<128xi32, #tpu.memory_space<hbm>>
      tpu.wait_dma2 semaphore(%arg14 : memref<!tpu.dma_semaphore, #tpu.memory_space<semaphore_mem>>) src(%dma_wait3A_94 : memref<128xi32, #tpu.memory_space<hbm>>) dst(%arg8 : memref<128xi32, #tpu.memory_space<vmem>>)
      %mul3A_95 = arith.constant 128 : i32
      %mul3A_96 = arith.muli %add3A_89, %mul3A_95 : i32
      %add3A_97 = arith.addi %mul3A_2, %mul3A_96 : i32
      %dma_wait3A_98 = tpu.memref_slice %arg4[%add3A_97] : memref<327680xi32, #tpu.memory_space<hbm>> -> memref<128xi32, #tpu.memory_space<hbm>>
      %dma_wait3A_99 = tpu.memref_slice %arg4[%add3A_97] : memref<327680xi32, #tpu.memory_space<hbm>> -> memref<128xi32, #tpu.memory_space<hbm>>
      tpu.wait_dma2 semaphore(%arg14 : memref<!tpu.dma_semaphore, #tpu.memory_space<semaphore_mem>>) src(%dma_wait3A_99 : memref<128xi32, #tpu.memory_space<hbm>>) dst(%arg10 : memref<128xi32, #tpu.memory_space<vmem>>)
      %dma_start3A_100 = arith.constant 0 : i32
      %dma_start3A_101 = arith.constant 0 : i32
      %dma_start3A_102 = tpu.memref_slice %arg2[%dma_start3A_100, %dma_start3A_101] : memref<10000x128xf32, #tpu.memory_space<hbm>> -> memref<10000x128xf32, #tpu.memory_space<hbm>>
      tpu.enqueue_indirect_dma source(%dma_start3A_102 : memref<10000x128xf32, #tpu.memory_space<hbm>>) target(%arg12 : memref<128x128xf32, #tpu.memory_space<vmem>>) offsets(%arg8 : memref<128xi32, #tpu.memory_space<vmem>>) semaphore(%arg16 : memref<!tpu.dma_semaphore, #tpu.memory_space<semaphore_mem>>)
      %dma_wait3A_103 = arith.constant 0 : i32
      %dma_wait3A_104 = arith.constant 0 : i32
      %dma_wait3A_105 = tpu.memref_slice %arg2[%dma_wait3A_103, %dma_wait3A_104] : memref<10000x128xf32, #tpu.memory_space<hbm>> -> memref<10000x128xf32, #tpu.memory_space<hbm>>
      tpu.wait_indirect_dma semaphore(%arg17 : memref<!tpu.dma_semaphore, #tpu.memory_space<semaphore_mem>>) src(%dma_wait3A_105 : memref<10000x128xf32, #tpu.memory_space<hbm>>) dst(%arg13 : memref<128x128xf32, #tpu.memory_space<vmem>>)
      "tpu.region"() ({
        %run_scoped3A = tpu.sem_alloc : memref<!tpu.dma_semaphore, #tpu.memory_space<semaphore_mem>>
        %dma_start3A_118 = arith.constant 0 : i32
        %dma_start3A_119 = arith.constant 0 : i32
        %dma_start3A_120 = tpu.memref_slice %arg7[%dma_start3A_118, %dma_start3A_119] : memref<10240x128xf32, #tpu.memory_space<vmem_shared>> -> memref<10240x128xf32, #tpu.memory_space<vmem_shared>>
        tpu.enqueue_indirect_dma source(%arg13 : memref<128x128xf32, #tpu.memory_space<vmem>>) target(%dma_start3A_120 : memref<10240x128xf32, #tpu.memory_space<vmem_shared>>) offsets(%arg11 : memref<128xi32, #tpu.memory_space<vmem>>) semaphore(%run_scoped3A : memref<!tpu.dma_semaphore, #tpu.memory_space<semaphore_mem>>) {add = true}
        %dma_wait3A_121 = arith.constant 0 : i32
        %dma_wait3A_122 = arith.constant 0 : i32
        %dma_wait3A_123 = tpu.memref_slice %arg7[%dma_wait3A_121, %dma_wait3A_122] : memref<10240x128xf32, #tpu.memory_space<vmem_shared>> -> memref<10240x128xf32, #tpu.memory_space<vmem_shared>>
        tpu.wait_indirect_dma semaphore(%run_scoped3A : memref<!tpu.dma_semaphore, #tpu.memory_space<semaphore_mem>>) src(%arg13 : memref<128x128xf32, #tpu.memory_space<vmem>>) dst(%dma_wait3A_123 : memref<10240x128xf32, #tpu.memory_space<vmem_shared>>)
        tpu.yield
      }) : () -> ()
      %add3A_106 = arith.constant 2 : i32
      %add3A_107 = arith.addi %add3A_87, %add3A_106 : i32
      %mul3A_108 = arith.constant 128 : i32
      %mul3A_109 = arith.muli %add3A_107, %mul3A_108 : i32
      %add3A_110 = arith.addi %mul3A_2, %mul3A_109 : i32
      %dma_start3A_111 = tpu.memref_slice %arg3[%add3A_110] : memref<327680xi32, #tpu.memory_space<hbm>> -> memref<128xi32, #tpu.memory_space<hbm>>
      %dma_start3A_112 = tpu.memref_slice %arg3[%add3A_110] : memref<327680xi32, #tpu.memory_space<hbm>> -> memref<128xi32, #tpu.memory_space<hbm>>
      tpu.enqueue_dma source(%dma_start3A_112 : memref<128xi32, #tpu.memory_space<hbm>>) target(%arg9 : memref<128xi32, #tpu.memory_space<vmem>>) target_semaphore(%arg15 : memref<!tpu.dma_semaphore, #tpu.memory_space<semaphore_mem>>)
      %mul3A_113 = arith.constant 128 : i32
      %mul3A_114 = arith.muli %add3A_107, %mul3A_113 : i32
      %add3A_115 = arith.addi %mul3A_2, %mul3A_114 : i32
      %dma_start3A_116 = tpu.memref_slice %arg4[%add3A_115] : memref<327680xi32, #tpu.memory_space<hbm>> -> memref<128xi32, #tpu.memory_space<hbm>>
      %dma_start3A_117 = tpu.memref_slice %arg4[%add3A_115] : memref<327680xi32, #tpu.memory_space<hbm>> -> memref<128xi32, #tpu.memory_space<hbm>>
      tpu.enqueue_dma source(%dma_start3A_117 : memref<128xi32, #tpu.memory_space<hbm>>) target(%arg11 : memref<128xi32, #tpu.memory_space<vmem>>) target_semaphore(%arg15 : memref<!tpu.dma_semaphore, #tpu.memory_space<semaphore_mem>>)
    }
    %scan3A_34 = arith.constant 39 : i32
    %dma_wait3A_35 = arith.constant 0 : i32
    %dma_wait3A_36 = arith.constant 0 : i32
    %dma_wait3A_37 = tpu.memref_slice %arg2[%dma_wait3A_35, %dma_wait3A_36] : memref<10000x128xf32, #tpu.memory_space<hbm>> -> memref<10000x128xf32, #tpu.memory_space<hbm>>
    tpu.wait_indirect_dma semaphore(%arg16 : memref<!tpu.dma_semaphore, #tpu.memory_space<semaphore_mem>>) src(%dma_wait3A_37 : memref<10000x128xf32, #tpu.memory_space<hbm>>) dst(%arg12 : memref<128x128xf32, #tpu.memory_space<vmem>>)
    "tpu.region"() ({
      %run_scoped3A = tpu.sem_alloc : memref<!tpu.dma_semaphore, #tpu.memory_space<semaphore_mem>>
      %dma_start3A_51 = arith.constant 0 : i32
      %dma_start3A_52 = arith.constant 0 : i32
      %dma_start3A_53 = tpu.memref_slice %arg7[%dma_start3A_51, %dma_start3A_52] : memref<10240x128xf32, #tpu.memory_space<vmem_shared>> -> memref<10240x128xf32, #tpu.memory_space<vmem_shared>>
      tpu.enqueue_indirect_dma source(%arg12 : memref<128x128xf32, #tpu.memory_space<vmem>>) target(%dma_start3A_53 : memref<10240x128xf32, #tpu.memory_space<vmem_shared>>) offsets(%arg10 : memref<128xi32, #tpu.memory_space<vmem>>) semaphore(%run_scoped3A : memref<!tpu.dma_semaphore, #tpu.memory_space<semaphore_mem>>) {add = true}
      %dma_wait3A_54 = arith.constant 0 : i32
      %dma_wait3A_55 = arith.constant 0 : i32
      %dma_wait3A_56 = tpu.memref_slice %arg7[%dma_wait3A_54, %dma_wait3A_55] : memref<10240x128xf32, #tpu.memory_space<vmem_shared>> -> memref<10240x128xf32, #tpu.memory_space<vmem_shared>>
      tpu.wait_indirect_dma semaphore(%run_scoped3A : memref<!tpu.dma_semaphore, #tpu.memory_space<semaphore_mem>>) src(%arg12 : memref<128x128xf32, #tpu.memory_space<vmem>>) dst(%dma_wait3A_56 : memref<10240x128xf32, #tpu.memory_space<vmem_shared>>)
      tpu.yield
    }) : () -> ()
    %add3A_38 = arith.constant 10112 : i32
    %add3A_39 = arith.addi %mul3A_2, %add3A_38 : i32
    %dma_wait3A_40 = tpu.memref_slice %arg3[%add3A_39] : memref<327680xi32, #tpu.memory_space<hbm>> -> memref<128xi32, #tpu.memory_space<hbm>>
    %dma_wait3A_41 = tpu.memref_slice %arg3[%add3A_39] : memref<327680xi32, #tpu.memory_space<hbm>> -> memref<128xi32, #tpu.memory_space<hbm>>
    tpu.wait_dma2 semaphore(%arg15 : memref<!tpu.dma_semaphore, #tpu.memory_space<semaphore_mem>>) src(%dma_wait3A_41 : memref<128xi32, #tpu.memory_space<hbm>>) dst(%arg9 : memref<128xi32, #tpu.memory_space<vmem>>)
    %add3A_42 = arith.constant 10112 : i32
    %add3A_43 = arith.addi %mul3A_2, %add3A_42 : i32
    %dma_wait3A_44 = tpu.memref_slice %arg4[%add3A_43] : memref<327680xi32, #tpu.memory_space<hbm>> -> memref<128xi32, #tpu.memory_space<hbm>>
    %dma_wait3A_45 = tpu.memref_slice %arg4[%add3A_43] : memref<327680xi32, #tpu.memory_space<hbm>> -> memref<128xi32, #tpu.memory_space<hbm>>
    tpu.wait_dma2 semaphore(%arg15 : memref<!tpu.dma_semaphore, #tpu.memory_space<semaphore_mem>>) src(%dma_wait3A_45 : memref<128xi32, #tpu.memory_space<hbm>>) dst(%arg11 : memref<128xi32, #tpu.memory_space<vmem>>)
    %barrier3A_46 = arith.constant 0 : index
    tpu.barrier barrier_id(%barrier3A_46)
    %mul3A_47 = arith.constant 640 : i32
    %mul3A_48 = arith.muli %arg1, %mul3A_47 : i32
    %mul3A_49 = arith.constant 640 : i32
    %mul3A_50 = arith.muli %arg1, %mul3A_49 : i32
    "tpu.region"() ({
      %run_scoped3A = tpu.sem_alloc : memref<!tpu.dma_semaphore, #tpu.memory_space<semaphore_mem>>
      %dma_start3A_51 = arith.constant 0 : i32
      %dma_start3A_52 = tpu.memref_slice %arg6[%arg0, %mul3A_50, %dma_start3A_51] : memref<2x10240x128xf32, #tpu.memory_space<hbm>> -> memref<1x640x128xf32, #tpu.memory_space<hbm>>
      %dma_start3A_53 = tpu.memref_squeeze %dma_start3A_52 : memref<1x640x128xf32, #tpu.memory_space<hbm>> -> memref<640x128xf32, #tpu.memory_space<hbm>>
      %dma_start3A_54 = arith.constant 0 : i32
      %dma_start3A_55 = tpu.memref_slice %arg7[%mul3A_48, %dma_start3A_54] : memref<10240x128xf32, #tpu.memory_space<vmem_shared>> -> memref<640x128xf32, #tpu.memory_space<vmem_shared>>
      tpu.enqueue_dma source(%dma_start3A_55 : memref<640x128xf32, #tpu.memory_space<vmem_shared>>) target(%dma_start3A_53 : memref<640x128xf32, #tpu.memory_space<hbm>>) target_semaphore(%run_scoped3A : memref<!tpu.dma_semaphore, #tpu.memory_space<semaphore_mem>>)
      %dma_wait3A_56 = arith.constant 0 : i32
      %dma_wait3A_57 = tpu.memref_slice %arg6[%arg0, %mul3A_50, %dma_wait3A_56] : memref<2x10240x128xf32, #tpu.memory_space<hbm>> -> memref<1x640x128xf32, #tpu.memory_space<hbm>>
      %dma_wait3A_58 = tpu.memref_squeeze %dma_wait3A_57 : memref<1x640x128xf32, #tpu.memory_space<hbm>> -> memref<640x128xf32, #tpu.memory_space<hbm>>
      %dma_wait3A_59 = arith.constant 0 : i32
      %dma_wait3A_60 = tpu.memref_slice %arg7[%mul3A_48, %dma_wait3A_59] : memref<10240x128xf32, #tpu.memory_space<vmem_shared>> -> memref<640x128xf32, #tpu.memory_space<vmem_shared>>
      tpu.wait_dma2 semaphore(%run_scoped3A : memref<!tpu.dma_semaphore, #tpu.memory_space<semaphore_mem>>) src(%dma_wait3A_60 : memref<640x128xf32, #tpu.memory_space<vmem_shared>>) dst(%dma_wait3A_58 : memref<640x128xf32, #tpu.memory_space<hbm>>)
      tpu.yield
    }) : () -> ()
    return
  }
}

module attributes {stable_mosaic.version = 14 : i64} {
  func.func @_degred_tc(%arg0: i32, %arg1: memref<256x128xf32, #tpu.memory_space<vmem>>, %arg2: memref<8x128xf32, #tpu.memory_space<vmem>>) attributes {dimension_semantics = [#tpu.dimension_semantics<arbitrary>], iteration_bounds = array<i64: 80>, scalar_prefetch = 0 : i64, scratch_operands = 0 : i64, tpu.core_type = #tpu.core_type<tc>, window_params = [{transform_indices = @transform_0, window_bounds = array<i64: 256, 128>}, {transform_indices = @transform_1, window_bounds = array<i64: 8, 128>}]} {
    %get3A = arith.constant 0 : index
    %get3A_0 = arith.constant 0 : index
    %get3A_1 = vector.load %arg1[%get3A, %get3A_0] : memref<256x128xf32, #tpu.memory_space<vmem>>, vector<8x128xf32>
    %get3A_2 = arith.constant 8 : index
    %get3A_3 = arith.constant 0 : index
    %get3A_4 = vector.load %arg1[%get3A_2, %get3A_3] : memref<256x128xf32, #tpu.memory_space<vmem>>, vector<8x128xf32>
    %add3A = arith.addf %get3A_1, %get3A_4 : vector<8x128xf32>
    %get3A_5 = arith.constant 16 : index
    %get3A_6 = arith.constant 0 : index
    %get3A_7 = vector.load %arg1[%get3A_5, %get3A_6] : memref<256x128xf32, #tpu.memory_space<vmem>>, vector<8x128xf32>
    %add3A_8 = arith.addf %add3A, %get3A_7 : vector<8x128xf32>
    %get3A_9 = arith.constant 24 : index
    %get3A_10 = arith.constant 0 : index
    %get3A_11 = vector.load %arg1[%get3A_9, %get3A_10] : memref<256x128xf32, #tpu.memory_space<vmem>>, vector<8x128xf32>
    %add3A_12 = arith.addf %add3A_8, %get3A_11 : vector<8x128xf32>
    %get3A_13 = arith.constant 32 : index
    %get3A_14 = arith.constant 0 : index
    %get3A_15 = vector.load %arg1[%get3A_13, %get3A_14] : memref<256x128xf32, #tpu.memory_space<vmem>>, vector<8x128xf32>
    %add3A_16 = arith.addf %add3A_12, %get3A_15 : vector<8x128xf32>
    %get3A_17 = arith.constant 40 : index
    %get3A_18 = arith.constant 0 : index
    %get3A_19 = vector.load %arg1[%get3A_17, %get3A_18] : memref<256x128xf32, #tpu.memory_space<vmem>>, vector<8x128xf32>
    %add3A_20 = arith.addf %add3A_16, %get3A_19 : vector<8x128xf32>
    %get3A_21 = arith.constant 48 : index
    %get3A_22 = arith.constant 0 : index
    %get3A_23 = vector.load %arg1[%get3A_21, %get3A_22] : memref<256x128xf32, #tpu.memory_space<vmem>>, vector<8x128xf32>
    %add3A_24 = arith.addf %add3A_20, %get3A_23 : vector<8x128xf32>
    %get3A_25 = arith.constant 56 : index
    %get3A_26 = arith.constant 0 : index
    %get3A_27 = vector.load %arg1[%get3A_25, %get3A_26] : memref<256x128xf32, #tpu.memory_space<vmem>>, vector<8x128xf32>
    %add3A_28 = arith.addf %add3A_24, %get3A_27 : vector<8x128xf32>
    %get3A_29 = arith.constant 64 : index
    %get3A_30 = arith.constant 0 : index
    %get3A_31 = vector.load %arg1[%get3A_29, %get3A_30] : memref<256x128xf32, #tpu.memory_space<vmem>>, vector<8x128xf32>
    %add3A_32 = arith.addf %add3A_28, %get3A_31 : vector<8x128xf32>
    %get3A_33 = arith.constant 72 : index
    %get3A_34 = arith.constant 0 : index
    %get3A_35 = vector.load %arg1[%get3A_33, %get3A_34] : memref<256x128xf32, #tpu.memory_space<vmem>>, vector<8x128xf32>
    %add3A_36 = arith.addf %add3A_32, %get3A_35 : vector<8x128xf32>
    %get3A_37 = arith.constant 80 : index
    %get3A_38 = arith.constant 0 : index
    %get3A_39 = vector.load %arg1[%get3A_37, %get3A_38] : memref<256x128xf32, #tpu.memory_space<vmem>>, vector<8x128xf32>
    %add3A_40 = arith.addf %add3A_36, %get3A_39 : vector<8x128xf32>
    %get3A_41 = arith.constant 88 : index
    %get3A_42 = arith.constant 0 : index
    %get3A_43 = vector.load %arg1[%get3A_41, %get3A_42] : memref<256x128xf32, #tpu.memory_space<vmem>>, vector<8x128xf32>
    %add3A_44 = arith.addf %add3A_40, %get3A_43 : vector<8x128xf32>
    %get3A_45 = arith.constant 96 : index
    %get3A_46 = arith.constant 0 : index
    %get3A_47 = vector.load %arg1[%get3A_45, %get3A_46] : memref<256x128xf32, #tpu.memory_space<vmem>>, vector<8x128xf32>
    %add3A_48 = arith.addf %add3A_44, %get3A_47 : vector<8x128xf32>
    %get3A_49 = arith.constant 104 : index
    %get3A_50 = arith.constant 0 : index
    %get3A_51 = vector.load %arg1[%get3A_49, %get3A_50] : memref<256x128xf32, #tpu.memory_space<vmem>>, vector<8x128xf32>
    %add3A_52 = arith.addf %add3A_48, %get3A_51 : vector<8x128xf32>
    %get3A_53 = arith.constant 112 : index
    %get3A_54 = arith.constant 0 : index
    %get3A_55 = vector.load %arg1[%get3A_53, %get3A_54] : memref<256x128xf32, #tpu.memory_space<vmem>>, vector<8x128xf32>
    %add3A_56 = arith.addf %add3A_52, %get3A_55 : vector<8x128xf32>
    %get3A_57 = arith.constant 120 : index
    %get3A_58 = arith.constant 0 : index
    %get3A_59 = vector.load %arg1[%get3A_57, %get3A_58] : memref<256x128xf32, #tpu.memory_space<vmem>>, vector<8x128xf32>
    %add3A_60 = arith.addf %add3A_56, %get3A_59 : vector<8x128xf32>
    %get3A_61 = arith.constant 128 : index
    %get3A_62 = arith.constant 0 : index
    %get3A_63 = vector.load %arg1[%get3A_61, %get3A_62] : memref<256x128xf32, #tpu.memory_space<vmem>>, vector<8x128xf32>
    %add3A_64 = arith.addf %add3A_60, %get3A_63 : vector<8x128xf32>
    %get3A_65 = arith.constant 136 : index
    %get3A_66 = arith.constant 0 : index
    %get3A_67 = vector.load %arg1[%get3A_65, %get3A_66] : memref<256x128xf32, #tpu.memory_space<vmem>>, vector<8x128xf32>
    %add3A_68 = arith.addf %add3A_64, %get3A_67 : vector<8x128xf32>
    %get3A_69 = arith.constant 144 : index
    %get3A_70 = arith.constant 0 : index
    %get3A_71 = vector.load %arg1[%get3A_69, %get3A_70] : memref<256x128xf32, #tpu.memory_space<vmem>>, vector<8x128xf32>
    %add3A_72 = arith.addf %add3A_68, %get3A_71 : vector<8x128xf32>
    %get3A_73 = arith.constant 152 : index
    %get3A_74 = arith.constant 0 : index
    %get3A_75 = vector.load %arg1[%get3A_73, %get3A_74] : memref<256x128xf32, #tpu.memory_space<vmem>>, vector<8x128xf32>
    %add3A_76 = arith.addf %add3A_72, %get3A_75 : vector<8x128xf32>
    %get3A_77 = arith.constant 160 : index
    %get3A_78 = arith.constant 0 : index
    %get3A_79 = vector.load %arg1[%get3A_77, %get3A_78] : memref<256x128xf32, #tpu.memory_space<vmem>>, vector<8x128xf32>
    %add3A_80 = arith.addf %add3A_76, %get3A_79 : vector<8x128xf32>
    %get3A_81 = arith.constant 168 : index
    %get3A_82 = arith.constant 0 : index
    %get3A_83 = vector.load %arg1[%get3A_81, %get3A_82] : memref<256x128xf32, #tpu.memory_space<vmem>>, vector<8x128xf32>
    %add3A_84 = arith.addf %add3A_80, %get3A_83 : vector<8x128xf32>
    %get3A_85 = arith.constant 176 : index
    %get3A_86 = arith.constant 0 : index
    %get3A_87 = vector.load %arg1[%get3A_85, %get3A_86] : memref<256x128xf32, #tpu.memory_space<vmem>>, vector<8x128xf32>
    %add3A_88 = arith.addf %add3A_84, %get3A_87 : vector<8x128xf32>
    %get3A_89 = arith.constant 184 : index
    %get3A_90 = arith.constant 0 : index
    %get3A_91 = vector.load %arg1[%get3A_89, %get3A_90] : memref<256x128xf32, #tpu.memory_space<vmem>>, vector<8x128xf32>
    %add3A_92 = arith.addf %add3A_88, %get3A_91 : vector<8x128xf32>
    %get3A_93 = arith.constant 192 : index
    %get3A_94 = arith.constant 0 : index
    %get3A_95 = vector.load %arg1[%get3A_93, %get3A_94] : memref<256x128xf32, #tpu.memory_space<vmem>>, vector<8x128xf32>
    %add3A_96 = arith.addf %add3A_92, %get3A_95 : vector<8x128xf32>
    %get3A_97 = arith.constant 200 : index
    %get3A_98 = arith.constant 0 : index
    %get3A_99 = vector.load %arg1[%get3A_97, %get3A_98] : memref<256x128xf32, #tpu.memory_space<vmem>>, vector<8x128xf32>
    %add3A_100 = arith.addf %add3A_96, %get3A_99 : vector<8x128xf32>
    %get3A_101 = arith.constant 208 : index
    %get3A_102 = arith.constant 0 : index
    %get3A_103 = vector.load %arg1[%get3A_101, %get3A_102] : memref<256x128xf32, #tpu.memory_space<vmem>>, vector<8x128xf32>
    %add3A_104 = arith.addf %add3A_100, %get3A_103 : vector<8x128xf32>
    %get3A_105 = arith.constant 216 : index
    %get3A_106 = arith.constant 0 : index
    %get3A_107 = vector.load %arg1[%get3A_105, %get3A_106] : memref<256x128xf32, #tpu.memory_space<vmem>>, vector<8x128xf32>
    %add3A_108 = arith.addf %add3A_104, %get3A_107 : vector<8x128xf32>
    %get3A_109 = arith.constant 224 : index
    %get3A_110 = arith.constant 0 : index
    %get3A_111 = vector.load %arg1[%get3A_109, %get3A_110] : memref<256x128xf32, #tpu.memory_space<vmem>>, vector<8x128xf32>
    %add3A_112 = arith.addf %add3A_108, %get3A_111 : vector<8x128xf32>
    %get3A_113 = arith.constant 232 : index
    %get3A_114 = arith.constant 0 : index
    %get3A_115 = vector.load %arg1[%get3A_113, %get3A_114] : memref<256x128xf32, #tpu.memory_space<vmem>>, vector<8x128xf32>
    %add3A_116 = arith.addf %add3A_112, %get3A_115 : vector<8x128xf32>
    %get3A_117 = arith.constant 240 : index
    %get3A_118 = arith.constant 0 : index
    %get3A_119 = vector.load %arg1[%get3A_117, %get3A_118] : memref<256x128xf32, #tpu.memory_space<vmem>>, vector<8x128xf32>
    %add3A_120 = arith.addf %add3A_116, %get3A_119 : vector<8x128xf32>
    %get3A_121 = arith.constant 248 : index
    %get3A_122 = arith.constant 0 : index
    %get3A_123 = vector.load %arg1[%get3A_121, %get3A_122] : memref<256x128xf32, #tpu.memory_space<vmem>>, vector<8x128xf32>
    %add3A_124 = arith.addf %add3A_120, %get3A_123 : vector<8x128xf32>
    %swap3A = arith.constant 0 : index
    %swap3A_125 = arith.constant 0 : index
    %swap3A_126 = vector.load %arg2[%swap3A, %swap3A_125] : memref<8x128xf32, #tpu.memory_space<vmem>>, vector<8x128xf32>
    tpu.vector_store %arg2[%swap3A, %swap3A_125], %add3A_124 {strides = array<i32>} : memref<8x128xf32, #tpu.memory_space<vmem>>, vector<8x128xf32>,
    return
  }
  func.func @transform_0(%arg0: i32) -> (i32, i32) {
    %c0_i32 = arith.constant 0 : i32
    %c0_i32_0 = arith.constant 0 : i32
    return %c0_i32, %arg0 : i32, i32
  }
  func.func @transform_1(%arg0: i32) -> (i32, i32) {
    %c0_i32 = arith.constant 0 : i32
    %c0_i32_0 = arith.constant 0 : i32
    return %c0_i32, %arg0 : i32, i32
  }
}

module attributes {stable_mosaic.version = 14 : i64} {
  func.func @_prep_tc(%arg0: i32, %arg1: memref<1000x8xf32, #tpu.memory_space<vmem>>, %arg2: memref<1000x128xf32, #tpu.memory_space<vmem>>, %arg3: memref<8x128xf32, #tpu.memory_space<vmem>>, %arg4: memref<1000x8xf32, #tpu.memory_space<vmem>>, %arg5: memref<1000x128xf32, #tpu.memory_space<vmem>>, %arg6: memref<1000x128xf32, #tpu.memory_space<vmem>>, %arg7: memref<1000x128xf32, #tpu.memory_space<vmem>>, %arg8: memref<1000x128xf32, #tpu.memory_space<vmem>>) attributes {dimension_semantics = [#tpu.dimension_semantics<arbitrary>], iteration_bounds = array<i64: 10>, scalar_prefetch = 0 : i64, scratch_operands = 0 : i64, tpu.core_type = #tpu.core_type<tc>, window_params = [{transform_indices = @transform_0, window_bounds = array<i64: 1000, 8>}, {transform_indices = @transform_1, window_bounds = array<i64: 1000, 128>}, {pipeline_mode = #tpu.pipeline_mode<synchronous>, transform_indices = @transform_2, window_bounds = array<i64: 8, 128>}, {transform_indices = @transform_3, window_bounds = array<i64: 1000, 8>}, {transform_indices = @transform_4, window_bounds = array<i64: 1000, 128>}, {transform_indices = @transform_5, window_bounds = array<i64: 1000, 128>}, {transform_indices = @transform_6, window_bounds = array<i64: 1000, 128>}, {transform_indices = @transform_7, window_bounds = array<i64: 1000, 128>}]} {
    %get3A = arith.constant 0 : index
    %get3A_0 = arith.constant 0 : index
    %get3A_1 = vector.load %arg1[%get3A, %get3A_0] : memref<1000x8xf32, #tpu.memory_space<vmem>>, vector<1000x8xf32>
    %gt3A = arith.constant 0.000000e+00 : f32
    %gt3A_2 = vector.broadcast %gt3A : f32 to vector<1000x8xf32>
    %gt3A_3 = arith.cmpf ogt, %get3A_1, %gt3A_2 : vector<1000x8xf32>
    %max3A = arith.constant 1.000000e+00 : f32
    %max3A_4 = vector.broadcast %max3A : f32 to vector<1000x8xf32>
    %max3A_5 = arith.maximumf %get3A_1, %max3A_4 : vector<1000x8xf32>
    %rsqrt3A = math.rsqrt %max3A_5 : vector<1000x8xf32>
    %jit3A = arith.constant 0.000000e+00 : f32
    %broadcast_in_dim3A = vector.broadcast %jit3A : f32 to vector<1000x8xf32>
    %select_n3A = arith.select %gt3A_3, %rsqrt3A, %broadcast_in_dim3A : vector<1000x8xi1>, vector<1000x8xf32>
    %swap3A = arith.constant 0 : index
    %swap3A_6 = arith.constant 0 : index
    %swap3A_7 = vector.load %arg4[%swap3A, %swap3A_6] : memref<1000x8xf32, #tpu.memory_space<vmem>>, vector<1000x8xf32>
    tpu.vector_store %arg4[%swap3A, %swap3A_6], %select_n3A {strides = array<i32>} : memref<1000x8xf32, #tpu.memory_space<vmem>>, vector<1000x8xf32>,
    %get3A_8 = arith.constant 0 : index
    %get3A_9 = arith.constant 0 : index
    %get3A_10 = vector.load %arg2[%get3A_8, %get3A_9] : memref<1000x128xf32, #tpu.memory_space<vmem>>, vector<1000x128xf32>
    %get3A_11 = arith.constant 0 : index
    %get3A_12 = arith.constant 0 : index
    %get3A_13 = vector.load %arg3[%get3A_11, %get3A_12] : memref<8x128xf32, #tpu.memory_space<vmem>>, vector<1x128xf32>
    %get3A_14 = vector.shape_cast %get3A_13 : vector<1x128xf32> to vector<128xf32>
    %broadcast_in_dim3A_15 = vector.shape_cast %get3A_14 : vector<128xf32> to vector<1x128xf32>
    %mul3A = vector.broadcast %broadcast_in_dim3A_15 : vector<1x128xf32> to vector<1000x128xf32>
    %mul3A_16 = arith.mulf %get3A_10, %mul3A : vector<1000x128xf32>
    %slice3A = vector.extract_strided_slice %select_n3A {offsets = [0, 0], sizes = [1000, 1], strides = [1, 1]} : vector<1000x8xf32> to vector<1000x1xf32>
    %squeeze3A = vector.shape_cast %slice3A : vector<1000x1xf32> to vector<1000xf32>
    %broadcast_in_dim3A_17 = vector.shape_cast %squeeze3A : vector<1000xf32> to vector<1000x1xf32>
    %mul3A_18 = vector.broadcast %broadcast_in_dim3A_17 : vector<1000x1xf32> to vector<1000x128xf32>
    %mul3A_19 = arith.mulf %mul3A_16, %mul3A_18 : vector<1000x128xf32>
    %swap3A_20 = arith.constant 0 : index
    %swap3A_21 = arith.constant 0 : index
    %swap3A_22 = vector.load %arg5[%swap3A_20, %swap3A_21] : memref<1000x128xf32, #tpu.memory_space<vmem>>, vector<1000x128xf32>
    tpu.vector_store %arg5[%swap3A_20, %swap3A_21], %mul3A_19 {strides = array<i32>} : memref<1000x128xf32, #tpu.memory_space<vmem>>, vector<1000x128xf32>,
    %get3A_23 = arith.constant 1 : index
    %get3A_24 = arith.constant 0 : index
    %get3A_25 = vector.load %arg3[%get3A_23, %get3A_24] : memref<8x128xf32, #tpu.memory_space<vmem>>, vector<1x128xf32>
    %get3A_26 = vector.shape_cast %get3A_25 : vector<1x128xf32> to vector<128xf32>
    %broadcast_in_dim3A_27 = vector.shape_cast %get3A_26 : vector<128xf32> to vector<1x128xf32>
    %mul3A_28 = vector.broadcast %broadcast_in_dim3A_27 : vector<1x128xf32> to vector<1000x128xf32>
    %mul3A_29 = arith.mulf %get3A_10, %mul3A_28 : vector<1000x128xf32>
    %slice3A_30 = vector.extract_strided_slice %select_n3A {offsets = [0, 2], sizes = [1000, 1], strides = [1, 1]} : vector<1000x8xf32> to vector<1000x1xf32>
    %squeeze3A_31 = vector.shape_cast %slice3A_30 : vector<1000x1xf32> to vector<1000xf32>
    %broadcast_in_dim3A_32 = vector.shape_cast %squeeze3A_31 : vector<1000xf32> to vector<1000x1xf32>
    %mul3A_33 = vector.broadcast %broadcast_in_dim3A_32 : vector<1000x1xf32> to vector<1000x128xf32>
    %mul3A_34 = arith.mulf %mul3A_29, %mul3A_33 : vector<1000x128xf32>
    %swap3A_35 = arith.constant 0 : index
    %swap3A_36 = arith.constant 0 : index
    %swap3A_37 = vector.load %arg6[%swap3A_35, %swap3A_36] : memref<1000x128xf32, #tpu.memory_space<vmem>>, vector<1000x128xf32>
    tpu.vector_store %arg6[%swap3A_35, %swap3A_36], %mul3A_34 {strides = array<i32>} : memref<1000x128xf32, #tpu.memory_space<vmem>>, vector<1000x128xf32>,
    %get3A_38 = arith.constant 2 : index
    %get3A_39 = arith.constant 0 : index
    %get3A_40 = vector.load %arg3[%get3A_38, %get3A_39] : memref<8x128xf32, #tpu.memory_space<vmem>>, vector<1x128xf32>
    %get3A_41 = vector.shape_cast %get3A_40 : vector<1x128xf32> to vector<128xf32>
    %broadcast_in_dim3A_42 = vector.shape_cast %get3A_41 : vector<128xf32> to vector<1x128xf32>
    %mul3A_43 = vector.broadcast %broadcast_in_dim3A_42 : vector<1x128xf32> to vector<1000x128xf32>
    %mul3A_44 = arith.mulf %get3A_10, %mul3A_43 : vector<1000x128xf32>
    %slice3A_45 = vector.extract_strided_slice %select_n3A {offsets = [0, 4], sizes = [1000, 1], strides = [1, 1]} : vector<1000x8xf32> to vector<1000x1xf32>
    %squeeze3A_46 = vector.shape_cast %slice3A_45 : vector<1000x1xf32> to vector<1000xf32>
    %broadcast_in_dim3A_47 = vector.shape_cast %squeeze3A_46 : vector<1000xf32> to vector<1000x1xf32>
    %mul3A_48 = vector.broadcast %broadcast_in_dim3A_47 : vector<1000x1xf32> to vector<1000x128xf32>
    %mul3A_49 = arith.mulf %mul3A_44, %mul3A_48 : vector<1000x128xf32>
    %swap3A_50 = arith.constant 0 : index
    %swap3A_51 = arith.constant 0 : index
    %swap3A_52 = vector.load %arg7[%swap3A_50, %swap3A_51] : memref<1000x128xf32, #tpu.memory_space<vmem>>, vector<1000x128xf32>
    tpu.vector_store %arg7[%swap3A_50, %swap3A_51], %mul3A_49 {strides = array<i32>} : memref<1000x128xf32, #tpu.memory_space<vmem>>, vector<1000x128xf32>,
    %get3A_53 = arith.constant 3 : index
    %get3A_54 = arith.constant 0 : index
    %get3A_55 = vector.load %arg3[%get3A_53, %get3A_54] : memref<8x128xf32, #tpu.memory_space<vmem>>, vector<1x128xf32>
    %get3A_56 = vector.shape_cast %get3A_55 : vector<1x128xf32> to vector<128xf32>
    %broadcast_in_dim3A_57 = vector.shape_cast %get3A_56 : vector<128xf32> to vector<1x128xf32>
    %mul3A_58 = vector.broadcast %broadcast_in_dim3A_57 : vector<1x128xf32> to vector<1000x128xf32>
    %mul3A_59 = arith.mulf %get3A_10, %mul3A_58 : vector<1000x128xf32>
    %slice3A_60 = vector.extract_strided_slice %select_n3A {offsets = [0, 6], sizes = [1000, 1], strides = [1, 1]} : vector<1000x8xf32> to vector<1000x1xf32>
    %squeeze3A_61 = vector.shape_cast %slice3A_60 : vector<1000x1xf32> to vector<1000xf32>
    %broadcast_in_dim3A_62 = vector.shape_cast %squeeze3A_61 : vector<1000xf32> to vector<1000x1xf32>
    %mul3A_63 = vector.broadcast %broadcast_in_dim3A_62 : vector<1000x1xf32> to vector<1000x128xf32>
    %mul3A_64 = arith.mulf %mul3A_59, %mul3A_63 : vector<1000x128xf32>
    %swap3A_65 = arith.constant 0 : index
    %swap3A_66 = arith.constant 0 : index
    %swap3A_67 = vector.load %arg8[%swap3A_65, %swap3A_66] : memref<1000x128xf32, #tpu.memory_space<vmem>>, vector<1000x128xf32>
    tpu.vector_store %arg8[%swap3A_65, %swap3A_66], %mul3A_64 {strides = array<i32>} : memref<1000x128xf32, #tpu.memory_space<vmem>>, vector<1000x128xf32>,
    return
  }
  func.func @transform_0(%arg0: i32) -> (i32, i32) {
    %c0_i32 = arith.constant 0 : i32
    %c0_i32_0 = arith.constant 0 : i32
    return %arg0, %c0_i32 : i32, i32
  }
  func.func @transform_1(%arg0: i32) -> (i32, i32) {
    %c0_i32 = arith.constant 0 : i32
    %c0_i32_0 = arith.constant 0 : i32
    return %arg0, %c0_i32 : i32, i32
  }
  func.func @transform_2(%arg0: i32) -> (i32, i32) {
    %c0_i32 = arith.constant 0 : i32
    %c0_i32_0 = arith.constant 0 : i32
    %c0_i32_1 = arith.constant 0 : i32
    return %c0_i32, %c0_i32_0 : i32, i32
  }
  func.func @transform_3(%arg0: i32) -> (i32, i32) {
    %c0_i32 = arith.constant 0 : i32
    %c0_i32_0 = arith.constant 0 : i32
    return %arg0, %c0_i32 : i32, i32
  }
  func.func @transform_4(%arg0: i32) -> (i32, i32) {
    %c0_i32 = arith.constant 0 : i32
    %c0_i32_0 = arith.constant 0 : i32
    return %arg0, %c0_i32 : i32, i32
  }
  func.func @transform_5(%arg0: i32) -> (i32, i32) {
    %c0_i32 = arith.constant 0 : i32
    %c0_i32_0 = arith.constant 0 : i32
    return %arg0, %c0_i32 : i32, i32
  }
  func.func @transform_6(%arg0: i32) -> (i32, i32) {
    %c0_i32 = arith.constant 0 : i32
    %c0_i32_0 = arith.constant 0 : i32
    return %arg0, %c0_i32 : i32, i32
  }
  func.func @transform_7(%arg0: i32) -> (i32, i32) {
    %c0_i32 = arith.constant 0 : i32
    %c0_i32_0 = arith.constant 0 : i32
    return %arg0, %c0_i32 : i32, i32
  }
}

module attributes {stable_mosaic.version = 14 : i64} {
  func.func @_relvec_tc(%arg0: memref<8x128xf32, #tpu.memory_space<vmem>>, %arg1: memref<128x128xf32, #tpu.memory_space<vmem>>, %arg2: memref<1x128xf32, #tpu.memory_space<vmem>>, %arg3: memref<128x128xf32, #tpu.memory_space<vmem>>, %arg4: memref<1x128xf32, #tpu.memory_space<vmem>>, %arg5: memref<8x128xf32, #tpu.memory_space<vmem>>, %arg6: memref<8x128xf32, #tpu.memory_space<vmem>>) attributes {dimension_semantics = [], scalar_prefetch = 0 : i64, scratch_operands = 0 : i64, tpu.core_type = #tpu.core_type<tc>} {
    %get3A = arith.constant 0 : index
    %get3A_0 = arith.constant 0 : index
    %get3A_1 = vector.load %arg0[%get3A, %get3A_0] : memref<8x128xf32, #tpu.memory_space<vmem>>, vector<8x128xf32>
    %get3A_2 = arith.constant 0 : index
    %get3A_3 = arith.constant 0 : index
    %get3A_4 = vector.load %arg1[%get3A_2, %get3A_3] : memref<128x128xf32, #tpu.memory_space<vmem>>, vector<128x128xf32>
    %dot_general3A = arith.constant dense<0.000000e+00> : vector<8x128xf32>
    %dot_general3A_5 = tpu.matmul %get3A_1, %get3A_4, %dot_general3A {dimension_numbers = #tpu.dot_dimension_numbers<[1], [0], [0], [1], [0, 0, 1, 1], [], []>, transpose_lhs_hint = false} : vector<8x128xf32>, vector<128x128xf32>, vector<8x128xf32> -> vector<8x128xf32>
    %get3A_6 = arith.constant 0 : index
    %get3A_7 = arith.constant 0 : index
    %get3A_8 = vector.load %arg2[%get3A_6, %get3A_7] : memref<1x128xf32, #tpu.memory_space<vmem>>, vector<1x128xf32>
    %add3A = vector.broadcast %get3A_8 : vector<1x128xf32> to vector<8x128xf32>
    %add3A_9 = arith.addf %dot_general3A_5, %add3A : vector<8x128xf32>
    %get3A_10 = arith.constant 0 : index
    %get3A_11 = arith.constant 0 : index
    %get3A_12 = vector.load %arg3[%get3A_10, %get3A_11] : memref<128x128xf32, #tpu.memory_space<vmem>>, vector<128x128xf32>
    %dot_general3A_13 = arith.constant dense<0.000000e+00> : vector<8x128xf32>
    %dot_general3A_14 = tpu.matmul %add3A_9, %get3A_12, %dot_general3A_13 {dimension_numbers = #tpu.dot_dimension_numbers<[1], [0], [0], [1], [0, 0, 1, 1], [], []>, transpose_lhs_hint = false} : vector<8x128xf32>, vector<128x128xf32>, vector<8x128xf32> -> vector<8x128xf32>
    %get3A_15 = arith.constant 0 : index
    %get3A_16 = arith.constant 0 : index
    %get3A_17 = vector.load %arg4[%get3A_15, %get3A_16] : memref<1x128xf32, #tpu.memory_space<vmem>>, vector<1x128xf32>
    %add3A_18 = vector.broadcast %get3A_17 : vector<1x128xf32> to vector<8x128xf32>
    %add3A_19 = arith.addf %dot_general3A_14, %add3A_18 : vector<8x128xf32>
    %swap3A = arith.constant 0 : index
    %swap3A_20 = arith.constant 0 : index
    %swap3A_21 = vector.load %arg5[%swap3A, %swap3A_20] : memref<8x128xf32, #tpu.memory_space<vmem>>, vector<8x128xf32>
    tpu.vector_store %arg5[%swap3A, %swap3A_20], %add3A_9 {strides = array<i32>} : memref<8x128xf32, #tpu.memory_space<vmem>>, vector<8x128xf32>,
    %swap3A_22 = arith.constant 0 : index
    %swap3A_23 = arith.constant 0 : index
    %swap3A_24 = vector.load %arg6[%swap3A_22, %swap3A_23] : memref<8x128xf32, #tpu.memory_space<vmem>>, vector<8x128xf32>
    tpu.vector_store %arg6[%swap3A_22, %swap3A_23], %add3A_19 {strides = array<i32>} : memref<8x128xf32, #tpu.memory_space<vmem>>, vector<8x128xf32>,
    return
  }
}

module attributes {stable_mosaic.version = 14 : i64} {
  func.func @_dense_tc_stats(%arg0: i32, %arg1: memref<2x1000x128xf32, #tpu.memory_space<vmem>>, %arg2: memref<1000x1xf32, #tpu.memory_space<vmem>>, %arg3: memref<128x128xf32, #tpu.memory_space<vmem>>, %arg4: memref<1x128xf32, #tpu.memory_space<vmem>>, %arg5: memref<1000x128xf32, #tpu.memory_space<vmem>>, %arg6: memref<8x128xf32, #tpu.memory_space<vmem>>) attributes {dimension_semantics = [#tpu.dimension_semantics<arbitrary>], iteration_bounds = array<i64: 10>, scalar_prefetch = 0 : i64, scratch_operands = 0 : i64, tpu.core_type = #tpu.core_type<tc>, window_params = [{transform_indices = @transform_0, window_bounds = array<i64: 2, 1000, 128>}, {transform_indices = @transform_1, window_bounds = array<i64: 1000, 1>}, {pipeline_mode = #tpu.pipeline_mode<synchronous>, transform_indices = @transform_2, window_bounds = array<i64: 128, 128>}, {pipeline_mode = #tpu.pipeline_mode<synchronous>, transform_indices = @transform_3, window_bounds = array<i64: 1, 128>}, {transform_indices = @transform_4, window_bounds = array<i64: 1000, 128>}, {pipeline_mode = #tpu.pipeline_mode<synchronous>, transform_indices = @transform_5, window_bounds = array<i64: 8, 128>}]} {
    %get3A = arith.constant 0 : index
    %get3A_0 = arith.constant 0 : index
    %get3A_1 = arith.constant 0 : index
    %get3A_2 = vector.load %arg1[%get3A, %get3A_0, %get3A_1] : memref<2x1000x128xf32, #tpu.memory_space<vmem>>, vector<1x1000x128xf32>
    %get3A_3 = vector.shape_cast %get3A_2 : vector<1x1000x128xf32> to vector<1000x128xf32>
    %get3A_4 = arith.constant 1 : index
    %get3A_5 = arith.constant 0 : index
    %get3A_6 = arith.constant 0 : index
    %get3A_7 = vector.load %arg1[%get3A_4, %get3A_5, %get3A_6] : memref<2x1000x128xf32, #tpu.memory_space<vmem>>, vector<1x1000x128xf32>
    %get3A_8 = vector.shape_cast %get3A_7 : vector<1x1000x128xf32> to vector<1000x128xf32>
    %add3A = arith.addf %get3A_3, %get3A_8 : vector<1000x128xf32>
    %get3A_9 = arith.constant 0 : index
    %get3A_10 = arith.constant 0 : index
    %get3A_11 = vector.load %arg2[%get3A_9, %get3A_10] : memref<1000x1xf32, #tpu.memory_space<vmem>>, vector<1000x1xf32>
    %mul3A = vector.broadcast %get3A_11 : vector<1000x1xf32> to vector<1000x128xf32>
    %mul3A_12 = arith.mulf %add3A, %mul3A : vector<1000x128xf32>
    %get3A_13 = arith.constant 0 : index
    %get3A_14 = arith.constant 0 : index
    %get3A_15 = vector.load %arg3[%get3A_13, %get3A_14] : memref<128x128xf32, #tpu.memory_space<vmem>>, vector<128x128xf32>
    %dot_general3A = arith.constant dense<0.000000e+00> : vector<1000x128xf32>
    %dot_general3A_16 = tpu.matmul %mul3A_12, %get3A_15, %dot_general3A {dimension_numbers = #tpu.dot_dimension_numbers<[1], [0], [0], [1], [0, 0, 1, 1], [], []>, transpose_lhs_hint = false} : vector<1000x128xf32>, vector<128x128xf32>, vector<1000x128xf32> -> vector<1000x128xf32>
    %get3A_17 = arith.constant 0 : index
    %get3A_18 = arith.constant 0 : index
    %get3A_19 = vector.load %arg4[%get3A_17, %get3A_18] : memref<1x128xf32, #tpu.memory_space<vmem>>, vector<1x128xf32>
    %get3A_20 = vector.shape_cast %get3A_19 : vector<1x128xf32> to vector<128xf32>
    %broadcast_in_dim3A = vector.shape_cast %get3A_20 : vector<128xf32> to vector<1x128xf32>
    %add3A_21 = vector.broadcast %broadcast_in_dim3A : vector<1x128xf32> to vector<1000x128xf32>
    %add3A_22 = arith.addf %dot_general3A_16, %add3A_21 : vector<1000x128xf32>
    %swap3A = arith.constant 0 : index
    %swap3A_23 = arith.constant 0 : index
    %swap3A_24 = vector.load %arg5[%swap3A, %swap3A_23] : memref<1000x128xf32, #tpu.memory_space<vmem>>, vector<1000x128xf32>
    tpu.vector_store %arg5[%swap3A, %swap3A_23], %add3A_22 {strides = array<i32>} : memref<1000x128xf32, #tpu.memory_space<vmem>>, vector<1000x128xf32>,
    %eq3A = arith.constant 0 : i32
    %eq3A_25 = arith.cmpi eq, %arg0, %eq3A : i32
    %convert_element_type3A = arith.extui %eq3A_25 : i1 to i32
    %cond3A = arith.constant 0 : i32
    %cond3A_26 = arith.cmpi ne, %convert_element_type3A, %cond3A : i32
    scf.if %cond3A_26 {
      %broadcast_in_dim3A_47 = arith.constant 0.000000e+00 : f32
      %broadcast_in_dim3A_48 = vector.broadcast %broadcast_in_dim3A_47 : f32 to vector<8x128xf32>
      %swap3A_49 = arith.constant 0 : index
      %swap3A_50 = arith.constant 0 : index
      %swap3A_51 = vector.load %arg6[%swap3A_49, %swap3A_50] : memref<8x128xf32, #tpu.memory_space<vmem>>, vector<8x128xf32>
      tpu.vector_store %arg6[%swap3A_49, %swap3A_50], %broadcast_in_dim3A_48 {strides = array<i32>} : memref<8x128xf32, #tpu.memory_space<vmem>>, vector<8x128xf32>,
    } else {
    }
    %get3A_27 = arith.constant 0 : index
    %get3A_28 = arith.constant 0 : index
    %get3A_29 = vector.load %arg6[%get3A_27, %get3A_28] : memref<8x128xf32, #tpu.memory_space<vmem>>, vector<1x128xf32>
    %reduce_sum3A = arith.constant dense<0.000000e+00> : vector<128xf32>
    %reduce_sum3A_30 = vector.multi_reduction <add>, %add3A_22, %reduce_sum3A [0] : vector<1000x128xf32> to vector<128xf32>
    %broadcast_in_dim3A_31 = vector.shape_cast %reduce_sum3A_30 : vector<128xf32> to vector<1x128xf32>
    %add3A_32 = arith.addf %get3A_29, %broadcast_in_dim3A_31 : vector<1x128xf32>
    %swap3A_33 = arith.constant 0 : index
    %swap3A_34 = arith.constant 0 : index
    %swap3A_35 = vector.load %arg6[%swap3A_33, %swap3A_34] : memref<8x128xf32, #tpu.memory_space<vmem>>, vector<1x128xf32>
    tpu.vector_store %arg6[%swap3A_33, %swap3A_34], %add3A_32 {strides = array<i32>} : memref<8x128xf32, #tpu.memory_space<vmem>>, vector<1x128xf32>,
    %get3A_36 = arith.constant 1 : index
    %get3A_37 = arith.constant 0 : index
    %get3A_38 = vector.load %arg6[%get3A_36, %get3A_37] : memref<8x128xf32, #tpu.memory_space<vmem>>, vector<1x128xf32>
    %mul3A_39 = arith.mulf %add3A_22, %add3A_22 : vector<1000x128xf32>
    %reduce_sum3A_40 = arith.constant dense<0.000000e+00> : vector<128xf32>
    %reduce_sum3A_41 = vector.multi_reduction <add>, %mul3A_39, %reduce_sum3A_40 [0] : vector<1000x128xf32> to vector<128xf32>
    %broadcast_in_dim3A_42 = vector.shape_cast %reduce_sum3A_41 : vector<128xf32> to vector<1x128xf32>
    %add3A_43 = arith.addf %get3A_38, %broadcast_in_dim3A_42 : vector<1x128xf32>
    %swap3A_44 = arith.constant 1 : index
    %swap3A_45 = arith.constant 0 : index
    %swap3A_46 = vector.load %arg6[%swap3A_44, %swap3A_45] : memref<8x128xf32, #tpu.memory_space<vmem>>, vector<1x128xf32>
    tpu.vector_store %arg6[%swap3A_44, %swap3A_45], %add3A_43 {strides = array<i32>} : memref<8x128xf32, #tpu.memory_space<vmem>>, vector<1x128xf32>,
    return
  }
  func.func @transform_0(%arg0: i32) -> (i32, i32, i32) {
    %c0_i32 = arith.constant 0 : i32
    %c0_i32_0 = arith.constant 0 : i32
    %c0_i32_1 = arith.constant 0 : i32
    return %c0_i32, %arg0, %c0_i32_0 : i32, i32, i32
  }
  func.func @transform_1(%arg0: i32) -> (i32, i32) {
    %c0_i32 = arith.constant 0 : i32
    %c0_i32_0 = arith.constant 0 : i32
    return %arg0, %c0_i32 : i32, i32
  }
  func.func @transform_2(%arg0: i32) -> (i32, i32) {
    %c0_i32 = arith.constant 0 : i32
    %c0_i32_0 = arith.constant 0 : i32
    %c0_i32_1 = arith.constant 0 : i32
    return %c0_i32, %c0_i32_0 : i32, i32
  }
  func.func @transform_3(%arg0: i32) -> (i32, i32) {
    %c0_i32 = arith.constant 0 : i32
    %c0_i32_0 = arith.constant 0 : i32
    %c0_i32_1 = arith.constant 0 : i32
    return %c0_i32, %c0_i32_0 : i32, i32
  }
  func.func @transform_4(%arg0: i32) -> (i32, i32) {
    %c0_i32 = arith.constant 0 : i32
    %c0_i32_0 = arith.constant 0 : i32
    return %arg0, %c0_i32 : i32, i32
  }
  func.func @transform_5(%arg0: i32) -> (i32, i32) {
    %c0_i32 = arith.constant 0 : i32
    %c0_i32_0 = arith.constant 0 : i32
    %c0_i32_1 = arith.constant 0 : i32
    return %c0_i32, %c0_i32_0 : i32, i32
  }
}

module attributes {stable_mosaic.version = 14 : i64} {
  func.func @_post_tc(%arg0: i32, %arg1: memref<1000x128xf32, #tpu.memory_space<vmem>>, %arg2: memref<8x128xf32, #tpu.memory_space<vmem>>, %arg3: memref<1000x128xf32, #tpu.memory_space<vmem>>, %arg4: memref<1x128xf32, #tpu.memory_space<vmem>>, %arg5: memref<1000x1xf32, #tpu.memory_space<vmem>>, %arg6: memref<1x128xf32, #tpu.memory_space<vmem>>, %arg7: memref<1x128xf32, #tpu.memory_space<vmem>>, %arg8: memref<1000x128xf32, #tpu.memory_space<vmem>>) attributes {dimension_semantics = [#tpu.dimension_semantics<arbitrary>], iteration_bounds = array<i64: 10>, scalar_prefetch = 0 : i64, scratch_operands = 0 : i64, tpu.core_type = #tpu.core_type<tc>, window_params = [{transform_indices = @transform_0, window_bounds = array<i64: 1000, 128>}, {pipeline_mode = #tpu.pipeline_mode<synchronous>, transform_indices = @transform_1, window_bounds = array<i64: 8, 128>}, {transform_indices = @transform_2, window_bounds = array<i64: 1000, 128>}, {pipeline_mode = #tpu.pipeline_mode<synchronous>, transform_indices = @transform_3, window_bounds = array<i64: 1, 128>}, {transform_indices = @transform_4, window_bounds = array<i64: 1000, 1>}, {pipeline_mode = #tpu.pipeline_mode<synchronous>, transform_indices = @transform_5, window_bounds = array<i64: 1, 128>}, {pipeline_mode = #tpu.pipeline_mode<synchronous>, transform_indices = @transform_6, window_bounds = array<i64: 1, 128>}, {transform_indices = @transform_7, window_bounds = array<i64: 1000, 128>}]} {
    %get3A = arith.constant 0 : index
    %get3A_0 = arith.constant 0 : index
    %get3A_1 = vector.load %arg2[%get3A, %get3A_0] : memref<8x128xf32, #tpu.memory_space<vmem>>, vector<1x128xf32>
    %div3A = arith.constant 1.000000e+04 : f32
    %div3A_2 = vector.broadcast %div3A : f32 to vector<1x128xf32>
    %div3A_3 = arith.divf %get3A_1, %div3A_2 : vector<1x128xf32>
    %get3A_4 = arith.constant 1 : index
    %get3A_5 = arith.constant 0 : index
    %get3A_6 = vector.load %arg2[%get3A_4, %get3A_5] : memref<8x128xf32, #tpu.memory_space<vmem>>, vector<1x128xf32>
    %div3A_7 = arith.constant 1.000000e+04 : f32
    %div3A_8 = vector.broadcast %div3A_7 : f32 to vector<1x128xf32>
    %div3A_9 = arith.divf %get3A_6, %div3A_8 : vector<1x128xf32>
    %mul3A = arith.mulf %div3A_3, %div3A_3 : vector<1x128xf32>
    %sub3A = arith.subf %div3A_9, %mul3A : vector<1x128xf32>
    %get3A_10 = arith.constant 0 : index
    %get3A_11 = arith.constant 0 : index
    %get3A_12 = vector.load %arg1[%get3A_10, %get3A_11] : memref<1000x128xf32, #tpu.memory_space<vmem>>, vector<1000x128xf32>
    %sub3A_13 = vector.broadcast %div3A_3 : vector<1x128xf32> to vector<1000x128xf32>
    %sub3A_14 = arith.subf %get3A_12, %sub3A_13 : vector<1000x128xf32>
    %add3A = arith.constant 9.99999974E-6 : f32
    %add3A_15 = vector.broadcast %add3A : f32 to vector<1x128xf32>
    %add3A_16 = arith.addf %sub3A, %add3A_15 : vector<1x128xf32>
    %rsqrt3A = math.rsqrt %add3A_16 : vector<1x128xf32>
    %mul3A_17 = vector.broadcast %rsqrt3A : vector<1x128xf32> to vector<1000x128xf32>
    %mul3A_18 = arith.mulf %sub3A_14, %mul3A_17 : vector<1000x128xf32>
    %get3A_19 = arith.constant 0 : index
    %get3A_20 = arith.constant 0 : index
    %get3A_21 = vector.load %arg6[%get3A_19, %get3A_20] : memref<1x128xf32, #tpu.memory_space<vmem>>, vector<1x128xf32>
    %mul3A_22 = vector.broadcast %get3A_21 : vector<1x128xf32> to vector<1000x128xf32>
    %mul3A_23 = arith.mulf %mul3A_18, %mul3A_22 : vector<1000x128xf32>
    %get3A_24 = arith.constant 0 : index
    %get3A_25 = arith.constant 0 : index
    %get3A_26 = vector.load %arg7[%get3A_24, %get3A_25] : memref<1x128xf32, #tpu.memory_space<vmem>>, vector<1x128xf32>
    %add3A_27 = vector.broadcast %get3A_26 : vector<1x128xf32> to vector<1000x128xf32>
    %add3A_28 = arith.addf %mul3A_23, %add3A_27 : vector<1000x128xf32>
    %ge3A = arith.constant 0.000000e+00 : f32
    %ge3A_29 = vector.broadcast %ge3A : f32 to vector<1000x128xf32>
    %ge3A_30 = arith.cmpf oge, %add3A_28, %ge3A_29 : vector<1000x128xf32>
    %mul3A_31 = arith.constant 0.00999999977 : f32
    %mul3A_32 = vector.broadcast %mul3A_31 : f32 to vector<1000x128xf32>
    %mul3A_33 = arith.mulf %mul3A_32, %add3A_28 : vector<1000x128xf32>
    %select_n3A = arith.select %ge3A_30, %add3A_28, %mul3A_33 : vector<1000x128xi1>, vector<1000x128xf32>
    %get3A_34 = arith.constant 0 : index
    %get3A_35 = arith.constant 0 : index
    %get3A_36 = vector.load %arg3[%get3A_34, %get3A_35] : memref<1000x128xf32, #tpu.memory_space<vmem>>, vector<1000x128xf32>
    %add3A_37 = arith.addf %get3A_36, %select_n3A : vector<1000x128xf32>
    %get3A_38 = arith.constant 0 : index
    %get3A_39 = arith.constant 0 : index
    %get3A_40 = vector.load %arg4[%get3A_38, %get3A_39] : memref<1x128xf32, #tpu.memory_space<vmem>>, vector<1x128xf32>
    %mul3A_41 = vector.broadcast %get3A_40 : vector<1x128xf32> to vector<1000x128xf32>
    %mul3A_42 = arith.mulf %add3A_37, %mul3A_41 : vector<1000x128xf32>
    %get3A_43 = arith.constant 0 : index
    %get3A_44 = arith.constant 0 : index
    %get3A_45 = vector.load %arg5[%get3A_43, %get3A_44] : memref<1000x1xf32, #tpu.memory_space<vmem>>, vector<1000x1xf32>
    %mul3A_46 = vector.broadcast %get3A_45 : vector<1000x1xf32> to vector<1000x128xf32>
    %mul3A_47 = arith.mulf %mul3A_42, %mul3A_46 : vector<1000x128xf32>
    %swap3A = arith.constant 0 : index
    %swap3A_48 = arith.constant 0 : index
    %swap3A_49 = vector.load %arg8[%swap3A, %swap3A_48] : memref<1000x128xf32, #tpu.memory_space<vmem>>, vector<1000x128xf32>
    tpu.vector_store %arg8[%swap3A, %swap3A_48], %mul3A_47 {strides = array<i32>} : memref<1000x128xf32, #tpu.memory_space<vmem>>, vector<1000x128xf32>,
    return
  }
  func.func @transform_0(%arg0: i32) -> (i32, i32) {
    %c0_i32 = arith.constant 0 : i32
    %c0_i32_0 = arith.constant 0 : i32
    return %arg0, %c0_i32 : i32, i32
  }
  func.func @transform_1(%arg0: i32) -> (i32, i32) {
    %c0_i32 = arith.constant 0 : i32
    %c0_i32_0 = arith.constant 0 : i32
    %c0_i32_1 = arith.constant 0 : i32
    return %c0_i32, %c0_i32_0 : i32, i32
  }
  func.func @transform_2(%arg0: i32) -> (i32, i32) {
    %c0_i32 = arith.constant 0 : i32
    %c0_i32_0 = arith.constant 0 : i32
    return %arg0, %c0_i32 : i32, i32
  }
  func.func @transform_3(%arg0: i32) -> (i32, i32) {
    %c0_i32 = arith.constant 0 : i32
    %c0_i32_0 = arith.constant 0 : i32
    %c0_i32_1 = arith.constant 0 : i32
    return %c0_i32, %c0_i32_0 : i32, i32
  }
  func.func @transform_4(%arg0: i32) -> (i32, i32) {
    %c0_i32 = arith.constant 0 : i32
    %c0_i32_0 = arith.constant 0 : i32
    return %arg0, %c0_i32 : i32, i32
  }
  func.func @transform_5(%arg0: i32) -> (i32, i32) {
    %c0_i32 = arith.constant 0 : i32
    %c0_i32_0 = arith.constant 0 : i32
    %c0_i32_1 = arith.constant 0 : i32
    return %c0_i32, %c0_i32_0 : i32, i32
  }
  func.func @transform_6(%arg0: i32) -> (i32, i32) {
    %c0_i32 = arith.constant 0 : i32
    %c0_i32_0 = arith.constant 0 : i32
    %c0_i32_1 = arith.constant 0 : i32
    return %c0_i32, %c0_i32_0 : i32, i32
  }
  func.func @transform_7(%arg0: i32) -> (i32, i32) {
    %c0_i32 = arith.constant 0 : i32
    %c0_i32_0 = arith.constant 0 : i32
    return %arg0, %c0_i32 : i32, i32
  }
}

module attributes {stable_mosaic.version = 14 : i64} {
  func.func @_dense_tc(%arg0: i32, %arg1: memref<2x1000x128xf32, #tpu.memory_space<vmem>>, %arg2: memref<1000x1xf32, #tpu.memory_space<vmem>>, %arg3: memref<128x128xf32, #tpu.memory_space<vmem>>, %arg4: memref<1x128xf32, #tpu.memory_space<vmem>>, %arg5: memref<1000x128xf32, #tpu.memory_space<vmem>>) attributes {dimension_semantics = [#tpu.dimension_semantics<arbitrary>], iteration_bounds = array<i64: 10>, scalar_prefetch = 0 : i64, scratch_operands = 0 : i64, tpu.core_type = #tpu.core_type<tc>, window_params = [{transform_indices = @transform_0, window_bounds = array<i64: 2, 1000, 128>}, {transform_indices = @transform_1, window_bounds = array<i64: 1000, 1>}, {pipeline_mode = #tpu.pipeline_mode<synchronous>, transform_indices = @transform_2, window_bounds = array<i64: 128, 128>}, {pipeline_mode = #tpu.pipeline_mode<synchronous>, transform_indices = @transform_3, window_bounds = array<i64: 1, 128>}, {transform_indices = @transform_4, window_bounds = array<i64: 1000, 128>}]} {
    %get3A = arith.constant 0 : index
    %get3A_0 = arith.constant 0 : index
    %get3A_1 = arith.constant 0 : index
    %get3A_2 = vector.load %arg1[%get3A, %get3A_0, %get3A_1] : memref<2x1000x128xf32, #tpu.memory_space<vmem>>, vector<1x1000x128xf32>
    %get3A_3 = vector.shape_cast %get3A_2 : vector<1x1000x128xf32> to vector<1000x128xf32>
    %get3A_4 = arith.constant 1 : index
    %get3A_5 = arith.constant 0 : index
    %get3A_6 = arith.constant 0 : index
    %get3A_7 = vector.load %arg1[%get3A_4, %get3A_5, %get3A_6] : memref<2x1000x128xf32, #tpu.memory_space<vmem>>, vector<1x1000x128xf32>
    %get3A_8 = vector.shape_cast %get3A_7 : vector<1x1000x128xf32> to vector<1000x128xf32>
    %add3A = arith.addf %get3A_3, %get3A_8 : vector<1000x128xf32>
    %get3A_9 = arith.constant 0 : index
    %get3A_10 = arith.constant 0 : index
    %get3A_11 = vector.load %arg2[%get3A_9, %get3A_10] : memref<1000x1xf32, #tpu.memory_space<vmem>>, vector<1000x1xf32>
    %mul3A = vector.broadcast %get3A_11 : vector<1000x1xf32> to vector<1000x128xf32>
    %mul3A_12 = arith.mulf %add3A, %mul3A : vector<1000x128xf32>
    %get3A_13 = arith.constant 0 : index
    %get3A_14 = arith.constant 0 : index
    %get3A_15 = vector.load %arg3[%get3A_13, %get3A_14] : memref<128x128xf32, #tpu.memory_space<vmem>>, vector<128x128xf32>
    %dot_general3A = arith.constant dense<0.000000e+00> : vector<1000x128xf32>
    %dot_general3A_16 = tpu.matmul %mul3A_12, %get3A_15, %dot_general3A {dimension_numbers = #tpu.dot_dimension_numbers<[1], [0], [0], [1], [0, 0, 1, 1], [], []>, transpose_lhs_hint = false} : vector<1000x128xf32>, vector<128x128xf32>, vector<1000x128xf32> -> vector<1000x128xf32>
    %get3A_17 = arith.constant 0 : index
    %get3A_18 = arith.constant 0 : index
    %get3A_19 = vector.load %arg4[%get3A_17, %get3A_18] : memref<1x128xf32, #tpu.memory_space<vmem>>, vector<1x128xf32>
    %get3A_20 = vector.shape_cast %get3A_19 : vector<1x128xf32> to vector<128xf32>
    %broadcast_in_dim3A = vector.shape_cast %get3A_20 : vector<128xf32> to vector<1x128xf32>
    %add3A_21 = vector.broadcast %broadcast_in_dim3A : vector<1x128xf32> to vector<1000x128xf32>
    %add3A_22 = arith.addf %dot_general3A_16, %add3A_21 : vector<1000x128xf32>
    %swap3A = arith.constant 0 : index
    %swap3A_23 = arith.constant 0 : index
    %swap3A_24 = vector.load %arg5[%swap3A, %swap3A_23] : memref<1000x128xf32, #tpu.memory_space<vmem>>, vector<1000x128xf32>
    tpu.vector_store %arg5[%swap3A, %swap3A_23], %add3A_22 {strides = array<i32>} : memref<1000x128xf32, #tpu.memory_space<vmem>>, vector<1000x128xf32>,
    return
  }
  func.func @transform_0(%arg0: i32) -> (i32, i32, i32) {
    %c0_i32 = arith.constant 0 : i32
    %c0_i32_0 = arith.constant 0 : i32
    %c0_i32_1 = arith.constant 0 : i32
    return %c0_i32, %arg0, %c0_i32_0 : i32, i32, i32
  }
  func.func @transform_1(%arg0: i32) -> (i32, i32) {
    %c0_i32 = arith.constant 0 : i32
    %c0_i32_0 = arith.constant 0 : i32
    return %arg0, %c0_i32 : i32, i32
  }
  func.func @transform_2(%arg0: i32) -> (i32, i32) {
    %c0_i32 = arith.constant 0 : i32
    %c0_i32_0 = arith.constant 0 : i32
    %c0_i32_1 = arith.constant 0 : i32
    return %c0_i32, %c0_i32_0 : i32, i32
  }
  func.func @transform_3(%arg0: i32) -> (i32, i32) {
    %c0_i32 = arith.constant 0 : i32
    %c0_i32_0 = arith.constant 0 : i32
    %c0_i32_1 = arith.constant 0 : i32
    return %c0_i32, %c0_i32_0 : i32, i32
  }
  func.func @transform_4(%arg0: i32) -> (i32, i32) {
    %c0_i32 = arith.constant 0 : i32
    %c0_i32_0 = arith.constant 0 : i32
    return %arg0, %c0_i32 : i32, i32
  }
}

</mosaic_0001>

<sc_bundles>
// kernel: kernel.26.cloned.1.call-start
scs
__scs_entry_jumppad:
0x0: {  	(pc) =	sbr.rel $0x88, $3  }
0x1: {  	(tag) =	ssettag $0x0;
	lr =	simm.s32 $0x1  }
0x2: {  	[smem:$0x3F8E] =	sst lr;
	_ =	strace $0xD0000000  }
0x3: {  	_ = 	snop  }
0x4: {  	_ = 	snop  }
0x5: {  	_ = 	snop  }
0x6: {  	_ = 	snop  }
0x7: {  	_ = 	snop  }
__scs_overlays_trampoline_lowered:
0x8: {  	[smem:$0x3F9D] =	sst s0  }
0x9: {  	[smem:$0x3F9E] =	sst s1  }
0xa: {  	[smem:$0x3F9F] =	sst s2  }
0xb: {  	[smem:$0x3FA0] =	sst s3  }
0xc: {  	[smem:$0x3FA1] =	sst s4  }
0xd: {  	[smem:$0x3FA2] =	sst s5  }
0xe: {  	[smem:$0x3FA3] =	sst s6  }
0xf: {  	[smem:$0x3FA4] =	sst s7  }
0x10: {  	[smem:$0x3FA5] =	sst s8  }
0x11: {  	[smem:$0x3FA6] =	sst s9;
	s0 =	simm.s32 @!p0 $0x0  }
0x12: {  	s1 =	sld [smem:$0x3F8C];
	s0 =	simm.s32 @p0 $0x1  }
0x13: {  	[smem:$0x3FA7] =	sst s0;
	s0 =	simm.s32 @!p1 $0x0  }
0x14: {  	s2 =	sld [smem:$0x3F8B];
	s0 =	simm.s32 @p1 $0x1  }
0x15: {  	[smem:$0x3FA8] =	sst s0;
	s0 =	simm.s32 @!p2 $0x0  }
0x16: {  	s3 =	sld [smem:$0x3FDB];
	s0 =	simm.s32 @p2 $0x1  }
0x17: {  	s4 =	simm.s32 $0x1BF5;
	[smem:$0x3FAA] =	sst s0  }
0x18: {  	s0 =	sld [smem:$0x3F8D];
	_ =	swait.ge [sflag:s4], $0x0  }
0x19: {  	s7 =	sld [smem:$0x3F8E]  }
0x1a: {  	s8 =	sadd.s32 $0xFFFFE003, lr  }
0x1b: {  	s9 =	sadd.s32 $0xFFFFFEF7, lr;
	s5 =	simm.s32 $0xFFFFFFFF;
	p2 =	slt.u32 s8, $0xFFFFF086  }
0x1c: {  	p1 =	slt.u32 s9, $0xF7A;
	s5 =	simm.s32 @!p2 $0x0  }
0x1d: {  	s5 =	simm.s32 @p1 $0x1;
	p0 =	seq.s32 s7, s2  }
0x1e: {  	s7 =	smul.u32 @!p0 $0xF7A, s2;
	p2 =	seq.s32 @!p0 s5, $0x0  }
0x1f: {  	s9 =	smul.u32 $0xF7A, s1;
	s8 =	simm.s32 @!p0 $0x1BF5;
	p2 =	por !p2, p0  }
0x20: {  	[sflag:s8] =	ssyncset.s32 @!p0 $0xFFFFF086;
	s6 =	sadd.s32 @!p0 s3, s7;
	s7 =	simm.s32 @!p0 $0x108  }
0x21: {  	s3 =	sadd.s32 s3, s9;
	s6 =	sadd.s32 @!p0 $0x88, s6;
	s7 =	simm.s32 @p2 $0x1082  }
0x22: {  	[simem:s7], [sflag:s8] =	dma.local @!p0 [hbm:s6], $0xF7A  }
0x23: {  	s9 =	sor.u32 $0xD0000000, s2;
	s6 =	simm.s32 $0x108;
	_ =	swait.ge @!p0 [sflag:s8], $0x0  }
0x24: {  	s3 =	sadd.s32 $0x88, s3;
	s6 =	simm.s32 @!p1 $0x1082;
	[sflag:s4] =	ssyncset.s32 $0xFFFFF086  }
0x25: {  	[simem:s6], [sflag:s4] =	dma.local [hbm:s3], $0xF7A  }
0x26: {  	[smem:$0x3F8E] =	sst s1;
	(tag) =	ssettag s2;
	_ =	strace s9  }
0x27: {  	s1 =	sld [smem:$0x3F9E]  }
0x28: {  	s2 =	sld [smem:$0x3F9F]  }
0x29: {  	s4 =	sld [smem:$0x3FA1]  }
0x2a: {  	p0 =	seq.s32 s5, $0x0;
	s5 =	sld [smem:$0x3FA2]  }
0x2b: {  	s6 =	sld [smem:$0x3FA3]  }
0x2c: {  	s7 =	sld [smem:$0x3FA4]  }
0x2d: {  	s3 =	simm.s32 $0x108;
	s8 =	sld [smem:$0x3FA5]  }
0x2e: {  	s3 =	simm.s32 @!p0 $0x1082;
	s9 =	sld [smem:$0x3FA6]  }
0x2f: {  	lr =	sadd.s32 s0, s3;
	s0 =	sld [smem:$0x3F9D]  }
0x30: {  	s3 =	sld [smem:$0x3FA0]  }
0x31: {  	[smem:$0x3FA9] =	sst s10  }
0x32: {  	s10 =	sld [smem:$0x3FA7];
	_ =	sdelay $0x3  }
0x33: {  	p0 =	seq.s32 s10, $0x1;
	s10 =	sld [smem:$0x3FA9];
	_ =	sdelay $0x3  }
0x34: {  	[smem:$0x3FA9] =	sst s10  }
0x35: {  	s10 =	sld [smem:$0x3FA8];
	_ =	sdelay $0x3  }
0x36: {  	p1 =	seq.s32 s10, $0x1;
	s10 =	sld [smem:$0x3FA9];
	_ =	sdelay $0x3  }
0x37: {  	[smem:$0x3FA9] =	sst s10  }
0x38: {  	s10 =	sld [smem:$0x3FAA]  }
0x39: {  	_ = 	snop;
	(pc) =	sbr.ind lr, $3  }
0x3a: {  	_ = 	snop  }
0x3b: {  	_ = 	snop  }
0x3c: {  	p2 =	seq.s32 s10, $0x1;
	s10 =	sld [smem:$0x3FA9]  }
0x3d: {  	_ =	shalt  }
0x3e: {  	_ =	shalt  }
0x3f: {  	_ =	shalt  }
0x40: {  	_ =	shalt  }
0x41: {  	_ =	shalt  }
0x42: {  	_ =	shalt  }
0x43: {  	_ =	shalt  }
0x44: {  	_ =	shalt  }
0x45: {  	_ =	shalt  }
0x46: {  	_ =	shalt  }
0x47: {  	_ =	shalt  }
0x48: {  	_ =	shalt  }
0x49: {  	_ =	shalt  }
0x4a: {  	_ =	shalt  }
0x4b: {  	_ =	shalt  }
0x4c: {  	_ =	shalt  }
0x4d: {  	_ =	shalt  }
0x4e: {  	_ =	shalt  }
0x4f: {  	_ =	shalt  }
0x50: {  	_ =	shalt  }
0x51: {  	_ =	shalt  }
0x52: {  	_ =	shalt  }
0x53: {  	_ =	shalt  }
0x54: {  	_ =	shalt  }
0x55: {  	_ =	shalt  }
0x56: {  	_ =	shalt  }
0x57: {  	_ =	shalt  }
0x58: {  	_ =	shalt  }
0x59: {  	_ =	shalt  }
0x5a: {  	_ =	shalt  }
0x5b: {  	_ =	shalt  }
0x5c: {  	_ =	shalt  }
0x5d: {  	_ =	shalt  }
0x5e: {  	_ =	shalt  }
0x5f: {  	_ =	shalt  }
0x60: {  	_ =	shalt  }
0x61: {  	_ =	shalt  }
0x62: {  	_ =	shalt  }
0x63: {  	_ =	shalt  }
0x64: {  	_ =	shalt  }
0x65: {  	_ =	shalt  }
0x66: {  	_ =	shalt  }
0x67: {  	_ =	shalt  }
0x68: {  	_ =	shalt  }
0x69: {  	_ =	shalt  }
0x6a: {  	_ =	shalt  }
0x6b: {  	_ =	shalt  }
0x6c: {  	_ =	shalt  }
0x6d: {  	_ =	shalt  }
0x6e: {  	_ =	shalt  }
0x6f: {  	_ =	shalt  }
0x70: {  	_ =	shalt  }
0x71: {  	_ =	shalt  }
0x72: {  	_ =	shalt  }
0x73: {  	_ =	shalt  }
0x74: {  	_ =	shalt  }
0x75: {  	_ =	shalt  }
0x76: {  	_ =	shalt  }
0x77: {  	_ =	shalt  }
0x78: {  	_ =	shalt  }
0x79: {  	_ =	shalt  }
0x7a: {  	_ =	shalt  }
0x7b: {  	_ =	shalt  }
0x7c: {  	_ =	shalt  }
0x7d: {  	_ =	shalt  }
0x7e: {  	_ =	shalt  }
0x7f: {  	_ =	shalt  }
0x80: {  	_ =	shalt  }
0x81: {  	_ =	shalt  }
0x82: {  	_ =	shalt  }
0x83: {  	_ =	shalt  }
0x84: {  	_ =	shalt  }
0x85: {  	_ =	shalt  }
0x86: {  	_ =	shalt  }
0x87: {  	_ =	shalt  }
.Lfunc_end0:
.L_simem_size_0:
called_computation_lowered:
.L_overlay_start_0:
0x88: {  	s2 =	sld [smem:$0x3FD9]  }
0x89: {  	s3 =	sld [smem:$0x3FFE];
	_ =	sdelay $0x1  }
0x8a: {  	s1 =	srdreg.scid  }
0x8b: {  	s0 =	sand.u32 $0x1, s1  }
0x8c: {  	s14 =	sshll.u32 s0, $0xA;
	s2 =	sadd.s32 s3, s2  }
0x8d: {  	s2 =	sadd.s32 s2, s14  }
0x8e: {  	[smem:$0x3FB5] =	sst s2  }
0x8f: {  	_ = 	snop  }
0x90: {  	s2 =	sld [smem:$0x3FD0];
	_ =	sdelay $0x2  }
0x91: {  	s15 =	simm.s32 $0xD;
	s4 =	simm.s32 $0x10  }
0x92: {  	[smem:s4], [sflag:s15] =	dma.local [hbm:s2], $0x1  }
0x93: {  	_ =	swait.eq [sflag:s15], $0x1  }
0x94: {  	s16 =	sld [smem:$0x10]  }
0x95: {  	s17 =	sld [smem:$0x11];
	[sflag:s15] =	ssyncset.done $0x0  }
0x96: {  	s5 =	sld [smem:$0x12];
	[sflag:s15] =	ssyncadd.s32 $0xFFFFFFFF  }
0x97: {  	s18 =	sld [smem:$0x13];
	(tm) =	ssettm $0x1  }
0x98: {  	s6 =	sld [smem:$0x3FFB];
	_ =	sdelay $0x3  }
0x99: {  	_ =	strace s6  }
0x9a: {  	s6 =	sld [smem:$0x3FFC];
	_ =	sdelay $0x3  }
0x9b: {  	_ =	strace s6  }
0x9c: {  	s6 =	sld [smem:$0x3FFD];
	_ =	sdelay $0x3  }
0x9d: {  	_ =	strace s6  }
0x9e: {  	_ =	strace $0x8FFFFFFF  }
0x9f: {  	s19 =	sld [smem:$0x3FDB];
	_ =	sdelay $0x1  }
0xa0: {  	s7 =	simm.s32 $_scs_section_size  }
0xa1: {  	s8 =	simm.s32 $_size__tile_overlayer_lowered;
	s9 =	simm.s32 $_tile_overlayer_lowered  }
0xa2: {  	s22 =	simm.s32 $0x1BFF;
	s21 =	sshll.u32 s9, $0x1;
	s6 =	sadd.s32 s7, s19  }
0xa3: {  	s10 =	simm.s32 $0x0;
	s20 =	sshll.u32 s8, $0x1;
	s8 =	sadd.s32 s21, s6  }
0xa4: {  	[timem:s10], [sflag:s22] =	dma.local [hbm:s8], s20  }
0xa5: {  	_ =	swait.ge [sflag:s22], s20  }
0xa6: {  	s7 =	ssub.s32 $0x0, s20;
	[sflag:s22] =	ssyncset.done $0x0  }
0xa7: {  	[sflag:s22] =	ssyncadd.s32 s7;
	_ =	sdelay $0x1  }
0xa8: {  	s23 =	simm.s32 $0x1B8B  }
0xa9: {  	_ =	swait.ge [sflag:s23], $0x1  }
0xaa: {  	[sflag:s23] =	ssyncset.done $0x0  }
0xab: {  	s25 =	simm.s32 $0x1B8E;
	s24 =	sld [smem:$0x3FFE];
	[sflag:s23] =	ssyncadd.s32 $0xFFFFFFFF  }
0xac: {  	s26 =	simm.s32 $execute0_lowered;
	[smem:$0x3FD2] =	sst s25  }
0xad: {  	s8 =	sshll.u32 s26, $0x1;
	_ =	strace $0x80000046;
	[dreg:$0x1] =	wrdreg $0xFFFFFFFF  }
0xae: {  	s28 =	simm.s32 $_size_execute0_lowered;
	s6 =	sadd.s32 s6, s8;
	[dreg:$0x0] =	wrdreg $0x0  }
0xaf: {  	s8 =	sshll.u32 s28, $0x1;
	[dreg:$0x2] =	wrdreg s6  }
0xb0: {  	[dreg:$0x3] =	wrdreg s8  }
0xb1: {  	[dreg:$0x4] =	wrdreg $0xC0  }
0xb2: {  	_ =	task [dreg:s10], $0x5FFFF  }
0xb3: {  	[dreg:$0x1] =	wrdreg $0xFFFFFFFF  }
0xb4: {  	[dreg:$0x0] =	wrdreg $0x60  }
0xb5: {  	[dreg:$0x2] =	wrdreg s17  }
0xb6: {  	[dreg:$0x3] =	wrdreg s16  }
0xb7: {  	[dreg:$0x4] =	wrdreg s5  }
0xb8: {  	[dreg:$0x5] =	wrdreg s18  }
0xb9: {  	[dreg:$0x6] =	wrdreg s24  }
0xba: {  	[dreg:$0x7] =	wrdreg $0x9  }
0xbb: {  	_ =	task.clear_ibuf [dreg:s10], $0x8FFFF;
	_ =	strace $0x90000046  }
0xbc: {  	s29 =	simm.s32 $0x9;
	_ =	strace $0x80000048  }
0xbd: {  	_ =	swait.ge [sflag:s29], $0x1  }
0xbe: {  	[sflag:s29] =	ssyncadd.s32 $0xFFFFFFFF  }
0xbf: {  	_ =	strace $0x90000048  }
0xc0: {  	_ =	sfence  }
0xc1: {  	s30 =	sld [smem:$0x0];
	_ =	sdelay $0x2  }
0xc2: {  	s31 =	sshll.u32 s1, $0xD;
	s1 =	sshrl.u32 s1, $0x2  }
0xc3: {  	s3 =	sand.u32 $0x4000, s31;
	s1 =	sadd.s32 s1, s30  }
0xc4: {  	s0 =	sor.u32 s3, s0;
	s1 =	sshll.u32 s1, $0x11  }
0xc5: {  	s0 =	sor.u32 s1, s0  }
0xc6: {  	s0 =	sadd.s32 $0x8F2B, s0  }
0xc7: {  	[sflag:s0] =	ssyncadd.remote.s32 $0x1  }
0xc8: {  	_ =	sfence.sel $0xFFFF  }
0xc9: {  	[dreg:$0x0] =	wrdreg $0xFFFFFFFF;
	(pc) =	sbr.abs _section_cstart, $3  }
0xca: {  	[dreg:$0x1] =	wrdreg $0xFFFFFFFF  }
0xcb: {  	_ =	task.clear_ibuf [dreg:s10], $0x2FFFF;
	_ =	strace $0x9FFFFFFF  }
0xcc: {  	(tm) =	ssettm $0x7FFFFFFF  }
0xcd: {  	_ =	shalt  }
tec
execute0_lowered:
.L_overlay_start_1:
0x0: {  	(tag) =	ssettag $0x1  }
0x1: {  	s0 =	rddreg [dreg:$0x0]  }
0x2: {  	s1 =	rddreg [dreg:$0x1]  }
0x3: {  	s3 =	rddreg [dreg:$0x2]  }
0x4: {  	s2 =	srdreg.scid;
	s6 =	rddreg [dreg:$0x3]  }
0x5: {  	s7 =	stileid.u32;
	s5 =	rddreg [dreg:$0x4]  }
0x6: {  	s20 =	simm.s32 $0x14000;
	s21 =	simm.s32 $0x1;
	s22 =	simm.s32 $0x16780  }
0x7: {  	s23 =	simm.s32 $0x2;
	s28 =	simm.s32 $0xA000;
	s4 =	sand.u32 $0x1, s2  }
0x8: {  	s29 =	simm.s32 $0xC800;
	s30 =	simm.s32 $0xF000;
	s2 =	sshll.u32 s4, $0x4  }
0x9: {  	s31 =	simm.s32 $0x11800;
	s12 =	sadd.s32 $0x31000, s5;
	s8 =	sor.u32 s7, s2  }
0xa: {  	s4 =	ssub.s32 $0x2, s4;
	s2 =	simm.s32 $0x0;
	s7 =	smul.u32 $0x4E2, s8  }
0xb: {  	s9 =	sshrl.u32 s4, $0x1;
	[smem:$0x7FF] =	sst s2;
	s25 =	smul.u32 $0x14000, s8  }
0xc: {  	s4 =	ssub.s32 s4, s9;
	s26 =	smul.u32 $0x2800, s8;
	_ =	strace $0x80000047  }
0xd: {  	s19 =	smax.u32 s4, $0x1;
	s10 =	sadd.s32 s7, s5;
	s0 =	sadd.s32 s0, s7  }
0xe: {  	s24 =	sadd.s32 s1, s7;
	s5 =	sadd.s32 s3, s7;
	s6 =	sadd.s32 s6, s7  }
0xf: {  	s11 =	sadd.s32 s12, s26;
	s26 =	simm.s32 $0x7800;
	[dreg:$0x6] =	wrdreg s0  }
0x10: {  	s1 =	simm.s32 $0x3;
	[dreg:$0x7] =	wrdreg s24;
	s7 =	sadd.s32 $0x1D400, s10  }
0x11: {  	s8 =	sadd.s32 $0x27200, s10;
	s9 =	sadd.s32 $0x13600, s10;
	s0 =	sshrl.u32 s25, $0x3  }
0x12: {  	s10 =	sadd.s32 $0x9800, s10;
	s24 =	simm.s32 $0x2800;
	s0 =	sadd.s32 s12, s0  }
0x13: {  	s25 =	simm.s32 $0x5000;
	s12 =	sadd.s32 $0x500, s11;
	s13 =	sadd.s32 $0xA00, s0  }
0x14: {  	s14 =	sadd.s32 $0xF00, s0;
	s15 =	sadd.s32 $0x1400, s0;
	s16 =	sadd.s32 $0x1900, s0  }
0x15: {  	v0 =	vimm.f32 $0.0e+00;
	v1 =	vimm.f32 $1.000000000e+00;
	s17 =	sadd.s32 $0x1E00, s0;
	s18 =	sadd.s32 $0x2300, s0;
	s0 =	simm.s32 $0x0  }
.LBB2_1:
0x16: {  	s3 =	simm.s32 $0x0;
	s4 =	simm.s32 $0x40  }
.LBB2_2:
0x17: {  	p0 =	sne.s32 s4, $0x9FC0;
	[tilespmem:s3+$0x11800] =	vst v0  }
0x18: {  	[tilespmem:s3+$0x0] =	vst v0  }
0x19: {  	[tilespmem:s3+$0x2800] =	vst v0  }
.Ltmp0:
0x1a: {  	[tilespmem:s3+$0x5000] =	vst v0;
	(pc) =	sbr.rel @p0 .LBB2_2-.Ltmp0, $4  }
0x1b: {  	[tilespmem:s3+$0x7800] =	vst v0  }
0x1c: {  	[tilespmem:s3+$0xA000] =	vst v0  }
0x1d: {  	[tilespmem:s3+$0xC800] =	vst v0  }
0x1e: {  	[tilespmem:s3+$0xF000] =	vst v0;
	s3 =	sshra.s32 s4, $0x2;
	s4 =	sadd.s32 $0x40, s4  }
0x1f: {  	[tilespmem:s3+$0x11800] =	vst v0  }
0x20: {  	[tilespmem:s3+$0x0] =	vst v0  }
0x21: {  	[tilespmem:s3+$0x2800] =	vst v0  }
0x22: {  	[tilespmem:s3+$0x5000] =	vst v0  }
0x23: {  	[tilespmem:s3+$0x7800] =	vst v0  }
0x24: {  	[tilespmem:s3+$0xA000] =	vst v0  }
0x25: {  	[tilespmem:s3+$0xC800] =	vst v0  }
0x26: {  	[tilespmem:s3+$0xF000] =	vst v0;
	s3 =	simm.s32 $0x0;
	s4 =	rddreg [dreg:$0x6]  }
0x27: {  	[tilespmem:s20], [sflag:$0x1] =	stream.linear.gather [hbm4b:s4+s3], $0x2710, $0x38;
	[tilespmem:$0x18F00] =	vst v63  }
0x28: {  	_ =	swait.ge [sflag:s21], $0x2710  }
0x29: {  	[sflag:s21] =	ssyncset.done $0x0  }
0x2a: {  	s4 =	rddreg [dreg:$0x7];
	[sflag:s21] =	ssyncadd.s32 $0xFFFFD8F0  }
0x2b: {  	[tilespmem:s22], [sflag:$0x2] =	stream.linear.gather [hbm4b:s4+s3], $0x2710, $0x38;
	[tilespmem:$0x18F00] =	vst v63  }
0x2c: {  	s4 =	simm.s32 $0x0;
	s3 =	simm.s32 $0x40  }
.LBB2_4:
0x2d: {  	p0 =	sne.s32 s3, $0x9C00;
	v2 =	vld [tilespmem:s4+$0x14000];
	_ =	sdelay $0x3  }
.Ltmp1:
0x2e: {  	(pc) =	sbr.rel @p0 .LBB2_4-.Ltmp1, $2  }
0x2f: {  	_ =	sdelay $0x2  }
0x30: {  	s4 =	sshra.s32 s3, $0x2;
	s3 =	sadd.s32 $0x40, s3;
	[tilespmem:v2+s2+$0x0] =	vst.idx.add.f32.msk $0xffff, v1  }
0x31: {  	v2 =	vld [tilespmem:s4+$0x14000];
	_ =	sdelay $0x7  }
0x32: {  	[tilespmem:v2+s2+$0x0] =	vst.idx.add.f32.msk $0xffff, v1  }
0x33: {  	_ =	swait.ge [sflag:s23], $0x2710  }
0x34: {  	[sflag:s23] =	ssyncset.done $0x0  }
0x35: {  	s3 =	simm.s32 $0x0;
	[sflag:s23] =	ssyncadd.s32 $0xFFFFD8F0  }
0x36: {  	[tilespmem:s20], [sflag:$0x1] =	stream.linear.gather [hbm4b:s5+s3], $0x2710, $0x38;
	[tilespmem:$0x18F00] =	vst v63  }
0x37: {  	s4 =	simm.s32 $0x0;
	s3 =	simm.s32 $0x40  }
.LBB2_6:
0x38: {  	p0 =	sne.s32 s3, $0x9C00;
	v2 =	vld [tilespmem:s4+$0x16780];
	_ =	sdelay $0x3  }
.Ltmp2:
0x39: {  	(pc) =	sbr.rel @p0 .LBB2_6-.Ltmp2, $2  }
0x3a: {  	_ =	sdelay $0x2  }
0x3b: {  	s4 =	sshra.s32 s3, $0x2;
	s3 =	sadd.s32 $0x40, s3;
	[tilespmem:v2+s24+$0x0] =	vst.idx.add.f32.msk $0xffff, v1  }
0x3c: {  	v2 =	vld [tilespmem:s4+$0x16780];
	_ =	sdelay $0x7  }
0x3d: {  	[tilespmem:v2+s24+$0x0] =	vst.idx.add.f32.msk $0xffff, v1  }
0x3e: {  	_ =	swait.ge [sflag:s21], $0x2710  }
0x3f: {  	[sflag:s21] =	ssyncset.done $0x0  }
0x40: {  	s3 =	simm.s32 $0x0;
	[sflag:s21] =	ssyncadd.s32 $0xFFFFD8F0  }
0x41: {  	[tilespmem:s22], [sflag:$0x2] =	stream.linear.gather [hbm4b:s6+s3], $0x2710, $0x38;
	[tilespmem:$0x18F00] =	vst v63  }
0x42: {  	s4 =	simm.s32 $0x0;
	s3 =	simm.s32 $0x40  }
.LBB2_8:
0x43: {  	p0 =	sne.s32 s3, $0x9C00;
	v2 =	vld [tilespmem:s4+$0x14000];
	_ =	sdelay $0x3  }
.Ltmp3:
0x44: {  	(pc) =	sbr.rel @p0 .LBB2_8-.Ltmp3, $2  }
0x45: {  	_ =	sdelay $0x2  }
0x46: {  	s4 =	sshra.s32 s3, $0x2;
	s3 =	sadd.s32 $0x40, s3;
	[tilespmem:v2+s25+$0x0] =	vst.idx.add.f32.msk $0xffff, v1  }
0x47: {  	v2 =	vld [tilespmem:s4+$0x14000];
	_ =	sdelay $0x7  }
0x48: {  	[tilespmem:v2+s25+$0x0] =	vst.idx.add.f32.msk $0xffff, v1  }
0x49: {  	_ =	swait.ge [sflag:s23], $0x2710  }
0x4a: {  	[sflag:s23] =	ssyncset.done $0x0  }
0x4b: {  	s3 =	simm.s32 $0x0;
	[sflag:s23] =	ssyncadd.s32 $0xFFFFD8F0  }
0x4c: {  	[tilespmem:s20], [sflag:$0x1] =	stream.linear.gather [hbm4b:s7+s3], $0x2710, $0x38;
	[tilespmem:$0x18F00] =	vst v63  }
0x4d: {  	s4 =	simm.s32 $0x0;
	s3 =	simm.s32 $0x40  }
.LBB2_10:
0x4e: {  	p0 =	sne.s32 s3, $0x9C00;
	v2 =	vld [tilespmem:s4+$0x16780];
	_ =	sdelay $0x3  }
.Ltmp4:
0x4f: {  	(pc) =	sbr.rel @p0 .LBB2_10-.Ltmp4, $2  }
0x50: {  	_ =	sdelay $0x2  }
0x51: {  	s4 =	sshra.s32 s3, $0x2;
	s3 =	sadd.s32 $0x40, s3;
	[tilespmem:v2+s26+$0x0] =	vst.idx.add.f32.msk $0xffff, v1  }
0x52: {  	v2 =	vld [tilespmem:s4+$0x16780];
	_ =	sdelay $0x7  }
0x53: {  	[tilespmem:v2+s26+$0x0] =	vst.idx.add.f32.msk $0xffff, v1  }
0x54: {  	_ =	swait.ge [sflag:s21], $0x2710  }
0x55: {  	[sflag:s21] =	ssyncset.done $0x0  }
0x56: {  	s3 =	simm.s32 $0x0;
	[sflag:s21] =	ssyncadd.s32 $0xFFFFD8F0  }
0x57: {  	[tilespmem:s22], [sflag:$0x2] =	stream.linear.gather [hbm4b:s8+s3], $0x2710, $0x38;
	[tilespmem:$0x18F00] =	vst v63  }
0x58: {  	s4 =	simm.s32 $0x0;
	s3 =	simm.s32 $0x40  }
.LBB2_12:
0x59: {  	p0 =	sne.s32 s3, $0x9C00;
	v2 =	vld [tilespmem:s4+$0x14000];
	_ =	sdelay $0x3  }
.Ltmp5:
0x5a: {  	(pc) =	sbr.rel @p0 .LBB2_12-.Ltmp5, $2  }
0x5b: {  	_ =	sdelay $0x2  }
0x5c: {  	s4 =	sshra.s32 s3, $0x2;
	s3 =	sadd.s32 $0x40, s3;
	[tilespmem:v2+s28+$0x0] =	vst.idx.add.f32.msk $0xffff, v1  }
0x5d: {  	v2 =	vld [tilespmem:s4+$0x14000];
	_ =	sdelay $0x7  }
0x5e: {  	[tilespmem:v2+s28+$0x0] =	vst.idx.add.f32.msk $0xffff, v1  }
0x5f: {  	_ =	swait.ge [sflag:s23], $0x2710  }
0x60: {  	[sflag:s23] =	ssyncset.done $0x0  }
0x61: {  	s3 =	simm.s32 $0x0;
	[sflag:s23] =	ssyncadd.s32 $0xFFFFD8F0  }
0x62: {  	[tilespmem:s20], [sflag:$0x1] =	stream.linear.gather [hbm4b:s9+s3], $0x2710, $0x38;
	[tilespmem:$0x18F00] =	vst v63  }
0x63: {  	s4 =	simm.s32 $0x0;
	s3 =	simm.s32 $0x40  }
.LBB2_14:
0x64: {  	p0 =	sne.s32 s3, $0x9C00;
	v2 =	vld [tilespmem:s4+$0x16780];
	_ =	sdelay $0x3  }
.Ltmp6:
0x65: {  	(pc) =	sbr.rel @p0 .LBB2_14-.Ltmp6, $2  }
0x66: {  	_ =	sdelay $0x2  }
0x67: {  	s4 =	sshra.s32 s3, $0x2;
	s3 =	sadd.s32 $0x40, s3;
	[tilespmem:v2+s29+$0x0] =	vst.idx.add.f32.msk $0xffff, v1  }
0x68: {  	v2 =	vld [tilespmem:s4+$0x16780];
	_ =	sdelay $0x7  }
0x69: {  	[tilespmem:v2+s29+$0x0] =	vst.idx.add.f32.msk $0xffff, v1  }
0x6a: {  	_ =	swait.ge [sflag:s21], $0x2710  }
0x6b: {  	[sflag:s21] =	ssyncset.done $0x0  }
0x6c: {  	s3 =	simm.s32 $0x0;
	[sflag:s21] =	ssyncadd.s32 $0xFFFFD8F0  }
0x6d: {  	[tilespmem:s22], [sflag:$0x2] =	stream.linear.gather [hbm4b:s10+s3], $0x2710, $0x38;
	[tilespmem:$0x18F00] =	vst v63  }
0x6e: {  	s4 =	simm.s32 $0x0;
	s3 =	simm.s32 $0x40  }
.LBB2_16:
0x6f: {  	p0 =	sne.s32 s3, $0x9C00;
	v2 =	vld [tilespmem:s4+$0x14000];
	_ =	sdelay $0x3  }
.Ltmp7:
0x70: {  	(pc) =	sbr.rel @p0 .LBB2_16-.Ltmp7, $2  }
0x71: {  	_ =	sdelay $0x2  }
0x72: {  	s4 =	sshra.s32 s3, $0x2;
	s3 =	sadd.s32 $0x40, s3;
	[tilespmem:v2+s30+$0x0] =	vst.idx.add.f32.msk $0xffff, v1  }
0x73: {  	v2 =	vld [tilespmem:s4+$0x14000];
	_ =	sdelay $0x7  }
0x74: {  	[tilespmem:v2+s30+$0x0] =	vst.idx.add.f32.msk $0xffff, v1  }
0x75: {  	_ =	swait.ge [sflag:s23], $0x2710  }
0x76: {  	[sflag:s23] =	ssyncset.done $0x0  }
0x77: {  	s4 =	simm.s32 $0x0;
	s3 =	simm.s32 $0x40;
	[sflag:s23] =	ssyncadd.s32 $0xFFFFD8F0  }
.LBB2_18:
0x78: {  	p0 =	sne.s32 s3, $0x9C00;
	v2 =	vld [tilespmem:s4+$0x16780];
	_ =	sdelay $0x3  }
.Ltmp8:
0x79: {  	(pc) =	sbr.rel @p0 .LBB2_18-.Ltmp8, $2  }
0x7a: {  	_ =	sdelay $0x2  }
0x7b: {  	s4 =	sshra.s32 s3, $0x2;
	s3 =	sadd.s32 $0x40, s3;
	[tilespmem:v2+s31+$0x0] =	vst.idx.add.f32.msk $0xffff, v1  }
0x7c: {  	v2 =	vld [tilespmem:s4+$0x16780];
	_ =	sdelay $0x7  }
0x7d: {  	[tilespmem:v2+s31+$0x0] =	vst.idx.add.f32.msk $0xffff, v1  }
0x7e: {  	[hbm4b:s11+s2] =	stream.linear.scatter [tilespmem:s2], [sflag:$0x3], $0x2800, $0x38;
	[tilespmem:$0x18F00] =	vst v63  }
0x7f: {  	_ =	swait.ge [sflag:s1], $0x2800  }
0x80: {  	[sflag:s1] =	ssyncset.done $0x0  }
0x81: {  	[sflag:s1] =	ssyncadd.s32 $0xFFFFD800  }
0x82: {  	[hbm4b:s12+s2] =	stream.linear.scatter [tilespmem:s24], [sflag:$0x3], $0x2800, $0x38;
	[tilespmem:$0x18F00] =	vst v63  }
0x83: {  	_ =	swait.ge [sflag:s1], $0x2800  }
0x84: {  	[sflag:s1] =	ssyncset.done $0x0  }
0x85: {  	[sflag:s1] =	ssyncadd.s32 $0xFFFFD800  }
0x86: {  	[hbm4b:s13+s2] =	stream.linear.scatter [tilespmem:s25], [sflag:$0x3], $0x2800, $0x38;
	[tilespmem:$0x18F00] =	vst v63  }
0x87: {  	_ =	swait.ge [sflag:s1], $0x2800  }
0x88: {  	[sflag:s1] =	ssyncset.done $0x0  }
0x89: {  	[sflag:s1] =	ssyncadd.s32 $0xFFFFD800  }
0x8a: {  	[hbm4b:s14+s2] =	stream.linear.scatter [tilespmem:s26], [sflag:$0x3], $0x2800, $0x38;
	[tilespmem:$0x18F00] =	vst v63  }
0x8b: {  	_ =	swait.ge [sflag:s1], $0x2800  }
0x8c: {  	[sflag:s1] =	ssyncset.done $0x0  }
0x8d: {  	[sflag:s1] =	ssyncadd.s32 $0xFFFFD800  }
0x8e: {  	[hbm4b:s15+s2] =	stream.linear.scatter [tilespmem:s28], [sflag:$0x3], $0x2800, $0x38;
	[tilespmem:$0x18F00] =	vst v63  }
0x8f: {  	_ =	swait.ge [sflag:s1], $0x2800  }
0x90: {  	[sflag:s1] =	ssyncset.done $0x0  }
0x91: {  	[sflag:s1] =	ssyncadd.s32 $0xFFFFD800  }
0x92: {  	[hbm4b:s16+s2] =	stream.linear.scatter [tilespmem:s29], [sflag:$0x3], $0x2800, $0x38;
	[tilespmem:$0x18F00] =	vst v63  }
0x93: {  	_ =	swait.ge [sflag:s1], $0x2800  }
0x94: {  	[sflag:s1] =	ssyncset.done $0x0  }
0x95: {  	[sflag:s1] =	ssyncadd.s32 $0xFFFFD800  }
0x96: {  	[hbm4b:s17+s2] =	stream.linear.scatter [tilespmem:s30], [sflag:$0x3], $0x2800, $0x38;
	[tilespmem:$0x18F00] =	vst v63  }
0x97: {  	s0 =	sadd.s32 $0x1, s0;
	_ =	swait.ge [sflag:s1], $0x2800  }
0x98: {  	p0 =	sne.s32 s0, s19;
	[sflag:s1] =	ssyncset.done $0x0  }
.Ltmp9:
0x99: {  	[sflag:s1] =	ssyncadd.s32 $0xFFFFD800;
	(pc) =	sbr.rel @p0 .LBB2_1-.Ltmp9, $4  }
0x9a: {  	[hbm4b:s18+s2] =	stream.linear.scatter [tilespmem:s31], [sflag:$0x3], $0x2800, $0x38;
	[tilespmem:$0x18F00] =	vst v63  }
0x9b: {  	_ =	swait.ge [sflag:s1], $0x2800  }
0x9c: {  	[sflag:s1] =	ssyncset.done $0x0  }
0x9d: {  	[sflag:s1] =	ssyncadd.s32 $0xFFFFD800  }
0x9e: {  	_ =	sfence.sel $0x180000  }
0x9f: {  	[bflag:$0x0] =	sbarrier.arrive $0xFFFF  }
0xa0: {  	_ =	strace $0x90000047  }
0xa1: {  	s0 =	stileid.u32;
	[bflag:$0x2] =	sbarrier.arrive $0xFFFF  }
0xa2: {  	p0 =	sne.s32 s0, $0x0;
	s0 =	rddreg [dreg:$0x5]  }
0xa3: {  	s0 =	sadd.s32 @!p0 $0x100000, s0  }
0xa4: {  	[sflag:s0] =	ssyncadd.tile.s32 @!p0 $0x1;
	_ =	shalt  }
.Lfunc_end2:
_tile_overlayer_lowered:
.L_overlay_start_2:
0xa5: {  	(tag) =	ssettag $0x2  }
0xa6: {  	s0 =	rddreg [dreg:$0x0];
	s2 =	stileid.u32  }
0xa7: {  	s1 =	rddreg [dreg:$0x1];
	p0 =	sne.s32 s2, $0x0  }
0xa8: {  	s3 =	rddreg [dreg:$0x2];
	[bflag:$0x3] =	sbarrier.arrive $0xFFFF;
	s2 =	simm.s32 @!p0 $0x1C03  }
0xa9: {  	[timem:s3], [sflag:s2] =	dma.local @!p0 [hbm:s0], s1  }
0xaa: {  	s0 =	simm.s32 @!p0 $0x3  }
0xab: {  	_ =	swait.ge @!p0 [sflag:s0], s1  }
0xac: {  	s1 =	ssub.s32 @!p0 $0x0, s1;
	[sflag:s0] =	ssyncset.done @!p0 $0x0  }
0xad: {  	[sflag:s0] =	ssyncadd.s32 @!p0 s1  }
0xae: {  	[bflag:$0x3] =	sbarrier.arrive $0xFFFF  }
0xaf: {  	_ =	shalt  }

// kernel: kernel.29.cloned.1.call-start
scs
__scs_entry_jumppad:
0x0: {  	(pc) =	sbr.rel $0x88, $3  }
0x1: {  	(tag) =	ssettag $0x0;
	lr =	simm.s32 $0x1  }
0x2: {  	[smem:$0x3F8E] =	sst lr;
	_ =	strace $0xD0000000  }
0x3: {  	_ = 	snop  }
0x4: {  	_ = 	snop  }
0x5: {  	_ = 	snop  }
0x6: {  	_ = 	snop  }
0x7: {  	_ = 	snop  }
__scs_overlays_trampoline_lowered:
0x8: {  	[smem:$0x3F9D] =	sst s0  }
0x9: {  	[smem:$0x3F9E] =	sst s1  }
0xa: {  	[smem:$0x3F9F] =	sst s2  }
0xb: {  	[smem:$0x3FA0] =	sst s3  }
0xc: {  	[smem:$0x3FA1] =	sst s4  }
0xd: {  	[smem:$0x3FA2] =	sst s5  }
0xe: {  	[smem:$0x3FA3] =	sst s6  }
0xf: {  	[smem:$0x3FA4] =	sst s7  }
0x10: {  	[smem:$0x3FA5] =	sst s8  }
0x11: {  	[smem:$0x3FA6] =	sst s9;
	s0 =	simm.s32 @!p0 $0x0  }
0x12: {  	s1 =	sld [smem:$0x3F8C];
	s0 =	simm.s32 @p0 $0x1  }
0x13: {  	[smem:$0x3FA7] =	sst s0;
	s0 =	simm.s32 @!p1 $0x0  }
0x14: {  	s2 =	sld [smem:$0x3F8B];
	s0 =	simm.s32 @p1 $0x1  }
0x15: {  	[smem:$0x3FA8] =	sst s0;
	s0 =	simm.s32 @!p2 $0x0  }
0x16: {  	s3 =	sld [smem:$0x3FDB];
	s0 =	simm.s32 @p2 $0x1  }
0x17: {  	s4 =	simm.s32 $0x1BF5;
	[smem:$0x3FAA] =	sst s0  }
0x18: {  	s0 =	sld [smem:$0x3F8D];
	_ =	swait.ge [sflag:s4], $0x0  }
0x19: {  	s7 =	sld [smem:$0x3F8E]  }
0x1a: {  	s8 =	sadd.s32 $0xFFFFE003, lr  }
0x1b: {  	s9 =	sadd.s32 $0xFFFFFEF7, lr;
	s5 =	simm.s32 $0xFFFFFFFF;
	p2 =	slt.u32 s8, $0xFFFFF086  }
0x1c: {  	p1 =	slt.u32 s9, $0xF7A;
	s5 =	simm.s32 @!p2 $0x0  }
0x1d: {  	s5 =	simm.s32 @p1 $0x1;
	p0 =	seq.s32 s7, s2  }
0x1e: {  	s7 =	smul.u32 @!p0 $0xF7A, s2;
	p2 =	seq.s32 @!p0 s5, $0x0  }
0x1f: {  	s9 =	smul.u32 $0xF7A, s1;
	s8 =	simm.s32 @!p0 $0x1BF5;
	p2 =	por !p2, p0  }
0x20: {  	[sflag:s8] =	ssyncset.s32 @!p0 $0xFFFFF086;
	s6 =	sadd.s32 @!p0 s3, s7;
	s7 =	simm.s32 @!p0 $0x108  }
0x21: {  	s3 =	sadd.s32 s3, s9;
	s6 =	sadd.s32 @!p0 $0x88, s6;
	s7 =	simm.s32 @p2 $0x1082  }
0x22: {  	[simem:s7], [sflag:s8] =	dma.local @!p0 [hbm:s6], $0xF7A  }
0x23: {  	s9 =	sor.u32 $0xD0000000, s2;
	s6 =	simm.s32 $0x108;
	_ =	swait.ge @!p0 [sflag:s8], $0x0  }
0x24: {  	s3 =	sadd.s32 $0x88, s3;
	s6 =	simm.s32 @!p1 $0x1082;
	[sflag:s4] =	ssyncset.s32 $0xFFFFF086  }
0x25: {  	[simem:s6], [sflag:s4] =	dma.local [hbm:s3], $0xF7A  }
0x26: {  	[smem:$0x3F8E] =	sst s1;
	(tag) =	ssettag s2;
	_ =	strace s9  }
0x27: {  	s1 =	sld [smem:$0x3F9E]  }
0x28: {  	s2 =	sld [smem:$0x3F9F]  }
0x29: {  	s4 =	sld [smem:$0x3FA1]  }
0x2a: {  	p0 =	seq.s32 s5, $0x0;
	s5 =	sld [smem:$0x3FA2]  }
0x2b: {  	s6 =	sld [smem:$0x3FA3]  }
0x2c: {  	s7 =	sld [smem:$0x3FA4]  }
0x2d: {  	s3 =	simm.s32 $0x108;
	s8 =	sld [smem:$0x3FA5]  }
0x2e: {  	s3 =	simm.s32 @!p0 $0x1082;
	s9 =	sld [smem:$0x3FA6]  }
0x2f: {  	lr =	sadd.s32 s0, s3;
	s0 =	sld [smem:$0x3F9D]  }
0x30: {  	s3 =	sld [smem:$0x3FA0]  }
0x31: {  	[smem:$0x3FA9] =	sst s10  }
0x32: {  	s10 =	sld [smem:$0x3FA7];
	_ =	sdelay $0x3  }
0x33: {  	p0 =	seq.s32 s10, $0x1;
	s10 =	sld [smem:$0x3FA9];
	_ =	sdelay $0x3  }
0x34: {  	[smem:$0x3FA9] =	sst s10  }
0x35: {  	s10 =	sld [smem:$0x3FA8];
	_ =	sdelay $0x3  }
0x36: {  	p1 =	seq.s32 s10, $0x1;
	s10 =	sld [smem:$0x3FA9];
	_ =	sdelay $0x3  }
0x37: {  	[smem:$0x3FA9] =	sst s10  }
0x38: {  	s10 =	sld [smem:$0x3FAA]  }
0x39: {  	_ = 	snop;
	(pc) =	sbr.ind lr, $3  }
0x3a: {  	_ = 	snop  }
0x3b: {  	_ = 	snop  }
0x3c: {  	p2 =	seq.s32 s10, $0x1;
	s10 =	sld [smem:$0x3FA9]  }
0x3d: {  	_ =	shalt  }
0x3e: {  	_ =	shalt  }
0x3f: {  	_ =	shalt  }
0x40: {  	_ =	shalt  }
0x41: {  	_ =	shalt  }
0x42: {  	_ =	shalt  }
0x43: {  	_ =	shalt  }
0x44: {  	_ =	shalt  }
0x45: {  	_ =	shalt  }
0x46: {  	_ =	shalt  }
0x47: {  	_ =	shalt  }
0x48: {  	_ =	shalt  }
0x49: {  	_ =	shalt  }
0x4a: {  	_ =	shalt  }
0x4b: {  	_ =	shalt  }
0x4c: {  	_ =	shalt  }
0x4d: {  	_ =	shalt  }
0x4e: {  	_ =	shalt  }
0x4f: {  	_ =	shalt  }
0x50: {  	_ =	shalt  }
0x51: {  	_ =	shalt  }
0x52: {  	_ =	shalt  }
0x53: {  	_ =	shalt  }
0x54: {  	_ =	shalt  }
0x55: {  	_ =	shalt  }
0x56: {  	_ =	shalt  }
0x57: {  	_ =	shalt  }
0x58: {  	_ =	shalt  }
0x59: {  	_ =	shalt  }
0x5a: {  	_ =	shalt  }
0x5b: {  	_ =	shalt  }
0x5c: {  	_ =	shalt  }
0x5d: {  	_ =	shalt  }
0x5e: {  	_ =	shalt  }
0x5f: {  	_ =	shalt  }
0x60: {  	_ =	shalt  }
0x61: {  	_ =	shalt  }
0x62: {  	_ =	shalt  }
0x63: {  	_ =	shalt  }
0x64: {  	_ =	shalt  }
0x65: {  	_ =	shalt  }
0x66: {  	_ =	shalt  }
0x67: {  	_ =	shalt  }
0x68: {  	_ =	shalt  }
0x69: {  	_ =	shalt  }
0x6a: {  	_ =	shalt  }
0x6b: {  	_ =	shalt  }
0x6c: {  	_ =	shalt  }
0x6d: {  	_ =	shalt  }
0x6e: {  	_ =	shalt  }
0x6f: {  	_ =	shalt  }
0x70: {  	_ =	shalt  }
0x71: {  	_ =	shalt  }
0x72: {  	_ =	shalt  }
0x73: {  	_ =	shalt  }
0x74: {  	_ =	shalt  }
0x75: {  	_ =	shalt  }
0x76: {  	_ =	shalt  }
0x77: {  	_ =	shalt  }
0x78: {  	_ =	shalt  }
0x79: {  	_ =	shalt  }
0x7a: {  	_ =	shalt  }
0x7b: {  	_ =	shalt  }
0x7c: {  	_ =	shalt  }
0x7d: {  	_ =	shalt  }
0x7e: {  	_ =	shalt  }
0x7f: {  	_ =	shalt  }
0x80: {  	_ =	shalt  }
0x81: {  	_ =	shalt  }
0x82: {  	_ =	shalt  }
0x83: {  	_ =	shalt  }
0x84: {  	_ =	shalt  }
0x85: {  	_ =	shalt  }
0x86: {  	_ =	shalt  }
0x87: {  	_ =	shalt  }
.Lfunc_end0:
.L_simem_size_0:
called_computation.1_lowered:
.L_overlay_start_0:
0x88: {  	s2 =	sld [smem:$0x3FD9]  }
0x89: {  	s3 =	sld [smem:$0x3FFE];
	_ =	sdelay $0x1  }
0x8a: {  	s1 =	srdreg.scid  }
0x8b: {  	s0 =	sand.u32 $0x1, s1  }
0x8c: {  	s15 =	sshll.u32 s0, $0xA;
	s2 =	sadd.s32 s3, s2  }
0x8d: {  	s2 =	sadd.s32 s2, s15  }
0x8e: {  	[smem:$0x3FB5] =	sst s2  }
0x8f: {  	_ = 	snop  }
0x90: {  	s2 =	sld [smem:$0x3FD0];
	_ =	sdelay $0x2  }
0x91: {  	s16 =	simm.s32 $0xD;
	s4 =	simm.s32 $0x10  }
0x92: {  	[smem:s4], [sflag:s16] =	dma.local [hbm:s2], $0x1  }
0x93: {  	_ =	swait.eq [sflag:s16], $0x1  }
0x94: {  	[sflag:s16] =	ssyncset.done $0x0  }
0x95: {  	[sflag:s16] =	ssyncadd.s32 $0xFFFFFFFF  }
0x96: {  	s17 =	sld [smem:$0x13];
	(tm) =	ssettm $0x1  }
0x97: {  	s18 =	sld [smem:$0x3FFB];
	_ =	sdelay $0x3  }
0x98: {  	_ =	strace s18  }
0x99: {  	s2 =	sld [smem:$0x3FFC];
	_ =	sdelay $0x3  }
0x9a: {  	_ =	strace s2  }
0x9b: {  	s2 =	sld [smem:$0x3FFD];
	_ =	sdelay $0x3  }
0x9c: {  	_ =	strace s2  }
0x9d: {  	_ =	strace $0x8FFFFFFF  }
0x9e: {  	s19 =	sld [smem:$0x3FDB];
	_ =	sdelay $0x1  }
0x9f: {  	s20 =	simm.s32 $_scs_section_size  }
0xa0: {  	s5 =	simm.s32 $_size__tile_overlayer_lowered;
	s6 =	simm.s32 $_tile_overlayer_lowered  }
0xa1: {  	s7 =	simm.s32 $0x1BFF;
	s21 =	sshll.u32 s6, $0x1;
	s4 =	sadd.s32 s20, s19  }
0xa2: {  	s22 =	simm.s32 $0x0;
	s5 =	sshll.u32 s5, $0x1;
	s6 =	sadd.s32 s21, s4  }
0xa3: {  	[timem:s22], [sflag:s7] =	dma.local [hbm:s6], s5  }
0xa4: {  	_ =	swait.ge [sflag:s7], s5  }
0xa5: {  	s5 =	ssub.s32 $0x0, s5;
	[sflag:s7] =	ssyncset.done $0x0  }
0xa6: {  	[sflag:s7] =	ssyncadd.s32 s5;
	_ =	sdelay $0x1  }
0xa7: {  	s23 =	simm.s32 $0x1B8B  }
0xa8: {  	_ =	swait.ge [sflag:s23], $0x1  }
0xa9: {  	[sflag:s23] =	ssyncset.done $0x0  }
0xaa: {  	[sflag:s23] =	ssyncadd.s32 $0xFFFFFFFF  }
0xab: {  	s5 =	sld [smem:$0x0]  }
0xac: {  	s6 =	sand.u32 $0xFFFFFFFE, s1  }
0xad: {  	p0 =	sne.s32 s1, s6  }
0xae: {  	s6 =	sshll.u32 @p0 s6, $0xE  }
0xaf: {  	s6 =	sadd.s32 @p0 $0x11B8D, s6;
	s7 =	sshll.u32 @p0 s5, $0x11  }
0xb0: {  	s6 =	sor.u32 @p0 s7, s6  }
0xb1: {  	[sflag:s6] =	ssyncadd.remote.s32 @p0 $0x1;
	_ =	sdelay $0x1  }
0xb2: {  	s6 =	simm.s32 @p0 $0x1B8D  }
0xb3: {  	_ =	swait.eq @p0 [sflag:s6], $0x1  }
0xb4: {  	[sflag:s6] =	ssyncadd.s32 @p0 $0xFFFFFFFF  }
0xb5: {  	s7 =	sshll.u32 @!p0 s1, $0xE  }
0xb6: {  	s7 =	sor.u32 @!p0 $0x4000, s7;
	s6 =	simm.s32 @!p0 $0x1B8D  }
0xb7: {  	s5 =	sshll.u32 @!p0 s5, $0x11;
	s7 =	sadd.s32 @!p0 $0x11B8D, s7;
	_ =	swait.eq @!p0 [sflag:s6], $0x1  }
0xb8: {  	s5 =	sor.u32 @!p0 s5, s7;
	[sflag:s6] =	ssyncadd.s32 @!p0 $0xFFFFFFFF  }
0xb9: {  	s25 =	simm.s32 $0x1B8E;
	s24 =	sld [smem:$0x3FFE];
	[sflag:s5] =	ssyncadd.remote.s32 @!p0 $0x1  }
0xba: {  	s26 =	simm.s32 $execute0_lowered;
	[smem:$0x3FD2] =	sst s25  }
0xbb: {  	s6 =	sshll.u32 s26, $0x1;
	_ =	strace $0x80000052;
	[dreg:$0x1] =	wrdreg $0xFFFFFFFF  }
0xbc: {  	s28 =	simm.s32 $_size_execute0_lowered;
	s4 =	sadd.s32 s4, s6;
	[dreg:$0x0] =	wrdreg $0x0  }
0xbd: {  	s6 =	sshll.u32 s28, $0x1;
	[dreg:$0x2] =	wrdreg s4  }
0xbe: {  	[dreg:$0x3] =	wrdreg s6  }
0xbf: {  	[dreg:$0x4] =	wrdreg $0xC0  }
0xc0: {  	_ =	task [dreg:s22], $0x5FFFF  }
0xc1: {  	[dreg:$0x1] =	wrdreg $0xFFFFFFFF  }
0xc2: {  	[dreg:$0x0] =	wrdreg $0x60  }
0xc3: {  	[dreg:$0x2] =	wrdreg s17  }
0xc4: {  	[dreg:$0x3] =	wrdreg s24  }
0xc5: {  	[dreg:$0x4] =	wrdreg $0x0  }
0xc6: {  	[dreg:$0x5] =	wrdreg $0x9  }
0xc7: {  	_ =	task.clear_ibuf [dreg:s22], $0x6FFFF;
	_ =	strace $0x90000052  }
0xc8: {  	s29 =	simm.s32 $0x9;
	_ =	strace $0x80000054  }
0xc9: {  	_ =	swait.ge [sflag:s29], $0x1  }
0xca: {  	[sflag:s29] =	ssyncadd.s32 $0xFFFFFFFF  }
0xcb: {  	_ =	strace $0x90000054  }
0xcc: {  	_ =	sfence  }
0xcd: {  	s30 =	sld [smem:$0x0];
	_ =	sdelay $0x2  }
0xce: {  	s31 =	sshll.u32 s1, $0xD;
	s1 =	sshrl.u32 s1, $0x2  }
0xcf: {  	s4 =	sand.u32 $0x4000, s31;
	s1 =	sadd.s32 s1, s30  }
0xd0: {  	s0 =	sor.u32 s4, s0;
	s1 =	sshll.u32 s1, $0x11  }
0xd1: {  	s0 =	sor.u32 s1, s0  }
0xd2: {  	s0 =	sadd.s32 $0x8F2B, s0  }
0xd3: {  	[sflag:s0] =	ssyncadd.remote.s32 $0x1  }
0xd4: {  	_ =	sfence.sel $0xFFFF  }
0xd5: {  	[dreg:$0x0] =	wrdreg $0xFFFFFFFF;
	(pc) =	sbr.abs _section_cstart, $3  }
0xd6: {  	[dreg:$0x1] =	wrdreg $0xFFFFFFFF  }
0xd7: {  	_ =	task.clear_ibuf [dreg:s22], $0x2FFFF;
	_ =	strace $0x9FFFFFFF  }
0xd8: {  	(tm) =	ssettm $0x7FFFFFFF  }
0xd9: {  	_ =	shalt  }
tec
execute0_lowered:
.L_overlay_start_1:
0x0: {  	(tag) =	ssettag $0x1  }
0x1: {  	s0 =	rddreg [dreg:$0x0]  }
0x2: {  	s1 =	rddreg [dreg:$0x1];
	s2 =	srdreg.scid  }
0x3: {  	s3 =	rddreg [dreg:$0x2];
	s10 =	stileid.u32  }
0x4: {  	s4 =	simm.s32 $0x0;
	s18 =	simm.s32 $0x5;
	s28 =	simm.s32 $0x18200  }
0x5: {  	s29 =	simm.s32 $0x3;
	s30 =	simm.s32 $0x4;
	s31 =	simm.s32 $0x0  }
0x6: {  	s2 =	sand.u32 $0x1, s2;
	s6 =	smul.u32 $0x14000, s10;
	[smem:$0x7FF] =	sst s4  }
0x7: {  	s16 =	sadd.s32 $0x18F000, s1;
	s15 =	sadd.s32 $0x199000, s1;
	s9 =	smul.u32 $0x50000, s10  }
0x8: {  	s19 =	sadd.s32 $0x57C00, s1;
	s23 =	sshll.u32 s10, $0x6;
	s11 =	smul.u32 $0x2800, s10  }
0x9: {  	s5 =	smul.u32 $0x140000, s2;
	_ =	strace $0x80000053;
	[dreg:$0x4] =	wrdreg s19  }
0xa: {  	s7 =	ssub.s32 $0x2, s2;
	s8 =	sshll.u32 s2, $0x4;
	s2 =	smul.u32 $0x28000, s2  }
0xb: {  	s19 =	simm.s32 $0x14000;
	s20 =	sshrl.u32 s7, $0x1;
	s8 =	sor.u32 s10, s8  }
0xc: {  	s22 =	sshrl.u32 s9, $0x2;
	s6 =	sadd.s32 s6, s5;
	s12 =	ssub.s32 s7, s20  }
0xd: {  	s21 =	smul.u32 $0x2800, s8;
	s17 =	sadd.s32 s22, s3;
	s2 =	sadd.s32 s11, s2  }
0xe: {  	s20 =	simm.s32 $0x14100;
	s22 =	simm.s32 $0x80;
	s6 =	sshrl.u32 s6, $0x3  }
0xf: {  	s26 =	sor.u32 $0x180, s2;
	s2 =	sor.u32 $0x100, s2;
	s12 =	smax.u32 s12, $0x1  }
0x10: {  	s17 =	sshrl.u32 s17, $0x3;
	s1 =	sadd.s32 s6, s1;
	s6 =	sor.u32 $0x1C05, s23  }
0x11: {  	s24 =	sshrl.u32 s21, $0x3;
	s2 =	sshrl.u32 s2, $0x3;
	s21 =	simm.s32 $0x1  }
0x12: {  	s23 =	simm.s32 $0x14200;
	s7 =	sadd.s32 s16, s24;
	s8 =	sadd.s32 s15, s24  }
0x13: {  	s25 =	sor.u32 $0x10, s24;
	s11 =	sadd.s32 $0x1A3000, s1;
	s1 =	sshrl.u32 s26, $0x3  }
0x14: {  	s24 =	simm.s32 $0x14080;
	s26 =	simm.s32 $0x2;
	s9 =	sadd.s32 s16, s25  }
0x15: {  	s10 =	sadd.s32 s15, s25;
	s13 =	sadd.s32 s1, s15;
	s14 =	sadd.s32 s1, s16  }
0x16: {  	s15 =	sadd.s32 s2, s15;
	s16 =	sadd.s32 s2, s16;
	s25 =	simm.s32 $0x14180  }
.LBB2_1:
0x17: {  	s1 =	rddreg [dreg:$0x4]  }
0x18: {  	[spmem:s17], [sflag:s6] =	dma.local [hbm:s1], $0x2800  }
0x19: {  	_ =	swait.ge [sflag:s18], $0x2800  }
0x1a: {  	[sflag:s18] =	ssyncset.done $0x0  }
0x1b: {  	[sflag:s18] =	ssyncadd.s32 $0xFFFFD800  }
0x1c: {  	[bflag:$0x0] =	sbarrier.arrive $0xFFFF  }
0x1d: {  	[tilespmem:s19], [sflag:$0x1] =	stream.linear.gather [hbm4b:s7+s4], $0x80, $0x38;
	[tilespmem:$0x1C200] =	vst v63  }
0x1e: {  	_ = 	snop  }
0x1f: {  	[tilespmem:s20], [sflag:$0x1] =	stream.linear.gather [hbm4b:s8+s4], $0x80, $0x38;
	[tilespmem:$0x1C200] =	vst v63  }
0x20: {  	_ =	swait.ge [sflag:s21], $0x80  }
0x21: {  	[sflag:s21] =	ssyncset.done $0x0  }
0x22: {  	[sflag:s21] =	ssyncadd.s32 $0xFFFFFF80  }
0x23: {  	_ =	swait.ge [sflag:s21], $0x80  }
0x24: {  	[sflag:s21] =	ssyncset.done $0x0  }
0x25: {  	[sflag:s21] =	ssyncadd.s32 $0xFFFFFF80  }
0x26: {  	[tilespmem:s23], [sflag:$0x3] =	stream.indirect.gather [hbm4b:s0+s22], $0x80, s19, s22, $0xb8;
	[tilespmem:$0x1C200] =	vst v63  }
0x27: {  	_ = 	snop  }
0x28: {  	[tilespmem:s24], [sflag:$0x2] =	stream.linear.gather [hbm4b:s9+s4], $0x80, $0x38;
	[tilespmem:$0x1C200] =	vst v63  }
0x29: {  	_ = 	snop  }
0x2a: {  	[tilespmem:s25], [sflag:$0x2] =	stream.linear.gather [hbm4b:s10+s4], $0x80, $0x38;
	[tilespmem:$0x1C200] =	vst v63  }
0x2b: {  	_ =	swait.ge [sflag:s26], $0x80  }
0x2c: {  	[sflag:s26] =	ssyncset.done $0x0  }
0x2d: {  	[sflag:s26] =	ssyncadd.s32 $0xFFFFFF80  }
0x2e: {  	_ =	swait.ge [sflag:s26], $0x80  }
0x2f: {  	[sflag:s26] =	ssyncset.done $0x0  }
0x30: {  	[sflag:s26] =	ssyncadd.s32 $0xFFFFFF80  }
0x31: {  	[tilespmem:s28], [sflag:$0x4] =	stream.indirect.gather [hbm4b:s0+s22], $0x80, s24, s22, $0xb8;
	[tilespmem:$0x1C200] =	vst v63  }
0x32: {  	_ =	swait.ge [sflag:s29], $0x4000  }
0x33: {  	[sflag:s29] =	ssyncset.done $0x0  }
0x34: {  	[sflag:s29] =	ssyncadd.s32 $0xFFFFC000  }
0x35: {  	[spmem:s3] =	stream.indirect.scatter.add.f32 [tilespmem:s23], [sflag:$0x5], $0x80, s20, s22, $0xb8;
	[tilespmem:$0x1C200] =	vst v63  }
0x36: {  	_ =	swait.ge [sflag:s18], $0x4000  }
0x37: {  	[sflag:s18] =	ssyncset.done $0x0  }
0x38: {  	s5 =	sadd.s32 $0x0, s16;
	[sflag:s18] =	ssyncadd.s32 $0xFFFFC000  }
0x39: {  	[tilespmem:s19], [sflag:$0x1] =	stream.linear.gather [hbm4b:s5+s4], $0x80, $0x38;
	[tilespmem:$0x1C200] =	vst v63  }
0x3a: {  	s2 =	sadd.s32 $0x0, s15  }
0x3b: {  	[tilespmem:s20], [sflag:$0x1] =	stream.linear.gather [hbm4b:s2+s4], $0x80, $0x38;
	[tilespmem:$0x1C200] =	vst v63  }
0x3c: {  	_ =	swait.ge [sflag:s21], $0x80  }
0x3d: {  	[sflag:s21] =	ssyncset.done $0x0  }
0x3e: {  	[sflag:s21] =	ssyncadd.s32 $0xFFFFFF80  }
0x3f: {  	_ =	swait.ge [sflag:s21], $0x80  }
0x40: {  	[sflag:s21] =	ssyncset.done $0x0  }
0x41: {  	[sflag:s21] =	ssyncadd.s32 $0xFFFFFF80  }
0x42: {  	[tilespmem:s23], [sflag:$0x3] =	stream.indirect.gather [hbm4b:s0+s22], $0x80, s19, s22, $0xb8;
	[tilespmem:$0x1C200] =	vst v63  }
0x43: {  	_ =	swait.ge [sflag:s30], $0x4000  }
0x44: {  	[sflag:s30] =	ssyncset.done $0x0  }
0x45: {  	[sflag:s30] =	ssyncadd.s32 $0xFFFFC000  }
0x46: {  	[spmem:s3] =	stream.indirect.scatter.add.f32 [tilespmem:s28], [sflag:$0x5], $0x80, s25, s22, $0xb8;
	[tilespmem:$0x1C200] =	vst v63  }
0x47: {  	_ =	swait.ge [sflag:s18], $0x4000  }
0x48: {  	s1 =	simm.s32 $0x20;
	[sflag:s18] =	ssyncset.done $0x0  }
0x49: {  	s5 =	sadd.s32 $0x0, s14;
	s2 =	sadd.s32 $0x0, s13;
	[sflag:s18] =	ssyncadd.s32 $0xFFFFC000  }
0x4a: {  	[tilespmem:s24], [sflag:$0x2] =	stream.linear.gather [hbm4b:s5+s4], $0x80, $0x38;
	[tilespmem:$0x1C200] =	vst v63  }
.LBB2_2:
0x4b: {  	[tilespmem:s25], [sflag:$0x2] =	stream.linear.gather [hbm4b:s2+s4], $0x80, $0x38;
	[tilespmem:$0x1C200] =	vst v63  }
0x4c: {  	s2 =	smov.u32 s1  }
0x4d: {  	p0 =	sne.s32 s1, $0x4C0;
	s1 =	sadd.s32 $0x20, s1;
	_ =	swait.ge [sflag:s26], $0x80  }
0x4e: {  	[sflag:s26] =	ssyncset.done $0x0  }
0x4f: {  	[sflag:s26] =	ssyncadd.s32 $0xFFFFFF80  }
0x50: {  	_ =	swait.ge [sflag:s26], $0x80  }
0x51: {  	[sflag:s26] =	ssyncset.done $0x0  }
0x52: {  	[sflag:s26] =	ssyncadd.s32 $0xFFFFFF80  }
0x53: {  	[tilespmem:s28], [sflag:$0x4] =	stream.indirect.gather [hbm4b:s0+s22], $0x80, s24, s22, $0xb8;
	[tilespmem:$0x1C200] =	vst v63  }
0x54: {  	_ =	swait.ge [sflag:s29], $0x4000  }
0x55: {  	[sflag:s29] =	ssyncset.done $0x0  }
0x56: {  	[sflag:s29] =	ssyncadd.s32 $0xFFFFC000  }
0x57: {  	[spmem:s3] =	stream.indirect.scatter.add.f32 [tilespmem:s23], [sflag:$0x5], $0x80, s20, s22, $0xb8;
	[tilespmem:$0x1C200] =	vst v63  }
0x58: {  	_ =	swait.ge [sflag:s18], $0x4000  }
0x59: {  	[sflag:s18] =	ssyncset.done $0x0  }
0x5a: {  	s5 =	sadd.s32 s2, s16;
	[sflag:s18] =	ssyncadd.s32 $0xFFFFC000  }
0x5b: {  	[tilespmem:s19], [sflag:$0x1] =	stream.linear.gather [hbm4b:s5+s4], $0x80, $0x38;
	[tilespmem:$0x1C200] =	vst v63  }
0x5c: {  	s5 =	sadd.s32 s2, s15  }
0x5d: {  	[tilespmem:s20], [sflag:$0x1] =	stream.linear.gather [hbm4b:s5+s4], $0x80, $0x38;
	[tilespmem:$0x1C200] =	vst v63  }
0x5e: {  	_ =	swait.ge [sflag:s21], $0x80  }
0x5f: {  	[sflag:s21] =	ssyncset.done $0x0  }
0x60: {  	[sflag:s21] =	ssyncadd.s32 $0xFFFFFF80  }
0x61: {  	_ =	swait.ge [sflag:s21], $0x80  }
0x62: {  	[sflag:s21] =	ssyncset.done $0x0  }
0x63: {  	[sflag:s21] =	ssyncadd.s32 $0xFFFFFF80  }
0x64: {  	[tilespmem:s23], [sflag:$0x3] =	stream.indirect.gather [hbm4b:s0+s22], $0x80, s19, s22, $0xb8;
	[tilespmem:$0x1C200] =	vst v63  }
0x65: {  	_ =	swait.ge [sflag:s30], $0x4000  }
0x66: {  	[sflag:s30] =	ssyncset.done $0x0  }
0x67: {  	[sflag:s30] =	ssyncadd.s32 $0xFFFFC000  }
0x68: {  	[spmem:s3] =	stream.indirect.scatter.add.f32 [tilespmem:s28], [sflag:$0x5], $0x80, s25, s22, $0xb8;
	[tilespmem:$0x1C200] =	vst v63  }
.Ltmp0:
0x69: {  	_ =	swait.ge [sflag:s18], $0x4000;
	(pc) =	sbr.rel @p0 .LBB2_2-.Ltmp0, $4  }
0x6a: {  	[sflag:s18] =	ssyncset.done $0x0  }
0x6b: {  	s5 =	sadd.s32 s2, s14;
	[sflag:s18] =	ssyncadd.s32 $0xFFFFC000  }
0x6c: {  	[tilespmem:s24], [sflag:$0x2] =	stream.linear.gather [hbm4b:s5+s4], $0x80, $0x38;
	[tilespmem:$0x1C200] =	vst v63  }
0x6d: {  	s2 =	sadd.s32 s2, s13  }
0x6e: {  	[tilespmem:s25], [sflag:$0x2] =	stream.linear.gather [hbm4b:s2+s4], $0x80, $0x38;
	[tilespmem:$0x1C200] =	vst v63  }
0x6f: {  	_ =	swait.ge [sflag:s29], $0x4000  }
0x70: {  	[sflag:s29] =	ssyncset.done $0x0  }
0x71: {  	[sflag:s29] =	ssyncadd.s32 $0xFFFFC000  }
0x72: {  	[spmem:s3] =	stream.indirect.scatter.add.f32 [tilespmem:s23], [sflag:$0x5], $0x80, s20, s22, $0xb8;
	[tilespmem:$0x1C200] =	vst v63  }
0x73: {  	_ =	swait.ge [sflag:s18], $0x4000  }
0x74: {  	[sflag:s18] =	ssyncset.done $0x0  }
0x75: {  	[sflag:s18] =	ssyncadd.s32 $0xFFFFC000  }
0x76: {  	_ =	swait.ge [sflag:s26], $0x80  }
0x77: {  	[sflag:s26] =	ssyncset.done $0x0  }
0x78: {  	[sflag:s26] =	ssyncadd.s32 $0xFFFFFF80  }
0x79: {  	_ =	swait.ge [sflag:s26], $0x80  }
0x7a: {  	s31 =	sadd.s32 $0x1, s31;
	[sflag:s26] =	ssyncset.done $0x0  }
0x7b: {  	p0 =	sne.s32 s31, s12;
	[sflag:s26] =	ssyncadd.s32 $0xFFFFFF80  }
.Ltmp1:
0x7c: {  	[bflag:$0x0] =	sbarrier.arrive $0xFFFF;
	(pc) =	sbr.rel @p0 .LBB2_1-.Ltmp1, $4  }
0x7d: {  	[hbm:s11], [sflag:s6] =	dma.local [spmem:s17], $0x2800  }
0x7e: {  	_ =	swait.ge [sflag:s18], $0x2800  }
0x7f: {  	[sflag:s18] =	ssyncset.done $0x0  }
0x80: {  	[sflag:s18] =	ssyncadd.s32 $0xFFFFD800  }
0x81: {  	_ =	sfence.sel $0x180000  }
0x82: {  	[bflag:$0x0] =	sbarrier.arrive $0xFFFF  }
0x83: {  	_ =	strace $0x90000053  }
0x84: {  	s0 =	stileid.u32;
	[bflag:$0x2] =	sbarrier.arrive $0xFFFF  }
0x85: {  	p0 =	sne.s32 s0, $0x0;
	s0 =	rddreg [dreg:$0x3]  }
0x86: {  	s0 =	sadd.s32 @!p0 $0x100000, s0  }
0x87: {  	[sflag:s0] =	ssyncadd.tile.s32 @!p0 $0x1;
	_ =	shalt  }
.Lfunc_end2:
_tile_overlayer_lowered:
.L_overlay_start_2:
0x88: {  	(tag) =	ssettag $0x2  }
0x89: {  	s0 =	rddreg [dreg:$0x0];
	s2 =	stileid.u32  }
0x8a: {  	s1 =	rddreg [dreg:$0x1];
	p0 =	sne.s32 s2, $0x0  }
0x8b: {  	s3 =	rddreg [dreg:$0x2];
	[bflag:$0x3] =	sbarrier.arrive $0xFFFF;
	s2 =	simm.s32 @!p0 $0x1C05  }
0x8c: {  	[timem:s3], [sflag:s2] =	dma.local @!p0 [hbm:s0], s1  }
0x8d: {  	s0 =	simm.s32 @!p0 $0x5  }
0x8e: {  	_ =	swait.ge @!p0 [sflag:s0], s1  }
0x8f: {  	s1 =	ssub.s32 @!p0 $0x0, s1;
	[sflag:s0] =	ssyncset.done @!p0 $0x0  }
0x90: {  	[sflag:s0] =	ssyncadd.s32 @!p0 s1  }
0x91: {  	[bflag:$0x3] =	sbarrier.arrive $0xFFFF  }
0x92: {  	_ =	shalt  }

// kernel: kernel.32.cloned.1.call-start
scs
__scs_entry_jumppad:
0x0: {  	(pc) =	sbr.rel $0x88, $3  }
0x1: {  	(tag) =	ssettag $0x0;
	lr =	simm.s32 $0x1  }
0x2: {  	[smem:$0x3F8E] =	sst lr;
	_ =	strace $0xD0000000  }
0x3: {  	_ = 	snop  }
0x4: {  	_ = 	snop  }
0x5: {  	_ = 	snop  }
0x6: {  	_ = 	snop  }
0x7: {  	_ = 	snop  }
__scs_overlays_trampoline_lowered:
0x8: {  	[smem:$0x3F9D] =	sst s0  }
0x9: {  	[smem:$0x3F9E] =	sst s1  }
0xa: {  	[smem:$0x3F9F] =	sst s2  }
0xb: {  	[smem:$0x3FA0] =	sst s3  }
0xc: {  	[smem:$0x3FA1] =	sst s4  }
0xd: {  	[smem:$0x3FA2] =	sst s5  }
0xe: {  	[smem:$0x3FA3] =	sst s6  }
0xf: {  	[smem:$0x3FA4] =	sst s7  }
0x10: {  	[smem:$0x3FA5] =	sst s8  }
0x11: {  	[smem:$0x3FA6] =	sst s9;
	s0 =	simm.s32 @!p0 $0x0  }
0x12: {  	s1 =	sld [smem:$0x3F8C];
	s0 =	simm.s32 @p0 $0x1  }
0x13: {  	[smem:$0x3FA7] =	sst s0;
	s0 =	simm.s32 @!p1 $0x0  }
0x14: {  	s2 =	sld [smem:$0x3F8B];
	s0 =	simm.s32 @p1 $0x1  }
0x15: {  	[smem:$0x3FA8] =	sst s0;
	s0 =	simm.s32 @!p2 $0x0  }
0x16: {  	s3 =	sld [smem:$0x3FDB];
	s0 =	simm.s32 @p2 $0x1  }
0x17: {  	s4 =	simm.s32 $0x1BF5;
	[smem:$0x3FAA] =	sst s0  }
0x18: {  	s0 =	sld [smem:$0x3F8D];
	_ =	swait.ge [sflag:s4], $0x0  }
0x19: {  	s7 =	sld [smem:$0x3F8E]  }
0x1a: {  	s8 =	sadd.s32 $0xFFFFE003, lr  }
0x1b: {  	s9 =	sadd.s32 $0xFFFFFEF7, lr;
	s5 =	simm.s32 $0xFFFFFFFF;
	p2 =	slt.u32 s8, $0xFFFFF086  }
0x1c: {  	p1 =	slt.u32 s9, $0xF7A;
	s5 =	simm.s32 @!p2 $0x0  }
0x1d: {  	s5 =	simm.s32 @p1 $0x1;
	p0 =	seq.s32 s7, s2  }
0x1e: {  	s7 =	smul.u32 @!p0 $0xF7A, s2;
	p2 =	seq.s32 @!p0 s5, $0x0  }
0x1f: {  	s9 =	smul.u32 $0xF7A, s1;
	s8 =	simm.s32 @!p0 $0x1BF5;
	p2 =	por !p2, p0  }
0x20: {  	[sflag:s8] =	ssyncset.s32 @!p0 $0xFFFFF086;
	s6 =	sadd.s32 @!p0 s3, s7;
	s7 =	simm.s32 @!p0 $0x108  }
0x21: {  	s3 =	sadd.s32 s3, s9;
	s6 =	sadd.s32 @!p0 $0x88, s6;
	s7 =	simm.s32 @p2 $0x1082  }
0x22: {  	[simem:s7], [sflag:s8] =	dma.local @!p0 [hbm:s6], $0xF7A  }
0x23: {  	s9 =	sor.u32 $0xD0000000, s2;
	s6 =	simm.s32 $0x108;
	_ =	swait.ge @!p0 [sflag:s8], $0x0  }
0x24: {  	s3 =	sadd.s32 $0x88, s3;
	s6 =	simm.s32 @!p1 $0x1082;
	[sflag:s4] =	ssyncset.s32 $0xFFFFF086  }
0x25: {  	[simem:s6], [sflag:s4] =	dma.local [hbm:s3], $0xF7A  }
0x26: {  	[smem:$0x3F8E] =	sst s1;
	(tag) =	ssettag s2;
	_ =	strace s9  }
0x27: {  	s1 =	sld [smem:$0x3F9E]  }
0x28: {  	s2 =	sld [smem:$0x3F9F]  }
0x29: {  	s4 =	sld [smem:$0x3FA1]  }
0x2a: {  	p0 =	seq.s32 s5, $0x0;
	s5 =	sld [smem:$0x3FA2]  }
0x2b: {  	s6 =	sld [smem:$0x3FA3]  }
0x2c: {  	s7 =	sld [smem:$0x3FA4]  }
0x2d: {  	s3 =	simm.s32 $0x108;
	s8 =	sld [smem:$0x3FA5]  }
0x2e: {  	s3 =	simm.s32 @!p0 $0x1082;
	s9 =	sld [smem:$0x3FA6]  }
0x2f: {  	lr =	sadd.s32 s0, s3;
	s0 =	sld [smem:$0x3F9D]  }
0x30: {  	s3 =	sld [smem:$0x3FA0]  }
0x31: {  	[smem:$0x3FA9] =	sst s10  }
0x32: {  	s10 =	sld [smem:$0x3FA7];
	_ =	sdelay $0x3  }
0x33: {  	p0 =	seq.s32 s10, $0x1;
	s10 =	sld [smem:$0x3FA9];
	_ =	sdelay $0x3  }
0x34: {  	[smem:$0x3FA9] =	sst s10  }
0x35: {  	s10 =	sld [smem:$0x3FA8];
	_ =	sdelay $0x3  }
0x36: {  	p1 =	seq.s32 s10, $0x1;
	s10 =	sld [smem:$0x3FA9];
	_ =	sdelay $0x3  }
0x37: {  	[smem:$0x3FA9] =	sst s10  }
0x38: {  	s10 =	sld [smem:$0x3FAA]  }
0x39: {  	_ = 	snop;
	(pc) =	sbr.ind lr, $3  }
0x3a: {  	_ = 	snop  }
0x3b: {  	_ = 	snop  }
0x3c: {  	p2 =	seq.s32 s10, $0x1;
	s10 =	sld [smem:$0x3FA9]  }
0x3d: {  	_ =	shalt  }
0x3e: {  	_ =	shalt  }
0x3f: {  	_ =	shalt  }
0x40: {  	_ =	shalt  }
0x41: {  	_ =	shalt  }
0x42: {  	_ =	shalt  }
0x43: {  	_ =	shalt  }
0x44: {  	_ =	shalt  }
0x45: {  	_ =	shalt  }
0x46: {  	_ =	shalt  }
0x47: {  	_ =	shalt  }
0x48: {  	_ =	shalt  }
0x49: {  	_ =	shalt  }
0x4a: {  	_ =	shalt  }
0x4b: {  	_ =	shalt  }
0x4c: {  	_ =	shalt  }
0x4d: {  	_ =	shalt  }
0x4e: {  	_ =	shalt  }
0x4f: {  	_ =	shalt  }
0x50: {  	_ =	shalt  }
0x51: {  	_ =	shalt  }
0x52: {  	_ =	shalt  }
0x53: {  	_ =	shalt  }
0x54: {  	_ =	shalt  }
0x55: {  	_ =	shalt  }
0x56: {  	_ =	shalt  }
0x57: {  	_ =	shalt  }
0x58: {  	_ =	shalt  }
0x59: {  	_ =	shalt  }
0x5a: {  	_ =	shalt  }
0x5b: {  	_ =	shalt  }
0x5c: {  	_ =	shalt  }
0x5d: {  	_ =	shalt  }
0x5e: {  	_ =	shalt  }
0x5f: {  	_ =	shalt  }
0x60: {  	_ =	shalt  }
0x61: {  	_ =	shalt  }
0x62: {  	_ =	shalt  }
0x63: {  	_ =	shalt  }
0x64: {  	_ =	shalt  }
0x65: {  	_ =	shalt  }
0x66: {  	_ =	shalt  }
0x67: {  	_ =	shalt  }
0x68: {  	_ =	shalt  }
0x69: {  	_ =	shalt  }
0x6a: {  	_ =	shalt  }
0x6b: {  	_ =	shalt  }
0x6c: {  	_ =	shalt  }
0x6d: {  	_ =	shalt  }
0x6e: {  	_ =	shalt  }
0x6f: {  	_ =	shalt  }
0x70: {  	_ =	shalt  }
0x71: {  	_ =	shalt  }
0x72: {  	_ =	shalt  }
0x73: {  	_ =	shalt  }
0x74: {  	_ =	shalt  }
0x75: {  	_ =	shalt  }
0x76: {  	_ =	shalt  }
0x77: {  	_ =	shalt  }
0x78: {  	_ =	shalt  }
0x79: {  	_ =	shalt  }
0x7a: {  	_ =	shalt  }
0x7b: {  	_ =	shalt  }
0x7c: {  	_ =	shalt  }
0x7d: {  	_ =	shalt  }
0x7e: {  	_ =	shalt  }
0x7f: {  	_ =	shalt  }
0x80: {  	_ =	shalt  }
0x81: {  	_ =	shalt  }
0x82: {  	_ =	shalt  }
0x83: {  	_ =	shalt  }
0x84: {  	_ =	shalt  }
0x85: {  	_ =	shalt  }
0x86: {  	_ =	shalt  }
0x87: {  	_ =	shalt  }
.Lfunc_end0:
.L_simem_size_0:
called_computation.2_lowered:
.L_overlay_start_0:
0x88: {  	s2 =	sld [smem:$0x3FD9]  }
0x89: {  	s3 =	sld [smem:$0x3FFE];
	_ =	sdelay $0x1  }
0x8a: {  	s1 =	srdreg.scid  }
0x8b: {  	s0 =	sand.u32 $0x1, s1  }
0x8c: {  	s17 =	sshll.u32 s0, $0xA;
	s2 =	sadd.s32 s3, s2  }
0x8d: {  	s2 =	sadd.s32 s2, s17  }
0x8e: {  	[smem:$0x3FB5] =	sst s2  }
0x8f: {  	_ = 	snop  }
0x90: {  	(tm) =	ssettm $0x1  }
0x91: {  	s18 =	sld [smem:$0x3FFB];
	_ =	sdelay $0x3  }
0x92: {  	_ =	strace s18  }
0x93: {  	s2 =	sld [smem:$0x3FFC];
	_ =	sdelay $0x3  }
0x94: {  	_ =	strace s2  }
0x95: {  	s2 =	sld [smem:$0x3FFD];
	_ =	sdelay $0x3  }
0x96: {  	_ =	strace s2  }
0x97: {  	_ =	strace $0x8FFFFFFF  }
0x98: {  	s19 =	sld [smem:$0x3FDB];
	_ =	sdelay $0x1  }
0x99: {  	s20 =	simm.s32 $_scs_section_size  }
0x9a: {  	s4 =	simm.s32 $_size__tile_overlayer_lowered;
	s5 =	simm.s32 $_tile_overlayer_lowered  }
0x9b: {  	s6 =	simm.s32 $0x1BFF;
	s21 =	sshll.u32 s5, $0x1;
	s3 =	sadd.s32 s20, s19  }
0x9c: {  	s22 =	simm.s32 $0x0;
	s4 =	sshll.u32 s4, $0x1;
	s5 =	sadd.s32 s21, s3  }
0x9d: {  	[timem:s22], [sflag:s6] =	dma.local [hbm:s5], s4  }
0x9e: {  	_ =	swait.ge [sflag:s6], s4  }
0x9f: {  	s4 =	ssub.s32 $0x0, s4;
	[sflag:s6] =	ssyncset.done $0x0  }
0xa0: {  	[sflag:s6] =	ssyncadd.s32 s4;
	_ =	sdelay $0x1  }
0xa1: {  	s23 =	simm.s32 $0x1B8B  }
0xa2: {  	_ =	swait.ge [sflag:s23], $0x1  }
0xa3: {  	[sflag:s23] =	ssyncset.done $0x0  }
0xa4: {  	[sflag:s23] =	ssyncadd.s32 $0xFFFFFFFF  }
0xa5: {  	s4 =	sld [smem:$0x0]  }
0xa6: {  	s5 =	sand.u32 $0xFFFFFFFE, s1  }
0xa7: {  	p0 =	sne.s32 s1, s5  }
0xa8: {  	s5 =	sshll.u32 @p0 s5, $0xE  }
0xa9: {  	s5 =	sadd.s32 @p0 $0x11B8D, s5;
	s6 =	sshll.u32 @p0 s4, $0x11  }
0xaa: {  	s5 =	sor.u32 @p0 s6, s5  }
0xab: {  	[sflag:s5] =	ssyncadd.remote.s32 @p0 $0x1;
	_ =	sdelay $0x1  }
0xac: {  	s5 =	simm.s32 @p0 $0x1B8D  }
0xad: {  	_ =	swait.eq @p0 [sflag:s5], $0x1  }
0xae: {  	[sflag:s5] =	ssyncadd.s32 @p0 $0xFFFFFFFF  }
0xaf: {  	s6 =	sshll.u32 @!p0 s1, $0xE  }
0xb0: {  	s6 =	sor.u32 @!p0 $0x4000, s6;
	s5 =	simm.s32 @!p0 $0x1B8D  }
0xb1: {  	s4 =	sshll.u32 @!p0 s4, $0x11;
	s6 =	sadd.s32 @!p0 $0x11B8D, s6;
	_ =	swait.eq @!p0 [sflag:s5], $0x1  }
0xb2: {  	s4 =	sor.u32 @!p0 s4, s6;
	[sflag:s5] =	ssyncadd.s32 @!p0 $0xFFFFFFFF  }
0xb3: {  	s25 =	simm.s32 $0x1B8E;
	s24 =	sld [smem:$0x3FFE];
	[sflag:s4] =	ssyncadd.remote.s32 @!p0 $0x1  }
0xb4: {  	s26 =	simm.s32 $execute0_lowered;
	[smem:$0x3FD2] =	sst s25  }
0xb5: {  	s5 =	sshll.u32 s26, $0x1;
	_ =	strace $0x8000005E;
	[dreg:$0x1] =	wrdreg $0xFFFFFFFF  }
0xb6: {  	s28 =	simm.s32 $_size_execute0_lowered;
	s3 =	sadd.s32 s3, s5;
	[dreg:$0x0] =	wrdreg $0x0  }
0xb7: {  	s5 =	sshll.u32 s28, $0x1;
	[dreg:$0x2] =	wrdreg s3  }
0xb8: {  	[dreg:$0x3] =	wrdreg s5  }
0xb9: {  	[dreg:$0x4] =	wrdreg $0xC0  }
0xba: {  	_ =	task [dreg:s22], $0x5FFFF  }
0xbb: {  	[dreg:$0x1] =	wrdreg $0xFFFFFFFF  }
0xbc: {  	[dreg:$0x0] =	wrdreg $0x60  }
0xbd: {  	[dreg:$0x2] =	wrdreg s24  }
0xbe: {  	[dreg:$0x3] =	wrdreg $0x0  }
0xbf: {  	[dreg:$0x4] =	wrdreg $0x9  }
0xc0: {  	_ =	task.clear_ibuf [dreg:s22], $0x5FFFF;
	_ =	strace $0x9000005E  }
0xc1: {  	s29 =	simm.s32 $0x9;
	_ =	strace $0x80000060  }
0xc2: {  	_ =	swait.ge [sflag:s29], $0x1  }
0xc3: {  	[sflag:s29] =	ssyncadd.s32 $0xFFFFFFFF  }
0xc4: {  	_ =	strace $0x90000060  }
0xc5: {  	_ =	sfence  }
0xc6: {  	s30 =	sld [smem:$0x0];
	_ =	sdelay $0x2  }
0xc7: {  	s31 =	sshll.u32 s1, $0xD;
	s1 =	sshrl.u32 s1, $0x2  }
0xc8: {  	s4 =	sand.u32 $0x4000, s31;
	s1 =	sadd.s32 s1, s30  }
0xc9: {  	s0 =	sor.u32 s4, s0;
	s1 =	sshll.u32 s1, $0x11  }
0xca: {  	s0 =	sor.u32 s1, s0  }
0xcb: {  	s0 =	sadd.s32 $0x8F2B, s0  }
0xcc: {  	[sflag:s0] =	ssyncadd.remote.s32 $0x1  }
0xcd: {  	_ =	sfence.sel $0xFFFF  }
0xce: {  	[dreg:$0x0] =	wrdreg $0xFFFFFFFF;
	(pc) =	sbr.abs _section_cstart, $3  }
0xcf: {  	[dreg:$0x1] =	wrdreg $0xFFFFFFFF  }
0xd0: {  	_ =	task.clear_ibuf [dreg:s22], $0x2FFFF;
	_ =	strace $0x9FFFFFFF  }
0xd1: {  	(tm) =	ssettm $0x7FFFFFFF  }
tec
execute0_lowered:
.L_overlay_start_1:
0x0: {  	(tag) =	ssettag $0x1  }
0x1: {  	s0 =	rddreg [dreg:$0x0]  }
0x2: {  	s1 =	rddreg [dreg:$0x1]  }
0x3: {  	s2 =	srdreg.scid;
	s3 =	simm.s32 $0x0;
	s10 =	stileid.u32  }
0x4: {  	s18 =	simm.s32 $0x5;
	s28 =	simm.s32 $0x18200;
	s29 =	simm.s32 $0x3  }
0x5: {  	s30 =	simm.s32 $0x4;
	s31 =	simm.s32 $0x0;
	s2 =	sand.u32 $0x1, s2  }
0x6: {  	[smem:$0x7FF] =	sst s3;
	s6 =	smul.u32 $0x14000, s10;
	s4 =	sadd.s32 $0x10C200, s0  }
0x7: {  	s16 =	sadd.s32 $0x18F000, s0;
	s15 =	sadd.s32 $0x199000, s0;
	s9 =	smul.u32 $0x50000, s10  }
0x8: {  	s19 =	sadd.s32 $0x57C00, s0;
	s23 =	sshll.u32 s10, $0x6;
	s11 =	smul.u32 $0x2800, s10  }
0x9: {  	s5 =	smul.u32 $0x140000, s2;
	_ =	strace $0x8000005F;
	[dreg:$0x3] =	wrdreg s19  }
0xa: {  	s7 =	ssub.s32 $0x2, s2;
	s8 =	sshll.u32 s2, $0x4;
	s2 =	smul.u32 $0x28000, s2  }
0xb: {  	s19 =	simm.s32 $0x14000;
	s20 =	sshrl.u32 s7, $0x1;
	s8 =	sor.u32 s10, s8  }
0xc: {  	s22 =	sshrl.u32 s9, $0x2;
	s6 =	sadd.s32 s6, s5;
	s12 =	ssub.s32 s7, s20  }
0xd: {  	s21 =	smul.u32 $0x2800, s8;
	s17 =	sadd.s32 s22, s1;
	s2 =	sadd.s32 s11, s2  }
0xe: {  	s20 =	simm.s32 $0x14100;
	s22 =	simm.s32 $0x80;
	s6 =	sshrl.u32 s6, $0x3  }
0xf: {  	s26 =	sor.u32 $0x180, s2;
	s2 =	sor.u32 $0x100, s2;
	s12 =	smax.u32 s12, $0x1  }
0x10: {  	s17 =	sshrl.u32 s17, $0x3;
	s0 =	sadd.s32 s6, s0;
	s6 =	sor.u32 $0x1C05, s23  }
0x11: {  	s24 =	sshrl.u32 s21, $0x3;
	s2 =	sshrl.u32 s2, $0x3;
	s21 =	simm.s32 $0x1  }
0x12: {  	s23 =	simm.s32 $0x14200;
	s7 =	sadd.s32 s16, s24;
	s8 =	sadd.s32 s15, s24  }
0x13: {  	s25 =	sor.u32 $0x10, s24;
	s11 =	sadd.s32 $0x1A3000, s0;
	s0 =	sshrl.u32 s26, $0x3  }
0x14: {  	s24 =	simm.s32 $0x14080;
	s26 =	simm.s32 $0x2;
	s9 =	sadd.s32 s16, s25  }
0x15: {  	s10 =	sadd.s32 s15, s25;
	s13 =	sadd.s32 s0, s15;
	s14 =	sadd.s32 s0, s16  }
0x16: {  	s15 =	sadd.s32 s2, s15;
	s16 =	sadd.s32 s2, s16;
	s25 =	simm.s32 $0x14180  }
.LBB2_1:
0x17: {  	s0 =	rddreg [dreg:$0x3]  }
0x18: {  	[spmem:s17], [sflag:s6] =	dma.local [hbm:s0], $0x2800  }
0x19: {  	_ =	swait.ge [sflag:s18], $0x2800  }
0x1a: {  	[sflag:s18] =	ssyncset.done $0x0  }
0x1b: {  	[sflag:s18] =	ssyncadd.s32 $0xFFFFD800  }
0x1c: {  	[bflag:$0x0] =	sbarrier.arrive $0xFFFF  }
0x1d: {  	[tilespmem:s19], [sflag:$0x1] =	stream.linear.gather [hbm4b:s7+s3], $0x80, $0x38;
	[tilespmem:$0x1C200] =	vst v63  }
0x1e: {  	_ = 	snop  }
0x1f: {  	[tilespmem:s20], [sflag:$0x1] =	stream.linear.gather [hbm4b:s8+s3], $0x80, $0x38;
	[tilespmem:$0x1C200] =	vst v63  }
0x20: {  	_ =	swait.ge [sflag:s21], $0x80  }
0x21: {  	[sflag:s21] =	ssyncset.done $0x0  }
0x22: {  	[sflag:s21] =	ssyncadd.s32 $0xFFFFFF80  }
0x23: {  	_ =	swait.ge [sflag:s21], $0x80  }
0x24: {  	[sflag:s21] =	ssyncset.done $0x0  }
0x25: {  	[sflag:s21] =	ssyncadd.s32 $0xFFFFFF80  }
0x26: {  	[tilespmem:s23], [sflag:$0x3] =	stream.indirect.gather [hbm4b:s4+s22], $0x80, s19, s22, $0xb8;
	[tilespmem:$0x1C200] =	vst v63  }
0x27: {  	_ = 	snop  }
0x28: {  	[tilespmem:s24], [sflag:$0x2] =	stream.linear.gather [hbm4b:s9+s3], $0x80, $0x38;
	[tilespmem:$0x1C200] =	vst v63  }
0x29: {  	_ = 	snop  }
0x2a: {  	[tilespmem:s25], [sflag:$0x2] =	stream.linear.gather [hbm4b:s10+s3], $0x80, $0x38;
	[tilespmem:$0x1C200] =	vst v63  }
0x2b: {  	_ =	swait.ge [sflag:s26], $0x80  }
0x2c: {  	[sflag:s26] =	ssyncset.done $0x0  }
0x2d: {  	[sflag:s26] =	ssyncadd.s32 $0xFFFFFF80  }
0x2e: {  	_ =	swait.ge [sflag:s26], $0x80  }
0x2f: {  	[sflag:s26] =	ssyncset.done $0x0  }
0x30: {  	[sflag:s26] =	ssyncadd.s32 $0xFFFFFF80  }
0x31: {  	[tilespmem:s28], [sflag:$0x4] =	stream.indirect.gather [hbm4b:s4+s22], $0x80, s24, s22, $0xb8;
	[tilespmem:$0x1C200] =	vst v63  }
0x32: {  	_ =	swait.ge [sflag:s29], $0x4000  }
0x33: {  	[sflag:s29] =	ssyncset.done $0x0  }
0x34: {  	[sflag:s29] =	ssyncadd.s32 $0xFFFFC000  }
0x35: {  	[spmem:s1] =	stream.indirect.scatter.add.f32 [tilespmem:s23], [sflag:$0x5], $0x80, s20, s22, $0xb8;
	[tilespmem:$0x1C200] =	vst v63  }
0x36: {  	_ =	swait.ge [sflag:s18], $0x4000  }
0x37: {  	[sflag:s18] =	ssyncset.done $0x0  }
0x38: {  	s5 =	sadd.s32 $0x0, s16;
	[sflag:s18] =	ssyncadd.s32 $0xFFFFC000  }
0x39: {  	[tilespmem:s19], [sflag:$0x1] =	stream.linear.gather [hbm4b:s5+s3], $0x80, $0x38;
	[tilespmem:$0x1C200] =	vst v63  }
0x3a: {  	s2 =	sadd.s32 $0x0, s15  }
0x3b: {  	[tilespmem:s20], [sflag:$0x1] =	stream.linear.gather [hbm4b:s2+s3], $0x80, $0x38;
	[tilespmem:$0x1C200] =	vst v63  }
0x3c: {  	_ =	swait.ge [sflag:s21], $0x80  }
0x3d: {  	[sflag:s21] =	ssyncset.done $0x0  }
0x3e: {  	[sflag:s21] =	ssyncadd.s32 $0xFFFFFF80  }
0x3f: {  	_ =	swait.ge [sflag:s21], $0x80  }
0x40: {  	[sflag:s21] =	ssyncset.done $0x0  }
0x41: {  	[sflag:s21] =	ssyncadd.s32 $0xFFFFFF80  }
0x42: {  	[tilespmem:s23], [sflag:$0x3] =	stream.indirect.gather [hbm4b:s4+s22], $0x80, s19, s22, $0xb8;
	[tilespmem:$0x1C200] =	vst v63  }
0x43: {  	_ =	swait.ge [sflag:s30], $0x4000  }
0x44: {  	[sflag:s30] =	ssyncset.done $0x0  }
0x45: {  	[sflag:s30] =	ssyncadd.s32 $0xFFFFC000  }
0x46: {  	[spmem:s1] =	stream.indirect.scatter.add.f32 [tilespmem:s28], [sflag:$0x5], $0x80, s25, s22, $0xb8;
	[tilespmem:$0x1C200] =	vst v63  }
0x47: {  	_ =	swait.ge [sflag:s18], $0x4000  }
0x48: {  	s0 =	simm.s32 $0x20;
	[sflag:s18] =	ssyncset.done $0x0  }
0x49: {  	s5 =	sadd.s32 $0x0, s14;
	s2 =	sadd.s32 $0x0, s13;
	[sflag:s18] =	ssyncadd.s32 $0xFFFFC000  }
0x4a: {  	[tilespmem:s24], [sflag:$0x2] =	stream.linear.gather [hbm4b:s5+s3], $0x80, $0x38;
	[tilespmem:$0x1C200] =	vst v63  }
.LBB2_2:
0x4b: {  	[tilespmem:s25], [sflag:$0x2] =	stream.linear.gather [hbm4b:s2+s3], $0x80, $0x38;
	[tilespmem:$0x1C200] =	vst v63  }
0x4c: {  	s2 =	smov.u32 s0  }
0x4d: {  	p0 =	sne.s32 s0, $0x4C0;
	s0 =	sadd.s32 $0x20, s0;
	_ =	swait.ge [sflag:s26], $0x80  }
0x4e: {  	[sflag:s26] =	ssyncset.done $0x0  }
0x4f: {  	[sflag:s26] =	ssyncadd.s32 $0xFFFFFF80  }
0x50: {  	_ =	swait.ge [sflag:s26], $0x80  }
0x51: {  	[sflag:s26] =	ssyncset.done $0x0  }
0x52: {  	[sflag:s26] =	ssyncadd.s32 $0xFFFFFF80  }
0x53: {  	[tilespmem:s28], [sflag:$0x4] =	stream.indirect.gather [hbm4b:s4+s22], $0x80, s24, s22, $0xb8;
	[tilespmem:$0x1C200] =	vst v63  }
0x54: {  	_ =	swait.ge [sflag:s29], $0x4000  }
0x55: {  	[sflag:s29] =	ssyncset.done $0x0  }
0x56: {  	[sflag:s29] =	ssyncadd.s32 $0xFFFFC000  }
0x57: {  	[spmem:s1] =	stream.indirect.scatter.add.f32 [tilespmem:s23], [sflag:$0x5], $0x80, s20, s22, $0xb8;
	[tilespmem:$0x1C200] =	vst v63  }
0x58: {  	_ =	swait.ge [sflag:s18], $0x4000  }
0x59: {  	[sflag:s18] =	ssyncset.done $0x0  }
0x5a: {  	s5 =	sadd.s32 s2, s16;
	[sflag:s18] =	ssyncadd.s32 $0xFFFFC000  }
0x5b: {  	[tilespmem:s19], [sflag:$0x1] =	stream.linear.gather [hbm4b:s5+s3], $0x80, $0x38;
	[tilespmem:$0x1C200] =	vst v63  }
0x5c: {  	s5 =	sadd.s32 s2, s15  }
0x5d: {  	[tilespmem:s20], [sflag:$0x1] =	stream.linear.gather [hbm4b:s5+s3], $0x80, $0x38;
	[tilespmem:$0x1C200] =	vst v63  }
0x5e: {  	_ =	swait.ge [sflag:s21], $0x80  }
0x5f: {  	[sflag:s21] =	ssyncset.done $0x0  }
0x60: {  	[sflag:s21] =	ssyncadd.s32 $0xFFFFFF80  }
0x61: {  	_ =	swait.ge [sflag:s21], $0x80  }
0x62: {  	[sflag:s21] =	ssyncset.done $0x0  }
0x63: {  	[sflag:s21] =	ssyncadd.s32 $0xFFFFFF80  }
0x64: {  	[tilespmem:s23], [sflag:$0x3] =	stream.indirect.gather [hbm4b:s4+s22], $0x80, s19, s22, $0xb8;
	[tilespmem:$0x1C200] =	vst v63  }
0x65: {  	_ =	swait.ge [sflag:s30], $0x4000  }
0x66: {  	[sflag:s30] =	ssyncset.done $0x0  }
0x67: {  	[sflag:s30] =	ssyncadd.s32 $0xFFFFC000  }
0x68: {  	[spmem:s1] =	stream.indirect.scatter.add.f32 [tilespmem:s28], [sflag:$0x5], $0x80, s25, s22, $0xb8;
	[tilespmem:$0x1C200] =	vst v63  }
.Ltmp0:
0x69: {  	_ =	swait.ge [sflag:s18], $0x4000;
	(pc) =	sbr.rel @p0 .LBB2_2-.Ltmp0, $4  }
0x6a: {  	[sflag:s18] =	ssyncset.done $0x0  }
0x6b: {  	s5 =	sadd.s32 s2, s14;
	[sflag:s18] =	ssyncadd.s32 $0xFFFFC000  }
0x6c: {  	[tilespmem:s24], [sflag:$0x2] =	stream.linear.gather [hbm4b:s5+s3], $0x80, $0x38;
	[tilespmem:$0x1C200] =	vst v63  }
0x6d: {  	s2 =	sadd.s32 s2, s13  }
0x6e: {  	[tilespmem:s25], [sflag:$0x2] =	stream.linear.gather [hbm4b:s2+s3], $0x80, $0x38;
	[tilespmem:$0x1C200] =	vst v63  }
0x6f: {  	_ =	swait.ge [sflag:s29], $0x4000  }
0x70: {  	[sflag:s29] =	ssyncset.done $0x0  }
0x71: {  	[sflag:s29] =	ssyncadd.s32 $0xFFFFC000  }
0x72: {  	[spmem:s1] =	stream.indirect.scatter.add.f32 [tilespmem:s23], [sflag:$0x5], $0x80, s20, s22, $0xb8;
	[tilespmem:$0x1C200] =	vst v63  }
0x73: {  	_ =	swait.ge [sflag:s18], $0x4000  }
0x74: {  	[sflag:s18] =	ssyncset.done $0x0  }
0x75: {  	[sflag:s18] =	ssyncadd.s32 $0xFFFFC000  }
0x76: {  	_ =	swait.ge [sflag:s26], $0x80  }
0x77: {  	[sflag:s26] =	ssyncset.done $0x0  }
0x78: {  	[sflag:s26] =	ssyncadd.s32 $0xFFFFFF80  }
0x79: {  	_ =	swait.ge [sflag:s26], $0x80  }
0x7a: {  	s31 =	sadd.s32 $0x1, s31;
	[sflag:s26] =	ssyncset.done $0x0  }
0x7b: {  	p0 =	sne.s32 s31, s12;
	[sflag:s26] =	ssyncadd.s32 $0xFFFFFF80  }
.Ltmp1:
0x7c: {  	[bflag:$0x0] =	sbarrier.arrive $0xFFFF;
	(pc) =	sbr.rel @p0 .LBB2_1-.Ltmp1, $4  }
0x7d: {  	[hbm:s11], [sflag:s6] =	dma.local [spmem:s17], $0x2800  }
0x7e: {  	_ =	swait.ge [sflag:s18], $0x2800  }
0x7f: {  	[sflag:s18] =	ssyncset.done $0x0  }
0x80: {  	[sflag:s18] =	ssyncadd.s32 $0xFFFFD800  }
0x81: {  	_ =	sfence.sel $0x180000  }
0x82: {  	[bflag:$0x0] =	sbarrier.arrive $0xFFFF  }
0x83: {  	_ =	strace $0x9000005F  }
0x84: {  	s0 =	stileid.u32;
	[bflag:$0x2] =	sbarrier.arrive $0xFFFF  }
0x85: {  	p0 =	sne.s32 s0, $0x0;
	s0 =	rddreg [dreg:$0x2]  }
0x86: {  	s0 =	sadd.s32 @!p0 $0x100000, s0  }
0x87: {  	[sflag:s0] =	ssyncadd.tile.s32 @!p0 $0x1;
	_ =	shalt  }
.Lfunc_end2:
_tile_overlayer_lowered:
.L_overlay_start_2:
0x88: {  	(tag) =	ssettag $0x2  }
0x89: {  	s0 =	rddreg [dreg:$0x0];
	s2 =	stileid.u32  }
0x8a: {  	s1 =	rddreg [dreg:$0x1];
	p0 =	sne.s32 s2, $0x0  }
0x8b: {  	s3 =	rddreg [dreg:$0x2];
	[bflag:$0x3] =	sbarrier.arrive $0xFFFF;
	s2 =	simm.s32 @!p0 $0x1C05  }
0x8c: {  	[timem:s3], [sflag:s2] =	dma.local @!p0 [hbm:s0], s1  }
0x8d: {  	s0 =	simm.s32 @!p0 $0x5  }
0x8e: {  	_ =	swait.ge @!p0 [sflag:s0], s1  }
0x8f: {  	s1 =	ssub.s32 @!p0 $0x0, s1;
	[sflag:s0] =	ssyncset.done @!p0 $0x0  }
0x90: {  	[sflag:s0] =	ssyncadd.s32 @!p0 s1  }
0x91: {  	[bflag:$0x3] =	sbarrier.arrive $0xFFFF  }
0x92: {  	_ =	shalt  }

// kernel: kernel.35.cloned.1.call-start
scs
__scs_entry_jumppad:
0x0: {  	(pc) =	sbr.rel $0x88, $3  }
0x1: {  	(tag) =	ssettag $0x0;
	lr =	simm.s32 $0x1  }
0x2: {  	[smem:$0x3F8E] =	sst lr;
	_ =	strace $0xD0000000  }
0x3: {  	_ = 	snop  }
0x4: {  	_ = 	snop  }
0x5: {  	_ = 	snop  }
0x6: {  	_ = 	snop  }
0x7: {  	_ = 	snop  }
__scs_overlays_trampoline_lowered:
0x8: {  	[smem:$0x3F9D] =	sst s0  }
0x9: {  	[smem:$0x3F9E] =	sst s1  }
0xa: {  	[smem:$0x3F9F] =	sst s2  }
0xb: {  	[smem:$0x3FA0] =	sst s3  }
0xc: {  	[smem:$0x3FA1] =	sst s4  }
0xd: {  	[smem:$0x3FA2] =	sst s5  }
0xe: {  	[smem:$0x3FA3] =	sst s6  }
0xf: {  	[smem:$0x3FA4] =	sst s7  }
0x10: {  	[smem:$0x3FA5] =	sst s8  }
0x11: {  	[smem:$0x3FA6] =	sst s9;
	s0 =	simm.s32 @!p0 $0x0  }
0x12: {  	s1 =	sld [smem:$0x3F8C];
	s0 =	simm.s32 @p0 $0x1  }
0x13: {  	[smem:$0x3FA7] =	sst s0;
	s0 =	simm.s32 @!p1 $0x0  }
0x14: {  	s2 =	sld [smem:$0x3F8B];
	s0 =	simm.s32 @p1 $0x1  }
0x15: {  	[smem:$0x3FA8] =	sst s0;
	s0 =	simm.s32 @!p2 $0x0  }
0x16: {  	s3 =	sld [smem:$0x3FDB];
	s0 =	simm.s32 @p2 $0x1  }
0x17: {  	s4 =	simm.s32 $0x1BF5;
	[smem:$0x3FAA] =	sst s0  }
0x18: {  	s0 =	sld [smem:$0x3F8D];
	_ =	swait.ge [sflag:s4], $0x0  }
0x19: {  	s7 =	sld [smem:$0x3F8E]  }
0x1a: {  	s8 =	sadd.s32 $0xFFFFE003, lr  }
0x1b: {  	s9 =	sadd.s32 $0xFFFFFEF7, lr;
	s5 =	simm.s32 $0xFFFFFFFF;
	p2 =	slt.u32 s8, $0xFFFFF086  }
0x1c: {  	p1 =	slt.u32 s9, $0xF7A;
	s5 =	simm.s32 @!p2 $0x0  }
0x1d: {  	s5 =	simm.s32 @p1 $0x1;
	p0 =	seq.s32 s7, s2  }
0x1e: {  	s7 =	smul.u32 @!p0 $0xF7A, s2;
	p2 =	seq.s32 @!p0 s5, $0x0  }
0x1f: {  	s9 =	smul.u32 $0xF7A, s1;
	s8 =	simm.s32 @!p0 $0x1BF5;
	p2 =	por !p2, p0  }
0x20: {  	[sflag:s8] =	ssyncset.s32 @!p0 $0xFFFFF086;
	s6 =	sadd.s32 @!p0 s3, s7;
	s7 =	simm.s32 @!p0 $0x108  }
0x21: {  	s3 =	sadd.s32 s3, s9;
	s6 =	sadd.s32 @!p0 $0x88, s6;
	s7 =	simm.s32 @p2 $0x1082  }
0x22: {  	[simem:s7], [sflag:s8] =	dma.local @!p0 [hbm:s6], $0xF7A  }
0x23: {  	s9 =	sor.u32 $0xD0000000, s2;
	s6 =	simm.s32 $0x108;
	_ =	swait.ge @!p0 [sflag:s8], $0x0  }
0x24: {  	s3 =	sadd.s32 $0x88, s3;
	s6 =	simm.s32 @!p1 $0x1082;
	[sflag:s4] =	ssyncset.s32 $0xFFFFF086  }
0x25: {  	[simem:s6], [sflag:s4] =	dma.local [hbm:s3], $0xF7A  }
0x26: {  	[smem:$0x3F8E] =	sst s1;
	(tag) =	ssettag s2;
	_ =	strace s9  }
0x27: {  	s1 =	sld [smem:$0x3F9E]  }
0x28: {  	s2 =	sld [smem:$0x3F9F]  }
0x29: {  	s4 =	sld [smem:$0x3FA1]  }
0x2a: {  	p0 =	seq.s32 s5, $0x0;
	s5 =	sld [smem:$0x3FA2]  }
0x2b: {  	s6 =	sld [smem:$0x3FA3]  }
0x2c: {  	s7 =	sld [smem:$0x3FA4]  }
0x2d: {  	s3 =	simm.s32 $0x108;
	s8 =	sld [smem:$0x3FA5]  }
0x2e: {  	s3 =	simm.s32 @!p0 $0x1082;
	s9 =	sld [smem:$0x3FA6]  }
0x2f: {  	lr =	sadd.s32 s0, s3;
	s0 =	sld [smem:$0x3F9D]  }
0x30: {  	s3 =	sld [smem:$0x3FA0]  }
0x31: {  	[smem:$0x3FA9] =	sst s10  }
0x32: {  	s10 =	sld [smem:$0x3FA7];
	_ =	sdelay $0x3  }
0x33: {  	p0 =	seq.s32 s10, $0x1;
	s10 =	sld [smem:$0x3FA9];
	_ =	sdelay $0x3  }
0x34: {  	[smem:$0x3FA9] =	sst s10  }
0x35: {  	s10 =	sld [smem:$0x3FA8];
	_ =	sdelay $0x3  }
0x36: {  	p1 =	seq.s32 s10, $0x1;
	s10 =	sld [smem:$0x3FA9];
	_ =	sdelay $0x3  }
0x37: {  	[smem:$0x3FA9] =	sst s10  }
0x38: {  	s10 =	sld [smem:$0x3FAA]  }
0x39: {  	_ = 	snop;
	(pc) =	sbr.ind lr, $3  }
0x3a: {  	_ = 	snop  }
0x3b: {  	_ = 	snop  }
0x3c: {  	p2 =	seq.s32 s10, $0x1;
	s10 =	sld [smem:$0x3FA9]  }
0x3d: {  	_ =	shalt  }
0x3e: {  	_ =	shalt  }
0x3f: {  	_ =	shalt  }
0x40: {  	_ =	shalt  }
0x41: {  	_ =	shalt  }
0x42: {  	_ =	shalt  }
0x43: {  	_ =	shalt  }
0x44: {  	_ =	shalt  }
0x45: {  	_ =	shalt  }
0x46: {  	_ =	shalt  }
0x47: {  	_ =	shalt  }
0x48: {  	_ =	shalt  }
0x49: {  	_ =	shalt  }
0x4a: {  	_ =	shalt  }
0x4b: {  	_ =	shalt  }
0x4c: {  	_ =	shalt  }
0x4d: {  	_ =	shalt  }
0x4e: {  	_ =	shalt  }
0x4f: {  	_ =	shalt  }
0x50: {  	_ =	shalt  }
0x51: {  	_ =	shalt  }
0x52: {  	_ =	shalt  }
0x53: {  	_ =	shalt  }
0x54: {  	_ =	shalt  }
0x55: {  	_ =	shalt  }
0x56: {  	_ =	shalt  }
0x57: {  	_ =	shalt  }
0x58: {  	_ =	shalt  }
0x59: {  	_ =	shalt  }
0x5a: {  	_ =	shalt  }
0x5b: {  	_ =	shalt  }
0x5c: {  	_ =	shalt  }
0x5d: {  	_ =	shalt  }
0x5e: {  	_ =	shalt  }
0x5f: {  	_ =	shalt  }
0x60: {  	_ =	shalt  }
0x61: {  	_ =	shalt  }
0x62: {  	_ =	shalt  }
0x63: {  	_ =	shalt  }
0x64: {  	_ =	shalt  }
0x65: {  	_ =	shalt  }
0x66: {  	_ =	shalt  }
0x67: {  	_ =	shalt  }
0x68: {  	_ =	shalt  }
0x69: {  	_ =	shalt  }
0x6a: {  	_ =	shalt  }
0x6b: {  	_ =	shalt  }
0x6c: {  	_ =	shalt  }
0x6d: {  	_ =	shalt  }
0x6e: {  	_ =	shalt  }
0x6f: {  	_ =	shalt  }
0x70: {  	_ =	shalt  }
0x71: {  	_ =	shalt  }
0x72: {  	_ =	shalt  }
0x73: {  	_ =	shalt  }
0x74: {  	_ =	shalt  }
0x75: {  	_ =	shalt  }
0x76: {  	_ =	shalt  }
0x77: {  	_ =	shalt  }
0x78: {  	_ =	shalt  }
0x79: {  	_ =	shalt  }
0x7a: {  	_ =	shalt  }
0x7b: {  	_ =	shalt  }
0x7c: {  	_ =	shalt  }
0x7d: {  	_ =	shalt  }
0x7e: {  	_ =	shalt  }
0x7f: {  	_ =	shalt  }
0x80: {  	_ =	shalt  }
0x81: {  	_ =	shalt  }
0x82: {  	_ =	shalt  }
0x83: {  	_ =	shalt  }
0x84: {  	_ =	shalt  }
0x85: {  	_ =	shalt  }
0x86: {  	_ =	shalt  }
0x87: {  	_ =	shalt  }
.Lfunc_end0:
.L_simem_size_0:
called_computation.3_lowered:
.L_overlay_start_0:
0x88: {  	s2 =	sld [smem:$0x3FD9]  }
0x89: {  	s3 =	sld [smem:$0x3FFE];
	_ =	sdelay $0x1  }
0x8a: {  	s1 =	srdreg.scid  }
0x8b: {  	s0 =	sand.u32 $0x1, s1  }
0x8c: {  	s17 =	sshll.u32 s0, $0xA;
	s2 =	sadd.s32 s3, s2  }
0x8d: {  	s2 =	sadd.s32 s2, s17  }
0x8e: {  	[smem:$0x3FB5] =	sst s2  }
0x8f: {  	_ = 	snop  }
0x90: {  	(tm) =	ssettm $0x1  }
0x91: {  	s18 =	sld [smem:$0x3FFB];
	_ =	sdelay $0x3  }
0x92: {  	_ =	strace s18  }
0x93: {  	s2 =	sld [smem:$0x3FFC];
	_ =	sdelay $0x3  }
0x94: {  	_ =	strace s2  }
0x95: {  	s2 =	sld [smem:$0x3FFD];
	_ =	sdelay $0x3  }
0x96: {  	_ =	strace s2  }
0x97: {  	_ =	strace $0x8FFFFFFF  }
0x98: {  	s19 =	sld [smem:$0x3FDB];
	_ =	sdelay $0x1  }
0x99: {  	s20 =	simm.s32 $_scs_section_size  }
0x9a: {  	s4 =	simm.s32 $_size__tile_overlayer_lowered;
	s5 =	simm.s32 $_tile_overlayer_lowered  }
0x9b: {  	s6 =	simm.s32 $0x1BFF;
	s21 =	sshll.u32 s5, $0x1;
	s3 =	sadd.s32 s20, s19  }
0x9c: {  	s22 =	simm.s32 $0x0;
	s4 =	sshll.u32 s4, $0x1;
	s5 =	sadd.s32 s21, s3  }
0x9d: {  	[timem:s22], [sflag:s6] =	dma.local [hbm:s5], s4  }
0x9e: {  	_ =	swait.ge [sflag:s6], s4  }
0x9f: {  	s4 =	ssub.s32 $0x0, s4;
	[sflag:s6] =	ssyncset.done $0x0  }
0xa0: {  	[sflag:s6] =	ssyncadd.s32 s4;
	_ =	sdelay $0x1  }
0xa1: {  	s23 =	simm.s32 $0x1B8B  }
0xa2: {  	_ =	swait.ge [sflag:s23], $0x1  }
0xa3: {  	[sflag:s23] =	ssyncset.done $0x0  }
0xa4: {  	[sflag:s23] =	ssyncadd.s32 $0xFFFFFFFF  }
0xa5: {  	s4 =	sld [smem:$0x0]  }
0xa6: {  	s5 =	sand.u32 $0xFFFFFFFE, s1  }
0xa7: {  	p0 =	sne.s32 s1, s5  }
0xa8: {  	s5 =	sshll.u32 @p0 s5, $0xE  }
0xa9: {  	s5 =	sadd.s32 @p0 $0x11B8D, s5;
	s6 =	sshll.u32 @p0 s4, $0x11  }
0xaa: {  	s5 =	sor.u32 @p0 s6, s5  }
0xab: {  	[sflag:s5] =	ssyncadd.remote.s32 @p0 $0x1;
	_ =	sdelay $0x1  }
0xac: {  	s5 =	simm.s32 @p0 $0x1B8D  }
0xad: {  	_ =	swait.eq @p0 [sflag:s5], $0x1  }
0xae: {  	[sflag:s5] =	ssyncadd.s32 @p0 $0xFFFFFFFF  }
0xaf: {  	s6 =	sshll.u32 @!p0 s1, $0xE  }
0xb0: {  	s6 =	sor.u32 @!p0 $0x4000, s6;
	s5 =	simm.s32 @!p0 $0x1B8D  }
0xb1: {  	s4 =	sshll.u32 @!p0 s4, $0x11;
	s6 =	sadd.s32 @!p0 $0x11B8D, s6;
	_ =	swait.eq @!p0 [sflag:s5], $0x1  }
0xb2: {  	s4 =	sor.u32 @!p0 s4, s6;
	[sflag:s5] =	ssyncadd.s32 @!p0 $0xFFFFFFFF  }
0xb3: {  	s25 =	simm.s32 $0x1B8E;
	s24 =	sld [smem:$0x3FFE];
	[sflag:s4] =	ssyncadd.remote.s32 @!p0 $0x1  }
0xb4: {  	s26 =	simm.s32 $execute0_lowered;
	[smem:$0x3FD2] =	sst s25  }
0xb5: {  	s5 =	sshll.u32 s26, $0x1;
	_ =	strace $0x8000004F;
	[dreg:$0x1] =	wrdreg $0xFFFFFFFF  }
0xb6: {  	s28 =	simm.s32 $_size_execute0_lowered;
	s3 =	sadd.s32 s3, s5;
	[dreg:$0x0] =	wrdreg $0x0  }
0xb7: {  	s5 =	sshll.u32 s28, $0x1;
	[dreg:$0x2] =	wrdreg s3  }
0xb8: {  	[dreg:$0x3] =	wrdreg s5  }
0xb9: {  	[dreg:$0x4] =	wrdreg $0xC0  }
0xba: {  	_ =	task [dreg:s22], $0x5FFFF  }
0xbb: {  	[dreg:$0x1] =	wrdreg $0xFFFFFFFF  }
0xbc: {  	[dreg:$0x0] =	wrdreg $0x60  }
0xbd: {  	[dreg:$0x2] =	wrdreg s24  }
0xbe: {  	[dreg:$0x3] =	wrdreg $0x0  }
0xbf: {  	[dreg:$0x4] =	wrdreg $0xB  }
0xc0: {  	_ =	task.clear_ibuf [dreg:s22], $0x5FFFF;
	_ =	strace $0x9000004F  }
0xc1: {  	s29 =	simm.s32 $0xB;
	_ =	strace $0x80000051  }
0xc2: {  	_ =	swait.ge [sflag:s29], $0x1  }
0xc3: {  	[sflag:s29] =	ssyncadd.s32 $0xFFFFFFFF  }
0xc4: {  	_ =	strace $0x90000051  }
0xc5: {  	_ =	sfence  }
0xc6: {  	s30 =	sld [smem:$0x0];
	_ =	sdelay $0x2  }
0xc7: {  	s31 =	sshll.u32 s1, $0xD;
	s1 =	sshrl.u32 s1, $0x2  }
0xc8: {  	s4 =	sand.u32 $0x4000, s31;
	s1 =	sadd.s32 s1, s30  }
0xc9: {  	s0 =	sor.u32 s4, s0;
	s1 =	sshll.u32 s1, $0x11  }
0xca: {  	s0 =	sor.u32 s1, s0  }
0xcb: {  	s0 =	sadd.s32 $0x8F2B, s0  }
0xcc: {  	[sflag:s0] =	ssyncadd.remote.s32 $0x1  }
0xcd: {  	_ =	sfence.sel $0xFFFF  }
0xce: {  	[dreg:$0x0] =	wrdreg $0xFFFFFFFF;
	(pc) =	sbr.abs _section_cstart, $3  }
0xcf: {  	[dreg:$0x1] =	wrdreg $0xFFFFFFFF  }
0xd0: {  	_ =	task.clear_ibuf [dreg:s22], $0x2FFFF;
	_ =	strace $0x9FFFFFFF  }
0xd1: {  	(tm) =	ssettm $0x7FFFFFFF  }
tec
execute0_lowered:
.L_overlay_start_1:
0x0: {  	(tag) =	ssettag $0x1  }
0x1: {  	s0 =	rddreg [dreg:$0x0]  }
0x2: {  	s1 =	rddreg [dreg:$0x1]  }
0x3: {  	s2 =	srdreg.scid;
	s3 =	simm.s32 $0x0;
	s10 =	stileid.u32  }
0x4: {  	s18 =	simm.s32 $0x5;
	s28 =	simm.s32 $0x18200;
	s29 =	simm.s32 $0x3  }
0x5: {  	s30 =	simm.s32 $0x4;
	s31 =	simm.s32 $0x0;
	s2 =	sand.u32 $0x1, s2  }
0x6: {  	[smem:$0x7FF] =	sst s3;
	s6 =	smul.u32 $0x14000, s10;
	s4 =	sadd.s32 $0x9800, s0  }
0x7: {  	s16 =	sadd.s32 $0x6E400, s0;
	s15 =	sadd.s32 $0x135000, s0;
	s9 =	smul.u32 $0x50000, s10  }
0x8: {  	s19 =	sadd.s32 $0x57C00, s0;
	s23 =	sshll.u32 s10, $0x6;
	s11 =	smul.u32 $0x2800, s10  }
0x9: {  	s5 =	smul.u32 $0x140000, s2;
	_ =	strace $0x80000050;
	[dreg:$0x3] =	wrdreg s19  }
0xa: {  	s7 =	ssub.s32 $0x2, s2;
	s8 =	sshll.u32 s2, $0x4;
	s2 =	smul.u32 $0x28000, s2  }
0xb: {  	s19 =	simm.s32 $0x14000;
	s20 =	sshrl.u32 s7, $0x1;
	s8 =	sor.u32 s10, s8  }
0xc: {  	s22 =	sshrl.u32 s9, $0x2;
	s6 =	sadd.s32 s6, s5;
	s12 =	ssub.s32 s7, s20  }
0xd: {  	s21 =	smul.u32 $0x2800, s8;
	s17 =	sadd.s32 s22, s1;
	s2 =	sadd.s32 s11, s2  }
0xe: {  	s20 =	simm.s32 $0x14100;
	s22 =	simm.s32 $0x80;
	s6 =	sshrl.u32 s6, $0x3  }
0xf: {  	s26 =	sor.u32 $0x180, s2;
	s2 =	sor.u32 $0x100, s2;
	s12 =	smax.u32 s12, $0x1  }
0x10: {  	s17 =	sshrl.u32 s17, $0x3;
	s0 =	sadd.s32 s6, s0;
	s6 =	sor.u32 $0x1C05, s23  }
0x11: {  	s24 =	sshrl.u32 s21, $0x3;
	s2 =	sshrl.u32 s2, $0x3;
	s21 =	simm.s32 $0x1  }
0x12: {  	s23 =	simm.s32 $0x14200;
	s7 =	sadd.s32 s16, s24;
	s8 =	sadd.s32 s15, s24  }
0x13: {  	s25 =	sor.u32 $0x10, s24;
	s11 =	sadd.s32 $0x13F000, s0;
	s0 =	sshrl.u32 s26, $0x3  }
0x14: {  	s24 =	simm.s32 $0x14080;
	s26 =	simm.s32 $0x2;
	s9 =	sadd.s32 s16, s25  }
0x15: {  	s10 =	sadd.s32 s15, s25;
	s13 =	sadd.s32 s0, s15;
	s14 =	sadd.s32 s0, s16  }
0x16: {  	s15 =	sadd.s32 s2, s15;
	s16 =	sadd.s32 s2, s16;
	s25 =	simm.s32 $0x14180  }
.LBB2_1:
0x17: {  	s0 =	rddreg [dreg:$0x3]  }
0x18: {  	[spmem:s17], [sflag:s6] =	dma.local [hbm:s0], $0x2800  }
0x19: {  	_ =	swait.ge [sflag:s18], $0x2800  }
0x1a: {  	[sflag:s18] =	ssyncset.done $0x0  }
0x1b: {  	[sflag:s18] =	ssyncadd.s32 $0xFFFFD800  }
0x1c: {  	[bflag:$0x0] =	sbarrier.arrive $0xFFFF  }
0x1d: {  	[tilespmem:s19], [sflag:$0x1] =	stream.linear.gather [hbm4b:s7+s3], $0x80, $0x38;
	[tilespmem:$0x1C200] =	vst v63  }
0x1e: {  	_ = 	snop  }
0x1f: {  	[tilespmem:s20], [sflag:$0x1] =	stream.linear.gather [hbm4b:s8+s3], $0x80, $0x38;
	[tilespmem:$0x1C200] =	vst v63  }
0x20: {  	_ =	swait.ge [sflag:s21], $0x80  }
0x21: {  	[sflag:s21] =	ssyncset.done $0x0  }
0x22: {  	[sflag:s21] =	ssyncadd.s32 $0xFFFFFF80  }
0x23: {  	_ =	swait.ge [sflag:s21], $0x80  }
0x24: {  	[sflag:s21] =	ssyncset.done $0x0  }
0x25: {  	[sflag:s21] =	ssyncadd.s32 $0xFFFFFF80  }
0x26: {  	[tilespmem:s23], [sflag:$0x3] =	stream.indirect.gather [hbm4b:s4+s22], $0x80, s19, s22, $0xb8;
	[tilespmem:$0x1C200] =	vst v63  }
0x27: {  	_ = 	snop  }
0x28: {  	[tilespmem:s24], [sflag:$0x2] =	stream.linear.gather [hbm4b:s9+s3], $0x80, $0x38;
	[tilespmem:$0x1C200] =	vst v63  }
0x29: {  	_ = 	snop  }
0x2a: {  	[tilespmem:s25], [sflag:$0x2] =	stream.linear.gather [hbm4b:s10+s3], $0x80, $0x38;
	[tilespmem:$0x1C200] =	vst v63  }
0x2b: {  	_ =	swait.ge [sflag:s26], $0x80  }
0x2c: {  	[sflag:s26] =	ssyncset.done $0x0  }
0x2d: {  	[sflag:s26] =	ssyncadd.s32 $0xFFFFFF80  }
0x2e: {  	_ =	swait.ge [sflag:s26], $0x80  }
0x2f: {  	[sflag:s26] =	ssyncset.done $0x0  }
0x30: {  	[sflag:s26] =	ssyncadd.s32 $0xFFFFFF80  }
0x31: {  	[tilespmem:s28], [sflag:$0x4] =	stream.indirect.gather [hbm4b:s4+s22], $0x80, s24, s22, $0xb8;
	[tilespmem:$0x1C200] =	vst v63  }
0x32: {  	_ =	swait.ge [sflag:s29], $0x4000  }
0x33: {  	[sflag:s29] =	ssyncset.done $0x0  }
0x34: {  	[sflag:s29] =	ssyncadd.s32 $0xFFFFC000  }
0x35: {  	[spmem:s1] =	stream.indirect.scatter.add.f32 [tilespmem:s23], [sflag:$0x5], $0x80, s20, s22, $0xb8;
	[tilespmem:$0x1C200] =	vst v63  }
0x36: {  	_ =	swait.ge [sflag:s18], $0x4000  }
0x37: {  	[sflag:s18] =	ssyncset.done $0x0  }
0x38: {  	s5 =	sadd.s32 $0x0, s16;
	[sflag:s18] =	ssyncadd.s32 $0xFFFFC000  }
0x39: {  	[tilespmem:s19], [sflag:$0x1] =	stream.linear.gather [hbm4b:s5+s3], $0x80, $0x38;
	[tilespmem:$0x1C200] =	vst v63  }
0x3a: {  	s2 =	sadd.s32 $0x0, s15  }
0x3b: {  	[tilespmem:s20], [sflag:$0x1] =	stream.linear.gather [hbm4b:s2+s3], $0x80, $0x38;
	[tilespmem:$0x1C200] =	vst v63  }
0x3c: {  	_ =	swait.ge [sflag:s21], $0x80  }
0x3d: {  	[sflag:s21] =	ssyncset.done $0x0  }
0x3e: {  	[sflag:s21] =	ssyncadd.s32 $0xFFFFFF80  }
0x3f: {  	_ =	swait.ge [sflag:s21], $0x80  }
0x40: {  	[sflag:s21] =	ssyncset.done $0x0  }
0x41: {  	[sflag:s21] =	ssyncadd.s32 $0xFFFFFF80  }
0x42: {  	[tilespmem:s23], [sflag:$0x3] =	stream.indirect.gather [hbm4b:s4+s22], $0x80, s19, s22, $0xb8;
	[tilespmem:$0x1C200] =	vst v63  }
0x43: {  	_ =	swait.ge [sflag:s30], $0x4000  }
0x44: {  	[sflag:s30] =	ssyncset.done $0x0  }
0x45: {  	[sflag:s30] =	ssyncadd.s32 $0xFFFFC000  }
0x46: {  	[spmem:s1] =	stream.indirect.scatter.add.f32 [tilespmem:s28], [sflag:$0x5], $0x80, s25, s22, $0xb8;
	[tilespmem:$0x1C200] =	vst v63  }
0x47: {  	_ =	swait.ge [sflag:s18], $0x4000  }
0x48: {  	s0 =	simm.s32 $0x20;
	[sflag:s18] =	ssyncset.done $0x0  }
0x49: {  	s5 =	sadd.s32 $0x0, s14;
	s2 =	sadd.s32 $0x0, s13;
	[sflag:s18] =	ssyncadd.s32 $0xFFFFC000  }
0x4a: {  	[tilespmem:s24], [sflag:$0x2] =	stream.linear.gather [hbm4b:s5+s3], $0x80, $0x38;
	[tilespmem:$0x1C200] =	vst v63  }
.LBB2_2:
0x4b: {  	[tilespmem:s25], [sflag:$0x2] =	stream.linear.gather [hbm4b:s2+s3], $0x80, $0x38;
	[tilespmem:$0x1C200] =	vst v63  }
0x4c: {  	s2 =	smov.u32 s0  }
0x4d: {  	p0 =	sne.s32 s0, $0x4C0;
	s0 =	sadd.s32 $0x20, s0;
	_ =	swait.ge [sflag:s26], $0x80  }
0x4e: {  	[sflag:s26] =	ssyncset.done $0x0  }
0x4f: {  	[sflag:s26] =	ssyncadd.s32 $0xFFFFFF80  }
0x50: {  	_ =	swait.ge [sflag:s26], $0x80  }
0x51: {  	[sflag:s26] =	ssyncset.done $0x0  }
0x52: {  	[sflag:s26] =	ssyncadd.s32 $0xFFFFFF80  }
0x53: {  	[tilespmem:s28], [sflag:$0x4] =	stream.indirect.gather [hbm4b:s4+s22], $0x80, s24, s22, $0xb8;
	[tilespmem:$0x1C200] =	vst v63  }
0x54: {  	_ =	swait.ge [sflag:s29], $0x4000  }
0x55: {  	[sflag:s29] =	ssyncset.done $0x0  }
0x56: {  	[sflag:s29] =	ssyncadd.s32 $0xFFFFC000  }
0x57: {  	[spmem:s1] =	stream.indirect.scatter.add.f32 [tilespmem:s23], [sflag:$0x5], $0x80, s20, s22, $0xb8;
	[tilespmem:$0x1C200] =	vst v63  }
0x58: {  	_ =	swait.ge [sflag:s18], $0x4000  }
0x59: {  	[sflag:s18] =	ssyncset.done $0x0  }
0x5a: {  	s5 =	sadd.s32 s2, s16;
	[sflag:s18] =	ssyncadd.s32 $0xFFFFC000  }
0x5b: {  	[tilespmem:s19], [sflag:$0x1] =	stream.linear.gather [hbm4b:s5+s3], $0x80, $0x38;
	[tilespmem:$0x1C200] =	vst v63  }
0x5c: {  	s5 =	sadd.s32 s2, s15  }
0x5d: {  	[tilespmem:s20], [sflag:$0x1] =	stream.linear.gather [hbm4b:s5+s3], $0x80, $0x38;
	[tilespmem:$0x1C200] =	vst v63  }
0x5e: {  	_ =	swait.ge [sflag:s21], $0x80  }
0x5f: {  	[sflag:s21] =	ssyncset.done $0x0  }
0x60: {  	[sflag:s21] =	ssyncadd.s32 $0xFFFFFF80  }
0x61: {  	_ =	swait.ge [sflag:s21], $0x80  }
0x62: {  	[sflag:s21] =	ssyncset.done $0x0  }
0x63: {  	[sflag:s21] =	ssyncadd.s32 $0xFFFFFF80  }
0x64: {  	[tilespmem:s23], [sflag:$0x3] =	stream.indirect.gather [hbm4b:s4+s22], $0x80, s19, s22, $0xb8;
	[tilespmem:$0x1C200] =	vst v63  }
0x65: {  	_ =	swait.ge [sflag:s30], $0x4000  }
0x66: {  	[sflag:s30] =	ssyncset.done $0x0  }
0x67: {  	[sflag:s30] =	ssyncadd.s32 $0xFFFFC000  }
0x68: {  	[spmem:s1] =	stream.indirect.scatter.add.f32 [tilespmem:s28], [sflag:$0x5], $0x80, s25, s22, $0xb8;
	[tilespmem:$0x1C200] =	vst v63  }
.Ltmp0:
0x69: {  	_ =	swait.ge [sflag:s18], $0x4000;
	(pc) =	sbr.rel @p0 .LBB2_2-.Ltmp0, $4  }
0x6a: {  	[sflag:s18] =	ssyncset.done $0x0  }
0x6b: {  	s5 =	sadd.s32 s2, s14;
	[sflag:s18] =	ssyncadd.s32 $0xFFFFC000  }
0x6c: {  	[tilespmem:s24], [sflag:$0x2] =	stream.linear.gather [hbm4b:s5+s3], $0x80, $0x38;
	[tilespmem:$0x1C200] =	vst v63  }
0x6d: {  	s2 =	sadd.s32 s2, s13  }
0x6e: {  	[tilespmem:s25], [sflag:$0x2] =	stream.linear.gather [hbm4b:s2+s3], $0x80, $0x38;
	[tilespmem:$0x1C200] =	vst v63  }
0x6f: {  	_ =	swait.ge [sflag:s29], $0x4000  }
0x70: {  	[sflag:s29] =	ssyncset.done $0x0  }
0x71: {  	[sflag:s29] =	ssyncadd.s32 $0xFFFFC000  }
0x72: {  	[spmem:s1] =	stream.indirect.scatter.add.f32 [tilespmem:s23], [sflag:$0x5], $0x80, s20, s22, $0xb8;
	[tilespmem:$0x1C200] =	vst v63  }
0x73: {  	_ =	swait.ge [sflag:s18], $0x4000  }
0x74: {  	[sflag:s18] =	ssyncset.done $0x0  }
0x75: {  	[sflag:s18] =	ssyncadd.s32 $0xFFFFC000  }
0x76: {  	_ =	swait.ge [sflag:s26], $0x80  }
0x77: {  	[sflag:s26] =	ssyncset.done $0x0  }
0x78: {  	[sflag:s26] =	ssyncadd.s32 $0xFFFFFF80  }
0x79: {  	_ =	swait.ge [sflag:s26], $0x80  }
0x7a: {  	s31 =	sadd.s32 $0x1, s31;
	[sflag:s26] =	ssyncset.done $0x0  }
0x7b: {  	p0 =	sne.s32 s31, s12;
	[sflag:s26] =	ssyncadd.s32 $0xFFFFFF80  }
.Ltmp1:
0x7c: {  	[bflag:$0x0] =	sbarrier.arrive $0xFFFF;
	(pc) =	sbr.rel @p0 .LBB2_1-.Ltmp1, $4  }
0x7d: {  	[hbm:s11], [sflag:s6] =	dma.local [spmem:s17], $0x2800  }
0x7e: {  	_ =	swait.ge [sflag:s18], $0x2800  }
0x7f: {  	[sflag:s18] =	ssyncset.done $0x0  }
0x80: {  	[sflag:s18] =	ssyncadd.s32 $0xFFFFD800  }
0x81: {  	_ =	sfence.sel $0x180000  }
0x82: {  	[bflag:$0x0] =	sbarrier.arrive $0xFFFF  }
0x83: {  	_ =	strace $0x90000050  }
0x84: {  	s0 =	stileid.u32;
	[bflag:$0x2] =	sbarrier.arrive $0xFFFF  }
0x85: {  	p0 =	sne.s32 s0, $0x0;
	s0 =	rddreg [dreg:$0x2]  }
0x86: {  	s0 =	sadd.s32 @!p0 $0x100000, s0  }
0x87: {  	[sflag:s0] =	ssyncadd.tile.s32 @!p0 $0x1;
	_ =	shalt  }
.Lfunc_end2:
_tile_overlayer_lowered:
.L_overlay_start_2:
0x88: {  	(tag) =	ssettag $0x2  }
0x89: {  	s0 =	rddreg [dreg:$0x0];
	s2 =	stileid.u32  }
0x8a: {  	s1 =	rddreg [dreg:$0x1];
	p0 =	sne.s32 s2, $0x0  }
0x8b: {  	s3 =	rddreg [dreg:$0x2];
	[bflag:$0x3] =	sbarrier.arrive $0xFFFF;
	s2 =	simm.s32 @!p0 $0x1C05  }
0x8c: {  	[timem:s3], [sflag:s2] =	dma.local @!p0 [hbm:s0], s1  }
0x8d: {  	s0 =	simm.s32 @!p0 $0x5  }
0x8e: {  	_ =	swait.ge @!p0 [sflag:s0], s1  }
0x8f: {  	s1 =	ssub.s32 @!p0 $0x0, s1;
	[sflag:s0] =	ssyncset.done @!p0 $0x0  }
0x90: {  	[sflag:s0] =	ssyncadd.s32 @!p0 s1  }
0x91: {  	[bflag:$0x3] =	sbarrier.arrive $0xFFFF  }
0x92: {  	_ =	shalt  }

// kernel: kernel.38.cloned.1.call-start
scs
__scs_entry_jumppad:
0x0: {  	(pc) =	sbr.rel $0x88, $3  }
0x1: {  	(tag) =	ssettag $0x0;
	lr =	simm.s32 $0x1  }
0x2: {  	[smem:$0x3F8E] =	sst lr;
	_ =	strace $0xD0000000  }
0x3: {  	_ = 	snop  }
0x4: {  	_ = 	snop  }
0x5: {  	_ = 	snop  }
0x6: {  	_ = 	snop  }
0x7: {  	_ = 	snop  }
__scs_overlays_trampoline_lowered:
0x8: {  	[smem:$0x3F9D] =	sst s0  }
0x9: {  	[smem:$0x3F9E] =	sst s1  }
0xa: {  	[smem:$0x3F9F] =	sst s2  }
0xb: {  	[smem:$0x3FA0] =	sst s3  }
0xc: {  	[smem:$0x3FA1] =	sst s4  }
0xd: {  	[smem:$0x3FA2] =	sst s5  }
0xe: {  	[smem:$0x3FA3] =	sst s6  }
0xf: {  	[smem:$0x3FA4] =	sst s7  }
0x10: {  	[smem:$0x3FA5] =	sst s8  }
0x11: {  	[smem:$0x3FA6] =	sst s9;
	s0 =	simm.s32 @!p0 $0x0  }
0x12: {  	s1 =	sld [smem:$0x3F8C];
	s0 =	simm.s32 @p0 $0x1  }
0x13: {  	[smem:$0x3FA7] =	sst s0;
	s0 =	simm.s32 @!p1 $0x0  }
0x14: {  	s2 =	sld [smem:$0x3F8B];
	s0 =	simm.s32 @p1 $0x1  }
0x15: {  	[smem:$0x3FA8] =	sst s0;
	s0 =	simm.s32 @!p2 $0x0  }
0x16: {  	s3 =	sld [smem:$0x3FDB];
	s0 =	simm.s32 @p2 $0x1  }
0x17: {  	s4 =	simm.s32 $0x1BF5;
	[smem:$0x3FAA] =	sst s0  }
0x18: {  	s0 =	sld [smem:$0x3F8D];
	_ =	swait.ge [sflag:s4], $0x0  }
0x19: {  	s7 =	sld [smem:$0x3F8E]  }
0x1a: {  	s8 =	sadd.s32 $0xFFFFE003, lr  }
0x1b: {  	s9 =	sadd.s32 $0xFFFFFEF7, lr;
	s5 =	simm.s32 $0xFFFFFFFF;
	p2 =	slt.u32 s8, $0xFFFFF086  }
0x1c: {  	p1 =	slt.u32 s9, $0xF7A;
	s5 =	simm.s32 @!p2 $0x0  }
0x1d: {  	s5 =	simm.s32 @p1 $0x1;
	p0 =	seq.s32 s7, s2  }
0x1e: {  	s7 =	smul.u32 @!p0 $0xF7A, s2;
	p2 =	seq.s32 @!p0 s5, $0x0  }
0x1f: {  	s9 =	smul.u32 $0xF7A, s1;
	s8 =	simm.s32 @!p0 $0x1BF5;
	p2 =	por !p2, p0  }
0x20: {  	[sflag:s8] =	ssyncset.s32 @!p0 $0xFFFFF086;
	s6 =	sadd.s32 @!p0 s3, s7;
	s7 =	simm.s32 @!p0 $0x108  }
0x21: {  	s3 =	sadd.s32 s3, s9;
	s6 =	sadd.s32 @!p0 $0x88, s6;
	s7 =	simm.s32 @p2 $0x1082  }
0x22: {  	[simem:s7], [sflag:s8] =	dma.local @!p0 [hbm:s6], $0xF7A  }
0x23: {  	s9 =	sor.u32 $0xD0000000, s2;
	s6 =	simm.s32 $0x108;
	_ =	swait.ge @!p0 [sflag:s8], $0x0  }
0x24: {  	s3 =	sadd.s32 $0x88, s3;
	s6 =	simm.s32 @!p1 $0x1082;
	[sflag:s4] =	ssyncset.s32 $0xFFFFF086  }
0x25: {  	[simem:s6], [sflag:s4] =	dma.local [hbm:s3], $0xF7A  }
0x26: {  	[smem:$0x3F8E] =	sst s1;
	(tag) =	ssettag s2;
	_ =	strace s9  }
0x27: {  	s1 =	sld [smem:$0x3F9E]  }
0x28: {  	s2 =	sld [smem:$0x3F9F]  }
0x29: {  	s4 =	sld [smem:$0x3FA1]  }
0x2a: {  	p0 =	seq.s32 s5, $0x0;
	s5 =	sld [smem:$0x3FA2]  }
0x2b: {  	s6 =	sld [smem:$0x3FA3]  }
0x2c: {  	s7 =	sld [smem:$0x3FA4]  }
0x2d: {  	s3 =	simm.s32 $0x108;
	s8 =	sld [smem:$0x3FA5]  }
0x2e: {  	s3 =	simm.s32 @!p0 $0x1082;
	s9 =	sld [smem:$0x3FA6]  }
0x2f: {  	lr =	sadd.s32 s0, s3;
	s0 =	sld [smem:$0x3F9D]  }
0x30: {  	s3 =	sld [smem:$0x3FA0]  }
0x31: {  	[smem:$0x3FA9] =	sst s10  }
0x32: {  	s10 =	sld [smem:$0x3FA7];
	_ =	sdelay $0x3  }
0x33: {  	p0 =	seq.s32 s10, $0x1;
	s10 =	sld [smem:$0x3FA9];
	_ =	sdelay $0x3  }
0x34: {  	[smem:$0x3FA9] =	sst s10  }
0x35: {  	s10 =	sld [smem:$0x3FA8];
	_ =	sdelay $0x3  }
0x36: {  	p1 =	seq.s32 s10, $0x1;
	s10 =	sld [smem:$0x3FA9];
	_ =	sdelay $0x3  }
0x37: {  	[smem:$0x3FA9] =	sst s10  }
0x38: {  	s10 =	sld [smem:$0x3FAA]  }
0x39: {  	_ = 	snop;
	(pc) =	sbr.ind lr, $3  }
0x3a: {  	_ = 	snop  }
0x3b: {  	_ = 	snop  }
0x3c: {  	p2 =	seq.s32 s10, $0x1;
	s10 =	sld [smem:$0x3FA9]  }
0x3d: {  	_ =	shalt  }
0x3e: {  	_ =	shalt  }
0x3f: {  	_ =	shalt  }
0x40: {  	_ =	shalt  }
0x41: {  	_ =	shalt  }
0x42: {  	_ =	shalt  }
0x43: {  	_ =	shalt  }
0x44: {  	_ =	shalt  }
0x45: {  	_ =	shalt  }
0x46: {  	_ =	shalt  }
0x47: {  	_ =	shalt  }
0x48: {  	_ =	shalt  }
0x49: {  	_ =	shalt  }
0x4a: {  	_ =	shalt  }
0x4b: {  	_ =	shalt  }
0x4c: {  	_ =	shalt  }
0x4d: {  	_ =	shalt  }
0x4e: {  	_ =	shalt  }
0x4f: {  	_ =	shalt  }
0x50: {  	_ =	shalt  }
0x51: {  	_ =	shalt  }
0x52: {  	_ =	shalt  }
0x53: {  	_ =	shalt  }
0x54: {  	_ =	shalt  }
0x55: {  	_ =	shalt  }
0x56: {  	_ =	shalt  }
0x57: {  	_ =	shalt  }
0x58: {  	_ =	shalt  }
0x59: {  	_ =	shalt  }
0x5a: {  	_ =	shalt  }
0x5b: {  	_ =	shalt  }
0x5c: {  	_ =	shalt  }
0x5d: {  	_ =	shalt  }
0x5e: {  	_ =	shalt  }
0x5f: {  	_ =	shalt  }
0x60: {  	_ =	shalt  }
0x61: {  	_ =	shalt  }
0x62: {  	_ =	shalt  }
0x63: {  	_ =	shalt  }
0x64: {  	_ =	shalt  }
0x65: {  	_ =	shalt  }
0x66: {  	_ =	shalt  }
0x67: {  	_ =	shalt  }
0x68: {  	_ =	shalt  }
0x69: {  	_ =	shalt  }
0x6a: {  	_ =	shalt  }
0x6b: {  	_ =	shalt  }
0x6c: {  	_ =	shalt  }
0x6d: {  	_ =	shalt  }
0x6e: {  	_ =	shalt  }
0x6f: {  	_ =	shalt  }
0x70: {  	_ =	shalt  }
0x71: {  	_ =	shalt  }
0x72: {  	_ =	shalt  }
0x73: {  	_ =	shalt  }
0x74: {  	_ =	shalt  }
0x75: {  	_ =	shalt  }
0x76: {  	_ =	shalt  }
0x77: {  	_ =	shalt  }
0x78: {  	_ =	shalt  }
0x79: {  	_ =	shalt  }
0x7a: {  	_ =	shalt  }
0x7b: {  	_ =	shalt  }
0x7c: {  	_ =	shalt  }
0x7d: {  	_ =	shalt  }
0x7e: {  	_ =	shalt  }
0x7f: {  	_ =	shalt  }
0x80: {  	_ =	shalt  }
0x81: {  	_ =	shalt  }
0x82: {  	_ =	shalt  }
0x83: {  	_ =	shalt  }
0x84: {  	_ =	shalt  }
0x85: {  	_ =	shalt  }
0x86: {  	_ =	shalt  }
0x87: {  	_ =	shalt  }
.Lfunc_end0:
.L_simem_size_0:
called_computation.4_lowered:
.L_overlay_start_0:
0x88: {  	s2 =	sld [smem:$0x3FD9]  }
0x89: {  	s3 =	sld [smem:$0x3FFE];
	_ =	sdelay $0x1  }
0x8a: {  	s1 =	srdreg.scid  }
0x8b: {  	s0 =	sand.u32 $0x1, s1  }
0x8c: {  	s15 =	sshll.u32 s0, $0xA;
	s2 =	sadd.s32 s3, s2  }
0x8d: {  	s2 =	sadd.s32 s2, s15  }
0x8e: {  	[smem:$0x3FB5] =	sst s2  }
0x8f: {  	_ = 	snop  }
0x90: {  	s2 =	sld [smem:$0x3FD0];
	_ =	sdelay $0x2  }
0x91: {  	s16 =	simm.s32 $0xD;
	s4 =	simm.s32 $0x10  }
0x92: {  	[smem:s4], [sflag:s16] =	dma.local [hbm:s2], $0x1  }
0x93: {  	_ =	swait.eq [sflag:s16], $0x1  }
0x94: {  	[sflag:s16] =	ssyncset.done $0x0  }
0x95: {  	[sflag:s16] =	ssyncadd.s32 $0xFFFFFFFF  }
0x96: {  	s17 =	sld [smem:$0x11];
	(tm) =	ssettm $0x1  }
0x97: {  	s18 =	sld [smem:$0x3FFB];
	_ =	sdelay $0x3  }
0x98: {  	_ =	strace s18  }
0x99: {  	s2 =	sld [smem:$0x3FFC];
	_ =	sdelay $0x3  }
0x9a: {  	_ =	strace s2  }
0x9b: {  	s2 =	sld [smem:$0x3FFD];
	_ =	sdelay $0x3  }
0x9c: {  	_ =	strace s2  }
0x9d: {  	_ =	strace $0x8FFFFFFF  }
0x9e: {  	s19 =	sld [smem:$0x3FDB];
	_ =	sdelay $0x1  }
0x9f: {  	s20 =	simm.s32 $_scs_section_size  }
0xa0: {  	s5 =	simm.s32 $_size__tile_overlayer_lowered;
	s6 =	simm.s32 $_tile_overlayer_lowered  }
0xa1: {  	s7 =	simm.s32 $0x1BFF;
	s21 =	sshll.u32 s6, $0x1;
	s4 =	sadd.s32 s20, s19  }
0xa2: {  	s22 =	simm.s32 $0x0;
	s5 =	sshll.u32 s5, $0x1;
	s6 =	sadd.s32 s21, s4  }
0xa3: {  	[timem:s22], [sflag:s7] =	dma.local [hbm:s6], s5  }
0xa4: {  	_ =	swait.ge [sflag:s7], s5  }
0xa5: {  	s5 =	ssub.s32 $0x0, s5;
	[sflag:s7] =	ssyncset.done $0x0  }
0xa6: {  	[sflag:s7] =	ssyncadd.s32 s5;
	_ =	sdelay $0x1  }
0xa7: {  	s23 =	simm.s32 $0x1B8B  }
0xa8: {  	_ =	swait.ge [sflag:s23], $0x1  }
0xa9: {  	[sflag:s23] =	ssyncset.done $0x0  }
0xaa: {  	[sflag:s23] =	ssyncadd.s32 $0xFFFFFFFF  }
0xab: {  	s5 =	sld [smem:$0x0]  }
0xac: {  	s6 =	sand.u32 $0xFFFFFFFE, s1  }
0xad: {  	p0 =	sne.s32 s1, s6  }
0xae: {  	s6 =	sshll.u32 @p0 s6, $0xE  }
0xaf: {  	s6 =	sadd.s32 @p0 $0x11B8D, s6;
	s7 =	sshll.u32 @p0 s5, $0x11  }
0xb0: {  	s6 =	sor.u32 @p0 s7, s6  }
0xb1: {  	[sflag:s6] =	ssyncadd.remote.s32 @p0 $0x1;
	_ =	sdelay $0x1  }
0xb2: {  	s6 =	simm.s32 @p0 $0x1B8D  }
0xb3: {  	_ =	swait.eq @p0 [sflag:s6], $0x1  }
0xb4: {  	[sflag:s6] =	ssyncadd.s32 @p0 $0xFFFFFFFF  }
0xb5: {  	s7 =	sshll.u32 @!p0 s1, $0xE  }
0xb6: {  	s7 =	sor.u32 @!p0 $0x4000, s7;
	s6 =	simm.s32 @!p0 $0x1B8D  }
0xb7: {  	s5 =	sshll.u32 @!p0 s5, $0x11;
	s7 =	sadd.s32 @!p0 $0x11B8D, s7;
	_ =	swait.eq @!p0 [sflag:s6], $0x1  }
0xb8: {  	s5 =	sor.u32 @!p0 s5, s7;
	[sflag:s6] =	ssyncadd.s32 @!p0 $0xFFFFFFFF  }
0xb9: {  	s25 =	simm.s32 $0x1B8E;
	s24 =	sld [smem:$0x3FFE];
	[sflag:s5] =	ssyncadd.remote.s32 @!p0 $0x1  }
0xba: {  	s26 =	simm.s32 $execute0_lowered;
	[smem:$0x3FD2] =	sst s25  }
0xbb: {  	s6 =	sshll.u32 s26, $0x1;
	_ =	strace $0x8000005B;
	[dreg:$0x1] =	wrdreg $0xFFFFFFFF  }
0xbc: {  	s28 =	simm.s32 $_size_execute0_lowered;
	s4 =	sadd.s32 s4, s6;
	[dreg:$0x0] =	wrdreg $0x0  }
0xbd: {  	s6 =	sshll.u32 s28, $0x1;
	[dreg:$0x2] =	wrdreg s4  }
0xbe: {  	[dreg:$0x3] =	wrdreg s6  }
0xbf: {  	[dreg:$0x4] =	wrdreg $0xC0  }
0xc0: {  	_ =	task [dreg:s22], $0x5FFFF  }
0xc1: {  	[dreg:$0x1] =	wrdreg $0xFFFFFFFF  }
0xc2: {  	[dreg:$0x0] =	wrdreg $0x60  }
0xc3: {  	[dreg:$0x2] =	wrdreg s17  }
0xc4: {  	[dreg:$0x3] =	wrdreg s24  }
0xc5: {  	[dreg:$0x4] =	wrdreg $0x0  }
0xc6: {  	[dreg:$0x5] =	wrdreg $0xB  }
0xc7: {  	_ =	task.clear_ibuf [dreg:s22], $0x6FFFF;
	_ =	strace $0x9000005B  }
0xc8: {  	s29 =	simm.s32 $0xB;
	_ =	strace $0x8000005D  }
0xc9: {  	_ =	swait.ge [sflag:s29], $0x1  }
0xca: {  	[sflag:s29] =	ssyncadd.s32 $0xFFFFFFFF  }
0xcb: {  	_ =	strace $0x9000005D  }
0xcc: {  	_ =	sfence  }
0xcd: {  	s30 =	sld [smem:$0x0];
	_ =	sdelay $0x2  }
0xce: {  	s31 =	sshll.u32 s1, $0xD;
	s1 =	sshrl.u32 s1, $0x2  }
0xcf: {  	s4 =	sand.u32 $0x4000, s31;
	s1 =	sadd.s32 s1, s30  }
0xd0: {  	s0 =	sor.u32 s4, s0;
	s1 =	sshll.u32 s1, $0x11  }
0xd1: {  	s0 =	sor.u32 s1, s0  }
0xd2: {  	s0 =	sadd.s32 $0x8F2B, s0  }
0xd3: {  	[sflag:s0] =	ssyncadd.remote.s32 $0x1  }
0xd4: {  	_ =	sfence.sel $0xFFFF  }
0xd5: {  	[dreg:$0x0] =	wrdreg $0xFFFFFFFF;
	(pc) =	sbr.abs _section_cstart, $3  }
0xd6: {  	[dreg:$0x1] =	wrdreg $0xFFFFFFFF  }
0xd7: {  	_ =	task.clear_ibuf [dreg:s22], $0x2FFFF;
	_ =	strace $0x9FFFFFFF  }
0xd8: {  	(tm) =	ssettm $0x7FFFFFFF  }
0xd9: {  	_ =	shalt  }
tec
execute0_lowered:
.L_overlay_start_1:
0x0: {  	(tag) =	ssettag $0x1  }
0x1: {  	s0 =	rddreg [dreg:$0x0]  }
0x2: {  	s1 =	rddreg [dreg:$0x1];
	s2 =	srdreg.scid  }
0x3: {  	s3 =	rddreg [dreg:$0x2];
	s10 =	stileid.u32  }
0x4: {  	s4 =	simm.s32 $0x0;
	s18 =	simm.s32 $0x5;
	s28 =	simm.s32 $0x18200  }
0x5: {  	s29 =	simm.s32 $0x3;
	s30 =	simm.s32 $0x4;
	s31 =	simm.s32 $0x0  }
0x6: {  	s2 =	sand.u32 $0x1, s2;
	s6 =	smul.u32 $0x14000, s10;
	[smem:$0x7FF] =	sst s4  }
0x7: {  	s16 =	sadd.s32 $0x6E400, s1;
	s15 =	sadd.s32 $0x135000, s1;
	s9 =	smul.u32 $0x50000, s10  }
0x8: {  	s19 =	sadd.s32 $0x57C00, s1;
	s23 =	sshll.u32 s10, $0x6;
	s11 =	smul.u32 $0x2800, s10  }
0x9: {  	s5 =	smul.u32 $0x140000, s2;
	_ =	strace $0x8000005C;
	[dreg:$0x4] =	wrdreg s19  }
0xa: {  	s7 =	ssub.s32 $0x2, s2;
	s8 =	sshll.u32 s2, $0x4;
	s2 =	smul.u32 $0x28000, s2  }
0xb: {  	s19 =	simm.s32 $0x14000;
	s20 =	sshrl.u32 s7, $0x1;
	s8 =	sor.u32 s10, s8  }
0xc: {  	s22 =	sshrl.u32 s9, $0x2;
	s6 =	sadd.s32 s6, s5;
	s12 =	ssub.s32 s7, s20  }
0xd: {  	s21 =	smul.u32 $0x2800, s8;
	s17 =	sadd.s32 s22, s3;
	s2 =	sadd.s32 s11, s2  }
0xe: {  	s20 =	simm.s32 $0x14100;
	s22 =	simm.s32 $0x80;
	s6 =	sshrl.u32 s6, $0x3  }
0xf: {  	s26 =	sor.u32 $0x180, s2;
	s2 =	sor.u32 $0x100, s2;
	s12 =	smax.u32 s12, $0x1  }
0x10: {  	s17 =	sshrl.u32 s17, $0x3;
	s1 =	sadd.s32 s6, s1;
	s6 =	sor.u32 $0x1C05, s23  }
0x11: {  	s24 =	sshrl.u32 s21, $0x3;
	s2 =	sshrl.u32 s2, $0x3;
	s21 =	simm.s32 $0x1  }
0x12: {  	s23 =	simm.s32 $0x14200;
	s7 =	sadd.s32 s16, s24;
	s8 =	sadd.s32 s15, s24  }
0x13: {  	s25 =	sor.u32 $0x10, s24;
	s11 =	sadd.s32 $0x13F000, s1;
	s1 =	sshrl.u32 s26, $0x3  }
0x14: {  	s24 =	simm.s32 $0x14080;
	s26 =	simm.s32 $0x2;
	s9 =	sadd.s32 s16, s25  }
0x15: {  	s10 =	sadd.s32 s15, s25;
	s13 =	sadd.s32 s1, s15;
	s14 =	sadd.s32 s1, s16  }
0x16: {  	s15 =	sadd.s32 s2, s15;
	s16 =	sadd.s32 s2, s16;
	s25 =	simm.s32 $0x14180  }
.LBB2_1:
0x17: {  	s1 =	rddreg [dreg:$0x4]  }
0x18: {  	[spmem:s17], [sflag:s6] =	dma.local [hbm:s1], $0x2800  }
0x19: {  	_ =	swait.ge [sflag:s18], $0x2800  }
0x1a: {  	[sflag:s18] =	ssyncset.done $0x0  }
0x1b: {  	[sflag:s18] =	ssyncadd.s32 $0xFFFFD800  }
0x1c: {  	[bflag:$0x0] =	sbarrier.arrive $0xFFFF  }
0x1d: {  	[tilespmem:s19], [sflag:$0x1] =	stream.linear.gather [hbm4b:s7+s4], $0x80, $0x38;
	[tilespmem:$0x1C200] =	vst v63  }
0x1e: {  	_ = 	snop  }
0x1f: {  	[tilespmem:s20], [sflag:$0x1] =	stream.linear.gather [hbm4b:s8+s4], $0x80, $0x38;
	[tilespmem:$0x1C200] =	vst v63  }
0x20: {  	_ =	swait.ge [sflag:s21], $0x80  }
0x21: {  	[sflag:s21] =	ssyncset.done $0x0  }
0x22: {  	[sflag:s21] =	ssyncadd.s32 $0xFFFFFF80  }
0x23: {  	_ =	swait.ge [sflag:s21], $0x80  }
0x24: {  	[sflag:s21] =	ssyncset.done $0x0  }
0x25: {  	[sflag:s21] =	ssyncadd.s32 $0xFFFFFF80  }
0x26: {  	[tilespmem:s23], [sflag:$0x3] =	stream.indirect.gather [hbm4b:s0+s22], $0x80, s19, s22, $0xb8;
	[tilespmem:$0x1C200] =	vst v63  }
0x27: {  	_ = 	snop  }
0x28: {  	[tilespmem:s24], [sflag:$0x2] =	stream.linear.gather [hbm4b:s9+s4], $0x80, $0x38;
	[tilespmem:$0x1C200] =	vst v63  }
0x29: {  	_ = 	snop  }
0x2a: {  	[tilespmem:s25], [sflag:$0x2] =	stream.linear.gather [hbm4b:s10+s4], $0x80, $0x38;
	[tilespmem:$0x1C200] =	vst v63  }
0x2b: {  	_ =	swait.ge [sflag:s26], $0x80  }
0x2c: {  	[sflag:s26] =	ssyncset.done $0x0  }
0x2d: {  	[sflag:s26] =	ssyncadd.s32 $0xFFFFFF80  }
0x2e: {  	_ =	swait.ge [sflag:s26], $0x80  }
0x2f: {  	[sflag:s26] =	ssyncset.done $0x0  }
0x30: {  	[sflag:s26] =	ssyncadd.s32 $0xFFFFFF80  }
0x31: {  	[tilespmem:s28], [sflag:$0x4] =	stream.indirect.gather [hbm4b:s0+s22], $0x80, s24, s22, $0xb8;
	[tilespmem:$0x1C200] =	vst v63  }
0x32: {  	_ =	swait.ge [sflag:s29], $0x4000  }
0x33: {  	[sflag:s29] =	ssyncset.done $0x0  }
0x34: {  	[sflag:s29] =	ssyncadd.s32 $0xFFFFC000  }
0x35: {  	[spmem:s3] =	stream.indirect.scatter.add.f32 [tilespmem:s23], [sflag:$0x5], $0x80, s20, s22, $0xb8;
	[tilespmem:$0x1C200] =	vst v63  }
0x36: {  	_ =	swait.ge [sflag:s18], $0x4000  }
0x37: {  	[sflag:s18] =	ssyncset.done $0x0  }
0x38: {  	s5 =	sadd.s32 $0x0, s16;
	[sflag:s18] =	ssyncadd.s32 $0xFFFFC000  }
0x39: {  	[tilespmem:s19], [sflag:$0x1] =	stream.linear.gather [hbm4b:s5+s4], $0x80, $0x38;
	[tilespmem:$0x1C200] =	vst v63  }
0x3a: {  	s2 =	sadd.s32 $0x0, s15  }
0x3b: {  	[tilespmem:s20], [sflag:$0x1] =	stream.linear.gather [hbm4b:s2+s4], $0x80, $0x38;
	[tilespmem:$0x1C200] =	vst v63  }
0x3c: {  	_ =	swait.ge [sflag:s21], $0x80  }
0x3d: {  	[sflag:s21] =	ssyncset.done $0x0  }
0x3e: {  	[sflag:s21] =	ssyncadd.s32 $0xFFFFFF80  }
0x3f: {  	_ =	swait.ge [sflag:s21], $0x80  }
0x40: {  	[sflag:s21] =	ssyncset.done $0x0  }
0x41: {  	[sflag:s21] =	ssyncadd.s32 $0xFFFFFF80  }
0x42: {  	[tilespmem:s23], [sflag:$0x3] =	stream.indirect.gather [hbm4b:s0+s22], $0x80, s19, s22, $0xb8;
	[tilespmem:$0x1C200] =	vst v63  }
0x43: {  	_ =	swait.ge [sflag:s30], $0x4000  }
0x44: {  	[sflag:s30] =	ssyncset.done $0x0  }
0x45: {  	[sflag:s30] =	ssyncadd.s32 $0xFFFFC000  }
0x46: {  	[spmem:s3] =	stream.indirect.scatter.add.f32 [tilespmem:s28], [sflag:$0x5], $0x80, s25, s22, $0xb8;
	[tilespmem:$0x1C200] =	vst v63  }
0x47: {  	_ =	swait.ge [sflag:s18], $0x4000  }
0x48: {  	s1 =	simm.s32 $0x20;
	[sflag:s18] =	ssyncset.done $0x0  }
0x49: {  	s5 =	sadd.s32 $0x0, s14;
	s2 =	sadd.s32 $0x0, s13;
	[sflag:s18] =	ssyncadd.s32 $0xFFFFC000  }
0x4a: {  	[tilespmem:s24], [sflag:$0x2] =	stream.linear.gather [hbm4b:s5+s4], $0x80, $0x38;
	[tilespmem:$0x1C200] =	vst v63  }
.LBB2_2:
0x4b: {  	[tilespmem:s25], [sflag:$0x2] =	stream.linear.gather [hbm4b:s2+s4], $0x80, $0x38;
	[tilespmem:$0x1C200] =	vst v63  }
0x4c: {  	s2 =	smov.u32 s1  }
0x4d: {  	p0 =	sne.s32 s1, $0x4C0;
	s1 =	sadd.s32 $0x20, s1;
	_ =	swait.ge [sflag:s26], $0x80  }
0x4e: {  	[sflag:s26] =	ssyncset.done $0x0  }
0x4f: {  	[sflag:s26] =	ssyncadd.s32 $0xFFFFFF80  }
0x50: {  	_ =	swait.ge [sflag:s26], $0x80  }
0x51: {  	[sflag:s26] =	ssyncset.done $0x0  }
0x52: {  	[sflag:s26] =	ssyncadd.s32 $0xFFFFFF80  }
0x53: {  	[tilespmem:s28], [sflag:$0x4] =	stream.indirect.gather [hbm4b:s0+s22], $0x80, s24, s22, $0xb8;
	[tilespmem:$0x1C200] =	vst v63  }
0x54: {  	_ =	swait.ge [sflag:s29], $0x4000  }
0x55: {  	[sflag:s29] =	ssyncset.done $0x0  }
0x56: {  	[sflag:s29] =	ssyncadd.s32 $0xFFFFC000  }
0x57: {  	[spmem:s3] =	stream.indirect.scatter.add.f32 [tilespmem:s23], [sflag:$0x5], $0x80, s20, s22, $0xb8;
	[tilespmem:$0x1C200] =	vst v63  }
0x58: {  	_ =	swait.ge [sflag:s18], $0x4000  }
0x59: {  	[sflag:s18] =	ssyncset.done $0x0  }
0x5a: {  	s5 =	sadd.s32 s2, s16;
	[sflag:s18] =	ssyncadd.s32 $0xFFFFC000  }
0x5b: {  	[tilespmem:s19], [sflag:$0x1] =	stream.linear.gather [hbm4b:s5+s4], $0x80, $0x38;
	[tilespmem:$0x1C200] =	vst v63  }
0x5c: {  	s5 =	sadd.s32 s2, s15  }
0x5d: {  	[tilespmem:s20], [sflag:$0x1] =	stream.linear.gather [hbm4b:s5+s4], $0x80, $0x38;
	[tilespmem:$0x1C200] =	vst v63  }
0x5e: {  	_ =	swait.ge [sflag:s21], $0x80  }
0x5f: {  	[sflag:s21] =	ssyncset.done $0x0  }
0x60: {  	[sflag:s21] =	ssyncadd.s32 $0xFFFFFF80  }
0x61: {  	_ =	swait.ge [sflag:s21], $0x80  }
0x62: {  	[sflag:s21] =	ssyncset.done $0x0  }
0x63: {  	[sflag:s21] =	ssyncadd.s32 $0xFFFFFF80  }
0x64: {  	[tilespmem:s23], [sflag:$0x3] =	stream.indirect.gather [hbm4b:s0+s22], $0x80, s19, s22, $0xb8;
	[tilespmem:$0x1C200] =	vst v63  }
0x65: {  	_ =	swait.ge [sflag:s30], $0x4000  }
0x66: {  	[sflag:s30] =	ssyncset.done $0x0  }
0x67: {  	[sflag:s30] =	ssyncadd.s32 $0xFFFFC000  }
0x68: {  	[spmem:s3] =	stream.indirect.scatter.add.f32 [tilespmem:s28], [sflag:$0x5], $0x80, s25, s22, $0xb8;
	[tilespmem:$0x1C200] =	vst v63  }
.Ltmp0:
0x69: {  	_ =	swait.ge [sflag:s18], $0x4000;
	(pc) =	sbr.rel @p0 .LBB2_2-.Ltmp0, $4  }
0x6a: {  	[sflag:s18] =	ssyncset.done $0x0  }
0x6b: {  	s5 =	sadd.s32 s2, s14;
	[sflag:s18] =	ssyncadd.s32 $0xFFFFC000  }
0x6c: {  	[tilespmem:s24], [sflag:$0x2] =	stream.linear.gather [hbm4b:s5+s4], $0x80, $0x38;
	[tilespmem:$0x1C200] =	vst v63  }
0x6d: {  	s2 =	sadd.s32 s2, s13  }
0x6e: {  	[tilespmem:s25], [sflag:$0x2] =	stream.linear.gather [hbm4b:s2+s4], $0x80, $0x38;
	[tilespmem:$0x1C200] =	vst v63  }
0x6f: {  	_ =	swait.ge [sflag:s29], $0x4000  }
0x70: {  	[sflag:s29] =	ssyncset.done $0x0  }
0x71: {  	[sflag:s29] =	ssyncadd.s32 $0xFFFFC000  }
0x72: {  	[spmem:s3] =	stream.indirect.scatter.add.f32 [tilespmem:s23], [sflag:$0x5], $0x80, s20, s22, $0xb8;
	[tilespmem:$0x1C200] =	vst v63  }
0x73: {  	_ =	swait.ge [sflag:s18], $0x4000  }
0x74: {  	[sflag:s18] =	ssyncset.done $0x0  }
0x75: {  	[sflag:s18] =	ssyncadd.s32 $0xFFFFC000  }
0x76: {  	_ =	swait.ge [sflag:s26], $0x80  }
0x77: {  	[sflag:s26] =	ssyncset.done $0x0  }
0x78: {  	[sflag:s26] =	ssyncadd.s32 $0xFFFFFF80  }
0x79: {  	_ =	swait.ge [sflag:s26], $0x80  }
0x7a: {  	s31 =	sadd.s32 $0x1, s31;
	[sflag:s26] =	ssyncset.done $0x0  }
0x7b: {  	p0 =	sne.s32 s31, s12;
	[sflag:s26] =	ssyncadd.s32 $0xFFFFFF80  }
.Ltmp1:
0x7c: {  	[bflag:$0x0] =	sbarrier.arrive $0xFFFF;
	(pc) =	sbr.rel @p0 .LBB2_1-.Ltmp1, $4  }
0x7d: {  	[hbm:s11], [sflag:s6] =	dma.local [spmem:s17], $0x2800  }
0x7e: {  	_ =	swait.ge [sflag:s18], $0x2800  }
0x7f: {  	[sflag:s18] =	ssyncset.done $0x0  }
0x80: {  	[sflag:s18] =	ssyncadd.s32 $0xFFFFD800  }
0x81: {  	_ =	sfence.sel $0x180000  }
0x82: {  	[bflag:$0x0] =	sbarrier.arrive $0xFFFF  }
0x83: {  	_ =	strace $0x9000005C  }
0x84: {  	s0 =	stileid.u32;
	[bflag:$0x2] =	sbarrier.arrive $0xFFFF  }
0x85: {  	p0 =	sne.s32 s0, $0x0;
	s0 =	rddreg [dreg:$0x3]  }
0x86: {  	s0 =	sadd.s32 @!p0 $0x100000, s0  }
0x87: {  	[sflag:s0] =	ssyncadd.tile.s32 @!p0 $0x1;
	_ =	shalt  }
.Lfunc_end2:
_tile_overlayer_lowered:
.L_overlay_start_2:
0x88: {  	(tag) =	ssettag $0x2  }
0x89: {  	s0 =	rddreg [dreg:$0x0];
	s2 =	stileid.u32  }
0x8a: {  	s1 =	rddreg [dreg:$0x1];
	p0 =	sne.s32 s2, $0x0  }
0x8b: {  	s3 =	rddreg [dreg:$0x2];
	[bflag:$0x3] =	sbarrier.arrive $0xFFFF;
	s2 =	simm.s32 @!p0 $0x1C05  }
0x8c: {  	[timem:s3], [sflag:s2] =	dma.local @!p0 [hbm:s0], s1  }
0x8d: {  	s0 =	simm.s32 @!p0 $0x5  }
0x8e: {  	_ =	swait.ge @!p0 [sflag:s0], s1  }
0x8f: {  	s1 =	ssub.s32 @!p0 $0x0, s1;
	[sflag:s0] =	ssyncset.done @!p0 $0x0  }
0x90: {  	[sflag:s0] =	ssyncadd.s32 @!p0 s1  }
0x91: {  	[bflag:$0x3] =	sbarrier.arrive $0xFFFF  }
0x92: {  	_ =	shalt  }

// kernel: kernel.41.cloned.1.call-start
scs
__scs_entry_jumppad:
0x0: {  	(pc) =	sbr.rel $0x88, $3  }
0x1: {  	(tag) =	ssettag $0x0;
	lr =	simm.s32 $0x1  }
0x2: {  	[smem:$0x3F8E] =	sst lr;
	_ =	strace $0xD0000000  }
0x3: {  	_ = 	snop  }
0x4: {  	_ = 	snop  }
0x5: {  	_ = 	snop  }
0x6: {  	_ = 	snop  }
0x7: {  	_ = 	snop  }
__scs_overlays_trampoline_lowered:
0x8: {  	[smem:$0x3F9D] =	sst s0  }
0x9: {  	[smem:$0x3F9E] =	sst s1  }
0xa: {  	[smem:$0x3F9F] =	sst s2  }
0xb: {  	[smem:$0x3FA0] =	sst s3  }
0xc: {  	[smem:$0x3FA1] =	sst s4  }
0xd: {  	[smem:$0x3FA2] =	sst s5  }
0xe: {  	[smem:$0x3FA3] =	sst s6  }
0xf: {  	[smem:$0x3FA4] =	sst s7  }
0x10: {  	[smem:$0x3FA5] =	sst s8  }
0x11: {  	[smem:$0x3FA6] =	sst s9;
	s0 =	simm.s32 @!p0 $0x0  }
0x12: {  	s1 =	sld [smem:$0x3F8C];
	s0 =	simm.s32 @p0 $0x1  }
0x13: {  	[smem:$0x3FA7] =	sst s0;
	s0 =	simm.s32 @!p1 $0x0  }
0x14: {  	s2 =	sld [smem:$0x3F8B];
	s0 =	simm.s32 @p1 $0x1  }
0x15: {  	[smem:$0x3FA8] =	sst s0;
	s0 =	simm.s32 @!p2 $0x0  }
0x16: {  	s3 =	sld [smem:$0x3FDB];
	s0 =	simm.s32 @p2 $0x1  }
0x17: {  	s4 =	simm.s32 $0x1BF5;
	[smem:$0x3FAA] =	sst s0  }
0x18: {  	s0 =	sld [smem:$0x3F8D];
	_ =	swait.ge [sflag:s4], $0x0  }
0x19: {  	s7 =	sld [smem:$0x3F8E]  }
0x1a: {  	s8 =	sadd.s32 $0xFFFFE003, lr  }
0x1b: {  	s9 =	sadd.s32 $0xFFFFFEF7, lr;
	s5 =	simm.s32 $0xFFFFFFFF;
	p2 =	slt.u32 s8, $0xFFFFF086  }
0x1c: {  	p1 =	slt.u32 s9, $0xF7A;
	s5 =	simm.s32 @!p2 $0x0  }
0x1d: {  	s5 =	simm.s32 @p1 $0x1;
	p0 =	seq.s32 s7, s2  }
0x1e: {  	s7 =	smul.u32 @!p0 $0xF7A, s2;
	p2 =	seq.s32 @!p0 s5, $0x0  }
0x1f: {  	s9 =	smul.u32 $0xF7A, s1;
	s8 =	simm.s32 @!p0 $0x1BF5;
	p2 =	por !p2, p0  }
0x20: {  	[sflag:s8] =	ssyncset.s32 @!p0 $0xFFFFF086;
	s6 =	sadd.s32 @!p0 s3, s7;
	s7 =	simm.s32 @!p0 $0x108  }
0x21: {  	s3 =	sadd.s32 s3, s9;
	s6 =	sadd.s32 @!p0 $0x88, s6;
	s7 =	simm.s32 @p2 $0x1082  }
0x22: {  	[simem:s7], [sflag:s8] =	dma.local @!p0 [hbm:s6], $0xF7A  }
0x23: {  	s9 =	sor.u32 $0xD0000000, s2;
	s6 =	simm.s32 $0x108;
	_ =	swait.ge @!p0 [sflag:s8], $0x0  }
0x24: {  	s3 =	sadd.s32 $0x88, s3;
	s6 =	simm.s32 @!p1 $0x1082;
	[sflag:s4] =	ssyncset.s32 $0xFFFFF086  }
0x25: {  	[simem:s6], [sflag:s4] =	dma.local [hbm:s3], $0xF7A  }
0x26: {  	[smem:$0x3F8E] =	sst s1;
	(tag) =	ssettag s2;
	_ =	strace s9  }
0x27: {  	s1 =	sld [smem:$0x3F9E]  }
0x28: {  	s2 =	sld [smem:$0x3F9F]  }
0x29: {  	s4 =	sld [smem:$0x3FA1]  }
0x2a: {  	p0 =	seq.s32 s5, $0x0;
	s5 =	sld [smem:$0x3FA2]  }
0x2b: {  	s6 =	sld [smem:$0x3FA3]  }
0x2c: {  	s7 =	sld [smem:$0x3FA4]  }
0x2d: {  	s3 =	simm.s32 $0x108;
	s8 =	sld [smem:$0x3FA5]  }
0x2e: {  	s3 =	simm.s32 @!p0 $0x1082;
	s9 =	sld [smem:$0x3FA6]  }
0x2f: {  	lr =	sadd.s32 s0, s3;
	s0 =	sld [smem:$0x3F9D]  }
0x30: {  	s3 =	sld [smem:$0x3FA0]  }
0x31: {  	[smem:$0x3FA9] =	sst s10  }
0x32: {  	s10 =	sld [smem:$0x3FA7];
	_ =	sdelay $0x3  }
0x33: {  	p0 =	seq.s32 s10, $0x1;
	s10 =	sld [smem:$0x3FA9];
	_ =	sdelay $0x3  }
0x34: {  	[smem:$0x3FA9] =	sst s10  }
0x35: {  	s10 =	sld [smem:$0x3FA8];
	_ =	sdelay $0x3  }
0x36: {  	p1 =	seq.s32 s10, $0x1;
	s10 =	sld [smem:$0x3FA9];
	_ =	sdelay $0x3  }
0x37: {  	[smem:$0x3FA9] =	sst s10  }
0x38: {  	s10 =	sld [smem:$0x3FAA]  }
0x39: {  	_ = 	snop;
	(pc) =	sbr.ind lr, $3  }
0x3a: {  	_ = 	snop  }
0x3b: {  	_ = 	snop  }
0x3c: {  	p2 =	seq.s32 s10, $0x1;
	s10 =	sld [smem:$0x3FA9]  }
0x3d: {  	_ =	shalt  }
0x3e: {  	_ =	shalt  }
0x3f: {  	_ =	shalt  }
0x40: {  	_ =	shalt  }
0x41: {  	_ =	shalt  }
0x42: {  	_ =	shalt  }
0x43: {  	_ =	shalt  }
0x44: {  	_ =	shalt  }
0x45: {  	_ =	shalt  }
0x46: {  	_ =	shalt  }
0x47: {  	_ =	shalt  }
0x48: {  	_ =	shalt  }
0x49: {  	_ =	shalt  }
0x4a: {  	_ =	shalt  }
0x4b: {  	_ =	shalt  }
0x4c: {  	_ =	shalt  }
0x4d: {  	_ =	shalt  }
0x4e: {  	_ =	shalt  }
0x4f: {  	_ =	shalt  }
0x50: {  	_ =	shalt  }
0x51: {  	_ =	shalt  }
0x52: {  	_ =	shalt  }
0x53: {  	_ =	shalt  }
0x54: {  	_ =	shalt  }
0x55: {  	_ =	shalt  }
0x56: {  	_ =	shalt  }
0x57: {  	_ =	shalt  }
0x58: {  	_ =	shalt  }
0x59: {  	_ =	shalt  }
0x5a: {  	_ =	shalt  }
0x5b: {  	_ =	shalt  }
0x5c: {  	_ =	shalt  }
0x5d: {  	_ =	shalt  }
0x5e: {  	_ =	shalt  }
0x5f: {  	_ =	shalt  }
0x60: {  	_ =	shalt  }
0x61: {  	_ =	shalt  }
0x62: {  	_ =	shalt  }
0x63: {  	_ =	shalt  }
0x64: {  	_ =	shalt  }
0x65: {  	_ =	shalt  }
0x66: {  	_ =	shalt  }
0x67: {  	_ =	shalt  }
0x68: {  	_ =	shalt  }
0x69: {  	_ =	shalt  }
0x6a: {  	_ =	shalt  }
0x6b: {  	_ =	shalt  }
0x6c: {  	_ =	shalt  }
0x6d: {  	_ =	shalt  }
0x6e: {  	_ =	shalt  }
0x6f: {  	_ =	shalt  }
0x70: {  	_ =	shalt  }
0x71: {  	_ =	shalt  }
0x72: {  	_ =	shalt  }
0x73: {  	_ =	shalt  }
0x74: {  	_ =	shalt  }
0x75: {  	_ =	shalt  }
0x76: {  	_ =	shalt  }
0x77: {  	_ =	shalt  }
0x78: {  	_ =	shalt  }
0x79: {  	_ =	shalt  }
0x7a: {  	_ =	shalt  }
0x7b: {  	_ =	shalt  }
0x7c: {  	_ =	shalt  }
0x7d: {  	_ =	shalt  }
0x7e: {  	_ =	shalt  }
0x7f: {  	_ =	shalt  }
0x80: {  	_ =	shalt  }
0x81: {  	_ =	shalt  }
0x82: {  	_ =	shalt  }
0x83: {  	_ =	shalt  }
0x84: {  	_ =	shalt  }
0x85: {  	_ =	shalt  }
0x86: {  	_ =	shalt  }
0x87: {  	_ =	shalt  }
.Lfunc_end0:
.L_simem_size_0:
called_computation.5_lowered:
.L_overlay_start_0:
0x88: {  	s2 =	sld [smem:$0x3FD9]  }
0x89: {  	s3 =	sld [smem:$0x3FFE];
	_ =	sdelay $0x1  }
0x8a: {  	s1 =	srdreg.scid  }
0x8b: {  	s0 =	sand.u32 $0x1, s1  }
0x8c: {  	s17 =	sshll.u32 s0, $0xA;
	s2 =	sadd.s32 s3, s2  }
0x8d: {  	s2 =	sadd.s32 s2, s17  }
0x8e: {  	[smem:$0x3FB5] =	sst s2  }
0x8f: {  	_ = 	snop  }
0x90: {  	(tm) =	ssettm $0x1  }
0x91: {  	s18 =	sld [smem:$0x3FFB];
	_ =	sdelay $0x3  }
0x92: {  	_ =	strace s18  }
0x93: {  	s2 =	sld [smem:$0x3FFC];
	_ =	sdelay $0x3  }
0x94: {  	_ =	strace s2  }
0x95: {  	s2 =	sld [smem:$0x3FFD];
	_ =	sdelay $0x3  }
0x96: {  	_ =	strace s2  }
0x97: {  	_ =	strace $0x8FFFFFFF  }
0x98: {  	s19 =	sld [smem:$0x3FDB];
	_ =	sdelay $0x1  }
0x99: {  	s20 =	simm.s32 $_scs_section_size  }
0x9a: {  	s4 =	simm.s32 $_size__tile_overlayer_lowered;
	s5 =	simm.s32 $_tile_overlayer_lowered  }
0x9b: {  	s6 =	simm.s32 $0x1BFF;
	s21 =	sshll.u32 s5, $0x1;
	s3 =	sadd.s32 s20, s19  }
0x9c: {  	s22 =	simm.s32 $0x0;
	s4 =	sshll.u32 s4, $0x1;
	s5 =	sadd.s32 s21, s3  }
0x9d: {  	[timem:s22], [sflag:s6] =	dma.local [hbm:s5], s4  }
0x9e: {  	_ =	swait.ge [sflag:s6], s4  }
0x9f: {  	s4 =	ssub.s32 $0x0, s4;
	[sflag:s6] =	ssyncset.done $0x0  }
0xa0: {  	[sflag:s6] =	ssyncadd.s32 s4;
	_ =	sdelay $0x1  }
0xa1: {  	s23 =	simm.s32 $0x1B8B  }
0xa2: {  	_ =	swait.ge [sflag:s23], $0x1  }
0xa3: {  	[sflag:s23] =	ssyncset.done $0x0  }
0xa4: {  	[sflag:s23] =	ssyncadd.s32 $0xFFFFFFFF  }
0xa5: {  	s4 =	sld [smem:$0x0]  }
0xa6: {  	s5 =	sand.u32 $0xFFFFFFFE, s1  }
0xa7: {  	p0 =	sne.s32 s1, s5  }
0xa8: {  	s5 =	sshll.u32 @p0 s5, $0xE  }
0xa9: {  	s5 =	sadd.s32 @p0 $0x11B8D, s5;
	s6 =	sshll.u32 @p0 s4, $0x11  }
0xaa: {  	s5 =	sor.u32 @p0 s6, s5  }
0xab: {  	[sflag:s5] =	ssyncadd.remote.s32 @p0 $0x1;
	_ =	sdelay $0x1  }
0xac: {  	s5 =	simm.s32 @p0 $0x1B8D  }
0xad: {  	_ =	swait.eq @p0 [sflag:s5], $0x1  }
0xae: {  	[sflag:s5] =	ssyncadd.s32 @p0 $0xFFFFFFFF  }
0xaf: {  	s6 =	sshll.u32 @!p0 s1, $0xE  }
0xb0: {  	s6 =	sor.u32 @!p0 $0x4000, s6;
	s5 =	simm.s32 @!p0 $0x1B8D  }
0xb1: {  	s4 =	sshll.u32 @!p0 s4, $0x11;
	s6 =	sadd.s32 @!p0 $0x11B8D, s6;
	_ =	swait.eq @!p0 [sflag:s5], $0x1  }
0xb2: {  	s4 =	sor.u32 @!p0 s4, s6;
	[sflag:s5] =	ssyncadd.s32 @!p0 $0xFFFFFFFF  }
0xb3: {  	s25 =	simm.s32 $0x1B8E;
	s24 =	sld [smem:$0x3FFE];
	[sflag:s4] =	ssyncadd.remote.s32 @!p0 $0x1  }
0xb4: {  	s26 =	simm.s32 $execute0_lowered;
	[smem:$0x3FD2] =	sst s25  }
0xb5: {  	s5 =	sshll.u32 s26, $0x1;
	_ =	strace $0x8000004C;
	[dreg:$0x1] =	wrdreg $0xFFFFFFFF  }
0xb6: {  	s28 =	simm.s32 $_size_execute0_lowered;
	s3 =	sadd.s32 s3, s5;
	[dreg:$0x0] =	wrdreg $0x0  }
0xb7: {  	s5 =	sshll.u32 s28, $0x1;
	[dreg:$0x2] =	wrdreg s3  }
0xb8: {  	[dreg:$0x3] =	wrdreg s5  }
0xb9: {  	[dreg:$0x4] =	wrdreg $0xC0  }
0xba: {  	_ =	task [dreg:s22], $0x5FFFF  }
0xbb: {  	[dreg:$0x1] =	wrdreg $0xFFFFFFFF  }
0xbc: {  	[dreg:$0x0] =	wrdreg $0x60  }
0xbd: {  	[dreg:$0x2] =	wrdreg s24  }
0xbe: {  	[dreg:$0x3] =	wrdreg $0x0  }
0xbf: {  	[dreg:$0x4] =	wrdreg $0xC  }
0xc0: {  	_ =	task.clear_ibuf [dreg:s22], $0x5FFFF;
	_ =	strace $0x9000004C  }
0xc1: {  	s29 =	simm.s32 $0xC;
	_ =	strace $0x8000004E  }
0xc2: {  	_ =	swait.ge [sflag:s29], $0x1  }
0xc3: {  	[sflag:s29] =	ssyncadd.s32 $0xFFFFFFFF  }
0xc4: {  	_ =	strace $0x9000004E  }
0xc5: {  	_ =	sfence  }
0xc6: {  	s30 =	sld [smem:$0x0];
	_ =	sdelay $0x2  }
0xc7: {  	s31 =	sshll.u32 s1, $0xD;
	s1 =	sshrl.u32 s1, $0x2  }
0xc8: {  	s4 =	sand.u32 $0x4000, s31;
	s1 =	sadd.s32 s1, s30  }
0xc9: {  	s0 =	sor.u32 s4, s0;
	s1 =	sshll.u32 s1, $0x11  }
0xca: {  	s0 =	sor.u32 s1, s0  }
0xcb: {  	s0 =	sadd.s32 $0x8F2B, s0  }
0xcc: {  	[sflag:s0] =	ssyncadd.remote.s32 $0x1  }
0xcd: {  	_ =	sfence.sel $0xFFFF  }
0xce: {  	[dreg:$0x0] =	wrdreg $0xFFFFFFFF;
	(pc) =	sbr.abs _section_cstart, $3  }
0xcf: {  	[dreg:$0x1] =	wrdreg $0xFFFFFFFF  }
0xd0: {  	_ =	task.clear_ibuf [dreg:s22], $0x2FFFF;
	_ =	strace $0x9FFFFFFF  }
0xd1: {  	(tm) =	ssettm $0x7FFFFFFF  }
tec
execute0_lowered:
.L_overlay_start_1:
0x0: {  	(tag) =	ssettag $0x1  }
0x1: {  	s0 =	rddreg [dreg:$0x0]  }
0x2: {  	s1 =	rddreg [dreg:$0x1]  }
0x3: {  	s2 =	srdreg.scid;
	s3 =	simm.s32 $0x0;
	s10 =	stileid.u32  }
0x4: {  	s18 =	simm.s32 $0x5;
	s28 =	simm.s32 $0x18200;
	s29 =	simm.s32 $0x3  }
0x5: {  	s30 =	simm.s32 $0x4;
	s31 =	simm.s32 $0x0;
	s2 =	sand.u32 $0x1, s2  }
0x6: {  	[smem:$0x7FF] =	sst s3;
	s6 =	smul.u32 $0x14000, s10;
	s4 =	sadd.s32 $0x30A00, s0  }
0x7: {  	s16 =	sadd.s32 $0x5A400, s0;
	s15 =	sadd.s32 $0x64400, s0;
	s9 =	smul.u32 $0x50000, s10  }
0x8: {  	s19 =	sadd.s32 $0x57C00, s0;
	s23 =	sshll.u32 s10, $0x6;
	s11 =	smul.u32 $0x2800, s10  }
0x9: {  	s5 =	smul.u32 $0x140000, s2;
	_ =	strace $0x8000004D;
	[dreg:$0x3] =	wrdreg s19  }
0xa: {  	s7 =	ssub.s32 $0x2, s2;
	s8 =	sshll.u32 s2, $0x4;
	s2 =	smul.u32 $0x28000, s2  }
0xb: {  	s19 =	simm.s32 $0x14000;
	s20 =	sshrl.u32 s7, $0x1;
	s8 =	sor.u32 s10, s8  }
0xc: {  	s22 =	sshrl.u32 s9, $0x2;
	s6 =	sadd.s32 s6, s5;
	s12 =	ssub.s32 s7, s20  }
0xd: {  	s21 =	smul.u32 $0x2800, s8;
	s17 =	sadd.s32 s22, s1;
	s2 =	sadd.s32 s11, s2  }
0xe: {  	s20 =	simm.s32 $0x14100;
	s22 =	simm.s32 $0x80;
	s6 =	sshrl.u32 s6, $0x3  }
0xf: {  	s26 =	sor.u32 $0x180, s2;
	s2 =	sor.u32 $0x100, s2;
	s12 =	smax.u32 s12, $0x1  }
0x10: {  	s17 =	sshrl.u32 s17, $0x3;
	s0 =	sadd.s32 s6, s0;
	s6 =	sor.u32 $0x1C05, s23  }
0x11: {  	s24 =	sshrl.u32 s21, $0x3;
	s2 =	sshrl.u32 s2, $0x3;
	s21 =	simm.s32 $0x1  }
0x12: {  	s23 =	simm.s32 $0x14200;
	s7 =	sadd.s32 s16, s24;
	s8 =	sadd.s32 s15, s24  }
0x13: {  	s25 =	sor.u32 $0x10, s24;
	s11 =	sadd.s32 $0xE5000, s0;
	s0 =	sshrl.u32 s26, $0x3  }
0x14: {  	s24 =	simm.s32 $0x14080;
	s26 =	simm.s32 $0x2;
	s9 =	sadd.s32 s16, s25  }
0x15: {  	s10 =	sadd.s32 s15, s25;
	s13 =	sadd.s32 s0, s15;
	s14 =	sadd.s32 s0, s16  }
0x16: {  	s15 =	sadd.s32 s2, s15;
	s16 =	sadd.s32 s2, s16;
	s25 =	simm.s32 $0x14180  }
.LBB2_1:
0x17: {  	s0 =	rddreg [dreg:$0x3]  }
0x18: {  	[spmem:s17], [sflag:s6] =	dma.local [hbm:s0], $0x2800  }
0x19: {  	_ =	swait.ge [sflag:s18], $0x2800  }
0x1a: {  	[sflag:s18] =	ssyncset.done $0x0  }
0x1b: {  	[sflag:s18] =	ssyncadd.s32 $0xFFFFD800  }
0x1c: {  	[bflag:$0x0] =	sbarrier.arrive $0xFFFF  }
0x1d: {  	[tilespmem:s19], [sflag:$0x1] =	stream.linear.gather [hbm4b:s7+s3], $0x80, $0x38;
	[tilespmem:$0x1C200] =	vst v63  }
0x1e: {  	_ = 	snop  }
0x1f: {  	[tilespmem:s20], [sflag:$0x1] =	stream.linear.gather [hbm4b:s8+s3], $0x80, $0x38;
	[tilespmem:$0x1C200] =	vst v63  }
0x20: {  	_ =	swait.ge [sflag:s21], $0x80  }
0x21: {  	[sflag:s21] =	ssyncset.done $0x0  }
0x22: {  	[sflag:s21] =	ssyncadd.s32 $0xFFFFFF80  }
0x23: {  	_ =	swait.ge [sflag:s21], $0x80  }
0x24: {  	[sflag:s21] =	ssyncset.done $0x0  }
0x25: {  	[sflag:s21] =	ssyncadd.s32 $0xFFFFFF80  }
0x26: {  	[tilespmem:s23], [sflag:$0x3] =	stream.indirect.gather [hbm4b:s4+s22], $0x80, s19, s22, $0xb8;
	[tilespmem:$0x1C200] =	vst v63  }
0x27: {  	_ = 	snop  }
0x28: {  	[tilespmem:s24], [sflag:$0x2] =	stream.linear.gather [hbm4b:s9+s3], $0x80, $0x38;
	[tilespmem:$0x1C200] =	vst v63  }
0x29: {  	_ = 	snop  }
0x2a: {  	[tilespmem:s25], [sflag:$0x2] =	stream.linear.gather [hbm4b:s10+s3], $0x80, $0x38;
	[tilespmem:$0x1C200] =	vst v63  }
0x2b: {  	_ =	swait.ge [sflag:s26], $0x80  }
0x2c: {  	[sflag:s26] =	ssyncset.done $0x0  }
0x2d: {  	[sflag:s26] =	ssyncadd.s32 $0xFFFFFF80  }
0x2e: {  	_ =	swait.ge [sflag:s26], $0x80  }
0x2f: {  	[sflag:s26] =	ssyncset.done $0x0  }
0x30: {  	[sflag:s26] =	ssyncadd.s32 $0xFFFFFF80  }
0x31: {  	[tilespmem:s28], [sflag:$0x4] =	stream.indirect.gather [hbm4b:s4+s22], $0x80, s24, s22, $0xb8;
	[tilespmem:$0x1C200] =	vst v63  }
0x32: {  	_ =	swait.ge [sflag:s29], $0x4000  }
0x33: {  	[sflag:s29] =	ssyncset.done $0x0  }
0x34: {  	[sflag:s29] =	ssyncadd.s32 $0xFFFFC000  }
0x35: {  	[spmem:s1] =	stream.indirect.scatter.add.f32 [tilespmem:s23], [sflag:$0x5], $0x80, s20, s22, $0xb8;
	[tilespmem:$0x1C200] =	vst v63  }
0x36: {  	_ =	swait.ge [sflag:s18], $0x4000  }
0x37: {  	[sflag:s18] =	ssyncset.done $0x0  }
0x38: {  	s5 =	sadd.s32 $0x0, s16;
	[sflag:s18] =	ssyncadd.s32 $0xFFFFC000  }
0x39: {  	[tilespmem:s19], [sflag:$0x1] =	stream.linear.gather [hbm4b:s5+s3], $0x80, $0x38;
	[tilespmem:$0x1C200] =	vst v63  }
0x3a: {  	s2 =	sadd.s32 $0x0, s15  }
0x3b: {  	[tilespmem:s20], [sflag:$0x1] =	stream.linear.gather [hbm4b:s2+s3], $0x80, $0x38;
	[tilespmem:$0x1C200] =	vst v63  }
0x3c: {  	_ =	swait.ge [sflag:s21], $0x80  }
0x3d: {  	[sflag:s21] =	ssyncset.done $0x0  }
0x3e: {  	[sflag:s21] =	ssyncadd.s32 $0xFFFFFF80  }
0x3f: {  	_ =	swait.ge [sflag:s21], $0x80  }
0x40: {  	[sflag:s21] =	ssyncset.done $0x0  }
0x41: {  	[sflag:s21] =	ssyncadd.s32 $0xFFFFFF80  }
0x42: {  	[tilespmem:s23], [sflag:$0x3] =	stream.indirect.gather [hbm4b:s4+s22], $0x80, s19, s22, $0xb8;
	[tilespmem:$0x1C200] =	vst v63  }
0x43: {  	_ =	swait.ge [sflag:s30], $0x4000  }
0x44: {  	[sflag:s30] =	ssyncset.done $0x0  }
0x45: {  	[sflag:s30] =	ssyncadd.s32 $0xFFFFC000  }
0x46: {  	[spmem:s1] =	stream.indirect.scatter.add.f32 [tilespmem:s28], [sflag:$0x5], $0x80, s25, s22, $0xb8;
	[tilespmem:$0x1C200] =	vst v63  }
0x47: {  	_ =	swait.ge [sflag:s18], $0x4000  }
0x48: {  	s0 =	simm.s32 $0x20;
	[sflag:s18] =	ssyncset.done $0x0  }
0x49: {  	s5 =	sadd.s32 $0x0, s14;
	s2 =	sadd.s32 $0x0, s13;
	[sflag:s18] =	ssyncadd.s32 $0xFFFFC000  }
0x4a: {  	[tilespmem:s24], [sflag:$0x2] =	stream.linear.gather [hbm4b:s5+s3], $0x80, $0x38;
	[tilespmem:$0x1C200] =	vst v63  }
.LBB2_2:
0x4b: {  	[tilespmem:s25], [sflag:$0x2] =	stream.linear.gather [hbm4b:s2+s3], $0x80, $0x38;
	[tilespmem:$0x1C200] =	vst v63  }
0x4c: {  	s2 =	smov.u32 s0  }
0x4d: {  	p0 =	sne.s32 s0, $0x4C0;
	s0 =	sadd.s32 $0x20, s0;
	_ =	swait.ge [sflag:s26], $0x80  }
0x4e: {  	[sflag:s26] =	ssyncset.done $0x0  }
0x4f: {  	[sflag:s26] =	ssyncadd.s32 $0xFFFFFF80  }
0x50: {  	_ =	swait.ge [sflag:s26], $0x80  }
0x51: {  	[sflag:s26] =	ssyncset.done $0x0  }
0x52: {  	[sflag:s26] =	ssyncadd.s32 $0xFFFFFF80  }
0x53: {  	[tilespmem:s28], [sflag:$0x4] =	stream.indirect.gather [hbm4b:s4+s22], $0x80, s24, s22, $0xb8;
	[tilespmem:$0x1C200] =	vst v63  }
0x54: {  	_ =	swait.ge [sflag:s29], $0x4000  }
0x55: {  	[sflag:s29] =	ssyncset.done $0x0  }
0x56: {  	[sflag:s29] =	ssyncadd.s32 $0xFFFFC000  }
0x57: {  	[spmem:s1] =	stream.indirect.scatter.add.f32 [tilespmem:s23], [sflag:$0x5], $0x80, s20, s22, $0xb8;
	[tilespmem:$0x1C200] =	vst v63  }
0x58: {  	_ =	swait.ge [sflag:s18], $0x4000  }
0x59: {  	[sflag:s18] =	ssyncset.done $0x0  }
0x5a: {  	s5 =	sadd.s32 s2, s16;
	[sflag:s18] =	ssyncadd.s32 $0xFFFFC000  }
0x5b: {  	[tilespmem:s19], [sflag:$0x1] =	stream.linear.gather [hbm4b:s5+s3], $0x80, $0x38;
	[tilespmem:$0x1C200] =	vst v63  }
0x5c: {  	s5 =	sadd.s32 s2, s15  }
0x5d: {  	[tilespmem:s20], [sflag:$0x1] =	stream.linear.gather [hbm4b:s5+s3], $0x80, $0x38;
	[tilespmem:$0x1C200] =	vst v63  }
0x5e: {  	_ =	swait.ge [sflag:s21], $0x80  }
0x5f: {  	[sflag:s21] =	ssyncset.done $0x0  }
0x60: {  	[sflag:s21] =	ssyncadd.s32 $0xFFFFFF80  }
0x61: {  	_ =	swait.ge [sflag:s21], $0x80  }
0x62: {  	[sflag:s21] =	ssyncset.done $0x0  }
0x63: {  	[sflag:s21] =	ssyncadd.s32 $0xFFFFFF80  }
0x64: {  	[tilespmem:s23], [sflag:$0x3] =	stream.indirect.gather [hbm4b:s4+s22], $0x80, s19, s22, $0xb8;
	[tilespmem:$0x1C200] =	vst v63  }
0x65: {  	_ =	swait.ge [sflag:s30], $0x4000  }
0x66: {  	[sflag:s30] =	ssyncset.done $0x0  }
0x67: {  	[sflag:s30] =	ssyncadd.s32 $0xFFFFC000  }
0x68: {  	[spmem:s1] =	stream.indirect.scatter.add.f32 [tilespmem:s28], [sflag:$0x5], $0x80, s25, s22, $0xb8;
	[tilespmem:$0x1C200] =	vst v63  }
.Ltmp0:
0x69: {  	_ =	swait.ge [sflag:s18], $0x4000;
	(pc) =	sbr.rel @p0 .LBB2_2-.Ltmp0, $4  }
0x6a: {  	[sflag:s18] =	ssyncset.done $0x0  }
0x6b: {  	s5 =	sadd.s32 s2, s14;
	[sflag:s18] =	ssyncadd.s32 $0xFFFFC000  }
0x6c: {  	[tilespmem:s24], [sflag:$0x2] =	stream.linear.gather [hbm4b:s5+s3], $0x80, $0x38;
	[tilespmem:$0x1C200] =	vst v63  }
0x6d: {  	s2 =	sadd.s32 s2, s13  }
0x6e: {  	[tilespmem:s25], [sflag:$0x2] =	stream.linear.gather [hbm4b:s2+s3], $0x80, $0x38;
	[tilespmem:$0x1C200] =	vst v63  }
0x6f: {  	_ =	swait.ge [sflag:s29], $0x4000  }
0x70: {  	[sflag:s29] =	ssyncset.done $0x0  }
0x71: {  	[sflag:s29] =	ssyncadd.s32 $0xFFFFC000  }
0x72: {  	[spmem:s1] =	stream.indirect.scatter.add.f32 [tilespmem:s23], [sflag:$0x5], $0x80, s20, s22, $0xb8;
	[tilespmem:$0x1C200] =	vst v63  }
0x73: {  	_ =	swait.ge [sflag:s18], $0x4000  }
0x74: {  	[sflag:s18] =	ssyncset.done $0x0  }
0x75: {  	[sflag:s18] =	ssyncadd.s32 $0xFFFFC000  }
0x76: {  	_ =	swait.ge [sflag:s26], $0x80  }
0x77: {  	[sflag:s26] =	ssyncset.done $0x0  }
0x78: {  	[sflag:s26] =	ssyncadd.s32 $0xFFFFFF80  }
0x79: {  	_ =	swait.ge [sflag:s26], $0x80  }
0x7a: {  	s31 =	sadd.s32 $0x1, s31;
	[sflag:s26] =	ssyncset.done $0x0  }
0x7b: {  	p0 =	sne.s32 s31, s12;
	[sflag:s26] =	ssyncadd.s32 $0xFFFFFF80  }
.Ltmp1:
0x7c: {  	[bflag:$0x0] =	sbarrier.arrive $0xFFFF;
	(pc) =	sbr.rel @p0 .LBB2_1-.Ltmp1, $4  }
0x7d: {  	[hbm:s11], [sflag:s6] =	dma.local [spmem:s17], $0x2800  }
0x7e: {  	_ =	swait.ge [sflag:s18], $0x2800  }
0x7f: {  	[sflag:s18] =	ssyncset.done $0x0  }
0x80: {  	[sflag:s18] =	ssyncadd.s32 $0xFFFFD800  }
0x81: {  	_ =	sfence.sel $0x180000  }
0x82: {  	[bflag:$0x0] =	sbarrier.arrive $0xFFFF  }
0x83: {  	_ =	strace $0x9000004D  }
0x84: {  	s0 =	stileid.u32;
	[bflag:$0x2] =	sbarrier.arrive $0xFFFF  }
0x85: {  	p0 =	sne.s32 s0, $0x0;
	s0 =	rddreg [dreg:$0x2]  }
0x86: {  	s0 =	sadd.s32 @!p0 $0x100000, s0  }
0x87: {  	[sflag:s0] =	ssyncadd.tile.s32 @!p0 $0x1;
	_ =	shalt  }
.Lfunc_end2:
_tile_overlayer_lowered:
.L_overlay_start_2:
0x88: {  	(tag) =	ssettag $0x2  }
0x89: {  	s0 =	rddreg [dreg:$0x0];
	s2 =	stileid.u32  }
0x8a: {  	s1 =	rddreg [dreg:$0x1];
	p0 =	sne.s32 s2, $0x0  }
0x8b: {  	s3 =	rddreg [dreg:$0x2];
	[bflag:$0x3] =	sbarrier.arrive $0xFFFF;
	s2 =	simm.s32 @!p0 $0x1C05  }
0x8c: {  	[timem:s3], [sflag:s2] =	dma.local @!p0 [hbm:s0], s1  }
0x8d: {  	s0 =	simm.s32 @!p0 $0x5  }
0x8e: {  	_ =	swait.ge @!p0 [sflag:s0], s1  }
0x8f: {  	s1 =	ssub.s32 @!p0 $0x0, s1;
	[sflag:s0] =	ssyncset.done @!p0 $0x0  }
0x90: {  	[sflag:s0] =	ssyncadd.s32 @!p0 s1  }
0x91: {  	[bflag:$0x3] =	sbarrier.arrive $0xFFFF  }
0x92: {  	_ =	shalt  }

// kernel: kernel.44.cloned.1.call-start
scs
__scs_entry_jumppad:
0x0: {  	(pc) =	sbr.rel $0x88, $3  }
0x1: {  	(tag) =	ssettag $0x0;
	lr =	simm.s32 $0x1  }
0x2: {  	[smem:$0x3F8E] =	sst lr;
	_ =	strace $0xD0000000  }
0x3: {  	_ = 	snop  }
0x4: {  	_ = 	snop  }
0x5: {  	_ = 	snop  }
0x6: {  	_ = 	snop  }
0x7: {  	_ = 	snop  }
__scs_overlays_trampoline_lowered:
0x8: {  	[smem:$0x3F9D] =	sst s0  }
0x9: {  	[smem:$0x3F9E] =	sst s1  }
0xa: {  	[smem:$0x3F9F] =	sst s2  }
0xb: {  	[smem:$0x3FA0] =	sst s3  }
0xc: {  	[smem:$0x3FA1] =	sst s4  }
0xd: {  	[smem:$0x3FA2] =	sst s5  }
0xe: {  	[smem:$0x3FA3] =	sst s6  }
0xf: {  	[smem:$0x3FA4] =	sst s7  }
0x10: {  	[smem:$0x3FA5] =	sst s8  }
0x11: {  	[smem:$0x3FA6] =	sst s9;
	s0 =	simm.s32 @!p0 $0x0  }
0x12: {  	s1 =	sld [smem:$0x3F8C];
	s0 =	simm.s32 @p0 $0x1  }
0x13: {  	[smem:$0x3FA7] =	sst s0;
	s0 =	simm.s32 @!p1 $0x0  }
0x14: {  	s2 =	sld [smem:$0x3F8B];
	s0 =	simm.s32 @p1 $0x1  }
0x15: {  	[smem:$0x3FA8] =	sst s0;
	s0 =	simm.s32 @!p2 $0x0  }
0x16: {  	s3 =	sld [smem:$0x3FDB];
	s0 =	simm.s32 @p2 $0x1  }
0x17: {  	s4 =	simm.s32 $0x1BF5;
	[smem:$0x3FAA] =	sst s0  }
0x18: {  	s0 =	sld [smem:$0x3F8D];
	_ =	swait.ge [sflag:s4], $0x0  }
0x19: {  	s7 =	sld [smem:$0x3F8E]  }
0x1a: {  	s8 =	sadd.s32 $0xFFFFE003, lr  }
0x1b: {  	s9 =	sadd.s32 $0xFFFFFEF7, lr;
	s5 =	simm.s32 $0xFFFFFFFF;
	p2 =	slt.u32 s8, $0xFFFFF086  }
0x1c: {  	p1 =	slt.u32 s9, $0xF7A;
	s5 =	simm.s32 @!p2 $0x0  }
0x1d: {  	s5 =	simm.s32 @p1 $0x1;
	p0 =	seq.s32 s7, s2  }
0x1e: {  	s7 =	smul.u32 @!p0 $0xF7A, s2;
	p2 =	seq.s32 @!p0 s5, $0x0  }
0x1f: {  	s9 =	smul.u32 $0xF7A, s1;
	s8 =	simm.s32 @!p0 $0x1BF5;
	p2 =	por !p2, p0  }
0x20: {  	[sflag:s8] =	ssyncset.s32 @!p0 $0xFFFFF086;
	s6 =	sadd.s32 @!p0 s3, s7;
	s7 =	simm.s32 @!p0 $0x108  }
0x21: {  	s3 =	sadd.s32 s3, s9;
	s6 =	sadd.s32 @!p0 $0x88, s6;
	s7 =	simm.s32 @p2 $0x1082  }
0x22: {  	[simem:s7], [sflag:s8] =	dma.local @!p0 [hbm:s6], $0xF7A  }
0x23: {  	s9 =	sor.u32 $0xD0000000, s2;
	s6 =	simm.s32 $0x108;
	_ =	swait.ge @!p0 [sflag:s8], $0x0  }
0x24: {  	s3 =	sadd.s32 $0x88, s3;
	s6 =	simm.s32 @!p1 $0x1082;
	[sflag:s4] =	ssyncset.s32 $0xFFFFF086  }
0x25: {  	[simem:s6], [sflag:s4] =	dma.local [hbm:s3], $0xF7A  }
0x26: {  	[smem:$0x3F8E] =	sst s1;
	(tag) =	ssettag s2;
	_ =	strace s9  }
0x27: {  	s1 =	sld [smem:$0x3F9E]  }
0x28: {  	s2 =	sld [smem:$0x3F9F]  }
0x29: {  	s4 =	sld [smem:$0x3FA1]  }
0x2a: {  	p0 =	seq.s32 s5, $0x0;
	s5 =	sld [smem:$0x3FA2]  }
0x2b: {  	s6 =	sld [smem:$0x3FA3]  }
0x2c: {  	s7 =	sld [smem:$0x3FA4]  }
0x2d: {  	s3 =	simm.s32 $0x108;
	s8 =	sld [smem:$0x3FA5]  }
0x2e: {  	s3 =	simm.s32 @!p0 $0x1082;
	s9 =	sld [smem:$0x3FA6]  }
0x2f: {  	lr =	sadd.s32 s0, s3;
	s0 =	sld [smem:$0x3F9D]  }
0x30: {  	s3 =	sld [smem:$0x3FA0]  }
0x31: {  	[smem:$0x3FA9] =	sst s10  }
0x32: {  	s10 =	sld [smem:$0x3FA7];
	_ =	sdelay $0x3  }
0x33: {  	p0 =	seq.s32 s10, $0x1;
	s10 =	sld [smem:$0x3FA9];
	_ =	sdelay $0x3  }
0x34: {  	[smem:$0x3FA9] =	sst s10  }
0x35: {  	s10 =	sld [smem:$0x3FA8];
	_ =	sdelay $0x3  }
0x36: {  	p1 =	seq.s32 s10, $0x1;
	s10 =	sld [smem:$0x3FA9];
	_ =	sdelay $0x3  }
0x37: {  	[smem:$0x3FA9] =	sst s10  }
0x38: {  	s10 =	sld [smem:$0x3FAA]  }
0x39: {  	_ = 	snop;
	(pc) =	sbr.ind lr, $3  }
0x3a: {  	_ = 	snop  }
0x3b: {  	_ = 	snop  }
0x3c: {  	p2 =	seq.s32 s10, $0x1;
	s10 =	sld [smem:$0x3FA9]  }
0x3d: {  	_ =	shalt  }
0x3e: {  	_ =	shalt  }
0x3f: {  	_ =	shalt  }
0x40: {  	_ =	shalt  }
0x41: {  	_ =	shalt  }
0x42: {  	_ =	shalt  }
0x43: {  	_ =	shalt  }
0x44: {  	_ =	shalt  }
0x45: {  	_ =	shalt  }
0x46: {  	_ =	shalt  }
0x47: {  	_ =	shalt  }
0x48: {  	_ =	shalt  }
0x49: {  	_ =	shalt  }
0x4a: {  	_ =	shalt  }
0x4b: {  	_ =	shalt  }
0x4c: {  	_ =	shalt  }
0x4d: {  	_ =	shalt  }
0x4e: {  	_ =	shalt  }
0x4f: {  	_ =	shalt  }
0x50: {  	_ =	shalt  }
0x51: {  	_ =	shalt  }
0x52: {  	_ =	shalt  }
0x53: {  	_ =	shalt  }
0x54: {  	_ =	shalt  }
0x55: {  	_ =	shalt  }
0x56: {  	_ =	shalt  }
0x57: {  	_ =	shalt  }
0x58: {  	_ =	shalt  }
0x59: {  	_ =	shalt  }
0x5a: {  	_ =	shalt  }
0x5b: {  	_ =	shalt  }
0x5c: {  	_ =	shalt  }
0x5d: {  	_ =	shalt  }
0x5e: {  	_ =	shalt  }
0x5f: {  	_ =	shalt  }
0x60: {  	_ =	shalt  }
0x61: {  	_ =	shalt  }
0x62: {  	_ =	shalt  }
0x63: {  	_ =	shalt  }
0x64: {  	_ =	shalt  }
0x65: {  	_ =	shalt  }
0x66: {  	_ =	shalt  }
0x67: {  	_ =	shalt  }
0x68: {  	_ =	shalt  }
0x69: {  	_ =	shalt  }
0x6a: {  	_ =	shalt  }
0x6b: {  	_ =	shalt  }
0x6c: {  	_ =	shalt  }
0x6d: {  	_ =	shalt  }
0x6e: {  	_ =	shalt  }
0x6f: {  	_ =	shalt  }
0x70: {  	_ =	shalt  }
0x71: {  	_ =	shalt  }
0x72: {  	_ =	shalt  }
0x73: {  	_ =	shalt  }
0x74: {  	_ =	shalt  }
0x75: {  	_ =	shalt  }
0x76: {  	_ =	shalt  }
0x77: {  	_ =	shalt  }
0x78: {  	_ =	shalt  }
0x79: {  	_ =	shalt  }
0x7a: {  	_ =	shalt  }
0x7b: {  	_ =	shalt  }
0x7c: {  	_ =	shalt  }
0x7d: {  	_ =	shalt  }
0x7e: {  	_ =	shalt  }
0x7f: {  	_ =	shalt  }
0x80: {  	_ =	shalt  }
0x81: {  	_ =	shalt  }
0x82: {  	_ =	shalt  }
0x83: {  	_ =	shalt  }
0x84: {  	_ =	shalt  }
0x85: {  	_ =	shalt  }
0x86: {  	_ =	shalt  }
0x87: {  	_ =	shalt  }
.Lfunc_end0:
.L_simem_size_0:
called_computation.6_lowered:
.L_overlay_start_0:
0x88: {  	s2 =	sld [smem:$0x3FD9]  }
0x89: {  	s3 =	sld [smem:$0x3FFE];
	_ =	sdelay $0x1  }
0x8a: {  	s1 =	srdreg.scid  }
0x8b: {  	s0 =	sand.u32 $0x1, s1  }
0x8c: {  	s15 =	sshll.u32 s0, $0xA;
	s2 =	sadd.s32 s3, s2  }
0x8d: {  	s2 =	sadd.s32 s2, s15  }
0x8e: {  	[smem:$0x3FB5] =	sst s2  }
0x8f: {  	_ = 	snop  }
0x90: {  	s2 =	sld [smem:$0x3FD0];
	_ =	sdelay $0x2  }
0x91: {  	s16 =	simm.s32 $0xD;
	s4 =	simm.s32 $0x10  }
0x92: {  	[smem:s4], [sflag:s16] =	dma.local [hbm:s2], $0x1  }
0x93: {  	_ =	swait.eq [sflag:s16], $0x1  }
0x94: {  	[sflag:s16] =	ssyncset.done $0x0  }
0x95: {  	[sflag:s16] =	ssyncadd.s32 $0xFFFFFFFF  }
0x96: {  	s17 =	sld [smem:$0x12];
	(tm) =	ssettm $0x1  }
0x97: {  	s18 =	sld [smem:$0x3FFB];
	_ =	sdelay $0x3  }
0x98: {  	_ =	strace s18  }
0x99: {  	s2 =	sld [smem:$0x3FFC];
	_ =	sdelay $0x3  }
0x9a: {  	_ =	strace s2  }
0x9b: {  	s2 =	sld [smem:$0x3FFD];
	_ =	sdelay $0x3  }
0x9c: {  	_ =	strace s2  }
0x9d: {  	_ =	strace $0x8FFFFFFF  }
0x9e: {  	s19 =	sld [smem:$0x3FDB];
	_ =	sdelay $0x1  }
0x9f: {  	s20 =	simm.s32 $_scs_section_size  }
0xa0: {  	s5 =	simm.s32 $_size__tile_overlayer_lowered;
	s6 =	simm.s32 $_tile_overlayer_lowered  }
0xa1: {  	s7 =	simm.s32 $0x1BFF;
	s21 =	sshll.u32 s6, $0x1;
	s4 =	sadd.s32 s20, s19  }
0xa2: {  	s22 =	simm.s32 $0x0;
	s5 =	sshll.u32 s5, $0x1;
	s6 =	sadd.s32 s21, s4  }
0xa3: {  	[timem:s22], [sflag:s7] =	dma.local [hbm:s6], s5  }
0xa4: {  	_ =	swait.ge [sflag:s7], s5  }
0xa5: {  	s5 =	ssub.s32 $0x0, s5;
	[sflag:s7] =	ssyncset.done $0x0  }
0xa6: {  	[sflag:s7] =	ssyncadd.s32 s5;
	_ =	sdelay $0x1  }
0xa7: {  	s23 =	simm.s32 $0x1B8B  }
0xa8: {  	_ =	swait.ge [sflag:s23], $0x1  }
0xa9: {  	[sflag:s23] =	ssyncset.done $0x0  }
0xaa: {  	[sflag:s23] =	ssyncadd.s32 $0xFFFFFFFF  }
0xab: {  	s5 =	sld [smem:$0x0]  }
0xac: {  	s6 =	sand.u32 $0xFFFFFFFE, s1  }
0xad: {  	p0 =	sne.s32 s1, s6  }
0xae: {  	s6 =	sshll.u32 @p0 s6, $0xE  }
0xaf: {  	s6 =	sadd.s32 @p0 $0x11B8D, s6;
	s7 =	sshll.u32 @p0 s5, $0x11  }
0xb0: {  	s6 =	sor.u32 @p0 s7, s6  }
0xb1: {  	[sflag:s6] =	ssyncadd.remote.s32 @p0 $0x1;
	_ =	sdelay $0x1  }
0xb2: {  	s6 =	simm.s32 @p0 $0x1B8D  }
0xb3: {  	_ =	swait.eq @p0 [sflag:s6], $0x1  }
0xb4: {  	[sflag:s6] =	ssyncadd.s32 @p0 $0xFFFFFFFF  }
0xb5: {  	s7 =	sshll.u32 @!p0 s1, $0xE  }
0xb6: {  	s7 =	sor.u32 @!p0 $0x4000, s7;
	s6 =	simm.s32 @!p0 $0x1B8D  }
0xb7: {  	s5 =	sshll.u32 @!p0 s5, $0x11;
	s7 =	sadd.s32 @!p0 $0x11B8D, s7;
	_ =	swait.eq @!p0 [sflag:s6], $0x1  }
0xb8: {  	s5 =	sor.u32 @!p0 s5, s7;
	[sflag:s6] =	ssyncadd.s32 @!p0 $0xFFFFFFFF  }
0xb9: {  	s25 =	simm.s32 $0x1B8E;
	s24 =	sld [smem:$0x3FFE];
	[sflag:s5] =	ssyncadd.remote.s32 @!p0 $0x1  }
0xba: {  	s26 =	simm.s32 $execute0_lowered;
	[smem:$0x3FD2] =	sst s25  }
0xbb: {  	s6 =	sshll.u32 s26, $0x1;
	_ =	strace $0x80000058;
	[dreg:$0x1] =	wrdreg $0xFFFFFFFF  }
0xbc: {  	s28 =	simm.s32 $_size_execute0_lowered;
	s4 =	sadd.s32 s4, s6;
	[dreg:$0x0] =	wrdreg $0x0  }
0xbd: {  	s6 =	sshll.u32 s28, $0x1;
	[dreg:$0x2] =	wrdreg s4  }
0xbe: {  	[dreg:$0x3] =	wrdreg s6  }
0xbf: {  	[dreg:$0x4] =	wrdreg $0xC0  }
0xc0: {  	_ =	task [dreg:s22], $0x5FFFF  }
0xc1: {  	[dreg:$0x1] =	wrdreg $0xFFFFFFFF  }
0xc2: {  	[dreg:$0x0] =	wrdreg $0x60  }
0xc3: {  	[dreg:$0x2] =	wrdreg s17  }
0xc4: {  	[dreg:$0x3] =	wrdreg s24  }
0xc5: {  	[dreg:$0x4] =	wrdreg $0x0  }
0xc6: {  	[dreg:$0x5] =	wrdreg $0xC  }
0xc7: {  	_ =	task.clear_ibuf [dreg:s22], $0x6FFFF;
	_ =	strace $0x90000058  }
0xc8: {  	s29 =	simm.s32 $0xC;
	_ =	strace $0x8000005A  }
0xc9: {  	_ =	swait.ge [sflag:s29], $0x1  }
0xca: {  	[sflag:s29] =	ssyncadd.s32 $0xFFFFFFFF  }
0xcb: {  	_ =	strace $0x9000005A  }
0xcc: {  	_ =	sfence  }
0xcd: {  	s30 =	sld [smem:$0x0];
	_ =	sdelay $0x2  }
0xce: {  	s31 =	sshll.u32 s1, $0xD;
	s1 =	sshrl.u32 s1, $0x2  }
0xcf: {  	s4 =	sand.u32 $0x4000, s31;
	s1 =	sadd.s32 s1, s30  }
0xd0: {  	s0 =	sor.u32 s4, s0;
	s1 =	sshll.u32 s1, $0x11  }
0xd1: {  	s0 =	sor.u32 s1, s0  }
0xd2: {  	s0 =	sadd.s32 $0x8F2B, s0  }
0xd3: {  	[sflag:s0] =	ssyncadd.remote.s32 $0x1  }
0xd4: {  	_ =	sfence.sel $0xFFFF  }
0xd5: {  	[dreg:$0x0] =	wrdreg $0xFFFFFFFF;
	(pc) =	sbr.abs _section_cstart, $3  }
0xd6: {  	[dreg:$0x1] =	wrdreg $0xFFFFFFFF  }
0xd7: {  	_ =	task.clear_ibuf [dreg:s22], $0x2FFFF;
	_ =	strace $0x9FFFFFFF  }
0xd8: {  	(tm) =	ssettm $0x7FFFFFFF  }
0xd9: {  	_ =	shalt  }
tec
execute0_lowered:
.L_overlay_start_1:
0x0: {  	(tag) =	ssettag $0x1  }
0x1: {  	s0 =	rddreg [dreg:$0x0]  }
0x2: {  	s1 =	rddreg [dreg:$0x1];
	s2 =	srdreg.scid  }
0x3: {  	s3 =	rddreg [dreg:$0x2];
	s10 =	stileid.u32  }
0x4: {  	s4 =	simm.s32 $0x0;
	s18 =	simm.s32 $0x5;
	s28 =	simm.s32 $0x18200  }
0x5: {  	s29 =	simm.s32 $0x3;
	s30 =	simm.s32 $0x4;
	s31 =	simm.s32 $0x0  }
0x6: {  	s2 =	sand.u32 $0x1, s2;
	s6 =	smul.u32 $0x14000, s10;
	[smem:$0x7FF] =	sst s4  }
0x7: {  	s16 =	sadd.s32 $0x5A400, s1;
	s15 =	sadd.s32 $0x64400, s1;
	s9 =	smul.u32 $0x50000, s10  }
0x8: {  	s19 =	sadd.s32 $0x57C00, s1;
	s23 =	sshll.u32 s10, $0x6;
	s11 =	smul.u32 $0x2800, s10  }
0x9: {  	s5 =	smul.u32 $0x140000, s2;
	_ =	strace $0x80000059;
	[dreg:$0x4] =	wrdreg s19  }
0xa: {  	s7 =	ssub.s32 $0x2, s2;
	s8 =	sshll.u32 s2, $0x4;
	s2 =	smul.u32 $0x28000, s2  }
0xb: {  	s19 =	simm.s32 $0x14000;
	s20 =	sshrl.u32 s7, $0x1;
	s8 =	sor.u32 s10, s8  }
0xc: {  	s22 =	sshrl.u32 s9, $0x2;
	s6 =	sadd.s32 s6, s5;
	s12 =	ssub.s32 s7, s20  }
0xd: {  	s21 =	smul.u32 $0x2800, s8;
	s17 =	sadd.s32 s22, s3;
	s2 =	sadd.s32 s11, s2  }
0xe: {  	s20 =	simm.s32 $0x14100;
	s22 =	simm.s32 $0x80;
	s6 =	sshrl.u32 s6, $0x3  }
0xf: {  	s26 =	sor.u32 $0x180, s2;
	s2 =	sor.u32 $0x100, s2;
	s12 =	smax.u32 s12, $0x1  }
0x10: {  	s17 =	sshrl.u32 s17, $0x3;
	s1 =	sadd.s32 s6, s1;
	s6 =	sor.u32 $0x1C05, s23  }
0x11: {  	s24 =	sshrl.u32 s21, $0x3;
	s2 =	sshrl.u32 s2, $0x3;
	s21 =	simm.s32 $0x1  }
0x12: {  	s23 =	simm.s32 $0x14200;
	s7 =	sadd.s32 s16, s24;
	s8 =	sadd.s32 s15, s24  }
0x13: {  	s25 =	sor.u32 $0x10, s24;
	s11 =	sadd.s32 $0xBC200, s1;
	s1 =	sshrl.u32 s26, $0x3  }
0x14: {  	s24 =	simm.s32 $0x14080;
	s26 =	simm.s32 $0x2;
	s9 =	sadd.s32 s16, s25  }
0x15: {  	s10 =	sadd.s32 s15, s25;
	s13 =	sadd.s32 s1, s15;
	s14 =	sadd.s32 s1, s16  }
0x16: {  	s15 =	sadd.s32 s2, s15;
	s16 =	sadd.s32 s2, s16;
	s25 =	simm.s32 $0x14180  }
.LBB2_1:
0x17: {  	s1 =	rddreg [dreg:$0x4]  }
0x18: {  	[spmem:s17], [sflag:s6] =	dma.local [hbm:s1], $0x2800  }
0x19: {  	_ =	swait.ge [sflag:s18], $0x2800  }
0x1a: {  	[sflag:s18] =	ssyncset.done $0x0  }
0x1b: {  	[sflag:s18] =	ssyncadd.s32 $0xFFFFD800  }
0x1c: {  	[bflag:$0x0] =	sbarrier.arrive $0xFFFF  }
0x1d: {  	[tilespmem:s19], [sflag:$0x1] =	stream.linear.gather [hbm4b:s7+s4], $0x80, $0x38;
	[tilespmem:$0x1C200] =	vst v63  }
0x1e: {  	_ = 	snop  }
0x1f: {  	[tilespmem:s20], [sflag:$0x1] =	stream.linear.gather [hbm4b:s8+s4], $0x80, $0x38;
	[tilespmem:$0x1C200] =	vst v63  }
0x20: {  	_ =	swait.ge [sflag:s21], $0x80  }
0x21: {  	[sflag:s21] =	ssyncset.done $0x0  }
0x22: {  	[sflag:s21] =	ssyncadd.s32 $0xFFFFFF80  }
0x23: {  	_ =	swait.ge [sflag:s21], $0x80  }
0x24: {  	[sflag:s21] =	ssyncset.done $0x0  }
0x25: {  	[sflag:s21] =	ssyncadd.s32 $0xFFFFFF80  }
0x26: {  	[tilespmem:s23], [sflag:$0x3] =	stream.indirect.gather [hbm4b:s0+s22], $0x80, s19, s22, $0xb8;
	[tilespmem:$0x1C200] =	vst v63  }
0x27: {  	_ = 	snop  }
0x28: {  	[tilespmem:s24], [sflag:$0x2] =	stream.linear.gather [hbm4b:s9+s4], $0x80, $0x38;
	[tilespmem:$0x1C200] =	vst v63  }
0x29: {  	_ = 	snop  }
0x2a: {  	[tilespmem:s25], [sflag:$0x2] =	stream.linear.gather [hbm4b:s10+s4], $0x80, $0x38;
	[tilespmem:$0x1C200] =	vst v63  }
0x2b: {  	_ =	swait.ge [sflag:s26], $0x80  }
0x2c: {  	[sflag:s26] =	ssyncset.done $0x0  }
0x2d: {  	[sflag:s26] =	ssyncadd.s32 $0xFFFFFF80  }
0x2e: {  	_ =	swait.ge [sflag:s26], $0x80  }
0x2f: {  	[sflag:s26] =	ssyncset.done $0x0  }
0x30: {  	[sflag:s26] =	ssyncadd.s32 $0xFFFFFF80  }
0x31: {  	[tilespmem:s28], [sflag:$0x4] =	stream.indirect.gather [hbm4b:s0+s22], $0x80, s24, s22, $0xb8;
	[tilespmem:$0x1C200] =	vst v63  }
0x32: {  	_ =	swait.ge [sflag:s29], $0x4000  }
0x33: {  	[sflag:s29] =	ssyncset.done $0x0  }
0x34: {  	[sflag:s29] =	ssyncadd.s32 $0xFFFFC000  }
0x35: {  	[spmem:s3] =	stream.indirect.scatter.add.f32 [tilespmem:s23], [sflag:$0x5], $0x80, s20, s22, $0xb8;
	[tilespmem:$0x1C200] =	vst v63  }
0x36: {  	_ =	swait.ge [sflag:s18], $0x4000  }
0x37: {  	[sflag:s18] =	ssyncset.done $0x0  }
0x38: {  	s5 =	sadd.s32 $0x0, s16;
	[sflag:s18] =	ssyncadd.s32 $0xFFFFC000  }
0x39: {  	[tilespmem:s19], [sflag:$0x1] =	stream.linear.gather [hbm4b:s5+s4], $0x80, $0x38;
	[tilespmem:$0x1C200] =	vst v63  }
0x3a: {  	s2 =	sadd.s32 $0x0, s15  }
0x3b: {  	[tilespmem:s20], [sflag:$0x1] =	stream.linear.gather [hbm4b:s2+s4], $0x80, $0x38;
	[tilespmem:$0x1C200] =	vst v63  }
0x3c: {  	_ =	swait.ge [sflag:s21], $0x80  }
0x3d: {  	[sflag:s21] =	ssyncset.done $0x0  }
0x3e: {  	[sflag:s21] =	ssyncadd.s32 $0xFFFFFF80  }
0x3f: {  	_ =	swait.ge [sflag:s21], $0x80  }
0x40: {  	[sflag:s21] =	ssyncset.done $0x0  }
0x41: {  	[sflag:s21] =	ssyncadd.s32 $0xFFFFFF80  }
0x42: {  	[tilespmem:s23], [sflag:$0x3] =	stream.indirect.gather [hbm4b:s0+s22], $0x80, s19, s22, $0xb8;
	[tilespmem:$0x1C200] =	vst v63  }
0x43: {  	_ =	swait.ge [sflag:s30], $0x4000  }
0x44: {  	[sflag:s30] =	ssyncset.done $0x0  }
0x45: {  	[sflag:s30] =	ssyncadd.s32 $0xFFFFC000  }
0x46: {  	[spmem:s3] =	stream.indirect.scatter.add.f32 [tilespmem:s28], [sflag:$0x5], $0x80, s25, s22, $0xb8;
	[tilespmem:$0x1C200] =	vst v63  }
0x47: {  	_ =	swait.ge [sflag:s18], $0x4000  }
0x48: {  	s1 =	simm.s32 $0x20;
	[sflag:s18] =	ssyncset.done $0x0  }
0x49: {  	s5 =	sadd.s32 $0x0, s14;
	s2 =	sadd.s32 $0x0, s13;
	[sflag:s18] =	ssyncadd.s32 $0xFFFFC000  }
0x4a: {  	[tilespmem:s24], [sflag:$0x2] =	stream.linear.gather [hbm4b:s5+s4], $0x80, $0x38;
	[tilespmem:$0x1C200] =	vst v63  }
.LBB2_2:
0x4b: {  	[tilespmem:s25], [sflag:$0x2] =	stream.linear.gather [hbm4b:s2+s4], $0x80, $0x38;
	[tilespmem:$0x1C200] =	vst v63  }
0x4c: {  	s2 =	smov.u32 s1  }
0x4d: {  	p0 =	sne.s32 s1, $0x4C0;
	s1 =	sadd.s32 $0x20, s1;
	_ =	swait.ge [sflag:s26], $0x80  }
0x4e: {  	[sflag:s26] =	ssyncset.done $0x0  }
0x4f: {  	[sflag:s26] =	ssyncadd.s32 $0xFFFFFF80  }
0x50: {  	_ =	swait.ge [sflag:s26], $0x80  }
0x51: {  	[sflag:s26] =	ssyncset.done $0x0  }
0x52: {  	[sflag:s26] =	ssyncadd.s32 $0xFFFFFF80  }
0x53: {  	[tilespmem:s28], [sflag:$0x4] =	stream.indirect.gather [hbm4b:s0+s22], $0x80, s24, s22, $0xb8;
	[tilespmem:$0x1C200] =	vst v63  }
0x54: {  	_ =	swait.ge [sflag:s29], $0x4000  }
0x55: {  	[sflag:s29] =	ssyncset.done $0x0  }
0x56: {  	[sflag:s29] =	ssyncadd.s32 $0xFFFFC000  }
0x57: {  	[spmem:s3] =	stream.indirect.scatter.add.f32 [tilespmem:s23], [sflag:$0x5], $0x80, s20, s22, $0xb8;
	[tilespmem:$0x1C200] =	vst v63  }
0x58: {  	_ =	swait.ge [sflag:s18], $0x4000  }
0x59: {  	[sflag:s18] =	ssyncset.done $0x0  }
0x5a: {  	s5 =	sadd.s32 s2, s16;
	[sflag:s18] =	ssyncadd.s32 $0xFFFFC000  }
0x5b: {  	[tilespmem:s19], [sflag:$0x1] =	stream.linear.gather [hbm4b:s5+s4], $0x80, $0x38;
	[tilespmem:$0x1C200] =	vst v63  }
0x5c: {  	s5 =	sadd.s32 s2, s15  }
0x5d: {  	[tilespmem:s20], [sflag:$0x1] =	stream.linear.gather [hbm4b:s5+s4], $0x80, $0x38;
	[tilespmem:$0x1C200] =	vst v63  }
0x5e: {  	_ =	swait.ge [sflag:s21], $0x80  }
0x5f: {  	[sflag:s21] =	ssyncset.done $0x0  }
0x60: {  	[sflag:s21] =	ssyncadd.s32 $0xFFFFFF80  }
0x61: {  	_ =	swait.ge [sflag:s21], $0x80  }
0x62: {  	[sflag:s21] =	ssyncset.done $0x0  }
0x63: {  	[sflag:s21] =	ssyncadd.s32 $0xFFFFFF80  }
0x64: {  	[tilespmem:s23], [sflag:$0x3] =	stream.indirect.gather [hbm4b:s0+s22], $0x80, s19, s22, $0xb8;
	[tilespmem:$0x1C200] =	vst v63  }
0x65: {  	_ =	swait.ge [sflag:s30], $0x4000  }
0x66: {  	[sflag:s30] =	ssyncset.done $0x0  }
0x67: {  	[sflag:s30] =	ssyncadd.s32 $0xFFFFC000  }
0x68: {  	[spmem:s3] =	stream.indirect.scatter.add.f32 [tilespmem:s28], [sflag:$0x5], $0x80, s25, s22, $0xb8;
	[tilespmem:$0x1C200] =	vst v63  }
.Ltmp0:
0x69: {  	_ =	swait.ge [sflag:s18], $0x4000;
	(pc) =	sbr.rel @p0 .LBB2_2-.Ltmp0, $4  }
0x6a: {  	[sflag:s18] =	ssyncset.done $0x0  }
0x6b: {  	s5 =	sadd.s32 s2, s14;
	[sflag:s18] =	ssyncadd.s32 $0xFFFFC000  }
0x6c: {  	[tilespmem:s24], [sflag:$0x2] =	stream.linear.gather [hbm4b:s5+s4], $0x80, $0x38;
	[tilespmem:$0x1C200] =	vst v63  }
0x6d: {  	s2 =	sadd.s32 s2, s13  }
0x6e: {  	[tilespmem:s25], [sflag:$0x2] =	stream.linear.gather [hbm4b:s2+s4], $0x80, $0x38;
	[tilespmem:$0x1C200] =	vst v63  }
0x6f: {  	_ =	swait.ge [sflag:s29], $0x4000  }
0x70: {  	[sflag:s29] =	ssyncset.done $0x0  }
0x71: {  	[sflag:s29] =	ssyncadd.s32 $0xFFFFC000  }
0x72: {  	[spmem:s3] =	stream.indirect.scatter.add.f32 [tilespmem:s23], [sflag:$0x5], $0x80, s20, s22, $0xb8;
	[tilespmem:$0x1C200] =	vst v63  }
0x73: {  	_ =	swait.ge [sflag:s18], $0x4000  }
0x74: {  	[sflag:s18] =	ssyncset.done $0x0  }
0x75: {  	[sflag:s18] =	ssyncadd.s32 $0xFFFFC000  }
0x76: {  	_ =	swait.ge [sflag:s26], $0x80  }
0x77: {  	[sflag:s26] =	ssyncset.done $0x0  }
0x78: {  	[sflag:s26] =	ssyncadd.s32 $0xFFFFFF80  }
0x79: {  	_ =	swait.ge [sflag:s26], $0x80  }
0x7a: {  	s31 =	sadd.s32 $0x1, s31;
	[sflag:s26] =	ssyncset.done $0x0  }
0x7b: {  	p0 =	sne.s32 s31, s12;
	[sflag:s26] =	ssyncadd.s32 $0xFFFFFF80  }
.Ltmp1:
0x7c: {  	[bflag:$0x0] =	sbarrier.arrive $0xFFFF;
	(pc) =	sbr.rel @p0 .LBB2_1-.Ltmp1, $4  }
0x7d: {  	[hbm:s11], [sflag:s6] =	dma.local [spmem:s17], $0x2800  }
0x7e: {  	_ =	swait.ge [sflag:s18], $0x2800  }
0x7f: {  	[sflag:s18] =	ssyncset.done $0x0  }
0x80: {  	[sflag:s18] =	ssyncadd.s32 $0xFFFFD800  }
0x81: {  	_ =	sfence.sel $0x180000  }
0x82: {  	[bflag:$0x0] =	sbarrier.arrive $0xFFFF  }
0x83: {  	_ =	strace $0x90000059  }
0x84: {  	s0 =	stileid.u32;
	[bflag:$0x2] =	sbarrier.arrive $0xFFFF  }
0x85: {  	p0 =	sne.s32 s0, $0x0;
	s0 =	rddreg [dreg:$0x3]  }
0x86: {  	s0 =	sadd.s32 @!p0 $0x100000, s0  }
0x87: {  	[sflag:s0] =	ssyncadd.tile.s32 @!p0 $0x1;
	_ =	shalt  }
.Lfunc_end2:
_tile_overlayer_lowered:
.L_overlay_start_2:
0x88: {  	(tag) =	ssettag $0x2  }
0x89: {  	s0 =	rddreg [dreg:$0x0];
	s2 =	stileid.u32  }
0x8a: {  	s1 =	rddreg [dreg:$0x1];
	p0 =	sne.s32 s2, $0x0  }
0x8b: {  	s3 =	rddreg [dreg:$0x2];
	[bflag:$0x3] =	sbarrier.arrive $0xFFFF;
	s2 =	simm.s32 @!p0 $0x1C05  }
0x8c: {  	[timem:s3], [sflag:s2] =	dma.local @!p0 [hbm:s0], s1  }
0x8d: {  	s0 =	simm.s32 @!p0 $0x5  }
0x8e: {  	_ =	swait.ge @!p0 [sflag:s0], s1  }
0x8f: {  	s1 =	ssub.s32 @!p0 $0x0, s1;
	[sflag:s0] =	ssyncset.done @!p0 $0x0  }
0x90: {  	[sflag:s0] =	ssyncadd.s32 @!p0 s1  }
0x91: {  	[bflag:$0x3] =	sbarrier.arrive $0xFFFF  }
0x92: {  	_ =	shalt  }

// kernel: kernel.47.cloned.1.call-start
scs
__scs_entry_jumppad:
0x0: {  	(pc) =	sbr.rel $0x88, $3  }
0x1: {  	(tag) =	ssettag $0x0;
	lr =	simm.s32 $0x1  }
0x2: {  	[smem:$0x3F8E] =	sst lr;
	_ =	strace $0xD0000000  }
0x3: {  	_ = 	snop  }
0x4: {  	_ = 	snop  }
0x5: {  	_ = 	snop  }
0x6: {  	_ = 	snop  }
0x7: {  	_ = 	snop  }
__scs_overlays_trampoline_lowered:
0x8: {  	[smem:$0x3F9D] =	sst s0  }
0x9: {  	[smem:$0x3F9E] =	sst s1  }
0xa: {  	[smem:$0x3F9F] =	sst s2  }
0xb: {  	[smem:$0x3FA0] =	sst s3  }
0xc: {  	[smem:$0x3FA1] =	sst s4  }
0xd: {  	[smem:$0x3FA2] =	sst s5  }
0xe: {  	[smem:$0x3FA3] =	sst s6  }
0xf: {  	[smem:$0x3FA4] =	sst s7  }
0x10: {  	[smem:$0x3FA5] =	sst s8  }
0x11: {  	[smem:$0x3FA6] =	sst s9;
	s0 =	simm.s32 @!p0 $0x0  }
0x12: {  	s1 =	sld [smem:$0x3F8C];
	s0 =	simm.s32 @p0 $0x1  }
0x13: {  	[smem:$0x3FA7] =	sst s0;
	s0 =	simm.s32 @!p1 $0x0  }
0x14: {  	s2 =	sld [smem:$0x3F8B];
	s0 =	simm.s32 @p1 $0x1  }
0x15: {  	[smem:$0x3FA8] =	sst s0;
	s0 =	simm.s32 @!p2 $0x0  }
0x16: {  	s3 =	sld [smem:$0x3FDB];
	s0 =	simm.s32 @p2 $0x1  }
0x17: {  	s4 =	simm.s32 $0x1BF5;
	[smem:$0x3FAA] =	sst s0  }
0x18: {  	s0 =	sld [smem:$0x3F8D];
	_ =	swait.ge [sflag:s4], $0x0  }
0x19: {  	s7 =	sld [smem:$0x3F8E]  }
0x1a: {  	s8 =	sadd.s32 $0xFFFFE003, lr  }
0x1b: {  	s9 =	sadd.s32 $0xFFFFFEF7, lr;
	s5 =	simm.s32 $0xFFFFFFFF;
	p2 =	slt.u32 s8, $0xFFFFF086  }
0x1c: {  	p1 =	slt.u32 s9, $0xF7A;
	s5 =	simm.s32 @!p2 $0x0  }
0x1d: {  	s5 =	simm.s32 @p1 $0x1;
	p0 =	seq.s32 s7, s2  }
0x1e: {  	s7 =	smul.u32 @!p0 $0xF7A, s2;
	p2 =	seq.s32 @!p0 s5, $0x0  }
0x1f: {  	s9 =	smul.u32 $0xF7A, s1;
	s8 =	simm.s32 @!p0 $0x1BF5;
	p2 =	por !p2, p0  }
0x20: {  	[sflag:s8] =	ssyncset.s32 @!p0 $0xFFFFF086;
	s6 =	sadd.s32 @!p0 s3, s7;
	s7 =	simm.s32 @!p0 $0x108  }
0x21: {  	s3 =	sadd.s32 s3, s9;
	s6 =	sadd.s32 @!p0 $0x88, s6;
	s7 =	simm.s32 @p2 $0x1082  }
0x22: {  	[simem:s7], [sflag:s8] =	dma.local @!p0 [hbm:s6], $0xF7A  }
0x23: {  	s9 =	sor.u32 $0xD0000000, s2;
	s6 =	simm.s32 $0x108;
	_ =	swait.ge @!p0 [sflag:s8], $0x0  }
0x24: {  	s3 =	sadd.s32 $0x88, s3;
	s6 =	simm.s32 @!p1 $0x1082;
	[sflag:s4] =	ssyncset.s32 $0xFFFFF086  }
0x25: {  	[simem:s6], [sflag:s4] =	dma.local [hbm:s3], $0xF7A  }
0x26: {  	[smem:$0x3F8E] =	sst s1;
	(tag) =	ssettag s2;
	_ =	strace s9  }
0x27: {  	s1 =	sld [smem:$0x3F9E]  }
0x28: {  	s2 =	sld [smem:$0x3F9F]  }
0x29: {  	s4 =	sld [smem:$0x3FA1]  }
0x2a: {  	p0 =	seq.s32 s5, $0x0;
	s5 =	sld [smem:$0x3FA2]  }
0x2b: {  	s6 =	sld [smem:$0x3FA3]  }
0x2c: {  	s7 =	sld [smem:$0x3FA4]  }
0x2d: {  	s3 =	simm.s32 $0x108;
	s8 =	sld [smem:$0x3FA5]  }
0x2e: {  	s3 =	simm.s32 @!p0 $0x1082;
	s9 =	sld [smem:$0x3FA6]  }
0x2f: {  	lr =	sadd.s32 s0, s3;
	s0 =	sld [smem:$0x3F9D]  }
0x30: {  	s3 =	sld [smem:$0x3FA0]  }
0x31: {  	[smem:$0x3FA9] =	sst s10  }
0x32: {  	s10 =	sld [smem:$0x3FA7];
	_ =	sdelay $0x3  }
0x33: {  	p0 =	seq.s32 s10, $0x1;
	s10 =	sld [smem:$0x3FA9];
	_ =	sdelay $0x3  }
0x34: {  	[smem:$0x3FA9] =	sst s10  }
0x35: {  	s10 =	sld [smem:$0x3FA8];
	_ =	sdelay $0x3  }
0x36: {  	p1 =	seq.s32 s10, $0x1;
	s10 =	sld [smem:$0x3FA9];
	_ =	sdelay $0x3  }
0x37: {  	[smem:$0x3FA9] =	sst s10  }
0x38: {  	s10 =	sld [smem:$0x3FAA]  }
0x39: {  	_ = 	snop;
	(pc) =	sbr.ind lr, $3  }
0x3a: {  	_ = 	snop  }
0x3b: {  	_ = 	snop  }
0x3c: {  	p2 =	seq.s32 s10, $0x1;
	s10 =	sld [smem:$0x3FA9]  }
0x3d: {  	_ =	shalt  }
0x3e: {  	_ =	shalt  }
0x3f: {  	_ =	shalt  }
0x40: {  	_ =	shalt  }
0x41: {  	_ =	shalt  }
0x42: {  	_ =	shalt  }
0x43: {  	_ =	shalt  }
0x44: {  	_ =	shalt  }
0x45: {  	_ =	shalt  }
0x46: {  	_ =	shalt  }
0x47: {  	_ =	shalt  }
0x48: {  	_ =	shalt  }
0x49: {  	_ =	shalt  }
0x4a: {  	_ =	shalt  }
0x4b: {  	_ =	shalt  }
0x4c: {  	_ =	shalt  }
0x4d: {  	_ =	shalt  }
0x4e: {  	_ =	shalt  }
0x4f: {  	_ =	shalt  }
0x50: {  	_ =	shalt  }
0x51: {  	_ =	shalt  }
0x52: {  	_ =	shalt  }
0x53: {  	_ =	shalt  }
0x54: {  	_ =	shalt  }
0x55: {  	_ =	shalt  }
0x56: {  	_ =	shalt  }
0x57: {  	_ =	shalt  }
0x58: {  	_ =	shalt  }
0x59: {  	_ =	shalt  }
0x5a: {  	_ =	shalt  }
0x5b: {  	_ =	shalt  }
0x5c: {  	_ =	shalt  }
0x5d: {  	_ =	shalt  }
0x5e: {  	_ =	shalt  }
0x5f: {  	_ =	shalt  }
0x60: {  	_ =	shalt  }
0x61: {  	_ =	shalt  }
0x62: {  	_ =	shalt  }
0x63: {  	_ =	shalt  }
0x64: {  	_ =	shalt  }
0x65: {  	_ =	shalt  }
0x66: {  	_ =	shalt  }
0x67: {  	_ =	shalt  }
0x68: {  	_ =	shalt  }
0x69: {  	_ =	shalt  }
0x6a: {  	_ =	shalt  }
0x6b: {  	_ =	shalt  }
0x6c: {  	_ =	shalt  }
0x6d: {  	_ =	shalt  }
0x6e: {  	_ =	shalt  }
0x6f: {  	_ =	shalt  }
0x70: {  	_ =	shalt  }
0x71: {  	_ =	shalt  }
0x72: {  	_ =	shalt  }
0x73: {  	_ =	shalt  }
0x74: {  	_ =	shalt  }
0x75: {  	_ =	shalt  }
0x76: {  	_ =	shalt  }
0x77: {  	_ =	shalt  }
0x78: {  	_ =	shalt  }
0x79: {  	_ =	shalt  }
0x7a: {  	_ =	shalt  }
0x7b: {  	_ =	shalt  }
0x7c: {  	_ =	shalt  }
0x7d: {  	_ =	shalt  }
0x7e: {  	_ =	shalt  }
0x7f: {  	_ =	shalt  }
0x80: {  	_ =	shalt  }
0x81: {  	_ =	shalt  }
0x82: {  	_ =	shalt  }
0x83: {  	_ =	shalt  }
0x84: {  	_ =	shalt  }
0x85: {  	_ =	shalt  }
0x86: {  	_ =	shalt  }
0x87: {  	_ =	shalt  }
.Lfunc_end0:
.L_simem_size_0:
called_computation.7_lowered:
.L_overlay_start_0:
0x88: {  	s2 =	sld [smem:$0x3FD9]  }
0x89: {  	s3 =	sld [smem:$0x3FFE];
	_ =	sdelay $0x1  }
0x8a: {  	s1 =	srdreg.scid  }
0x8b: {  	s0 =	sand.u32 $0x1, s1  }
0x8c: {  	s14 =	sshll.u32 s0, $0xA;
	s2 =	sadd.s32 s3, s2  }
0x8d: {  	s2 =	sadd.s32 s2, s14  }
0x8e: {  	[smem:$0x3FB5] =	sst s2  }
0x8f: {  	_ = 	snop  }
0x90: {  	s2 =	sld [smem:$0x3FD0];
	_ =	sdelay $0x2  }
0x91: {  	s15 =	simm.s32 $0xD;
	s4 =	simm.s32 $0x10  }
0x92: {  	[smem:s4], [sflag:s15] =	dma.local [hbm:s2], $0x1  }
0x93: {  	_ =	swait.eq [sflag:s15], $0x1  }
0x94: {  	[sflag:s15] =	ssyncset.done $0x0  }
0x95: {  	[sflag:s15] =	ssyncadd.s32 $0xFFFFFFFF  }
0x96: {  	s16 =	sld [smem:$0x12];
	(tm) =	ssettm $0x1  }
0x97: {  	s17 =	sld [smem:$0x3FFB];
	_ =	sdelay $0x3  }
0x98: {  	_ =	strace s17  }
0x99: {  	s3 =	sld [smem:$0x3FFC];
	_ =	sdelay $0x3  }
0x9a: {  	_ =	strace s3  }
0x9b: {  	s3 =	sld [smem:$0x3FFD];
	_ =	sdelay $0x3  }
0x9c: {  	_ =	strace s3  }
0x9d: {  	_ =	strace $0x8FFFFFFF  }
0x9e: {  	s18 =	sld [smem:$0x3FDB];
	_ =	sdelay $0x1  }
0x9f: {  	s19 =	simm.s32 $_scs_section_size  }
0xa0: {  	s5 =	simm.s32 $_size__tile_overlayer_lowered;
	s6 =	simm.s32 $_tile_overlayer_lowered  }
0xa1: {  	s22 =	simm.s32 $0x1BFF;
	s21 =	sshll.u32 s6, $0x1;
	s3 =	sadd.s32 s19, s18  }
0xa2: {  	s7 =	simm.s32 $0x0;
	s20 =	sshll.u32 s5, $0x1;
	s5 =	sadd.s32 s21, s3  }
0xa3: {  	[timem:s7], [sflag:s22] =	dma.local [hbm:s5], s20  }
0xa4: {  	_ =	swait.ge [sflag:s22], s20  }
0xa5: {  	s4 =	ssub.s32 $0x0, s20;
	[sflag:s22] =	ssyncset.done $0x0  }
0xa6: {  	[sflag:s22] =	ssyncadd.s32 s4;
	_ =	sdelay $0x1  }
0xa7: {  	s23 =	simm.s32 $0x1B8B  }
0xa8: {  	_ =	swait.ge [sflag:s23], $0x1  }
0xa9: {  	[sflag:s23] =	ssyncset.done $0x0  }
0xaa: {  	s25 =	simm.s32 $0x1B8E;
	s24 =	sld [smem:$0x3FFE];
	[sflag:s23] =	ssyncadd.s32 $0xFFFFFFFF  }
0xab: {  	s26 =	simm.s32 $execute0_lowered;
	[smem:$0x3FD2] =	sst s25  }
0xac: {  	s5 =	sshll.u32 s26, $0x1;
	_ =	strace $0x80000049;
	[dreg:$0x1] =	wrdreg $0xFFFFFFFF  }
0xad: {  	s28 =	simm.s32 $_size_execute0_lowered;
	s3 =	sadd.s32 s3, s5;
	[dreg:$0x0] =	wrdreg $0x0  }
0xae: {  	s5 =	sshll.u32 s28, $0x1;
	[dreg:$0x2] =	wrdreg s3  }
0xaf: {  	[dreg:$0x3] =	wrdreg s5  }
0xb0: {  	[dreg:$0x4] =	wrdreg $0xC0  }
0xb1: {  	_ =	task [dreg:s7], $0x5FFFF  }
0xb2: {  	[dreg:$0x1] =	wrdreg $0xFFFFFFFF  }
0xb3: {  	[dreg:$0x0] =	wrdreg $0x60  }
0xb4: {  	[dreg:$0x2] =	wrdreg s16  }
0xb5: {  	[dreg:$0x3] =	wrdreg s24  }
0xb6: {  	[dreg:$0x4] =	wrdreg $0x0  }
0xb7: {  	[dreg:$0x5] =	wrdreg $0xA  }
0xb8: {  	_ =	task.clear_ibuf [dreg:s7], $0x6FFFF;
	_ =	strace $0x90000049  }
0xb9: {  	s29 =	simm.s32 $0xA;
	_ =	strace $0x8000004B  }
0xba: {  	_ =	swait.ge [sflag:s29], $0x1  }
0xbb: {  	[sflag:s29] =	ssyncadd.s32 $0xFFFFFFFF  }
0xbc: {  	_ =	strace $0x9000004B  }
0xbd: {  	_ =	sfence  }
0xbe: {  	s30 =	sld [smem:$0x0];
	_ =	sdelay $0x2  }
0xbf: {  	s31 =	sshll.u32 s1, $0xD;
	s1 =	sshrl.u32 s1, $0x2  }
0xc0: {  	s3 =	sand.u32 $0x4000, s31;
	s1 =	sadd.s32 s1, s30  }
0xc1: {  	s0 =	sor.u32 s3, s0;
	s1 =	sshll.u32 s1, $0x11  }
0xc2: {  	s0 =	sor.u32 s1, s0  }
0xc3: {  	s0 =	sadd.s32 $0x8F2B, s0  }
0xc4: {  	[sflag:s0] =	ssyncadd.remote.s32 $0x1  }
0xc5: {  	_ =	sfence.sel $0xFFFF  }
0xc6: {  	[dreg:$0x0] =	wrdreg $0xFFFFFFFF;
	(pc) =	sbr.abs _section_cstart, $3  }
0xc7: {  	[dreg:$0x1] =	wrdreg $0xFFFFFFFF  }
0xc8: {  	_ =	task.clear_ibuf [dreg:s7], $0x2FFFF;
	_ =	strace $0x9FFFFFFF  }
0xc9: {  	(tm) =	ssettm $0x7FFFFFFF  }
tec
execute0_lowered:
.L_overlay_start_1:
0x0: {  	(tag) =	ssettag $0x1  }
0x1: {  	s0 =	rddreg [dreg:$0x0]  }
0x2: {  	s1 =	rddreg [dreg:$0x1];
	s2 =	srdreg.scid  }
0x3: {  	s3 =	rddreg [dreg:$0x2];
	s10 =	stileid.u32  }
0x4: {  	s4 =	simm.s32 $0x0;
	s18 =	simm.s32 $0x5;
	s28 =	simm.s32 $0x18200  }
0x5: {  	s29 =	simm.s32 $0x3;
	s30 =	simm.s32 $0x4;
	s31 =	simm.s32 $0x0  }
0x6: {  	s2 =	sand.u32 $0x1, s2;
	s6 =	smul.u32 $0x14000, s10;
	[smem:$0x7FF] =	sst s4  }
0x7: {  	s16 =	sadd.s32 $0x81000, s1;
	s15 =	sadd.s32 $0x8B000, s1;
	s9 =	smul.u32 $0x50000, s10  }
0x8: {  	s19 =	sadd.s32 $0x57C00, s1;
	s23 =	sshll.u32 s10, $0x6;
	s11 =	smul.u32 $0x2800, s10  }
0x9: {  	s5 =	smul.u32 $0x140000, s2;
	_ =	strace $0x8000004A;
	[dreg:$0x4] =	wrdreg s19  }
0xa: {  	s7 =	ssub.s32 $0x2, s2;
	s8 =	sshll.u32 s2, $0x4;
	s2 =	smul.u32 $0x28000, s2  }
0xb: {  	s19 =	simm.s32 $0x14000;
	s20 =	sshrl.u32 s7, $0x1;
	s8 =	sor.u32 s10, s8  }
0xc: {  	s22 =	sshrl.u32 s9, $0x2;
	s6 =	sadd.s32 s6, s5;
	s12 =	ssub.s32 s7, s20  }
0xd: {  	s21 =	smul.u32 $0x2800, s8;
	s17 =	sadd.s32 s22, s3;
	s2 =	sadd.s32 s11, s2  }
0xe: {  	s20 =	simm.s32 $0x14100;
	s22 =	simm.s32 $0x80;
	s6 =	sshrl.u32 s6, $0x3  }
0xf: {  	s26 =	sor.u32 $0x180, s2;
	s2 =	sor.u32 $0x100, s2;
	s12 =	smax.u32 s12, $0x1  }
0x10: {  	s17 =	sshrl.u32 s17, $0x3;
	s1 =	sadd.s32 s6, s1;
	s6 =	sor.u32 $0x1C05, s23  }
0x11: {  	s24 =	sshrl.u32 s21, $0x3;
	s2 =	sshrl.u32 s2, $0x3;
	s21 =	simm.s32 $0x1  }
0x12: {  	s23 =	simm.s32 $0x14200;
	s7 =	sadd.s32 s16, s24;
	s8 =	sadd.s32 s15, s24  }
0x13: {  	s25 =	sor.u32 $0x10, s24;
	s11 =	sadd.s32 $0x95000, s1;
	s1 =	sshrl.u32 s26, $0x3  }
0x14: {  	s24 =	simm.s32 $0x14080;
	s26 =	simm.s32 $0x2;
	s9 =	sadd.s32 s16, s25  }
0x15: {  	s10 =	sadd.s32 s15, s25;
	s13 =	sadd.s32 s1, s15;
	s14 =	sadd.s32 s1, s16  }
0x16: {  	s15 =	sadd.s32 s2, s15;
	s16 =	sadd.s32 s2, s16;
	s25 =	simm.s32 $0x14180  }
.LBB2_1:
0x17: {  	s1 =	rddreg [dreg:$0x4]  }
0x18: {  	[spmem:s17], [sflag:s6] =	dma.local [hbm:s1], $0x2800  }
0x19: {  	_ =	swait.ge [sflag:s18], $0x2800  }
0x1a: {  	[sflag:s18] =	ssyncset.done $0x0  }
0x1b: {  	[sflag:s18] =	ssyncadd.s32 $0xFFFFD800  }
0x1c: {  	[bflag:$0x0] =	sbarrier.arrive $0xFFFF  }
0x1d: {  	[tilespmem:s19], [sflag:$0x1] =	stream.linear.gather [hbm4b:s7+s4], $0x80, $0x38;
	[tilespmem:$0x1C200] =	vst v63  }
0x1e: {  	_ = 	snop  }
0x1f: {  	[tilespmem:s20], [sflag:$0x1] =	stream.linear.gather [hbm4b:s8+s4], $0x80, $0x38;
	[tilespmem:$0x1C200] =	vst v63  }
0x20: {  	_ =	swait.ge [sflag:s21], $0x80  }
0x21: {  	[sflag:s21] =	ssyncset.done $0x0  }
0x22: {  	[sflag:s21] =	ssyncadd.s32 $0xFFFFFF80  }
0x23: {  	_ =	swait.ge [sflag:s21], $0x80  }
0x24: {  	[sflag:s21] =	ssyncset.done $0x0  }
0x25: {  	[sflag:s21] =	ssyncadd.s32 $0xFFFFFF80  }
0x26: {  	[tilespmem:s23], [sflag:$0x3] =	stream.indirect.gather [hbm4b:s0+s22], $0x80, s19, s22, $0xb8;
	[tilespmem:$0x1C200] =	vst v63  }
0x27: {  	_ = 	snop  }
0x28: {  	[tilespmem:s24], [sflag:$0x2] =	stream.linear.gather [hbm4b:s9+s4], $0x80, $0x38;
	[tilespmem:$0x1C200] =	vst v63  }
0x29: {  	_ = 	snop  }
0x2a: {  	[tilespmem:s25], [sflag:$0x2] =	stream.linear.gather [hbm4b:s10+s4], $0x80, $0x38;
	[tilespmem:$0x1C200] =	vst v63  }
0x2b: {  	_ =	swait.ge [sflag:s26], $0x80  }
0x2c: {  	[sflag:s26] =	ssyncset.done $0x0  }
0x2d: {  	[sflag:s26] =	ssyncadd.s32 $0xFFFFFF80  }
0x2e: {  	_ =	swait.ge [sflag:s26], $0x80  }
0x2f: {  	[sflag:s26] =	ssyncset.done $0x0  }
0x30: {  	[sflag:s26] =	ssyncadd.s32 $0xFFFFFF80  }
0x31: {  	[tilespmem:s28], [sflag:$0x4] =	stream.indirect.gather [hbm4b:s0+s22], $0x80, s24, s22, $0xb8;
	[tilespmem:$0x1C200] =	vst v63  }
0x32: {  	_ =	swait.ge [sflag:s29], $0x4000  }
0x33: {  	[sflag:s29] =	ssyncset.done $0x0  }
0x34: {  	[sflag:s29] =	ssyncadd.s32 $0xFFFFC000  }
0x35: {  	[spmem:s3] =	stream.indirect.scatter.add.f32 [tilespmem:s23], [sflag:$0x5], $0x80, s20, s22, $0xb8;
	[tilespmem:$0x1C200] =	vst v63  }
0x36: {  	_ =	swait.ge [sflag:s18], $0x4000  }
0x37: {  	[sflag:s18] =	ssyncset.done $0x0  }
0x38: {  	s5 =	sadd.s32 $0x0, s16;
	[sflag:s18] =	ssyncadd.s32 $0xFFFFC000  }
0x39: {  	[tilespmem:s19], [sflag:$0x1] =	stream.linear.gather [hbm4b:s5+s4], $0x80, $0x38;
	[tilespmem:$0x1C200] =	vst v63  }
0x3a: {  	s2 =	sadd.s32 $0x0, s15  }
0x3b: {  	[tilespmem:s20], [sflag:$0x1] =	stream.linear.gather [hbm4b:s2+s4], $0x80, $0x38;
	[tilespmem:$0x1C200] =	vst v63  }
0x3c: {  	_ =	swait.ge [sflag:s21], $0x80  }
0x3d: {  	[sflag:s21] =	ssyncset.done $0x0  }
0x3e: {  	[sflag:s21] =	ssyncadd.s32 $0xFFFFFF80  }
0x3f: {  	_ =	swait.ge [sflag:s21], $0x80  }
0x40: {  	[sflag:s21] =	ssyncset.done $0x0  }
0x41: {  	[sflag:s21] =	ssyncadd.s32 $0xFFFFFF80  }
0x42: {  	[tilespmem:s23], [sflag:$0x3] =	stream.indirect.gather [hbm4b:s0+s22], $0x80, s19, s22, $0xb8;
	[tilespmem:$0x1C200] =	vst v63  }
0x43: {  	_ =	swait.ge [sflag:s30], $0x4000  }
0x44: {  	[sflag:s30] =	ssyncset.done $0x0  }
0x45: {  	[sflag:s30] =	ssyncadd.s32 $0xFFFFC000  }
0x46: {  	[spmem:s3] =	stream.indirect.scatter.add.f32 [tilespmem:s28], [sflag:$0x5], $0x80, s25, s22, $0xb8;
	[tilespmem:$0x1C200] =	vst v63  }
0x47: {  	_ =	swait.ge [sflag:s18], $0x4000  }
0x48: {  	s1 =	simm.s32 $0x20;
	[sflag:s18] =	ssyncset.done $0x0  }
0x49: {  	s5 =	sadd.s32 $0x0, s14;
	s2 =	sadd.s32 $0x0, s13;
	[sflag:s18] =	ssyncadd.s32 $0xFFFFC000  }
0x4a: {  	[tilespmem:s24], [sflag:$0x2] =	stream.linear.gather [hbm4b:s5+s4], $0x80, $0x38;
	[tilespmem:$0x1C200] =	vst v63  }
.LBB2_2:
0x4b: {  	[tilespmem:s25], [sflag:$0x2] =	stream.linear.gather [hbm4b:s2+s4], $0x80, $0x38;
	[tilespmem:$0x1C200] =	vst v63  }
0x4c: {  	s2 =	smov.u32 s1  }
0x4d: {  	p0 =	sne.s32 s1, $0x4C0;
	s1 =	sadd.s32 $0x20, s1;
	_ =	swait.ge [sflag:s26], $0x80  }
0x4e: {  	[sflag:s26] =	ssyncset.done $0x0  }
0x4f: {  	[sflag:s26] =	ssyncadd.s32 $0xFFFFFF80  }
0x50: {  	_ =	swait.ge [sflag:s26], $0x80  }
0x51: {  	[sflag:s26] =	ssyncset.done $0x0  }
0x52: {  	[sflag:s26] =	ssyncadd.s32 $0xFFFFFF80  }
0x53: {  	[tilespmem:s28], [sflag:$0x4] =	stream.indirect.gather [hbm4b:s0+s22], $0x80, s24, s22, $0xb8;
	[tilespmem:$0x1C200] =	vst v63  }
0x54: {  	_ =	swait.ge [sflag:s29], $0x4000  }
0x55: {  	[sflag:s29] =	ssyncset.done $0x0  }
0x56: {  	[sflag:s29] =	ssyncadd.s32 $0xFFFFC000  }
0x57: {  	[spmem:s3] =	stream.indirect.scatter.add.f32 [tilespmem:s23], [sflag:$0x5], $0x80, s20, s22, $0xb8;
	[tilespmem:$0x1C200] =	vst v63  }
0x58: {  	_ =	swait.ge [sflag:s18], $0x4000  }
0x59: {  	[sflag:s18] =	ssyncset.done $0x0  }
0x5a: {  	s5 =	sadd.s32 s2, s16;
	[sflag:s18] =	ssyncadd.s32 $0xFFFFC000  }
0x5b: {  	[tilespmem:s19], [sflag:$0x1] =	stream.linear.gather [hbm4b:s5+s4], $0x80, $0x38;
	[tilespmem:$0x1C200] =	vst v63  }
0x5c: {  	s5 =	sadd.s32 s2, s15  }
0x5d: {  	[tilespmem:s20], [sflag:$0x1] =	stream.linear.gather [hbm4b:s5+s4], $0x80, $0x38;
	[tilespmem:$0x1C200] =	vst v63  }
0x5e: {  	_ =	swait.ge [sflag:s21], $0x80  }
0x5f: {  	[sflag:s21] =	ssyncset.done $0x0  }
0x60: {  	[sflag:s21] =	ssyncadd.s32 $0xFFFFFF80  }
0x61: {  	_ =	swait.ge [sflag:s21], $0x80  }
0x62: {  	[sflag:s21] =	ssyncset.done $0x0  }
0x63: {  	[sflag:s21] =	ssyncadd.s32 $0xFFFFFF80  }
0x64: {  	[tilespmem:s23], [sflag:$0x3] =	stream.indirect.gather [hbm4b:s0+s22], $0x80, s19, s22, $0xb8;
	[tilespmem:$0x1C200] =	vst v63  }
0x65: {  	_ =	swait.ge [sflag:s30], $0x4000  }
0x66: {  	[sflag:s30] =	ssyncset.done $0x0  }
0x67: {  	[sflag:s30] =	ssyncadd.s32 $0xFFFFC000  }
0x68: {  	[spmem:s3] =	stream.indirect.scatter.add.f32 [tilespmem:s28], [sflag:$0x5], $0x80, s25, s22, $0xb8;
	[tilespmem:$0x1C200] =	vst v63  }
.Ltmp0:
0x69: {  	_ =	swait.ge [sflag:s18], $0x4000;
	(pc) =	sbr.rel @p0 .LBB2_2-.Ltmp0, $4  }
0x6a: {  	[sflag:s18] =	ssyncset.done $0x0  }
0x6b: {  	s5 =	sadd.s32 s2, s14;
	[sflag:s18] =	ssyncadd.s32 $0xFFFFC000  }
0x6c: {  	[tilespmem:s24], [sflag:$0x2] =	stream.linear.gather [hbm4b:s5+s4], $0x80, $0x38;
	[tilespmem:$0x1C200] =	vst v63  }
0x6d: {  	s2 =	sadd.s32 s2, s13  }
0x6e: {  	[tilespmem:s25], [sflag:$0x2] =	stream.linear.gather [hbm4b:s2+s4], $0x80, $0x38;
	[tilespmem:$0x1C200] =	vst v63  }
0x6f: {  	_ =	swait.ge [sflag:s29], $0x4000  }
0x70: {  	[sflag:s29] =	ssyncset.done $0x0  }
0x71: {  	[sflag:s29] =	ssyncadd.s32 $0xFFFFC000  }
0x72: {  	[spmem:s3] =	stream.indirect.scatter.add.f32 [tilespmem:s23], [sflag:$0x5], $0x80, s20, s22, $0xb8;
	[tilespmem:$0x1C200] =	vst v63  }
0x73: {  	_ =	swait.ge [sflag:s18], $0x4000  }
0x74: {  	[sflag:s18] =	ssyncset.done $0x0  }
0x75: {  	[sflag:s18] =	ssyncadd.s32 $0xFFFFC000  }
0x76: {  	_ =	swait.ge [sflag:s26], $0x80  }
0x77: {  	[sflag:s26] =	ssyncset.done $0x0  }
0x78: {  	[sflag:s26] =	ssyncadd.s32 $0xFFFFFF80  }
0x79: {  	_ =	swait.ge [sflag:s26], $0x80  }
0x7a: {  	s31 =	sadd.s32 $0x1, s31;
	[sflag:s26] =	ssyncset.done $0x0  }
0x7b: {  	p0 =	sne.s32 s31, s12;
	[sflag:s26] =	ssyncadd.s32 $0xFFFFFF80  }
.Ltmp1:
0x7c: {  	[bflag:$0x0] =	sbarrier.arrive $0xFFFF;
	(pc) =	sbr.rel @p0 .LBB2_1-.Ltmp1, $4  }
0x7d: {  	[hbm:s11], [sflag:s6] =	dma.local [spmem:s17], $0x2800  }
0x7e: {  	_ =	swait.ge [sflag:s18], $0x2800  }
0x7f: {  	[sflag:s18] =	ssyncset.done $0x0  }
0x80: {  	[sflag:s18] =	ssyncadd.s32 $0xFFFFD800  }
0x81: {  	_ =	sfence.sel $0x180000  }
0x82: {  	[bflag:$0x0] =	sbarrier.arrive $0xFFFF  }
0x83: {  	_ =	strace $0x9000004A  }
0x84: {  	s0 =	stileid.u32;
	[bflag:$0x2] =	sbarrier.arrive $0xFFFF  }
0x85: {  	p0 =	sne.s32 s0, $0x0;
	s0 =	rddreg [dreg:$0x3]  }
0x86: {  	s0 =	sadd.s32 @!p0 $0x100000, s0  }
0x87: {  	[sflag:s0] =	ssyncadd.tile.s32 @!p0 $0x1;
	_ =	shalt  }
.Lfunc_end2:
_tile_overlayer_lowered:
.L_overlay_start_2:
0x88: {  	(tag) =	ssettag $0x2  }
0x89: {  	s0 =	rddreg [dreg:$0x0];
	s2 =	stileid.u32  }
0x8a: {  	s1 =	rddreg [dreg:$0x1];
	p0 =	sne.s32 s2, $0x0  }
0x8b: {  	s3 =	rddreg [dreg:$0x2];
	[bflag:$0x3] =	sbarrier.arrive $0xFFFF;
	s2 =	simm.s32 @!p0 $0x1C05  }
0x8c: {  	[timem:s3], [sflag:s2] =	dma.local @!p0 [hbm:s0], s1  }
0x8d: {  	s0 =	simm.s32 @!p0 $0x5  }
0x8e: {  	_ =	swait.ge @!p0 [sflag:s0], s1  }
0x8f: {  	s1 =	ssub.s32 @!p0 $0x0, s1;
	[sflag:s0] =	ssyncset.done @!p0 $0x0  }
0x90: {  	[sflag:s0] =	ssyncadd.s32 @!p0 s1  }
0x91: {  	[bflag:$0x3] =	sbarrier.arrive $0xFFFF  }
0x92: {  	_ =	shalt  }

// kernel: kernel.50.cloned.1.call-start
scs
__scs_entry_jumppad:
0x0: {  	(pc) =	sbr.rel $0x88, $3  }
0x1: {  	(tag) =	ssettag $0x0;
	lr =	simm.s32 $0x1  }
0x2: {  	[smem:$0x3F8E] =	sst lr;
	_ =	strace $0xD0000000  }
0x3: {  	_ = 	snop  }
0x4: {  	_ = 	snop  }
0x5: {  	_ = 	snop  }
0x6: {  	_ = 	snop  }
0x7: {  	_ = 	snop  }
__scs_overlays_trampoline_lowered:
0x8: {  	[smem:$0x3F9D] =	sst s0  }
0x9: {  	[smem:$0x3F9E] =	sst s1  }
0xa: {  	[smem:$0x3F9F] =	sst s2  }
0xb: {  	[smem:$0x3FA0] =	sst s3  }
0xc: {  	[smem:$0x3FA1] =	sst s4  }
0xd: {  	[smem:$0x3FA2] =	sst s5  }
0xe: {  	[smem:$0x3FA3] =	sst s6  }
0xf: {  	[smem:$0x3FA4] =	sst s7  }
0x10: {  	[smem:$0x3FA5] =	sst s8  }
0x11: {  	[smem:$0x3FA6] =	sst s9;
	s0 =	simm.s32 @!p0 $0x0  }
0x12: {  	s1 =	sld [smem:$0x3F8C];
	s0 =	simm.s32 @p0 $0x1  }
0x13: {  	[smem:$0x3FA7] =	sst s0;
	s0 =	simm.s32 @!p1 $0x0  }
0x14: {  	s2 =	sld [smem:$0x3F8B];
	s0 =	simm.s32 @p1 $0x1  }
0x15: {  	[smem:$0x3FA8] =	sst s0;
	s0 =	simm.s32 @!p2 $0x0  }
0x16: {  	s3 =	sld [smem:$0x3FDB];
	s0 =	simm.s32 @p2 $0x1  }
0x17: {  	s4 =	simm.s32 $0x1BF5;
	[smem:$0x3FAA] =	sst s0  }
0x18: {  	s0 =	sld [smem:$0x3F8D];
	_ =	swait.ge [sflag:s4], $0x0  }
0x19: {  	s7 =	sld [smem:$0x3F8E]  }
0x1a: {  	s8 =	sadd.s32 $0xFFFFE003, lr  }
0x1b: {  	s9 =	sadd.s32 $0xFFFFFEF7, lr;
	s5 =	simm.s32 $0xFFFFFFFF;
	p2 =	slt.u32 s8, $0xFFFFF086  }
0x1c: {  	p1 =	slt.u32 s9, $0xF7A;
	s5 =	simm.s32 @!p2 $0x0  }
0x1d: {  	s5 =	simm.s32 @p1 $0x1;
	p0 =	seq.s32 s7, s2  }
0x1e: {  	s7 =	smul.u32 @!p0 $0xF7A, s2;
	p2 =	seq.s32 @!p0 s5, $0x0  }
0x1f: {  	s9 =	smul.u32 $0xF7A, s1;
	s8 =	simm.s32 @!p0 $0x1BF5;
	p2 =	por !p2, p0  }
0x20: {  	[sflag:s8] =	ssyncset.s32 @!p0 $0xFFFFF086;
	s6 =	sadd.s32 @!p0 s3, s7;
	s7 =	simm.s32 @!p0 $0x108  }
0x21: {  	s3 =	sadd.s32 s3, s9;
	s6 =	sadd.s32 @!p0 $0x88, s6;
	s7 =	simm.s32 @p2 $0x1082  }
0x22: {  	[simem:s7], [sflag:s8] =	dma.local @!p0 [hbm:s6], $0xF7A  }
0x23: {  	s9 =	sor.u32 $0xD0000000, s2;
	s6 =	simm.s32 $0x108;
	_ =	swait.ge @!p0 [sflag:s8], $0x0  }
0x24: {  	s3 =	sadd.s32 $0x88, s3;
	s6 =	simm.s32 @!p1 $0x1082;
	[sflag:s4] =	ssyncset.s32 $0xFFFFF086  }
0x25: {  	[simem:s6], [sflag:s4] =	dma.local [hbm:s3], $0xF7A  }
0x26: {  	[smem:$0x3F8E] =	sst s1;
	(tag) =	ssettag s2;
	_ =	strace s9  }
0x27: {  	s1 =	sld [smem:$0x3F9E]  }
0x28: {  	s2 =	sld [smem:$0x3F9F]  }
0x29: {  	s4 =	sld [smem:$0x3FA1]  }
0x2a: {  	p0 =	seq.s32 s5, $0x0;
	s5 =	sld [smem:$0x3FA2]  }
0x2b: {  	s6 =	sld [smem:$0x3FA3]  }
0x2c: {  	s7 =	sld [smem:$0x3FA4]  }
0x2d: {  	s3 =	simm.s32 $0x108;
	s8 =	sld [smem:$0x3FA5]  }
0x2e: {  	s3 =	simm.s32 @!p0 $0x1082;
	s9 =	sld [smem:$0x3FA6]  }
0x2f: {  	lr =	sadd.s32 s0, s3;
	s0 =	sld [smem:$0x3F9D]  }
0x30: {  	s3 =	sld [smem:$0x3FA0]  }
0x31: {  	[smem:$0x3FA9] =	sst s10  }
0x32: {  	s10 =	sld [smem:$0x3FA7];
	_ =	sdelay $0x3  }
0x33: {  	p0 =	seq.s32 s10, $0x1;
	s10 =	sld [smem:$0x3FA9];
	_ =	sdelay $0x3  }
0x34: {  	[smem:$0x3FA9] =	sst s10  }
0x35: {  	s10 =	sld [smem:$0x3FA8];
	_ =	sdelay $0x3  }
0x36: {  	p1 =	seq.s32 s10, $0x1;
	s10 =	sld [smem:$0x3FA9];
	_ =	sdelay $0x3  }
0x37: {  	[smem:$0x3FA9] =	sst s10  }
0x38: {  	s10 =	sld [smem:$0x3FAA]  }
0x39: {  	_ = 	snop;
	(pc) =	sbr.ind lr, $3  }
0x3a: {  	_ = 	snop  }
0x3b: {  	_ = 	snop  }
0x3c: {  	p2 =	seq.s32 s10, $0x1;
	s10 =	sld [smem:$0x3FA9]  }
0x3d: {  	_ =	shalt  }
0x3e: {  	_ =	shalt  }
0x3f: {  	_ =	shalt  }
0x40: {  	_ =	shalt  }
0x41: {  	_ =	shalt  }
0x42: {  	_ =	shalt  }
0x43: {  	_ =	shalt  }
0x44: {  	_ =	shalt  }
0x45: {  	_ =	shalt  }
0x46: {  	_ =	shalt  }
0x47: {  	_ =	shalt  }
0x48: {  	_ =	shalt  }
0x49: {  	_ =	shalt  }
0x4a: {  	_ =	shalt  }
0x4b: {  	_ =	shalt  }
0x4c: {  	_ =	shalt  }
0x4d: {  	_ =	shalt  }
0x4e: {  	_ =	shalt  }
0x4f: {  	_ =	shalt  }
0x50: {  	_ =	shalt  }
0x51: {  	_ =	shalt  }
0x52: {  	_ =	shalt  }
0x53: {  	_ =	shalt  }
0x54: {  	_ =	shalt  }
0x55: {  	_ =	shalt  }
0x56: {  	_ =	shalt  }
0x57: {  	_ =	shalt  }
0x58: {  	_ =	shalt  }
0x59: {  	_ =	shalt  }
0x5a: {  	_ =	shalt  }
0x5b: {  	_ =	shalt  }
0x5c: {  	_ =	shalt  }
0x5d: {  	_ =	shalt  }
0x5e: {  	_ =	shalt  }
0x5f: {  	_ =	shalt  }
0x60: {  	_ =	shalt  }
0x61: {  	_ =	shalt  }
0x62: {  	_ =	shalt  }
0x63: {  	_ =	shalt  }
0x64: {  	_ =	shalt  }
0x65: {  	_ =	shalt  }
0x66: {  	_ =	shalt  }
0x67: {  	_ =	shalt  }
0x68: {  	_ =	shalt  }
0x69: {  	_ =	shalt  }
0x6a: {  	_ =	shalt  }
0x6b: {  	_ =	shalt  }
0x6c: {  	_ =	shalt  }
0x6d: {  	_ =	shalt  }
0x6e: {  	_ =	shalt  }
0x6f: {  	_ =	shalt  }
0x70: {  	_ =	shalt  }
0x71: {  	_ =	shalt  }
0x72: {  	_ =	shalt  }
0x73: {  	_ =	shalt  }
0x74: {  	_ =	shalt  }
0x75: {  	_ =	shalt  }
0x76: {  	_ =	shalt  }
0x77: {  	_ =	shalt  }
0x78: {  	_ =	shalt  }
0x79: {  	_ =	shalt  }
0x7a: {  	_ =	shalt  }
0x7b: {  	_ =	shalt  }
0x7c: {  	_ =	shalt  }
0x7d: {  	_ =	shalt  }
0x7e: {  	_ =	shalt  }
0x7f: {  	_ =	shalt  }
0x80: {  	_ =	shalt  }
0x81: {  	_ =	shalt  }
0x82: {  	_ =	shalt  }
0x83: {  	_ =	shalt  }
0x84: {  	_ =	shalt  }
0x85: {  	_ =	shalt  }
0x86: {  	_ =	shalt  }
0x87: {  	_ =	shalt  }
.Lfunc_end0:
.L_simem_size_0:
called_computation.8_lowered:
.L_overlay_start_0:
0x88: {  	s2 =	sld [smem:$0x3FD9]  }
0x89: {  	s3 =	sld [smem:$0x3FFE];
	_ =	sdelay $0x1  }
0x8a: {  	s1 =	srdreg.scid  }
0x8b: {  	s0 =	sand.u32 $0x1, s1  }
0x8c: {  	s17 =	sshll.u32 s0, $0xA;
	s2 =	sadd.s32 s3, s2  }
0x8d: {  	s2 =	sadd.s32 s2, s17  }
0x8e: {  	[smem:$0x3FB5] =	sst s2  }
0x8f: {  	_ = 	snop  }
0x90: {  	(tm) =	ssettm $0x1  }
0x91: {  	s18 =	sld [smem:$0x3FFB];
	_ =	sdelay $0x3  }
0x92: {  	_ =	strace s18  }
0x93: {  	s2 =	sld [smem:$0x3FFC];
	_ =	sdelay $0x3  }
0x94: {  	_ =	strace s2  }
0x95: {  	s2 =	sld [smem:$0x3FFD];
	_ =	sdelay $0x3  }
0x96: {  	_ =	strace s2  }
0x97: {  	_ =	strace $0x8FFFFFFF  }
0x98: {  	s19 =	sld [smem:$0x3FDB];
	_ =	sdelay $0x1  }
0x99: {  	s20 =	simm.s32 $_scs_section_size  }
0x9a: {  	s4 =	simm.s32 $_size__tile_overlayer_lowered;
	s5 =	simm.s32 $_tile_overlayer_lowered  }
0x9b: {  	s6 =	simm.s32 $0x1BFF;
	s21 =	sshll.u32 s5, $0x1;
	s3 =	sadd.s32 s20, s19  }
0x9c: {  	s22 =	simm.s32 $0x0;
	s4 =	sshll.u32 s4, $0x1;
	s5 =	sadd.s32 s21, s3  }
0x9d: {  	[timem:s22], [sflag:s6] =	dma.local [hbm:s5], s4  }
0x9e: {  	_ =	swait.ge [sflag:s6], s4  }
0x9f: {  	s4 =	ssub.s32 $0x0, s4;
	[sflag:s6] =	ssyncset.done $0x0  }
0xa0: {  	[sflag:s6] =	ssyncadd.s32 s4;
	_ =	sdelay $0x1  }
0xa1: {  	s23 =	simm.s32 $0x1B8B  }
0xa2: {  	_ =	swait.ge [sflag:s23], $0x1  }
0xa3: {  	[sflag:s23] =	ssyncset.done $0x0  }
0xa4: {  	[sflag:s23] =	ssyncadd.s32 $0xFFFFFFFF  }
0xa5: {  	s4 =	sld [smem:$0x0]  }
0xa6: {  	s5 =	sand.u32 $0xFFFFFFFE, s1  }
0xa7: {  	p0 =	sne.s32 s1, s5  }
0xa8: {  	s5 =	sshll.u32 @p0 s5, $0xE  }
0xa9: {  	s5 =	sadd.s32 @p0 $0x11B8D, s5;
	s6 =	sshll.u32 @p0 s4, $0x11  }
0xaa: {  	s5 =	sor.u32 @p0 s6, s5  }
0xab: {  	[sflag:s5] =	ssyncadd.remote.s32 @p0 $0x1;
	_ =	sdelay $0x1  }
0xac: {  	s5 =	simm.s32 @p0 $0x1B8D  }
0xad: {  	_ =	swait.eq @p0 [sflag:s5], $0x1  }
0xae: {  	[sflag:s5] =	ssyncadd.s32 @p0 $0xFFFFFFFF  }
0xaf: {  	s6 =	sshll.u32 @!p0 s1, $0xE  }
0xb0: {  	s6 =	sor.u32 @!p0 $0x4000, s6;
	s5 =	simm.s32 @!p0 $0x1B8D  }
0xb1: {  	s4 =	sshll.u32 @!p0 s4, $0x11;
	s6 =	sadd.s32 @!p0 $0x11B8D, s6;
	_ =	swait.eq @!p0 [sflag:s5], $0x1  }
0xb2: {  	s4 =	sor.u32 @!p0 s4, s6;
	[sflag:s5] =	ssyncadd.s32 @!p0 $0xFFFFFFFF  }
0xb3: {  	s25 =	simm.s32 $0x1B8E;
	s24 =	sld [smem:$0x3FFE];
	[sflag:s4] =	ssyncadd.remote.s32 @!p0 $0x1  }
0xb4: {  	s26 =	simm.s32 $execute0_lowered;
	[smem:$0x3FD2] =	sst s25  }
0xb5: {  	s5 =	sshll.u32 s26, $0x1;
	_ =	strace $0x80000055;
	[dreg:$0x1] =	wrdreg $0xFFFFFFFF  }
0xb6: {  	s28 =	simm.s32 $_size_execute0_lowered;
	s3 =	sadd.s32 s3, s5;
	[dreg:$0x0] =	wrdreg $0x0  }
0xb7: {  	s5 =	sshll.u32 s28, $0x1;
	[dreg:$0x2] =	wrdreg s3  }
0xb8: {  	[dreg:$0x3] =	wrdreg s5  }
0xb9: {  	[dreg:$0x4] =	wrdreg $0xC0  }
0xba: {  	_ =	task [dreg:s22], $0x5FFFF  }
0xbb: {  	[dreg:$0x1] =	wrdreg $0xFFFFFFFF  }
0xbc: {  	[dreg:$0x0] =	wrdreg $0x60  }
0xbd: {  	[dreg:$0x2] =	wrdreg s24  }
0xbe: {  	[dreg:$0x3] =	wrdreg $0x0  }
0xbf: {  	[dreg:$0x4] =	wrdreg $0xA  }
0xc0: {  	_ =	task.clear_ibuf [dreg:s22], $0x5FFFF;
	_ =	strace $0x90000055  }
0xc1: {  	s29 =	simm.s32 $0xA;
	_ =	strace $0x80000057  }
0xc2: {  	_ =	swait.ge [sflag:s29], $0x1  }
0xc3: {  	[sflag:s29] =	ssyncadd.s32 $0xFFFFFFFF  }
0xc4: {  	_ =	strace $0x90000057  }
0xc5: {  	_ =	sfence  }
0xc6: {  	s30 =	sld [smem:$0x0];
	_ =	sdelay $0x2  }
0xc7: {  	s31 =	sshll.u32 s1, $0xD;
	s1 =	sshrl.u32 s1, $0x2  }
0xc8: {  	s4 =	sand.u32 $0x4000, s31;
	s1 =	sadd.s32 s1, s30  }
0xc9: {  	s0 =	sor.u32 s4, s0;
	s1 =	sshll.u32 s1, $0x11  }
0xca: {  	s0 =	sor.u32 s1, s0  }
0xcb: {  	s0 =	sadd.s32 $0x8F2B, s0  }
0xcc: {  	[sflag:s0] =	ssyncadd.remote.s32 $0x1  }
0xcd: {  	_ =	sfence.sel $0xFFFF  }
0xce: {  	[dreg:$0x0] =	wrdreg $0xFFFFFFFF;
	(pc) =	sbr.abs _section_cstart, $3  }
0xcf: {  	[dreg:$0x1] =	wrdreg $0xFFFFFFFF  }
0xd0: {  	_ =	task.clear_ibuf [dreg:s22], $0x2FFFF;
	_ =	strace $0x9FFFFFFF  }
0xd1: {  	(tm) =	ssettm $0x7FFFFFFF  }
tec
execute0_lowered:
.L_overlay_start_1:
0x0: {  	(tag) =	ssettag $0x1  }
0x1: {  	s0 =	rddreg [dreg:$0x0]  }
0x2: {  	s1 =	rddreg [dreg:$0x1]  }
0x3: {  	s2 =	srdreg.scid;
	s3 =	simm.s32 $0x0;
	s10 =	stileid.u32  }
0x4: {  	s18 =	simm.s32 $0x5;
	s28 =	simm.s32 $0x18200;
	s29 =	simm.s32 $0x3  }
0x5: {  	s30 =	simm.s32 $0x4;
	s31 =	simm.s32 $0x0;
	s2 =	sand.u32 $0x1, s2  }
0x6: {  	[smem:$0x7FF] =	sst s3;
	s6 =	smul.u32 $0x14000, s10;
	s4 =	sadd.s32 $0x95000, s0  }
0x7: {  	s16 =	sadd.s32 $0x81000, s0;
	s15 =	sadd.s32 $0x8B000, s0;
	s9 =	smul.u32 $0x50000, s10  }
0x8: {  	s19 =	sadd.s32 $0x57C00, s0;
	s23 =	sshll.u32 s10, $0x6;
	s11 =	smul.u32 $0x2800, s10  }
0x9: {  	s5 =	smul.u32 $0x140000, s2;
	_ =	strace $0x80000056;
	[dreg:$0x3] =	wrdreg s19  }
0xa: {  	s7 =	ssub.s32 $0x2, s2;
	s8 =	sshll.u32 s2, $0x4;
	s2 =	smul.u32 $0x28000, s2  }
0xb: {  	s19 =	simm.s32 $0x14000;
	s20 =	sshrl.u32 s7, $0x1;
	s8 =	sor.u32 s10, s8  }
0xc: {  	s22 =	sshrl.u32 s9, $0x2;
	s6 =	sadd.s32 s6, s5;
	s12 =	ssub.s32 s7, s20  }
0xd: {  	s21 =	smul.u32 $0x2800, s8;
	s17 =	sadd.s32 s22, s1;
	s2 =	sadd.s32 s11, s2  }
0xe: {  	s20 =	simm.s32 $0x14100;
	s22 =	simm.s32 $0x80;
	s6 =	sshrl.u32 s6, $0x3  }
0xf: {  	s26 =	sor.u32 $0x180, s2;
	s2 =	sor.u32 $0x100, s2;
	s12 =	smax.u32 s12, $0x1  }
0x10: {  	s17 =	sshrl.u32 s17, $0x3;
	s0 =	sadd.s32 s6, s0;
	s6 =	sor.u32 $0x1C05, s23  }
0x11: {  	s24 =	sshrl.u32 s21, $0x3;
	s2 =	sshrl.u32 s2, $0x3;
	s21 =	simm.s32 $0x1  }
0x12: {  	s23 =	simm.s32 $0x14200;
	s7 =	sadd.s32 s16, s24;
	s8 =	sadd.s32 s15, s24  }
0x13: {  	s25 =	sor.u32 $0x10, s24;
	s11 =	sadd.s32 $0x2B6A00, s0;
	s0 =	sshrl.u32 s26, $0x3  }
0x14: {  	s24 =	simm.s32 $0x14080;
	s26 =	simm.s32 $0x2;
	s9 =	sadd.s32 s16, s25  }
0x15: {  	s10 =	sadd.s32 s15, s25;
	s13 =	sadd.s32 s0, s15;
	s14 =	sadd.s32 s0, s16  }
0x16: {  	s15 =	sadd.s32 s2, s15;
	s16 =	sadd.s32 s2, s16;
	s25 =	simm.s32 $0x14180  }
.LBB2_1:
0x17: {  	s0 =	rddreg [dreg:$0x3]  }
0x18: {  	[spmem:s17], [sflag:s6] =	dma.local [hbm:s0], $0x2800  }
0x19: {  	_ =	swait.ge [sflag:s18], $0x2800  }
0x1a: {  	[sflag:s18] =	ssyncset.done $0x0  }
0x1b: {  	[sflag:s18] =	ssyncadd.s32 $0xFFFFD800  }
0x1c: {  	[bflag:$0x0] =	sbarrier.arrive $0xFFFF  }
0x1d: {  	[tilespmem:s19], [sflag:$0x1] =	stream.linear.gather [hbm4b:s7+s3], $0x80, $0x38;
	[tilespmem:$0x1C200] =	vst v63  }
0x1e: {  	_ = 	snop  }
0x1f: {  	[tilespmem:s20], [sflag:$0x1] =	stream.linear.gather [hbm4b:s8+s3], $0x80, $0x38;
	[tilespmem:$0x1C200] =	vst v63  }
0x20: {  	_ =	swait.ge [sflag:s21], $0x80  }
0x21: {  	[sflag:s21] =	ssyncset.done $0x0  }
0x22: {  	[sflag:s21] =	ssyncadd.s32 $0xFFFFFF80  }
0x23: {  	_ =	swait.ge [sflag:s21], $0x80  }
0x24: {  	[sflag:s21] =	ssyncset.done $0x0  }
0x25: {  	[sflag:s21] =	ssyncadd.s32 $0xFFFFFF80  }
0x26: {  	[tilespmem:s23], [sflag:$0x3] =	stream.indirect.gather [hbm4b:s4+s22], $0x80, s19, s22, $0xb8;
	[tilespmem:$0x1C200] =	vst v63  }
0x27: {  	_ = 	snop  }
0x28: {  	[tilespmem:s24], [sflag:$0x2] =	stream.linear.gather [hbm4b:s9+s3], $0x80, $0x38;
	[tilespmem:$0x1C200] =	vst v63  }
0x29: {  	_ = 	snop  }
0x2a: {  	[tilespmem:s25], [sflag:$0x2] =	stream.linear.gather [hbm4b:s10+s3], $0x80, $0x38;
	[tilespmem:$0x1C200] =	vst v63  }
0x2b: {  	_ =	swait.ge [sflag:s26], $0x80  }
0x2c: {  	[sflag:s26] =	ssyncset.done $0x0  }
0x2d: {  	[sflag:s26] =	ssyncadd.s32 $0xFFFFFF80  }
0x2e: {  	_ =	swait.ge [sflag:s26], $0x80  }
0x2f: {  	[sflag:s26] =	ssyncset.done $0x0  }
0x30: {  	[sflag:s26] =	ssyncadd.s32 $0xFFFFFF80  }
0x31: {  	[tilespmem:s28], [sflag:$0x4] =	stream.indirect.gather [hbm4b:s4+s22], $0x80, s24, s22, $0xb8;
	[tilespmem:$0x1C200] =	vst v63  }
0x32: {  	_ =	swait.ge [sflag:s29], $0x4000  }
0x33: {  	[sflag:s29] =	ssyncset.done $0x0  }
0x34: {  	[sflag:s29] =	ssyncadd.s32 $0xFFFFC000  }
0x35: {  	[spmem:s1] =	stream.indirect.scatter.add.f32 [tilespmem:s23], [sflag:$0x5], $0x80, s20, s22, $0xb8;
	[tilespmem:$0x1C200] =	vst v63  }
0x36: {  	_ =	swait.ge [sflag:s18], $0x4000  }
0x37: {  	[sflag:s18] =	ssyncset.done $0x0  }
0x38: {  	s5 =	sadd.s32 $0x0, s16;
	[sflag:s18] =	ssyncadd.s32 $0xFFFFC000  }
0x39: {  	[tilespmem:s19], [sflag:$0x1] =	stream.linear.gather [hbm4b:s5+s3], $0x80, $0x38;
	[tilespmem:$0x1C200] =	vst v63  }
0x3a: {  	s2 =	sadd.s32 $0x0, s15  }
0x3b: {  	[tilespmem:s20], [sflag:$0x1] =	stream.linear.gather [hbm4b:s2+s3], $0x80, $0x38;
	[tilespmem:$0x1C200] =	vst v63  }
0x3c: {  	_ =	swait.ge [sflag:s21], $0x80  }
0x3d: {  	[sflag:s21] =	ssyncset.done $0x0  }
0x3e: {  	[sflag:s21] =	ssyncadd.s32 $0xFFFFFF80  }
0x3f: {  	_ =	swait.ge [sflag:s21], $0x80  }
0x40: {  	[sflag:s21] =	ssyncset.done $0x0  }
0x41: {  	[sflag:s21] =	ssyncadd.s32 $0xFFFFFF80  }
0x42: {  	[tilespmem:s23], [sflag:$0x3] =	stream.indirect.gather [hbm4b:s4+s22], $0x80, s19, s22, $0xb8;
	[tilespmem:$0x1C200] =	vst v63  }
0x43: {  	_ =	swait.ge [sflag:s30], $0x4000  }
0x44: {  	[sflag:s30] =	ssyncset.done $0x0  }
0x45: {  	[sflag:s30] =	ssyncadd.s32 $0xFFFFC000  }
0x46: {  	[spmem:s1] =	stream.indirect.scatter.add.f32 [tilespmem:s28], [sflag:$0x5], $0x80, s25, s22, $0xb8;
	[tilespmem:$0x1C200] =	vst v63  }
0x47: {  	_ =	swait.ge [sflag:s18], $0x4000  }
0x48: {  	s0 =	simm.s32 $0x20;
	[sflag:s18] =	ssyncset.done $0x0  }
0x49: {  	s5 =	sadd.s32 $0x0, s14;
	s2 =	sadd.s32 $0x0, s13;
	[sflag:s18] =	ssyncadd.s32 $0xFFFFC000  }
0x4a: {  	[tilespmem:s24], [sflag:$0x2] =	stream.linear.gather [hbm4b:s5+s3], $0x80, $0x38;
	[tilespmem:$0x1C200] =	vst v63  }
.LBB2_2:
0x4b: {  	[tilespmem:s25], [sflag:$0x2] =	stream.linear.gather [hbm4b:s2+s3], $0x80, $0x38;
	[tilespmem:$0x1C200] =	vst v63  }
0x4c: {  	s2 =	smov.u32 s0  }
0x4d: {  	p0 =	sne.s32 s0, $0x4C0;
	s0 =	sadd.s32 $0x20, s0;
	_ =	swait.ge [sflag:s26], $0x80  }
0x4e: {  	[sflag:s26] =	ssyncset.done $0x0  }
0x4f: {  	[sflag:s26] =	ssyncadd.s32 $0xFFFFFF80  }
0x50: {  	_ =	swait.ge [sflag:s26], $0x80  }
0x51: {  	[sflag:s26] =	ssyncset.done $0x0  }
0x52: {  	[sflag:s26] =	ssyncadd.s32 $0xFFFFFF80  }
0x53: {  	[tilespmem:s28], [sflag:$0x4] =	stream.indirect.gather [hbm4b:s4+s22], $0x80, s24, s22, $0xb8;
	[tilespmem:$0x1C200] =	vst v63  }
0x54: {  	_ =	swait.ge [sflag:s29], $0x4000  }
0x55: {  	[sflag:s29] =	ssyncset.done $0x0  }
0x56: {  	[sflag:s29] =	ssyncadd.s32 $0xFFFFC000  }
0x57: {  	[spmem:s1] =	stream.indirect.scatter.add.f32 [tilespmem:s23], [sflag:$0x5], $0x80, s20, s22, $0xb8;
	[tilespmem:$0x1C200] =	vst v63  }
0x58: {  	_ =	swait.ge [sflag:s18], $0x4000  }
0x59: {  	[sflag:s18] =	ssyncset.done $0x0  }
0x5a: {  	s5 =	sadd.s32 s2, s16;
	[sflag:s18] =	ssyncadd.s32 $0xFFFFC000  }
0x5b: {  	[tilespmem:s19], [sflag:$0x1] =	stream.linear.gather [hbm4b:s5+s3], $0x80, $0x38;
	[tilespmem:$0x1C200] =	vst v63  }
0x5c: {  	s5 =	sadd.s32 s2, s15  }
0x5d: {  	[tilespmem:s20], [sflag:$0x1] =	stream.linear.gather [hbm4b:s5+s3], $0x80, $0x38;
	[tilespmem:$0x1C200] =	vst v63  }
0x5e: {  	_ =	swait.ge [sflag:s21], $0x80  }
0x5f: {  	[sflag:s21] =	ssyncset.done $0x0  }
0x60: {  	[sflag:s21] =	ssyncadd.s32 $0xFFFFFF80  }
0x61: {  	_ =	swait.ge [sflag:s21], $0x80  }
0x62: {  	[sflag:s21] =	ssyncset.done $0x0  }
0x63: {  	[sflag:s21] =	ssyncadd.s32 $0xFFFFFF80  }
0x64: {  	[tilespmem:s23], [sflag:$0x3] =	stream.indirect.gather [hbm4b:s4+s22], $0x80, s19, s22, $0xb8;
	[tilespmem:$0x1C200] =	vst v63  }
0x65: {  	_ =	swait.ge [sflag:s30], $0x4000  }
0x66: {  	[sflag:s30] =	ssyncset.done $0x0  }
0x67: {  	[sflag:s30] =	ssyncadd.s32 $0xFFFFC000  }
0x68: {  	[spmem:s1] =	stream.indirect.scatter.add.f32 [tilespmem:s28], [sflag:$0x5], $0x80, s25, s22, $0xb8;
	[tilespmem:$0x1C200] =	vst v63  }
.Ltmp0:
0x69: {  	_ =	swait.ge [sflag:s18], $0x4000;
	(pc) =	sbr.rel @p0 .LBB2_2-.Ltmp0, $4  }
0x6a: {  	[sflag:s18] =	ssyncset.done $0x0  }
0x6b: {  	s5 =	sadd.s32 s2, s14;
	[sflag:s18] =	ssyncadd.s32 $0xFFFFC000  }
0x6c: {  	[tilespmem:s24], [sflag:$0x2] =	stream.linear.gather [hbm4b:s5+s3], $0x80, $0x38;
	[tilespmem:$0x1C200] =	vst v63  }
0x6d: {  	s2 =	sadd.s32 s2, s13  }
0x6e: {  	[tilespmem:s25], [sflag:$0x2] =	stream.linear.gather [hbm4b:s2+s3], $0x80, $0x38;
	[tilespmem:$0x1C200] =	vst v63  }
0x6f: {  	_ =	swait.ge [sflag:s29], $0x4000  }
0x70: {  	[sflag:s29] =	ssyncset.done $0x0  }
0x71: {  	[sflag:s29] =	ssyncadd.s32 $0xFFFFC000  }
0x72: {  	[spmem:s1] =	stream.indirect.scatter.add.f32 [tilespmem:s23], [sflag:$0x5], $0x80, s20, s22, $0xb8;
	[tilespmem:$0x1C200] =	vst v63  }
0x73: {  	_ =	swait.ge [sflag:s18], $0x4000  }
0x74: {  	[sflag:s18] =	ssyncset.done $0x0  }
0x75: {  	[sflag:s18] =	ssyncadd.s32 $0xFFFFC000  }
0x76: {  	_ =	swait.ge [sflag:s26], $0x80  }
0x77: {  	[sflag:s26] =	ssyncset.done $0x0  }
0x78: {  	[sflag:s26] =	ssyncadd.s32 $0xFFFFFF80  }
0x79: {  	_ =	swait.ge [sflag:s26], $0x80  }
0x7a: {  	s31 =	sadd.s32 $0x1, s31;
	[sflag:s26] =	ssyncset.done $0x0  }
0x7b: {  	p0 =	sne.s32 s31, s12;
	[sflag:s26] =	ssyncadd.s32 $0xFFFFFF80  }
.Ltmp1:
0x7c: {  	[bflag:$0x0] =	sbarrier.arrive $0xFFFF;
	(pc) =	sbr.rel @p0 .LBB2_1-.Ltmp1, $4  }
0x7d: {  	[hbm:s11], [sflag:s6] =	dma.local [spmem:s17], $0x2800  }
0x7e: {  	_ =	swait.ge [sflag:s18], $0x2800  }
0x7f: {  	[sflag:s18] =	ssyncset.done $0x0  }
0x80: {  	[sflag:s18] =	ssyncadd.s32 $0xFFFFD800  }
0x81: {  	_ =	sfence.sel $0x180000  }
0x82: {  	[bflag:$0x0] =	sbarrier.arrive $0xFFFF  }
0x83: {  	_ =	strace $0x90000056  }
0x84: {  	s0 =	stileid.u32;
	[bflag:$0x2] =	sbarrier.arrive $0xFFFF  }
0x85: {  	p0 =	sne.s32 s0, $0x0;
	s0 =	rddreg [dreg:$0x2]  }
0x86: {  	s0 =	sadd.s32 @!p0 $0x100000, s0  }
0x87: {  	[sflag:s0] =	ssyncadd.tile.s32 @!p0 $0x1;
	_ =	shalt  }
.Lfunc_end2:
_tile_overlayer_lowered:
.L_overlay_start_2:
0x88: {  	(tag) =	ssettag $0x2  }
0x89: {  	s0 =	rddreg [dreg:$0x0];
	s2 =	stileid.u32  }
0x8a: {  	s1 =	rddreg [dreg:$0x1];
	p0 =	sne.s32 s2, $0x0  }
0x8b: {  	s3 =	rddreg [dreg:$0x2];
	[bflag:$0x3] =	sbarrier.arrive $0xFFFF;
	s2 =	simm.s32 @!p0 $0x1C05  }
0x8c: {  	[timem:s3], [sflag:s2] =	dma.local @!p0 [hbm:s0], s1  }
0x8d: {  	s0 =	simm.s32 @!p0 $0x5  }
0x8e: {  	_ =	swait.ge @!p0 [sflag:s0], s1  }
0x8f: {  	s1 =	ssub.s32 @!p0 $0x0, s1;
	[sflag:s0] =	ssyncset.done @!p0 $0x0  }
0x90: {  	[sflag:s0] =	ssyncadd.s32 @!p0 s1  }
0x91: {  	[bflag:$0x3] =	sbarrier.arrive $0xFFFF  }
0x92: {  	_ =	shalt  }

</sc_bundles>
